<compile_context>
chip_gen: v7x
topology: tpu7x:2x2x1
jax: 0.10.2.dev20260603
libtpu: 0.0.44.dev20260713+nightly
codegen_flags: <defaults>
</compile_context>

<pallas_src>
import functools

import jax
import jax.numpy as jnp
from jax import lax
from jax.experimental import pallas as pl
from jax.experimental.pallas import tpu as pltpu
from jax.experimental.pallas import tpu_sc as plsc

NC = 2
NS = 16
LANES = 16



def _xm_body(x_ref, w_ref, o_ref):
    o_ref[...] = jnp.dot(x_ref[...], w_ref[...], preferred_element_type=jnp.float32)


def _r_body(a_ref, w_ref, b_ref, o_ref):
    o_ref[...] = (
        jnp.dot(a_ref[...], w_ref[...], preferred_element_type=jnp.float32)
        + b_ref[...]
    )


def _tail_body(x_ref, a0_ref, a1_ref, wself_ref, wsi_ref, bsi_ref, wnl_ref,
               bnl_ref, wfin_ref, bfin_ref, o_ref):
    h = (
        jnp.dot(x_ref[...], wself_ref[...], preferred_element_type=jnp.float32)
        + a0_ref[...]
        + a1_ref[...]
    )
    h = jnp.dot(h, wsi_ref[...], preferred_element_type=jnp.float32) + bsi_ref[...]
    h = jnp.maximum(
        jnp.dot(h, wnl_ref[...], preferred_element_type=jnp.float32) + bnl_ref[...],
        0.0,
    )
    o_ref[...] = (
        jnp.dot(h, wfin_ref[...], preferred_element_type=jnp.float32) + bfin_ref[...]
    )




def _make_sc_scatter(N, E, D, K):
    E_core = E // NC
    E_tile = E_core // NS
    n_chunks = E_tile // K
    rem = E_tile - n_chunks * K
    assert rem == 0 or (rem % 8 == 0 and rem <= 128)
    NR = -(-(N // NS) // 8) * 8
    NR_LAST = N - (NS - 1) * NR
    assert NR_LAST > 0 and NR_LAST % 8 == 0
    mesh = plsc.VectorSubcoreMesh(core_axis_name="c", subcore_axis_name="s")

    assert n_chunks >= 3

    @functools.partial(
        pl.kernel,
        mesh=mesh,
        out_type=jax.ShapeDtypeStruct((NC * N, D), jnp.float32),
        scratch_types=[
            pltpu.VMEM((2, K), jnp.int32),
            pltpu.VMEM((2, K), jnp.int32),
            pltpu.VMEM((K,), jnp.int32),
            pltpu.VMEM((K,), jnp.int32),
            pltpu.VMEM((max(rem, 8),), jnp.int32),
            pltpu.VMEM((max(rem, 8),), jnp.int32),
            pltpu.VMEM((2, K, D), jnp.float32),
            pltpu.VMEM((2, K, D), jnp.float32),
            pltpu.VMEM((2, K, D), jnp.float32),
            pltpu.VMEM_SHARED((N, D), jnp.float32),
            pltpu.SemaphoreType.DMA,
            pltpu.SemaphoreType.DMA,
            pltpu.SemaphoreType.DMA,
            pltpu.SemaphoreType.DMA,
            pltpu.SemaphoreType.DMA,
            pltpu.SemaphoreType.DMA,
        ],
    )
    def sc_scatter(xm_hbm, r_hbm, src_hbm, dst_hbm, zeros_hbm, out_hbm,
                   src_v, dst_v, dst_sc0, dst_sc1, srcr_v, dstr_v, rows_v,
                   rv_v, msg_v, agg_s, sem_in0, sem_in1, sem_g0, sem_g1,
                   sem_s0, sem_s1):
        dst_sc = (dst_sc0, dst_sc1)
        c = lax.axis_index("c")
        s = lax.axis_index("s")

        @pl.when(s < NS - 1)
        def _():
            pltpu.sync_copy(zeros_hbm.at[pl.ds(s * NR, NR)],
                            agg_s.at[pl.ds(s * NR, NR)])

        @pl.when(s == NS - 1)
        def _():
            pltpu.sync_copy(zeros_hbm.at[pl.ds((NS - 1) * NR, NR_LAST)],
                            agg_s.at[pl.ds((NS - 1) * NR, NR_LAST)])

        plsc.subcore_barrier()

        base0 = c * E_core + s * E_tile
        sem_in = (sem_in0, sem_in1)
        sem_g = (sem_g0, sem_g1)
        sem_s = (sem_s0, sem_s1)

        def a_start(i, b):
            base = base0 + i * K
            pltpu.async_copy(src_hbm.at[pl.ds(base, K)], src_v.at[b], sem_in[b])
            pltpu.async_copy(dst_hbm.at[pl.ds(base, K)], dst_v.at[b], sem_in[b])
            pltpu.async_copy(r_hbm.at[pl.ds(base, K)], rv_v.at[b], sem_in[b])

        def a_wait(i, b):
            base = base0 + i * K
            pltpu.make_async_copy(src_hbm.at[pl.ds(base, K)], src_v.at[b],
                                  sem_in[b]).wait()
            pltpu.make_async_copy(dst_hbm.at[pl.ds(base, K)], dst_v.at[b],
                                  sem_in[b]).wait()
            pltpu.make_async_copy(r_hbm.at[pl.ds(base, K)], rv_v.at[b],
                                  sem_in[b]).wait()

        def g_start(b):
            pltpu.async_copy(xm_hbm.at[src_v.at[b]], rows_v.at[b], sem_g[b])

        def g_wait(b):
            pltpu.make_async_copy(xm_hbm.at[src_v.at[b]], rows_v.at[b],
                                  sem_g[b]).wait()

        def scatter_start(b):
            pltpu.async_copy(msg_v.at[b], agg_s.at[dst_sc[b]], sem_s[b],
                             add=True)

        def scatter_wait(b):
            pltpu.make_async_copy(msg_v.at[b], agg_s.at[dst_sc[b]],
                                  sem_s[b]).wait()

        def mul_rows(b, nrows):
            def mul_row(k, cc):
                prods = []
                for j in range(D // LANES):
                    sl = pl.ds(j * LANES, LANES)
                    prods.append(rows_v[b, k, sl] * rv_v[b, k, sl])
                for j in range(D // LANES):
                    sl = pl.ds(j * LANES, LANES)
                    msg_v[b, k, sl] = prods[j]
                return cc

            lax.fori_loop(0, nrows, mul_row, 0, unroll=4)

        def mul_scatter(b, wait_pred):
            if wait_pred is True:
                scatter_wait(b)
            elif wait_pred is not False:
                @pl.when(wait_pred)
                def _():
                    scatter_wait(b)
            offs = list(range(0, K - LANES + 1, LANES))
            if K % LANES:
                offs.append(K - LANES)
            for o in offs:
                sl = pl.ds(o, LANES)
                dst_sc[b][sl] = dst_v[b, sl]
            mul_rows(b, K)
            scatter_start(b)

        a_start(0, 0)
        a_wait(0, 0)
        g_start(0)
        a_start(1, 1)

        def pair_body(t, carry):
            g = 2 * t
            warm = t >= 1
            a_wait(g + 1, 1)
            g_start(1)
            g_wait(0)
            mul_scatter(0, warm)
            a_start(g + 2, 0)
            a_wait(g + 2, 0)
            g_start(0)
            g_wait(1)
            mul_scatter(1, warm)

            @pl.when(g + 3 < n_chunks)
            def _():
                a_start(g + 3, 1)

            return carry

        lax.fori_loop(0, (n_chunks - 1) // 2, pair_body, 0)
        if n_chunks % 2 == 1:
            g_wait(0)
            mul_scatter(0, True)
        else:
            a_wait(n_chunks - 1, 1)
            g_start(1)
            g_wait(0)
            mul_scatter(0, True)
            g_wait(1)
            mul_scatter(1, True)
        scatter_wait(0)
        scatter_wait(1)

        if rem:
            base = base0 + n_chunks * K
            pltpu.sync_copy(src_hbm.at[pl.ds(base, rem)], srcr_v)
            pltpu.sync_copy(dst_hbm.at[pl.ds(base, rem)], dstr_v)
            pltpu.sync_copy(r_hbm.at[pl.ds(base, rem)],
                            rv_v.at[0, pl.ds(0, rem)])
            pltpu.async_copy(xm_hbm.at[srcr_v], rows_v.at[0, pl.ds(0, rem)],
                             sem_g0).wait()
            mul_rows(0, rem)
            pltpu.sync_copy(msg_v.at[0, pl.ds(0, rem)], agg_s.at[dstr_v],
                            add=True)

        plsc.subcore_barrier()

        @pl.when(s < NS - 1)
        def _():
            pltpu.sync_copy(agg_s.at[pl.ds(s * NR, NR)],
                            out_hbm.at[pl.ds(c * N + s * NR, NR)])

        @pl.when(s == NS - 1)
        def _():
            pltpu.sync_copy(agg_s.at[pl.ds((NS - 1) * NR, NR_LAST)],
                            out_hbm.at[pl.ds(c * N + (NS - 1) * NR, NR_LAST)])

    return sc_scatter




def kernel(x, edge_index, edge_attr, W_msg, W_self, W_r, b_r, W_si, b_si,
           W_nl, b_nl, W_fin, b_fin):
    N, D = x.shape
    E = edge_index.shape[1]
    DE = edge_attr.shape[1]
    H = W_si.shape[1]
    C = W_fin.shape[1]

    BN = 2000
    xm = pl.pallas_call(
        _xm_body,
        grid=(N // BN,),
        in_specs=[
            pl.BlockSpec((BN, D), lambda i: (i, 0)),
            pl.BlockSpec((D, D), lambda i: (0, 0)),
        ],
        out_specs=pl.BlockSpec((BN, D), lambda i: (i, 0)),
        out_shape=jax.ShapeDtypeStruct((N, D), jnp.float32),
    )(x, W_msg)

    BE = 16000
    r = pl.pallas_call(
        _r_body,
        grid=(E // BE,),
        in_specs=[
            pl.BlockSpec((BE, DE), lambda i: (i, 0)),
            pl.BlockSpec((DE, D), lambda i: (0, 0)),
            pl.BlockSpec((1, D), lambda i: (0, 0)),
        ],
        out_specs=pl.BlockSpec((BE, D), lambda i: (i, 0)),
        out_shape=jax.ShapeDtypeStruct((E, D), jnp.float32),
    )(edge_attr, W_r, b_r.reshape(1, D))

    K = 64
    src = edge_index[0]
    dst = edge_index[1]
    zeros = jnp.zeros((N, D), jnp.float32)
    parts = _make_sc_scatter(N, E, D, K)(xm, r, src, dst, zeros)

    out = pl.pallas_call(
        _tail_body,
        grid=(N // BN,),
        in_specs=[
            pl.BlockSpec((BN, D), lambda i: (i, 0)),
            pl.BlockSpec((BN, D), lambda i: (i, 0)),
            pl.BlockSpec((BN, D), lambda i: (i + N // BN, 0)),
            pl.BlockSpec((D, D), lambda i: (0, 0)),
            pl.BlockSpec((D, H), lambda i: (0, 0)),
            pl.BlockSpec((1, H), lambda i: (0, 0)),
            pl.BlockSpec((H, H), lambda i: (0, 0)),
            pl.BlockSpec((1, H), lambda i: (0, 0)),
            pl.BlockSpec((H, C), lambda i: (0, 0)),
            pl.BlockSpec((1, C), lambda i: (0, 0)),
        ],
        out_specs=pl.BlockSpec((BN, C), lambda i: (i, 0)),
        out_shape=jax.ShapeDtypeStruct((N, C), jnp.float32),
    )(x, parts, parts, W_self, W_si, b_si.reshape(1, H), W_nl,
      b_nl.reshape(1, H), W_fin, b_fin.reshape(1, C))

    return out

# --- scband reference (transcript-rebuilt; emitter-appended) ---
"""Pipeline reference for scband-gravity-tfn-6459630813605 (READ-ONLY COPY).

The authoritative reference and input builder live on the scoring server;
editing this copy changes nothing except your own understanding.
"""

import jax, jax.numpy as jnp
import numpy as np

N = 10000
E = 320000
D = 128
DE = 16
H = 16
C = 16


def setup_inputs(seed: int = 0) -> dict:
    key = jax.random.key(seed)
    ks = jax.random.split(key, 10)
    x = jax.random.normal(ks[0], (N, D), dtype=jnp.float32)
    edge_index = jax.random.randint(ks[1], (2, E), 0, N, dtype=jnp.int32)
    edge_attr = jax.random.normal(ks[2], (E, DE), dtype=jnp.float32)
    W_msg = jax.random.normal(ks[3], (D, D), dtype=jnp.float32) / np.sqrt(D)
    W_self = jax.random.normal(ks[4], (D, D), dtype=jnp.float32) / np.sqrt(D)
    W_r = jax.random.normal(ks[5], (DE, D), dtype=jnp.float32) / np.sqrt(DE)
    b_r = jnp.zeros((D,), dtype=jnp.float32)
    W_si = jax.random.normal(ks[6], (D, H), dtype=jnp.float32) / np.sqrt(D)
    b_si = jnp.zeros((H,), dtype=jnp.float32)
    W_nl = jax.random.normal(ks[7], (H, H), dtype=jnp.float32) / np.sqrt(H)
    b_nl = jnp.zeros((H,), dtype=jnp.float32)
    W_fin = jax.random.normal(ks[8], (H, C), dtype=jnp.float32) / np.sqrt(H)
    b_fin = jnp.zeros((C,), dtype=jnp.float32)
    return {"x": x, "edge_index": edge_index, "edge_attr": edge_attr,
            "W_msg": W_msg, "W_self": W_self, "W_r": W_r, "b_r": b_r,
            "W_si": W_si, "b_si": b_si, "W_nl": W_nl, "b_nl": b_nl,
            "W_fin": W_fin, "b_fin": b_fin}


def reference(x, edge_index, edge_attr, W_msg, W_self, W_r, b_r, W_si, b_si, W_nl, b_nl, W_fin, b_fin):
    # PointConvolutionLayer: TFN-style point convolution (l_filter=0, scalar channels).
    # Radial filter is computed from edge geometric features (edge_attr = radial basis
    # expansion of relative point positions), applied multiplicatively to gathered
    # source-node messages, then scatter-added to destination nodes.
    src = edge_index[0]
    dst = edge_index[1]
    r = edge_attr @ W_r + b_r                      # [E, D] radial filter values
    xm = x @ W_msg                                  # node-level transform (pre-gather)
    msg = jnp.take(xm, src, axis=0) * r             # gather + elementwise filter
    agg = jax.ops.segment_sum(msg, dst, num_segments=x.shape[0])  # scatter-add
    h = x @ W_self + agg                            # [N, D]
    # SelfInteractionLayer(num_features -> 16)
    h = h @ W_si + b_si                             # [N, 16]
    # TfnNonlinearityLayer(16, 16, relu)
    h = jax.nn.relu(h @ W_nl + b_nl)                # [N, 16]
    # final Linear(16 -> num_classes)
    out = h @ W_fin + b_fin                         # [N, C]
    return out

if __name__ == "__main__":
    import jax
    _d = setup_inputs()
    print(jax.jit(kernel)(*tuple(_d.values())))

</pallas_src>

<mosaic_0001>
#map = affine_map<(d0, d1) -> (0, 0)>
#map1 = affine_map<(d0, d1) -> (0)>
module attributes {stable_mosaic.version = 14 : i64} {
  func.func @sc_scatter(%arg0: i32, %arg1: i32, %arg2: memref<10000x128xf32, #tpu.memory_space<hbm>>, %arg3: memref<320000x128xf32, #tpu.memory_space<hbm>>, %arg4: memref<320000xi32, #tpu.memory_space<hbm>>, %arg5: memref<320000xi32, #tpu.memory_space<hbm>>, %arg6: memref<10000x128xf32, #tpu.memory_space<hbm>>, %arg7: memref<20000x128xf32, #tpu.memory_space<hbm>>, %arg8: memref<2x64xi32, #tpu.memory_space<vmem>>, %arg9: memref<2x64xi32, #tpu.memory_space<vmem>>, %arg10: memref<64xi32, #tpu.memory_space<vmem>>, %arg11: memref<64xi32, #tpu.memory_space<vmem>>, %arg12: memref<16xi32, #tpu.memory_space<vmem>>, %arg13: memref<16xi32, #tpu.memory_space<vmem>>, %arg14: memref<2x64x128xf32, #tpu.memory_space<vmem>>, %arg15: memref<2x64x128xf32, #tpu.memory_space<vmem>>, %arg16: memref<2x64x128xf32, #tpu.memory_space<vmem>>, %arg17: memref<10000x128xf32, #tpu.memory_space<vmem_shared>>, %arg18: memref<!tpu.dma_semaphore, #tpu.memory_space<semaphore_mem>>, %arg19: memref<!tpu.dma_semaphore, #tpu.memory_space<semaphore_mem>>, %arg20: memref<!tpu.dma_semaphore, #tpu.memory_space<semaphore_mem>>, %arg21: memref<!tpu.dma_semaphore, #tpu.memory_space<semaphore_mem>>, %arg22: memref<!tpu.dma_semaphore, #tpu.memory_space<semaphore_mem>>, %arg23: memref<!tpu.dma_semaphore, #tpu.memory_space<semaphore_mem>>) attributes {dimension_semantics = [#tpu.dimension_semantics<core_parallel>, #tpu.dimension_semantics<subcore_parallel>], iteration_bounds = array<i64: 2, 16>, scalar_prefetch = 0 : i64, scratch_operands = 16 : i64, tpu.core_type = #tpu.core_type<sc_vector_subcore>, window_params = [{transform_indices = #map}, {transform_indices = #map}, {transform_indices = #map1}, {transform_indices = #map1}, {transform_indices = #map}, {transform_indices = #map}]} {
    %lt3A = arith.constant 15 : i32
    %lt3A_0 = arith.cmpi slt, %arg1, %lt3A : i32
    %convert_element_type3A = arith.extui %lt3A_0 : i1 to i32
    %cond3A = arith.constant 0 : i32
    %cond3A_1 = arith.cmpi ne, %convert_element_type3A, %cond3A : i32
    scf.if %cond3A_1 {
      %mul3A_358 = arith.constant 632 : i32
      %mul3A_359 = arith.muli %arg1, %mul3A_358 : i32
      %mul3A_360 = arith.constant 632 : i32
      %mul3A_361 = arith.muli %arg1, %mul3A_360 : i32
      "tpu.region"() ({
        %run_scoped3A_362 = tpu.sem_alloc : memref<!tpu.dma_semaphore, #tpu.memory_space<semaphore_mem>>
        %dma_start3A_363 = arith.constant 0 : i32
        %dma_start3A_364 = tpu.memref_slice %arg17[%mul3A_361, %dma_start3A_363] : memref<10000x128xf32, #tpu.memory_space<vmem_shared>> -> memref<632x128xf32, #tpu.memory_space<vmem_shared>>
        %dma_start3A_365 = arith.constant 0 : i32
        %dma_start3A_366 = tpu.memref_slice %arg6[%mul3A_359, %dma_start3A_365] : memref<10000x128xf32, #tpu.memory_space<hbm>> -> memref<632x128xf32, #tpu.memory_space<hbm>>
        tpu.enqueue_dma source(%dma_start3A_366 : memref<632x128xf32, #tpu.memory_space<hbm>>) target(%dma_start3A_364 : memref<632x128xf32, #tpu.memory_space<vmem_shared>>) target_semaphore(%run_scoped3A_362 : memref<!tpu.dma_semaphore, #tpu.memory_space<semaphore_mem>>)
        %dma_wait3A_367 = arith.constant 0 : i32
        %dma_wait3A_368 = tpu.memref_slice %arg17[%mul3A_361, %dma_wait3A_367] : memref<10000x128xf32, #tpu.memory_space<vmem_shared>> -> memref<632x128xf32, #tpu.memory_space<vmem_shared>>
        %dma_wait3A_369 = arith.constant 0 : i32
        %dma_wait3A_370 = tpu.memref_slice %arg6[%mul3A_359, %dma_wait3A_369] : memref<10000x128xf32, #tpu.memory_space<hbm>> -> memref<632x128xf32, #tpu.memory_space<hbm>>
        tpu.wait_dma2 semaphore(%run_scoped3A_362 : memref<!tpu.dma_semaphore, #tpu.memory_space<semaphore_mem>>) src(%dma_wait3A_370 : memref<632x128xf32, #tpu.memory_space<hbm>>) dst(%dma_wait3A_368 : memref<632x128xf32, #tpu.memory_space<vmem_shared>>)
        tpu.yield
      }) : () -> ()
    } else {
    }
    %eq3A = arith.constant 15 : i32
    %eq3A_2 = arith.cmpi eq, %arg1, %eq3A : i32
    %convert_element_type3A_3 = arith.extui %eq3A_2 : i1 to i32
    %cond3A_4 = arith.constant 0 : i32
    %cond3A_5 = arith.cmpi ne, %convert_element_type3A_3, %cond3A_4 : i32
    scf.if %cond3A_5 {
      "tpu.region"() ({
        %run_scoped3A_358 = tpu.sem_alloc : memref<!tpu.dma_semaphore, #tpu.memory_space<semaphore_mem>>
        %dma_start3A_359 = arith.constant 9480 : i32
        %dma_start3A_360 = arith.constant 0 : i32
        %dma_start3A_361 = tpu.memref_slice %arg17[%dma_start3A_359, %dma_start3A_360] : memref<10000x128xf32, #tpu.memory_space<vmem_shared>> -> memref<520x128xf32, #tpu.memory_space<vmem_shared>>
        %dma_start3A_362 = arith.constant 9480 : i32
        %dma_start3A_363 = arith.constant 0 : i32
        %dma_start3A_364 = tpu.memref_slice %arg6[%dma_start3A_362, %dma_start3A_363] : memref<10000x128xf32, #tpu.memory_space<hbm>> -> memref<520x128xf32, #tpu.memory_space<hbm>>
        tpu.enqueue_dma source(%dma_start3A_364 : memref<520x128xf32, #tpu.memory_space<hbm>>) target(%dma_start3A_361 : memref<520x128xf32, #tpu.memory_space<vmem_shared>>) target_semaphore(%run_scoped3A_358 : memref<!tpu.dma_semaphore, #tpu.memory_space<semaphore_mem>>)
        %dma_wait3A_365 = arith.constant 9480 : i32
        %dma_wait3A_366 = arith.constant 0 : i32
        %dma_wait3A_367 = tpu.memref_slice %arg17[%dma_wait3A_365, %dma_wait3A_366] : memref<10000x128xf32, #tpu.memory_space<vmem_shared>> -> memref<520x128xf32, #tpu.memory_space<vmem_shared>>
        %dma_wait3A_368 = arith.constant 9480 : i32
        %dma_wait3A_369 = arith.constant 0 : i32
        %dma_wait3A_370 = tpu.memref_slice %arg6[%dma_wait3A_368, %dma_wait3A_369] : memref<10000x128xf32, #tpu.memory_space<hbm>> -> memref<520x128xf32, #tpu.memory_space<hbm>>
        tpu.wait_dma2 semaphore(%run_scoped3A_358 : memref<!tpu.dma_semaphore, #tpu.memory_space<semaphore_mem>>) src(%dma_wait3A_370 : memref<520x128xf32, #tpu.memory_space<hbm>>) dst(%dma_wait3A_367 : memref<520x128xf32, #tpu.memory_space<vmem_shared>>)
        tpu.yield
      }) : () -> ()
    } else {
    }
    %barrier3A = arith.constant 0 : index
    tpu.barrier barrier_id(%barrier3A)
    %mul3A = arith.constant 160000 : i32
    %mul3A_6 = arith.muli %arg0, %mul3A : i32
    %mul3A_7 = arith.constant 10000 : i32
    %mul3A_8 = arith.muli %arg1, %mul3A_7 : i32
    %add3A = arith.addi %mul3A_6, %mul3A_8 : i32
    %add3A_9 = arith.constant 0 : i32
    %add3A_10 = arith.addi %add3A, %add3A_9 : i32
    %dma_start3A = arith.constant 0 : i32
    %dma_start3A_11 = arith.constant 0 : i32
    %dma_start3A_12 = tpu.memref_slice %arg8[%dma_start3A, %dma_start3A_11] : memref<2x64xi32, #tpu.memory_space<vmem>> -> memref<1x64xi32, #tpu.memory_space<vmem>>
    %dma_start3A_13 = tpu.memref_squeeze %dma_start3A_12 : memref<1x64xi32, #tpu.memory_space<vmem>> -> memref<64xi32, #tpu.memory_space<vmem>>
    %dma_start3A_14 = tpu.memref_slice %arg4[%add3A_10] : memref<320000xi32, #tpu.memory_space<hbm>> -> memref<64xi32, #tpu.memory_space<hbm>>
    %dma_start3A_15 = arith.constant 0 : i32
    %dma_start3A_16 = tpu.memref_slice %arg8[%dma_start3A, %dma_start3A_15] : memref<2x64xi32, #tpu.memory_space<vmem>> -> memref<1x64xi32, #tpu.memory_space<vmem>>
    %dma_start3A_17 = tpu.memref_squeeze %dma_start3A_16 : memref<1x64xi32, #tpu.memory_space<vmem>> -> memref<64xi32, #tpu.memory_space<vmem>>
    %dma_start3A_18 = tpu.memref_slice %arg4[%add3A_10] : memref<320000xi32, #tpu.memory_space<hbm>> -> memref<64xi32, #tpu.memory_space<hbm>>
    tpu.enqueue_dma source(%dma_start3A_18 : memref<64xi32, #tpu.memory_space<hbm>>) target(%dma_start3A_17 : memref<64xi32, #tpu.memory_space<vmem>>) target_semaphore(%arg18 : memref<!tpu.dma_semaphore, #tpu.memory_space<semaphore_mem>>)
    %dma_start3A_19 = arith.constant 0 : i32
    %dma_start3A_20 = arith.constant 0 : i32
    %dma_start3A_21 = tpu.memref_slice %arg9[%dma_start3A_19, %dma_start3A_20] : memref<2x64xi32, #tpu.memory_space<vmem>> -> memref<1x64xi32, #tpu.memory_space<vmem>>
    %dma_start3A_22 = tpu.memref_squeeze %dma_start3A_21 : memref<1x64xi32, #tpu.memory_space<vmem>> -> memref<64xi32, #tpu.memory_space<vmem>>
    %dma_start3A_23 = tpu.memref_slice %arg5[%add3A_10] : memref<320000xi32, #tpu.memory_space<hbm>> -> memref<64xi32, #tpu.memory_space<hbm>>
    %dma_start3A_24 = arith.constant 0 : i32
    %dma_start3A_25 = tpu.memref_slice %arg9[%dma_start3A_19, %dma_start3A_24] : memref<2x64xi32, #tpu.memory_space<vmem>> -> memref<1x64xi32, #tpu.memory_space<vmem>>
    %dma_start3A_26 = tpu.memref_squeeze %dma_start3A_25 : memref<1x64xi32, #tpu.memory_space<vmem>> -> memref<64xi32, #tpu.memory_space<vmem>>
    %dma_start3A_27 = tpu.memref_slice %arg5[%add3A_10] : memref<320000xi32, #tpu.memory_space<hbm>> -> memref<64xi32, #tpu.memory_space<hbm>>
    tpu.enqueue_dma source(%dma_start3A_27 : memref<64xi32, #tpu.memory_space<hbm>>) target(%dma_start3A_26 : memref<64xi32, #tpu.memory_space<vmem>>) target_semaphore(%arg18 : memref<!tpu.dma_semaphore, #tpu.memory_space<semaphore_mem>>)
    %dma_start3A_28 = arith.constant 0 : i32
    %dma_start3A_29 = arith.constant 0 : i32
    %dma_start3A_30 = arith.constant 0 : i32
    %dma_start3A_31 = tpu.memref_slice %arg15[%dma_start3A_28, %dma_start3A_29, %dma_start3A_30] : memref<2x64x128xf32, #tpu.memory_space<vmem>> -> memref<1x64x128xf32, #tpu.memory_space<vmem>>
    %dma_start3A_32 = tpu.memref_squeeze %dma_start3A_31 : memref<1x64x128xf32, #tpu.memory_space<vmem>> -> memref<64x128xf32, #tpu.memory_space<vmem>>
    %dma_start3A_33 = arith.constant 0 : i32
    %dma_start3A_34 = tpu.memref_slice %arg3[%add3A_10, %dma_start3A_33] : memref<320000x128xf32, #tpu.memory_space<hbm>> -> memref<64x128xf32, #tpu.memory_space<hbm>>
    %dma_start3A_35 = arith.constant 0 : i32
    %dma_start3A_36 = arith.constant 0 : i32
    %dma_start3A_37 = tpu.memref_slice %arg15[%dma_start3A_28, %dma_start3A_35, %dma_start3A_36] : memref<2x64x128xf32, #tpu.memory_space<vmem>> -> memref<1x64x128xf32, #tpu.memory_space<vmem>>
    %dma_start3A_38 = tpu.memref_squeeze %dma_start3A_37 : memref<1x64x128xf32, #tpu.memory_space<vmem>> -> memref<64x128xf32, #tpu.memory_space<vmem>>
    %dma_start3A_39 = arith.constant 0 : i32
    %dma_start3A_40 = tpu.memref_slice %arg3[%add3A_10, %dma_start3A_39] : memref<320000x128xf32, #tpu.memory_space<hbm>> -> memref<64x128xf32, #tpu.memory_space<hbm>>
    tpu.enqueue_dma source(%dma_start3A_40 : memref<64x128xf32, #tpu.memory_space<hbm>>) target(%dma_start3A_38 : memref<64x128xf32, #tpu.memory_space<vmem>>) target_semaphore(%arg18 : memref<!tpu.dma_semaphore, #tpu.memory_space<semaphore_mem>>)
    %add3A_41 = arith.constant 0 : i32
    %add3A_42 = arith.addi %add3A, %add3A_41 : i32
    %dma_wait3A = arith.constant 0 : i32
    %dma_wait3A_43 = arith.constant 0 : i32
    %dma_wait3A_44 = tpu.memref_slice %arg8[%dma_wait3A, %dma_wait3A_43] : memref<2x64xi32, #tpu.memory_space<vmem>> -> memref<1x64xi32, #tpu.memory_space<vmem>>
    %dma_wait3A_45 = tpu.memref_squeeze %dma_wait3A_44 : memref<1x64xi32, #tpu.memory_space<vmem>> -> memref<64xi32, #tpu.memory_space<vmem>>
    %dma_wait3A_46 = tpu.memref_slice %arg4[%add3A_42] : memref<320000xi32, #tpu.memory_space<hbm>> -> memref<64xi32, #tpu.memory_space<hbm>>
    %dma_wait3A_47 = arith.constant 0 : i32
    %dma_wait3A_48 = tpu.memref_slice %arg8[%dma_wait3A, %dma_wait3A_47] : memref<2x64xi32, #tpu.memory_space<vmem>> -> memref<1x64xi32, #tpu.memory_space<vmem>>
    %dma_wait3A_49 = tpu.memref_squeeze %dma_wait3A_48 : memref<1x64xi32, #tpu.memory_space<vmem>> -> memref<64xi32, #tpu.memory_space<vmem>>
    %dma_wait3A_50 = tpu.memref_slice %arg4[%add3A_42] : memref<320000xi32, #tpu.memory_space<hbm>> -> memref<64xi32, #tpu.memory_space<hbm>>
    tpu.wait_dma2 semaphore(%arg18 : memref<!tpu.dma_semaphore, #tpu.memory_space<semaphore_mem>>) src(%dma_wait3A_50 : memref<64xi32, #tpu.memory_space<hbm>>) dst(%dma_wait3A_49 : memref<64xi32, #tpu.memory_space<vmem>>)
    %dma_wait3A_51 = arith.constant 0 : i32
    %dma_wait3A_52 = arith.constant 0 : i32
    %dma_wait3A_53 = tpu.memref_slice %arg9[%dma_wait3A_51, %dma_wait3A_52] : memref<2x64xi32, #tpu.memory_space<vmem>> -> memref<1x64xi32, #tpu.memory_space<vmem>>
    %dma_wait3A_54 = tpu.memref_squeeze %dma_wait3A_53 : memref<1x64xi32, #tpu.memory_space<vmem>> -> memref<64xi32, #tpu.memory_space<vmem>>
    %dma_wait3A_55 = tpu.memref_slice %arg5[%add3A_42] : memref<320000xi32, #tpu.memory_space<hbm>> -> memref<64xi32, #tpu.memory_space<hbm>>
    %dma_wait3A_56 = arith.constant 0 : i32
    %dma_wait3A_57 = tpu.memref_slice %arg9[%dma_wait3A_51, %dma_wait3A_56] : memref<2x64xi32, #tpu.memory_space<vmem>> -> memref<1x64xi32, #tpu.memory_space<vmem>>
    %dma_wait3A_58 = tpu.memref_squeeze %dma_wait3A_57 : memref<1x64xi32, #tpu.memory_space<vmem>> -> memref<64xi32, #tpu.memory_space<vmem>>
    %dma_wait3A_59 = tpu.memref_slice %arg5[%add3A_42] : memref<320000xi32, #tpu.memory_space<hbm>> -> memref<64xi32, #tpu.memory_space<hbm>>
    tpu.wait_dma2 semaphore(%arg18 : memref<!tpu.dma_semaphore, #tpu.memory_space<semaphore_mem>>) src(%dma_wait3A_59 : memref<64xi32, #tpu.memory_space<hbm>>) dst(%dma_wait3A_58 : memref<64xi32, #tpu.memory_space<vmem>>)
    %dma_wait3A_60 = arith.constant 0 : i32
    %dma_wait3A_61 = arith.constant 0 : i32
    %dma_wait3A_62 = arith.constant 0 : i32
    %dma_wait3A_63 = tpu.memref_slice %arg15[%dma_wait3A_60, %dma_wait3A_61, %dma_wait3A_62] : memref<2x64x128xf32, #tpu.memory_space<vmem>> -> memref<1x64x128xf32, #tpu.memory_space<vmem>>
    %dma_wait3A_64 = tpu.memref_squeeze %dma_wait3A_63 : memref<1x64x128xf32, #tpu.memory_space<vmem>> -> memref<64x128xf32, #tpu.memory_space<vmem>>
    %dma_wait3A_65 = arith.constant 0 : i32
    %dma_wait3A_66 = tpu.memref_slice %arg3[%add3A_42, %dma_wait3A_65] : memref<320000x128xf32, #tpu.memory_space<hbm>> -> memref<64x128xf32, #tpu.memory_space<hbm>>
    %dma_wait3A_67 = arith.constant 0 : i32
    %dma_wait3A_68 = arith.constant 0 : i32
    %dma_wait3A_69 = tpu.memref_slice %arg15[%dma_wait3A_60, %dma_wait3A_67, %dma_wait3A_68] : memref<2x64x128xf32, #tpu.memory_space<vmem>> -> memref<1x64x128xf32, #tpu.memory_space<vmem>>
    %dma_wait3A_70 = tpu.memref_squeeze %dma_wait3A_69 : memref<1x64x128xf32, #tpu.memory_space<vmem>> -> memref<64x128xf32, #tpu.memory_space<vmem>>
    %dma_wait3A_71 = arith.constant 0 : i32
    %dma_wait3A_72 = tpu.memref_slice %arg3[%add3A_42, %dma_wait3A_71] : memref<320000x128xf32, #tpu.memory_space<hbm>> -> memref<64x128xf32, #tpu.memory_space<hbm>>
    tpu.wait_dma2 semaphore(%arg18 : memref<!tpu.dma_semaphore, #tpu.memory_space<semaphore_mem>>) src(%dma_wait3A_72 : memref<64x128xf32, #tpu.memory_space<hbm>>) dst(%dma_wait3A_70 : memref<64x128xf32, #tpu.memory_space<vmem>>)
    %dma_start3A_73 = arith.constant 0 : i32
    %dma_start3A_74 = arith.constant 0 : i32
    %dma_start3A_75 = arith.constant 0 : i32
    %dma_start3A_76 = arith.constant 0 : i32
    %dma_start3A_77 = tpu.memref_slice %arg14[%dma_start3A_74, %dma_start3A_75, %dma_start3A_76] : memref<2x64x128xf32, #tpu.memory_space<vmem>> -> memref<1x64x128xf32, #tpu.memory_space<vmem>>
    %dma_start3A_78 = tpu.memref_squeeze %dma_start3A_77 : memref<1x64x128xf32, #tpu.memory_space<vmem>> -> memref<64x128xf32, #tpu.memory_space<vmem>>
    %dma_start3A_79 = arith.constant 0 : i32
    %dma_start3A_80 = tpu.memref_slice %arg8[%dma_start3A_73, %dma_start3A_79] : memref<2x64xi32, #tpu.memory_space<vmem>> -> memref<1x64xi32, #tpu.memory_space<vmem>>
    %dma_start3A_81 = tpu.memref_squeeze %dma_start3A_80 : memref<1x64xi32, #tpu.memory_space<vmem>> -> memref<64xi32, #tpu.memory_space<vmem>>
    %dma_start3A_82 = arith.constant 0 : i32
    %dma_start3A_83 = arith.constant 0 : i32
    %dma_start3A_84 = tpu.memref_slice %arg2[%dma_start3A_82, %dma_start3A_83] : memref<10000x128xf32, #tpu.memory_space<hbm>> -> memref<10000x128xf32, #tpu.memory_space<hbm>>
    tpu.enqueue_indirect_dma source(%dma_start3A_84 : memref<10000x128xf32, #tpu.memory_space<hbm>>) target(%dma_start3A_78 : memref<64x128xf32, #tpu.memory_space<vmem>>) offsets(%dma_start3A_81 : memref<64xi32, #tpu.memory_space<vmem>>) semaphore(%arg20 : memref<!tpu.dma_semaphore, #tpu.memory_space<semaphore_mem>>)
    %add3A_85 = arith.constant 64 : i32
    %add3A_86 = arith.addi %add3A, %add3A_85 : i32
    %dma_start3A_87 = arith.constant 1 : i32
    %dma_start3A_88 = arith.constant 0 : i32
    %dma_start3A_89 = tpu.memref_slice %arg8[%dma_start3A_87, %dma_start3A_88] : memref<2x64xi32, #tpu.memory_space<vmem>> -> memref<1x64xi32, #tpu.memory_space<vmem>>
    %dma_start3A_90 = tpu.memref_squeeze %dma_start3A_89 : memref<1x64xi32, #tpu.memory_space<vmem>> -> memref<64xi32, #tpu.memory_space<vmem>>
    %dma_start3A_91 = tpu.memref_slice %arg4[%add3A_86] : memref<320000xi32, #tpu.memory_space<hbm>> -> memref<64xi32, #tpu.memory_space<hbm>>
    %dma_start3A_92 = arith.constant 0 : i32
    %dma_start3A_93 = tpu.memref_slice %arg8[%dma_start3A_87, %dma_start3A_92] : memref<2x64xi32, #tpu.memory_space<vmem>> -> memref<1x64xi32, #tpu.memory_space<vmem>>
    %dma_start3A_94 = tpu.memref_squeeze %dma_start3A_93 : memref<1x64xi32, #tpu.memory_space<vmem>> -> memref<64xi32, #tpu.memory_space<vmem>>
    %dma_start3A_95 = tpu.memref_slice %arg4[%add3A_86] : memref<320000xi32, #tpu.memory_space<hbm>> -> memref<64xi32, #tpu.memory_space<hbm>>
    tpu.enqueue_dma source(%dma_start3A_95 : memref<64xi32, #tpu.memory_space<hbm>>) target(%dma_start3A_94 : memref<64xi32, #tpu.memory_space<vmem>>) target_semaphore(%arg19 : memref<!tpu.dma_semaphore, #tpu.memory_space<semaphore_mem>>)
    %dma_start3A_96 = arith.constant 1 : i32
    %dma_start3A_97 = arith.constant 0 : i32
    %dma_start3A_98 = tpu.memref_slice %arg9[%dma_start3A_96, %dma_start3A_97] : memref<2x64xi32, #tpu.memory_space<vmem>> -> memref<1x64xi32, #tpu.memory_space<vmem>>
    %dma_start3A_99 = tpu.memref_squeeze %dma_start3A_98 : memref<1x64xi32, #tpu.memory_space<vmem>> -> memref<64xi32, #tpu.memory_space<vmem>>
    %dma_start3A_100 = tpu.memref_slice %arg5[%add3A_86] : memref<320000xi32, #tpu.memory_space<hbm>> -> memref<64xi32, #tpu.memory_space<hbm>>
    %dma_start3A_101 = arith.constant 0 : i32
    %dma_start3A_102 = tpu.memref_slice %arg9[%dma_start3A_96, %dma_start3A_101] : memref<2x64xi32, #tpu.memory_space<vmem>> -> memref<1x64xi32, #tpu.memory_space<vmem>>
    %dma_start3A_103 = tpu.memref_squeeze %dma_start3A_102 : memref<1x64xi32, #tpu.memory_space<vmem>> -> memref<64xi32, #tpu.memory_space<vmem>>
    %dma_start3A_104 = tpu.memref_slice %arg5[%add3A_86] : memref<320000xi32, #tpu.memory_space<hbm>> -> memref<64xi32, #tpu.memory_space<hbm>>
    tpu.enqueue_dma source(%dma_start3A_104 : memref<64xi32, #tpu.memory_space<hbm>>) target(%dma_start3A_103 : memref<64xi32, #tpu.memory_space<vmem>>) target_semaphore(%arg19 : memref<!tpu.dma_semaphore, #tpu.memory_space<semaphore_mem>>)
    %dma_start3A_105 = arith.constant 1 : i32
    %dma_start3A_106 = arith.constant 0 : i32
    %dma_start3A_107 = arith.constant 0 : i32
    %dma_start3A_108 = tpu.memref_slice %arg15[%dma_start3A_105, %dma_start3A_106, %dma_start3A_107] : memref<2x64x128xf32, #tpu.memory_space<vmem>> -> memref<1x64x128xf32, #tpu.memory_space<vmem>>
    %dma_start3A_109 = tpu.memref_squeeze %dma_start3A_108 : memref<1x64x128xf32, #tpu.memory_space<vmem>> -> memref<64x128xf32, #tpu.memory_space<vmem>>
    %dma_start3A_110 = arith.constant 0 : i32
    %dma_start3A_111 = tpu.memref_slice %arg3[%add3A_86, %dma_start3A_110] : memref<320000x128xf32, #tpu.memory_space<hbm>> -> memref<64x128xf32, #tpu.memory_space<hbm>>
    %dma_start3A_112 = arith.constant 0 : i32
    %dma_start3A_113 = arith.constant 0 : i32
    %dma_start3A_114 = tpu.memref_slice %arg15[%dma_start3A_105, %dma_start3A_112, %dma_start3A_113] : memref<2x64x128xf32, #tpu.memory_space<vmem>> -> memref<1x64x128xf32, #tpu.memory_space<vmem>>
    %dma_start3A_115 = tpu.memref_squeeze %dma_start3A_114 : memref<1x64x128xf32, #tpu.memory_space<vmem>> -> memref<64x128xf32, #tpu.memory_space<vmem>>
    %dma_start3A_116 = arith.constant 0 : i32
    %dma_start3A_117 = tpu.memref_slice %arg3[%add3A_86, %dma_start3A_116] : memref<320000x128xf32, #tpu.memory_space<hbm>> -> memref<64x128xf32, #tpu.memory_space<hbm>>
    tpu.enqueue_dma source(%dma_start3A_117 : memref<64x128xf32, #tpu.memory_space<hbm>>) target(%dma_start3A_115 : memref<64x128xf32, #tpu.memory_space<vmem>>) target_semaphore(%arg19 : memref<!tpu.dma_semaphore, #tpu.memory_space<semaphore_mem>>)
    %scan3A = arith.constant 0 : i32
    %scan3A_118 = arith.constant 0 : i32
    %scan3A_119 = arith.constant 77 : i32
    %scan3A_120 = arith.addi %scan3A_118, %scan3A_119 : i32
    %scan3A_121 = arith.constant 1 : i32
    scf.for %scan3A_358 = %scan3A_118 to %scan3A_120 step %scan3A_121  : i32 {
      %mul3A_359 = arith.constant 2 : i32
      %mul3A_360 = arith.muli %mul3A_359, %scan3A_358 : i32
      %ge3A = arith.constant 1 : i32
      %ge3A_361 = arith.cmpi sge, %scan3A_358, %ge3A : i32
      %add3A_362 = arith.constant 1 : i32
      %add3A_363 = arith.addi %mul3A_360, %add3A_362 : i32
      %mul3A_364 = arith.constant 64 : i32
      %mul3A_365 = arith.muli %add3A_363, %mul3A_364 : i32
      %add3A_366 = arith.addi %add3A, %mul3A_365 : i32
      %dma_wait3A_367 = arith.constant 1 : i32
      %dma_wait3A_368 = arith.constant 0 : i32
      %dma_wait3A_369 = tpu.memref_slice %arg8[%dma_wait3A_367, %dma_wait3A_368] : memref<2x64xi32, #tpu.memory_space<vmem>> -> memref<1x64xi32, #tpu.memory_space<vmem>>
      %dma_wait3A_370 = tpu.memref_squeeze %dma_wait3A_369 : memref<1x64xi32, #tpu.memory_space<vmem>> -> memref<64xi32, #tpu.memory_space<vmem>>
      %dma_wait3A_371 = tpu.memref_slice %arg4[%add3A_366] : memref<320000xi32, #tpu.memory_space<hbm>> -> memref<64xi32, #tpu.memory_space<hbm>>
      %dma_wait3A_372 = arith.constant 0 : i32
      %dma_wait3A_373 = tpu.memref_slice %arg8[%dma_wait3A_367, %dma_wait3A_372] : memref<2x64xi32, #tpu.memory_space<vmem>> -> memref<1x64xi32, #tpu.memory_space<vmem>>
      %dma_wait3A_374 = tpu.memref_squeeze %dma_wait3A_373 : memref<1x64xi32, #tpu.memory_space<vmem>> -> memref<64xi32, #tpu.memory_space<vmem>>
      %dma_wait3A_375 = tpu.memref_slice %arg4[%add3A_366] : memref<320000xi32, #tpu.memory_space<hbm>> -> memref<64xi32, #tpu.memory_space<hbm>>
      tpu.wait_dma2 semaphore(%arg19 : memref<!tpu.dma_semaphore, #tpu.memory_space<semaphore_mem>>) src(%dma_wait3A_375 : memref<64xi32, #tpu.memory_space<hbm>>) dst(%dma_wait3A_374 : memref<64xi32, #tpu.memory_space<vmem>>)
      %dma_wait3A_376 = arith.constant 1 : i32
      %dma_wait3A_377 = arith.constant 0 : i32
      %dma_wait3A_378 = tpu.memref_slice %arg9[%dma_wait3A_376, %dma_wait3A_377] : memref<2x64xi32, #tpu.memory_space<vmem>> -> memref<1x64xi32, #tpu.memory_space<vmem>>
      %dma_wait3A_379 = tpu.memref_squeeze %dma_wait3A_378 : memref<1x64xi32, #tpu.memory_space<vmem>> -> memref<64xi32, #tpu.memory_space<vmem>>
      %dma_wait3A_380 = tpu.memref_slice %arg5[%add3A_366] : memref<320000xi32, #tpu.memory_space<hbm>> -> memref<64xi32, #tpu.memory_space<hbm>>
      %dma_wait3A_381 = arith.constant 0 : i32
      %dma_wait3A_382 = tpu.memref_slice %arg9[%dma_wait3A_376, %dma_wait3A_381] : memref<2x64xi32, #tpu.memory_space<vmem>> -> memref<1x64xi32, #tpu.memory_space<vmem>>
      %dma_wait3A_383 = tpu.memref_squeeze %dma_wait3A_382 : memref<1x64xi32, #tpu.memory_space<vmem>> -> memref<64xi32, #tpu.memory_space<vmem>>
      %dma_wait3A_384 = tpu.memref_slice %arg5[%add3A_366] : memref<320000xi32, #tpu.memory_space<hbm>> -> memref<64xi32, #tpu.memory_space<hbm>>
      tpu.wait_dma2 semaphore(%arg19 : memref<!tpu.dma_semaphore, #tpu.memory_space<semaphore_mem>>) src(%dma_wait3A_384 : memref<64xi32, #tpu.memory_space<hbm>>) dst(%dma_wait3A_383 : memref<64xi32, #tpu.memory_space<vmem>>)
      %dma_wait3A_385 = arith.constant 1 : i32
      %dma_wait3A_386 = arith.constant 0 : i32
      %dma_wait3A_387 = arith.constant 0 : i32
      %dma_wait3A_388 = tpu.memref_slice %arg15[%dma_wait3A_385, %dma_wait3A_386, %dma_wait3A_387] : memref<2x64x128xf32, #tpu.memory_space<vmem>> -> memref<1x64x128xf32, #tpu.memory_space<vmem>>
      %dma_wait3A_389 = tpu.memref_squeeze %dma_wait3A_388 : memref<1x64x128xf32, #tpu.memory_space<vmem>> -> memref<64x128xf32, #tpu.memory_space<vmem>>
      %dma_wait3A_390 = arith.constant 0 : i32
      %dma_wait3A_391 = tpu.memref_slice %arg3[%add3A_366, %dma_wait3A_390] : memref<320000x128xf32, #tpu.memory_space<hbm>> -> memref<64x128xf32, #tpu.memory_space<hbm>>
      %dma_wait3A_392 = arith.constant 0 : i32
      %dma_wait3A_393 = arith.constant 0 : i32
      %dma_wait3A_394 = tpu.memref_slice %arg15[%dma_wait3A_385, %dma_wait3A_392, %dma_wait3A_393] : memref<2x64x128xf32, #tpu.memory_space<vmem>> -> memref<1x64x128xf32, #tpu.memory_space<vmem>>
      %dma_wait3A_395 = tpu.memref_squeeze %dma_wait3A_394 : memref<1x64x128xf32, #tpu.memory_space<vmem>> -> memref<64x128xf32, #tpu.memory_space<vmem>>
      %dma_wait3A_396 = arith.constant 0 : i32
      %dma_wait3A_397 = tpu.memref_slice %arg3[%add3A_366, %dma_wait3A_396] : memref<320000x128xf32, #tpu.memory_space<hbm>> -> memref<64x128xf32, #tpu.memory_space<hbm>>
      tpu.wait_dma2 semaphore(%arg19 : memref<!tpu.dma_semaphore, #tpu.memory_space<semaphore_mem>>) src(%dma_wait3A_397 : memref<64x128xf32, #tpu.memory_space<hbm>>) dst(%dma_wait3A_395 : memref<64x128xf32, #tpu.memory_space<vmem>>)
      %dma_start3A_398 = arith.constant 1 : i32
      %dma_start3A_399 = arith.constant 1 : i32
      %dma_start3A_400 = arith.constant 0 : i32
      %dma_start3A_401 = arith.constant 0 : i32
      %dma_start3A_402 = tpu.memref_slice %arg14[%dma_start3A_399, %dma_start3A_400, %dma_start3A_401] : memref<2x64x128xf32, #tpu.memory_space<vmem>> -> memref<1x64x128xf32, #tpu.memory_space<vmem>>
      %dma_start3A_403 = tpu.memref_squeeze %dma_start3A_402 : memref<1x64x128xf32, #tpu.memory_space<vmem>> -> memref<64x128xf32, #tpu.memory_space<vmem>>
      %dma_start3A_404 = arith.constant 0 : i32
      %dma_start3A_405 = tpu.memref_slice %arg8[%dma_start3A_398, %dma_start3A_404] : memref<2x64xi32, #tpu.memory_space<vmem>> -> memref<1x64xi32, #tpu.memory_space<vmem>>
      %dma_start3A_406 = tpu.memref_squeeze %dma_start3A_405 : memref<1x64xi32, #tpu.memory_space<vmem>> -> memref<64xi32, #tpu.memory_space<vmem>>
      %dma_start3A_407 = arith.constant 0 : i32
      %dma_start3A_408 = arith.constant 0 : i32
      %dma_start3A_409 = tpu.memref_slice %arg2[%dma_start3A_407, %dma_start3A_408] : memref<10000x128xf32, #tpu.memory_space<hbm>> -> memref<10000x128xf32, #tpu.memory_space<hbm>>
      tpu.enqueue_indirect_dma source(%dma_start3A_409 : memref<10000x128xf32, #tpu.memory_space<hbm>>) target(%dma_start3A_403 : memref<64x128xf32, #tpu.memory_space<vmem>>) offsets(%dma_start3A_406 : memref<64xi32, #tpu.memory_space<vmem>>) semaphore(%arg21 : memref<!tpu.dma_semaphore, #tpu.memory_space<semaphore_mem>>)
      %dma_wait3A_410 = arith.constant 0 : i32
      %dma_wait3A_411 = arith.constant 0 : i32
      %dma_wait3A_412 = arith.constant 0 : i32
      %dma_wait3A_413 = arith.constant 0 : i32
      %dma_wait3A_414 = tpu.memref_slice %arg14[%dma_wait3A_411, %dma_wait3A_412, %dma_wait3A_413] : memref<2x64x128xf32, #tpu.memory_space<vmem>> -> memref<1x64x128xf32, #tpu.memory_space<vmem>>
      %dma_wait3A_415 = tpu.memref_squeeze %dma_wait3A_414 : memref<1x64x128xf32, #tpu.memory_space<vmem>> -> memref<64x128xf32, #tpu.memory_space<vmem>>
      %dma_wait3A_416 = arith.constant 0 : i32
      %dma_wait3A_417 = tpu.memref_slice %arg8[%dma_wait3A_410, %dma_wait3A_416] : memref<2x64xi32, #tpu.memory_space<vmem>> -> memref<1x64xi32, #tpu.memory_space<vmem>>
      %dma_wait3A_418 = tpu.memref_squeeze %dma_wait3A_417 : memref<1x64xi32, #tpu.memory_space<vmem>> -> memref<64xi32, #tpu.memory_space<vmem>>
      %dma_wait3A_419 = arith.constant 0 : i32
      %dma_wait3A_420 = arith.constant 0 : i32
      %dma_wait3A_421 = tpu.memref_slice %arg2[%dma_wait3A_419, %dma_wait3A_420] : memref<10000x128xf32, #tpu.memory_space<hbm>> -> memref<10000x128xf32, #tpu.memory_space<hbm>>
      tpu.wait_indirect_dma semaphore(%arg20 : memref<!tpu.dma_semaphore, #tpu.memory_space<semaphore_mem>>) src(%dma_wait3A_421 : memref<10000x128xf32, #tpu.memory_space<hbm>>) dst(%dma_wait3A_415 : memref<64x128xf32, #tpu.memory_space<vmem>>)
      %convert_element_type3A_422 = arith.extui %ge3A_361 : i1 to i32
      %cond3A_423 = arith.constant 0 : i32
      %cond3A_424 = arith.cmpi ne, %convert_element_type3A_422, %cond3A_423 : i32
      scf.if %cond3A_424 {
        %dma_wait3A_631 = arith.constant 0 : i32
        %dma_wait3A_632 = arith.constant 0 : i32
        %dma_wait3A_633 = arith.constant 0 : i32
        %dma_wait3A_634 = tpu.memref_slice %arg16[%dma_wait3A_631, %dma_wait3A_632, %dma_wait3A_633] : memref<2x64x128xf32, #tpu.memory_space<vmem>> -> memref<1x64x128xf32, #tpu.memory_space<vmem>>
        %dma_wait3A_635 = tpu.memref_squeeze %dma_wait3A_634 : memref<1x64x128xf32, #tpu.memory_space<vmem>> -> memref<64x128xf32, #tpu.memory_space<vmem>>
        %dma_wait3A_636 = arith.constant 0 : i32
        %dma_wait3A_637 = arith.constant 0 : i32
        %dma_wait3A_638 = tpu.memref_slice %arg17[%dma_wait3A_636, %dma_wait3A_637] : memref<10000x128xf32, #tpu.memory_space<vmem_shared>> -> memref<10000x128xf32, #tpu.memory_space<vmem_shared>>
        tpu.wait_indirect_dma semaphore(%arg22 : memref<!tpu.dma_semaphore, #tpu.memory_space<semaphore_mem>>) src(%dma_wait3A_635 : memref<64x128xf32, #tpu.memory_space<vmem>>) dst(%dma_wait3A_638 : memref<10000x128xf32, #tpu.memory_space<vmem_shared>>)
      } else {
      }
      %get3A_425 = arith.constant 0 : i32
      %get3A_426 = arith.index_cast %get3A_425 : i32 to index
      %get3A_427 = arith.constant 0 : index
      %get3A_428 = tpu.vector_load %arg9[%get3A_426, %get3A_427] {strides = array<i32>} : memref<2x64xi32, #tpu.memory_space<vmem>>, vector<1x16xi32>,
      %get3A_429 = vector.shape_cast %get3A_428 : vector<1x16xi32> to vector<16xi32>
      %swap3A_430 = arith.constant 0 : index
      %swap3A_431 = tpu.vector_load %arg10[%swap3A_430] {strides = array<i32>} : memref<64xi32, #tpu.memory_space<vmem>>, vector<16xi32>,
      %swap3A_432 = vector.shape_cast %swap3A_431 : vector<16xi32> to vector<16xi32>
      %swap3A_433 = vector.shape_cast %get3A_429 : vector<16xi32> to vector<16xi32>
      tpu.vector_store %arg10[%swap3A_430], %swap3A_433 {strides = array<i32>} : memref<64xi32, #tpu.memory_space<vmem>>, vector<16xi32>,
      %get3A_434 = arith.constant 0 : i32
      %get3A_435 = arith.index_cast %get3A_434 : i32 to index
      %get3A_436 = arith.constant 16 : index
      %get3A_437 = tpu.vector_load %arg9[%get3A_435, %get3A_436] {strides = array<i32>} : memref<2x64xi32, #tpu.memory_space<vmem>>, vector<1x16xi32>,
      %get3A_438 = vector.shape_cast %get3A_437 : vector<1x16xi32> to vector<16xi32>
      %swap3A_439 = arith.constant 16 : index
      %swap3A_440 = tpu.vector_load %arg10[%swap3A_439] {strides = array<i32>} : memref<64xi32, #tpu.memory_space<vmem>>, vector<16xi32>,
      %swap3A_441 = vector.shape_cast %swap3A_440 : vector<16xi32> to vector<16xi32>
      %swap3A_442 = vector.shape_cast %get3A_438 : vector<16xi32> to vector<16xi32>
      tpu.vector_store %arg10[%swap3A_439], %swap3A_442 {strides = array<i32>} : memref<64xi32, #tpu.memory_space<vmem>>, vector<16xi32>,
      %get3A_443 = arith.constant 0 : i32
      %get3A_444 = arith.index_cast %get3A_443 : i32 to index
      %get3A_445 = arith.constant 32 : index
      %get3A_446 = tpu.vector_load %arg9[%get3A_444, %get3A_445] {strides = array<i32>} : memref<2x64xi32, #tpu.memory_space<vmem>>, vector<1x16xi32>,
      %get3A_447 = vector.shape_cast %get3A_446 : vector<1x16xi32> to vector<16xi32>
      %swap3A_448 = arith.constant 32 : index
      %swap3A_449 = tpu.vector_load %arg10[%swap3A_448] {strides = array<i32>} : memref<64xi32, #tpu.memory_space<vmem>>, vector<16xi32>,
      %swap3A_450 = vector.shape_cast %swap3A_449 : vector<16xi32> to vector<16xi32>
      %swap3A_451 = vector.shape_cast %get3A_447 : vector<16xi32> to vector<16xi32>
      tpu.vector_store %arg10[%swap3A_448], %swap3A_451 {strides = array<i32>} : memref<64xi32, #tpu.memory_space<vmem>>, vector<16xi32>,
      %get3A_452 = arith.constant 0 : i32
      %get3A_453 = arith.index_cast %get3A_452 : i32 to index
      %get3A_454 = arith.constant 48 : index
      %get3A_455 = tpu.vector_load %arg9[%get3A_453, %get3A_454] {strides = array<i32>} : memref<2x64xi32, #tpu.memory_space<vmem>>, vector<1x16xi32>,
      %get3A_456 = vector.shape_cast %get3A_455 : vector<1x16xi32> to vector<16xi32>
      %swap3A_457 = arith.constant 48 : index
      %swap3A_458 = tpu.vector_load %arg10[%swap3A_457] {strides = array<i32>} : memref<64xi32, #tpu.memory_space<vmem>>, vector<16xi32>,
      %swap3A_459 = vector.shape_cast %swap3A_458 : vector<16xi32> to vector<16xi32>
      %swap3A_460 = vector.shape_cast %get3A_456 : vector<16xi32> to vector<16xi32>
      tpu.vector_store %arg10[%swap3A_457], %swap3A_460 {strides = array<i32>} : memref<64xi32, #tpu.memory_space<vmem>>, vector<16xi32>,
      %scan3A_461 = arith.constant 0 : i32
      %scan3A_462 = arith.constant 0 : i32
      %scan3A_463 = arith.constant 64 : i32
      %scan3A_464 = arith.addi %scan3A_462, %scan3A_463 : i32
      %scan3A_465 = arith.constant 4 : i32
      scf.for %scan3A_631 = %scan3A_462 to %scan3A_464 step %scan3A_465  : i32 {
        %get3A_632 = arith.constant 0 : i32
        %get3A_633 = arith.index_cast %get3A_632 : i32 to index
        %get3A_634 = arith.index_cast %scan3A_631 : i32 to index
        %get3A_635 = arith.constant 0 : index
        %get3A_636 = tpu.vector_load %arg14[%get3A_633, %get3A_634, %get3A_635] {strides = array<i32>} : memref<2x64x128xf32, #tpu.memory_space<vmem>>, vector<1x1x16xf32>,
        %get3A_637 = vector.shape_cast %get3A_636 : vector<1x1x16xf32> to vector<16xf32>
        %get3A_638 = arith.constant 0 : i32
        %get3A_639 = arith.index_cast %get3A_638 : i32 to index
        %get3A_640 = arith.index_cast %scan3A_631 : i32 to index
        %get3A_641 = arith.constant 0 : index
        %get3A_642 = tpu.vector_load %arg15[%get3A_639, %get3A_640, %get3A_641] {strides = array<i32>} : memref<2x64x128xf32, #tpu.memory_space<vmem>>, vector<1x1x16xf32>,
        %get3A_643 = vector.shape_cast %get3A_642 : vector<1x1x16xf32> to vector<16xf32>
        %mul3A_644 = arith.mulf %get3A_637, %get3A_643 : vector<16xf32>
        %get3A_645 = arith.constant 0 : i32
        %get3A_646 = arith.index_cast %get3A_645 : i32 to index
        %get3A_647 = arith.index_cast %scan3A_631 : i32 to index
        %get3A_648 = arith.constant 16 : index
        %get3A_649 = tpu.vector_load %arg14[%get3A_646, %get3A_647, %get3A_648] {strides = array<i32>} : memref<2x64x128xf32, #tpu.memory_space<vmem>>, vector<1x1x16xf32>,
        %get3A_650 = vector.shape_cast %get3A_649 : vector<1x1x16xf32> to vector<16xf32>
        %get3A_651 = arith.constant 0 : i32
        %get3A_652 = arith.index_cast %get3A_651 : i32 to index
        %get3A_653 = arith.index_cast %scan3A_631 : i32 to index
        %get3A_654 = arith.constant 16 : index
        %get3A_655 = tpu.vector_load %arg15[%get3A_652, %get3A_653, %get3A_654] {strides = array<i32>} : memref<2x64x128xf32, #tpu.memory_space<vmem>>, vector<1x1x16xf32>,
        %get3A_656 = vector.shape_cast %get3A_655 : vector<1x1x16xf32> to vector<16xf32>
        %mul3A_657 = arith.mulf %get3A_650, %get3A_656 : vector<16xf32>
        %get3A_658 = arith.constant 0 : i32
        %get3A_659 = arith.index_cast %get3A_658 : i32 to index
        %get3A_660 = arith.index_cast %scan3A_631 : i32 to index
        %get3A_661 = arith.constant 32 : index
        %get3A_662 = tpu.vector_load %arg14[%get3A_659, %get3A_660, %get3A_661] {strides = array<i32>} : memref<2x64x128xf32, #tpu.memory_space<vmem>>, vector<1x1x16xf32>,
        %get3A_663 = vector.shape_cast %get3A_662 : vector<1x1x16xf32> to vector<16xf32>
        %get3A_664 = arith.constant 0 : i32
        %get3A_665 = arith.index_cast %get3A_664 : i32 to index
        %get3A_666 = arith.index_cast %scan3A_631 : i32 to index
        %get3A_667 = arith.constant 32 : index
        %get3A_668 = tpu.vector_load %arg15[%get3A_665, %get3A_666, %get3A_667] {strides = array<i32>} : memref<2x64x128xf32, #tpu.memory_space<vmem>>, vector<1x1x16xf32>,
        %get3A_669 = vector.shape_cast %get3A_668 : vector<1x1x16xf32> to vector<16xf32>
        %mul3A_670 = arith.mulf %get3A_663, %get3A_669 : vector<16xf32>
        %get3A_671 = arith.constant 0 : i32
        %get3A_672 = arith.index_cast %get3A_671 : i32 to index
        %get3A_673 = arith.index_cast %scan3A_631 : i32 to index
        %get3A_674 = arith.constant 48 : index
        %get3A_675 = tpu.vector_load %arg14[%get3A_672, %get3A_673, %get3A_674] {strides = array<i32>} : memref<2x64x128xf32, #tpu.memory_space<vmem>>, vector<1x1x16xf32>,
        %get3A_676 = vector.shape_cast %get3A_675 : vector<1x1x16xf32> to vector<16xf32>
        %get3A_677 = arith.constant 0 : i32
        %get3A_678 = arith.index_cast %get3A_677 : i32 to index
        %get3A_679 = arith.index_cast %scan3A_631 : i32 to index
        %get3A_680 = arith.constant 48 : index
        %get3A_681 = tpu.vector_load %arg15[%get3A_678, %get3A_679, %get3A_680] {strides = array<i32>} : memref<2x64x128xf32, #tpu.memory_space<vmem>>, vector<1x1x16xf32>,
        %get3A_682 = vector.shape_cast %get3A_681 : vector<1x1x16xf32> to vector<16xf32>
        %mul3A_683 = arith.mulf %get3A_676, %get3A_682 : vector<16xf32>
        %get3A_684 = arith.constant 0 : i32
        %get3A_685 = arith.index_cast %get3A_684 : i32 to index
        %get3A_686 = arith.index_cast %scan3A_631 : i32 to index
        %get3A_687 = arith.constant 64 : index
        %get3A_688 = tpu.vector_load %arg14[%get3A_685, %get3A_686, %get3A_687] {strides = array<i32>} : memref<2x64x128xf32, #tpu.memory_space<vmem>>, vector<1x1x16xf32>,
        %get3A_689 = vector.shape_cast %get3A_688 : vector<1x1x16xf32> to vector<16xf32>
        %get3A_690 = arith.constant 0 : i32
        %get3A_691 = arith.index_cast %get3A_690 : i32 to index
        %get3A_692 = arith.index_cast %scan3A_631 : i32 to index
        %get3A_693 = arith.constant 64 : index
        %get3A_694 = tpu.vector_load %arg15[%get3A_691, %get3A_692, %get3A_693] {strides = array<i32>} : memref<2x64x128xf32, #tpu.memory_space<vmem>>, vector<1x1x16xf32>,
        %get3A_695 = vector.shape_cast %get3A_694 : vector<1x1x16xf32> to vector<16xf32>
        %mul3A_696 = arith.mulf %get3A_689, %get3A_695 : vector<16xf32>
        %get3A_697 = arith.constant 0 : i32
        %get3A_698 = arith.index_cast %get3A_697 : i32 to index
        %get3A_699 = arith.index_cast %scan3A_631 : i32 to index
        %get3A_700 = arith.constant 80 : index
        %get3A_701 = tpu.vector_load %arg14[%get3A_698, %get3A_699, %get3A_700] {strides = array<i32>} : memref<2x64x128xf32, #tpu.memory_space<vmem>>, vector<1x1x16xf32>,
        %get3A_702 = vector.shape_cast %get3A_701 : vector<1x1x16xf32> to vector<16xf32>
        %get3A_703 = arith.constant 0 : i32
        %get3A_704 = arith.index_cast %get3A_703 : i32 to index
        %get3A_705 = arith.index_cast %scan3A_631 : i32 to index
        %get3A_706 = arith.constant 80 : index
        %get3A_707 = tpu.vector_load %arg15[%get3A_704, %get3A_705, %get3A_706] {strides = array<i32>} : memref<2x64x128xf32, #tpu.memory_space<vmem>>, vector<1x1x16xf32>,
        %get3A_708 = vector.shape_cast %get3A_707 : vector<1x1x16xf32> to vector<16xf32>
        %mul3A_709 = arith.mulf %get3A_702, %get3A_708 : vector<16xf32>
        %get3A_710 = arith.constant 0 : i32
        %get3A_711 = arith.index_cast %get3A_710 : i32 to index
        %get3A_712 = arith.index_cast %scan3A_631 : i32 to index
        %get3A_713 = arith.constant 96 : index
        %get3A_714 = tpu.vector_load %arg14[%get3A_711, %get3A_712, %get3A_713] {strides = array<i32>} : memref<2x64x128xf32, #tpu.memory_space<vmem>>, vector<1x1x16xf32>,
        %get3A_715 = vector.shape_cast %get3A_714 : vector<1x1x16xf32> to vector<16xf32>
        %get3A_716 = arith.constant 0 : i32
        %get3A_717 = arith.index_cast %get3A_716 : i32 to index
        %get3A_718 = arith.index_cast %scan3A_631 : i32 to index
        %get3A_719 = arith.constant 96 : index
        %get3A_720 = tpu.vector_load %arg15[%get3A_717, %get3A_718, %get3A_719] {strides = array<i32>} : memref<2x64x128xf32, #tpu.memory_space<vmem>>, vector<1x1x16xf32>,
        %get3A_721 = vector.shape_cast %get3A_720 : vector<1x1x16xf32> to vector<16xf32>
        %mul3A_722 = arith.mulf %get3A_715, %get3A_721 : vector<16xf32>
        %get3A_723 = arith.constant 0 : i32
        %get3A_724 = arith.index_cast %get3A_723 : i32 to index
        %get3A_725 = arith.index_cast %scan3A_631 : i32 to index
        %get3A_726 = arith.constant 112 : index
        %get3A_727 = tpu.vector_load %arg14[%get3A_724, %get3A_725, %get3A_726] {strides = array<i32>} : memref<2x64x128xf32, #tpu.memory_space<vmem>>, vector<1x1x16xf32>,
        %get3A_728 = vector.shape_cast %get3A_727 : vector<1x1x16xf32> to vector<16xf32>
        %get3A_729 = arith.constant 0 : i32
        %get3A_730 = arith.index_cast %get3A_729 : i32 to index
        %get3A_731 = arith.index_cast %scan3A_631 : i32 to index
        %get3A_732 = arith.constant 112 : index
        %get3A_733 = tpu.vector_load %arg15[%get3A_730, %get3A_731, %get3A_732] {strides = array<i32>} : memref<2x64x128xf32, #tpu.memory_space<vmem>>, vector<1x1x16xf32>,
        %get3A_734 = vector.shape_cast %get3A_733 : vector<1x1x16xf32> to vector<16xf32>
        %mul3A_735 = arith.mulf %get3A_728, %get3A_734 : vector<16xf32>
        %swap3A_736 = arith.constant 0 : i32
        %swap3A_737 = arith.index_cast %swap3A_736 : i32 to index
        %swap3A_738 = arith.index_cast %scan3A_631 : i32 to index
        %swap3A_739 = arith.constant 0 : index
        %swap3A_740 = tpu.vector_load %arg16[%swap3A_737, %swap3A_738, %swap3A_739] {strides = array<i32>} : memref<2x64x128xf32, #tpu.memory_space<vmem>>, vector<1x1x16xf32>,
        %swap3A_741 = vector.shape_cast %swap3A_740 : vector<1x1x16xf32> to vector<16xf32>
        %swap3A_742 = vector.shape_cast %mul3A_644 : vector<16xf32> to vector<1x1x16xf32>
        tpu.vector_store %arg16[%swap3A_737, %swap3A_738, %swap3A_739], %swap3A_742 {strides = array<i32>} : memref<2x64x128xf32, #tpu.memory_space<vmem>>, vector<1x1x16xf32>,
        %swap3A_743 = arith.constant 0 : i32
        %swap3A_744 = arith.index_cast %swap3A_743 : i32 to index
        %swap3A_745 = arith.index_cast %scan3A_631 : i32 to index
        %swap3A_746 = arith.constant 16 : index
        %swap3A_747 = tpu.vector_load %arg16[%swap3A_744, %swap3A_745, %swap3A_746] {strides = array<i32>} : memref<2x64x128xf32, #tpu.memory_space<vmem>>, vector<1x1x16xf32>,
        %swap3A_748 = vector.shape_cast %swap3A_747 : vector<1x1x16xf32> to vector<16xf32>
        %swap3A_749 = vector.shape_cast %mul3A_657 : vector<16xf32> to vector<1x1x16xf32>
        tpu.vector_store %arg16[%swap3A_744, %swap3A_745, %swap3A_746], %swap3A_749 {strides = array<i32>} : memref<2x64x128xf32, #tpu.memory_space<vmem>>, vector<1x1x16xf32>,
        %swap3A_750 = arith.constant 0 : i32
        %swap3A_751 = arith.index_cast %swap3A_750 : i32 to index
        %swap3A_752 = arith.index_cast %scan3A_631 : i32 to index
        %swap3A_753 = arith.constant 32 : index
        %swap3A_754 = tpu.vector_load %arg16[%swap3A_751, %swap3A_752, %swap3A_753] {strides = array<i32>} : memref<2x64x128xf32, #tpu.memory_space<vmem>>, vector<1x1x16xf32>,
        %swap3A_755 = vector.shape_cast %swap3A_754 : vector<1x1x16xf32> to vector<16xf32>
        %swap3A_756 = vector.shape_cast %mul3A_670 : vector<16xf32> to vector<1x1x16xf32>
        tpu.vector_store %arg16[%swap3A_751, %swap3A_752, %swap3A_753], %swap3A_756 {strides = array<i32>} : memref<2x64x128xf32, #tpu.memory_space<vmem>>, vector<1x1x16xf32>,
        %swap3A_757 = arith.constant 0 : i32
        %swap3A_758 = arith.index_cast %swap3A_757 : i32 to index
        %swap3A_759 = arith.index_cast %scan3A_631 : i32 to index
        %swap3A_760 = arith.constant 48 : index
        %swap3A_761 = tpu.vector_load %arg16[%swap3A_758, %swap3A_759, %swap3A_760] {strides = array<i32>} : memref<2x64x128xf32, #tpu.memory_space<vmem>>, vector<1x1x16xf32>,
        %swap3A_762 = vector.shape_cast %swap3A_761 : vector<1x1x16xf32> to vector<16xf32>
        %swap3A_763 = vector.shape_cast %mul3A_683 : vector<16xf32> to vector<1x1x16xf32>
        tpu.vector_store %arg16[%swap3A_758, %swap3A_759, %swap3A_760], %swap3A_763 {strides = array<i32>} : memref<2x64x128xf32, #tpu.memory_space<vmem>>, vector<1x1x16xf32>,
        %swap3A_764 = arith.constant 0 : i32
        %swap3A_765 = arith.index_cast %swap3A_764 : i32 to index
        %swap3A_766 = arith.index_cast %scan3A_631 : i32 to index
        %swap3A_767 = arith.constant 64 : index
        %swap3A_768 = tpu.vector_load %arg16[%swap3A_765, %swap3A_766, %swap3A_767] {strides = array<i32>} : memref<2x64x128xf32, #tpu.memory_space<vmem>>, vector<1x1x16xf32>,
        %swap3A_769 = vector.shape_cast %swap3A_768 : vector<1x1x16xf32> to vector<16xf32>
        %swap3A_770 = vector.shape_cast %mul3A_696 : vector<16xf32> to vector<1x1x16xf32>
        tpu.vector_store %arg16[%swap3A_765, %swap3A_766, %swap3A_767], %swap3A_770 {strides = array<i32>} : memref<2x64x128xf32, #tpu.memory_space<vmem>>, vector<1x1x16xf32>,
        %swap3A_771 = arith.constant 0 : i32
        %swap3A_772 = arith.index_cast %swap3A_771 : i32 to index
        %swap3A_773 = arith.index_cast %scan3A_631 : i32 to index
        %swap3A_774 = arith.constant 80 : index
        %swap3A_775 = tpu.vector_load %arg16[%swap3A_772, %swap3A_773, %swap3A_774] {strides = array<i32>} : memref<2x64x128xf32, #tpu.memory_space<vmem>>, vector<1x1x16xf32>,
        %swap3A_776 = vector.shape_cast %swap3A_775 : vector<1x1x16xf32> to vector<16xf32>
        %swap3A_777 = vector.shape_cast %mul3A_709 : vector<16xf32> to vector<1x1x16xf32>
        tpu.vector_store %arg16[%swap3A_772, %swap3A_773, %swap3A_774], %swap3A_777 {strides = array<i32>} : memref<2x64x128xf32, #tpu.memory_space<vmem>>, vector<1x1x16xf32>,
        %swap3A_778 = arith.constant 0 : i32
        %swap3A_779 = arith.index_cast %swap3A_778 : i32 to index
        %swap3A_780 = arith.index_cast %scan3A_631 : i32 to index
        %swap3A_781 = arith.constant 96 : index
        %swap3A_782 = tpu.vector_load %arg16[%swap3A_779, %swap3A_780, %swap3A_781] {strides = array<i32>} : memref<2x64x128xf32, #tpu.memory_space<vmem>>, vector<1x1x16xf32>,
        %swap3A_783 = vector.shape_cast %swap3A_782 : vector<1x1x16xf32> to vector<16xf32>
        %swap3A_784 = vector.shape_cast %mul3A_722 : vector<16xf32> to vector<1x1x16xf32>
        tpu.vector_store %arg16[%swap3A_779, %swap3A_780, %swap3A_781], %swap3A_784 {strides = array<i32>} : memref<2x64x128xf32, #tpu.memory_space<vmem>>, vector<1x1x16xf32>,
        %swap3A_785 = arith.constant 0 : i32
        %swap3A_786 = arith.index_cast %swap3A_785 : i32 to index
        %swap3A_787 = arith.index_cast %scan3A_631 : i32 to index
        %swap3A_788 = arith.constant 112 : index
        %swap3A_789 = tpu.vector_load %arg16[%swap3A_786, %swap3A_787, %swap3A_788] {strides = array<i32>} : memref<2x64x128xf32, #tpu.memory_space<vmem>>, vector<1x1x16xf32>,
        %swap3A_790 = vector.shape_cast %swap3A_789 : vector<1x1x16xf32> to vector<16xf32>
        %swap3A_791 = vector.shape_cast %mul3A_735 : vector<16xf32> to vector<1x1x16xf32>
        tpu.vector_store %arg16[%swap3A_786, %swap3A_787, %swap3A_788], %swap3A_791 {strides = array<i32>} : memref<2x64x128xf32, #tpu.memory_space<vmem>>, vector<1x1x16xf32>,
        %scan3A_792 = arith.constant 1 : i32
        %scan3A_793 = arith.addi %scan3A_631, %scan3A_792 : i32
        %get3A_794 = arith.constant 0 : i32
        %get3A_795 = arith.index_cast %get3A_794 : i32 to index
        %get3A_796 = arith.index_cast %scan3A_793 : i32 to index
        %get3A_797 = arith.constant 0 : index
        %get3A_798 = tpu.vector_load %arg14[%get3A_795, %get3A_796, %get3A_797] {strides = array<i32>} : memref<2x64x128xf32, #tpu.memory_space<vmem>>, vector<1x1x16xf32>,
        %get3A_799 = vector.shape_cast %get3A_798 : vector<1x1x16xf32> to vector<16xf32>
        %get3A_800 = arith.constant 0 : i32
        %get3A_801 = arith.index_cast %get3A_800 : i32 to index
        %get3A_802 = arith.index_cast %scan3A_793 : i32 to index
        %get3A_803 = arith.constant 0 : index
        %get3A_804 = tpu.vector_load %arg15[%get3A_801, %get3A_802, %get3A_803] {strides = array<i32>} : memref<2x64x128xf32, #tpu.memory_space<vmem>>, vector<1x1x16xf32>,
        %get3A_805 = vector.shape_cast %get3A_804 : vector<1x1x16xf32> to vector<16xf32>
        %mul3A_806 = arith.mulf %get3A_799, %get3A_805 : vector<16xf32>
        %get3A_807 = arith.constant 0 : i32
        %get3A_808 = arith.index_cast %get3A_807 : i32 to index
        %get3A_809 = arith.index_cast %scan3A_793 : i32 to index
        %get3A_810 = arith.constant 16 : index
        %get3A_811 = tpu.vector_load %arg14[%get3A_808, %get3A_809, %get3A_810] {strides = array<i32>} : memref<2x64x128xf32, #tpu.memory_space<vmem>>, vector<1x1x16xf32>,
        %get3A_812 = vector.shape_cast %get3A_811 : vector<1x1x16xf32> to vector<16xf32>
        %get3A_813 = arith.constant 0 : i32
        %get3A_814 = arith.index_cast %get3A_813 : i32 to index
        %get3A_815 = arith.index_cast %scan3A_793 : i32 to index
        %get3A_816 = arith.constant 16 : index
        %get3A_817 = tpu.vector_load %arg15[%get3A_814, %get3A_815, %get3A_816] {strides = array<i32>} : memref<2x64x128xf32, #tpu.memory_space<vmem>>, vector<1x1x16xf32>,
        %get3A_818 = vector.shape_cast %get3A_817 : vector<1x1x16xf32> to vector<16xf32>
        %mul3A_819 = arith.mulf %get3A_812, %get3A_818 : vector<16xf32>
        %get3A_820 = arith.constant 0 : i32
        %get3A_821 = arith.index_cast %get3A_820 : i32 to index
        %get3A_822 = arith.index_cast %scan3A_793 : i32 to index
        %get3A_823 = arith.constant 32 : index
        %get3A_824 = tpu.vector_load %arg14[%get3A_821, %get3A_822, %get3A_823] {strides = array<i32>} : memref<2x64x128xf32, #tpu.memory_space<vmem>>, vector<1x1x16xf32>,
        %get3A_825 = vector.shape_cast %get3A_824 : vector<1x1x16xf32> to vector<16xf32>
        %get3A_826 = arith.constant 0 : i32
        %get3A_827 = arith.index_cast %get3A_826 : i32 to index
        %get3A_828 = arith.index_cast %scan3A_793 : i32 to index
        %get3A_829 = arith.constant 32 : index
        %get3A_830 = tpu.vector_load %arg15[%get3A_827, %get3A_828, %get3A_829] {strides = array<i32>} : memref<2x64x128xf32, #tpu.memory_space<vmem>>, vector<1x1x16xf32>,
        %get3A_831 = vector.shape_cast %get3A_830 : vector<1x1x16xf32> to vector<16xf32>
        %mul3A_832 = arith.mulf %get3A_825, %get3A_831 : vector<16xf32>
        %get3A_833 = arith.constant 0 : i32
        %get3A_834 = arith.index_cast %get3A_833 : i32 to index
        %get3A_835 = arith.index_cast %scan3A_793 : i32 to index
        %get3A_836 = arith.constant 48 : index
        %get3A_837 = tpu.vector_load %arg14[%get3A_834, %get3A_835, %get3A_836] {strides = array<i32>} : memref<2x64x128xf32, #tpu.memory_space<vmem>>, vector<1x1x16xf32>,
        %get3A_838 = vector.shape_cast %get3A_837 : vector<1x1x16xf32> to vector<16xf32>
        %get3A_839 = arith.constant 0 : i32
        %get3A_840 = arith.index_cast %get3A_839 : i32 to index
        %get3A_841 = arith.index_cast %scan3A_793 : i32 to index
        %get3A_842 = arith.constant 48 : index
        %get3A_843 = tpu.vector_load %arg15[%get3A_840, %get3A_841, %get3A_842] {strides = array<i32>} : memref<2x64x128xf32, #tpu.memory_space<vmem>>, vector<1x1x16xf32>,
        %get3A_844 = vector.shape_cast %get3A_843 : vector<1x1x16xf32> to vector<16xf32>
        %mul3A_845 = arith.mulf %get3A_838, %get3A_844 : vector<16xf32>
        %get3A_846 = arith.constant 0 : i32
        %get3A_847 = arith.index_cast %get3A_846 : i32 to index
        %get3A_848 = arith.index_cast %scan3A_793 : i32 to index
        %get3A_849 = arith.constant 64 : index
        %get3A_850 = tpu.vector_load %arg14[%get3A_847, %get3A_848, %get3A_849] {strides = array<i32>} : memref<2x64x128xf32, #tpu.memory_space<vmem>>, vector<1x1x16xf32>,
        %get3A_851 = vector.shape_cast %get3A_850 : vector<1x1x16xf32> to vector<16xf32>
        %get3A_852 = arith.constant 0 : i32
        %get3A_853 = arith.index_cast %get3A_852 : i32 to index
        %get3A_854 = arith.index_cast %scan3A_793 : i32 to index
        %get3A_855 = arith.constant 64 : index
        %get3A_856 = tpu.vector_load %arg15[%get3A_853, %get3A_854, %get3A_855] {strides = array<i32>} : memref<2x64x128xf32, #tpu.memory_space<vmem>>, vector<1x1x16xf32>,
        %get3A_857 = vector.shape_cast %get3A_856 : vector<1x1x16xf32> to vector<16xf32>
        %mul3A_858 = arith.mulf %get3A_851, %get3A_857 : vector<16xf32>
        %get3A_859 = arith.constant 0 : i32
        %get3A_860 = arith.index_cast %get3A_859 : i32 to index
        %get3A_861 = arith.index_cast %scan3A_793 : i32 to index
        %get3A_862 = arith.constant 80 : index
        %get3A_863 = tpu.vector_load %arg14[%get3A_860, %get3A_861, %get3A_862] {strides = array<i32>} : memref<2x64x128xf32, #tpu.memory_space<vmem>>, vector<1x1x16xf32>,
        %get3A_864 = vector.shape_cast %get3A_863 : vector<1x1x16xf32> to vector<16xf32>
        %get3A_865 = arith.constant 0 : i32
        %get3A_866 = arith.index_cast %get3A_865 : i32 to index
        %get3A_867 = arith.index_cast %scan3A_793 : i32 to index
        %get3A_868 = arith.constant 80 : index
        %get3A_869 = tpu.vector_load %arg15[%get3A_866, %get3A_867, %get3A_868] {strides = array<i32>} : memref<2x64x128xf32, #tpu.memory_space<vmem>>, vector<1x1x16xf32>,
        %get3A_870 = vector.shape_cast %get3A_869 : vector<1x1x16xf32> to vector<16xf32>
        %mul3A_871 = arith.mulf %get3A_864, %get3A_870 : vector<16xf32>
        %get3A_872 = arith.constant 0 : i32
        %get3A_873 = arith.index_cast %get3A_872 : i32 to index
        %get3A_874 = arith.index_cast %scan3A_793 : i32 to index
        %get3A_875 = arith.constant 96 : index
        %get3A_876 = tpu.vector_load %arg14[%get3A_873, %get3A_874, %get3A_875] {strides = array<i32>} : memref<2x64x128xf32, #tpu.memory_space<vmem>>, vector<1x1x16xf32>,
        %get3A_877 = vector.shape_cast %get3A_876 : vector<1x1x16xf32> to vector<16xf32>
        %get3A_878 = arith.constant 0 : i32
        %get3A_879 = arith.index_cast %get3A_878 : i32 to index
        %get3A_880 = arith.index_cast %scan3A_793 : i32 to index
        %get3A_881 = arith.constant 96 : index
        %get3A_882 = tpu.vector_load %arg15[%get3A_879, %get3A_880, %get3A_881] {strides = array<i32>} : memref<2x64x128xf32, #tpu.memory_space<vmem>>, vector<1x1x16xf32>,
        %get3A_883 = vector.shape_cast %get3A_882 : vector<1x1x16xf32> to vector<16xf32>
        %mul3A_884 = arith.mulf %get3A_877, %get3A_883 : vector<16xf32>
        %get3A_885 = arith.constant 0 : i32
        %get3A_886 = arith.index_cast %get3A_885 : i32 to index
        %get3A_887 = arith.index_cast %scan3A_793 : i32 to index
        %get3A_888 = arith.constant 112 : index
        %get3A_889 = tpu.vector_load %arg14[%get3A_886, %get3A_887, %get3A_888] {strides = array<i32>} : memref<2x64x128xf32, #tpu.memory_space<vmem>>, vector<1x1x16xf32>,
        %get3A_890 = vector.shape_cast %get3A_889 : vector<1x1x16xf32> to vector<16xf32>
        %get3A_891 = arith.constant 0 : i32
        %get3A_892 = arith.index_cast %get3A_891 : i32 to index
        %get3A_893 = arith.index_cast %scan3A_793 : i32 to index
        %get3A_894 = arith.constant 112 : index
        %get3A_895 = tpu.vector_load %arg15[%get3A_892, %get3A_893, %get3A_894] {strides = array<i32>} : memref<2x64x128xf32, #tpu.memory_space<vmem>>, vector<1x1x16xf32>,
        %get3A_896 = vector.shape_cast %get3A_895 : vector<1x1x16xf32> to vector<16xf32>
        %mul3A_897 = arith.mulf %get3A_890, %get3A_896 : vector<16xf32>
        %swap3A_898 = arith.constant 0 : i32
        %swap3A_899 = arith.index_cast %swap3A_898 : i32 to index
        %swap3A_900 = arith.index_cast %scan3A_793 : i32 to index
        %swap3A_901 = arith.constant 0 : index
        %swap3A_902 = tpu.vector_load %arg16[%swap3A_899, %swap3A_900, %swap3A_901] {strides = array<i32>} : memref<2x64x128xf32, #tpu.memory_space<vmem>>, vector<1x1x16xf32>,
        %swap3A_903 = vector.shape_cast %swap3A_902 : vector<1x1x16xf32> to vector<16xf32>
        %swap3A_904 = vector.shape_cast %mul3A_806 : vector<16xf32> to vector<1x1x16xf32>
        tpu.vector_store %arg16[%swap3A_899, %swap3A_900, %swap3A_901], %swap3A_904 {strides = array<i32>} : memref<2x64x128xf32, #tpu.memory_space<vmem>>, vector<1x1x16xf32>,
        %swap3A_905 = arith.constant 0 : i32
        %swap3A_906 = arith.index_cast %swap3A_905 : i32 to index
        %swap3A_907 = arith.index_cast %scan3A_793 : i32 to index
        %swap3A_908 = arith.constant 16 : index
        %swap3A_909 = tpu.vector_load %arg16[%swap3A_906, %swap3A_907, %swap3A_908] {strides = array<i32>} : memref<2x64x128xf32, #tpu.memory_space<vmem>>, vector<1x1x16xf32>,
        %swap3A_910 = vector.shape_cast %swap3A_909 : vector<1x1x16xf32> to vector<16xf32>
        %swap3A_911 = vector.shape_cast %mul3A_819 : vector<16xf32> to vector<1x1x16xf32>
        tpu.vector_store %arg16[%swap3A_906, %swap3A_907, %swap3A_908], %swap3A_911 {strides = array<i32>} : memref<2x64x128xf32, #tpu.memory_space<vmem>>, vector<1x1x16xf32>,
        %swap3A_912 = arith.constant 0 : i32
        %swap3A_913 = arith.index_cast %swap3A_912 : i32 to index
        %swap3A_914 = arith.index_cast %scan3A_793 : i32 to index
        %swap3A_915 = arith.constant 32 : index
        %swap3A_916 = tpu.vector_load %arg16[%swap3A_913, %swap3A_914, %swap3A_915] {strides = array<i32>} : memref<2x64x128xf32, #tpu.memory_space<vmem>>, vector<1x1x16xf32>,
        %swap3A_917 = vector.shape_cast %swap3A_916 : vector<1x1x16xf32> to vector<16xf32>
        %swap3A_918 = vector.shape_cast %mul3A_832 : vector<16xf32> to vector<1x1x16xf32>
        tpu.vector_store %arg16[%swap3A_913, %swap3A_914, %swap3A_915], %swap3A_918 {strides = array<i32>} : memref<2x64x128xf32, #tpu.memory_space<vmem>>, vector<1x1x16xf32>,
        %swap3A_919 = arith.constant 0 : i32
        %swap3A_920 = arith.index_cast %swap3A_919 : i32 to index
        %swap3A_921 = arith.index_cast %scan3A_793 : i32 to index
        %swap3A_922 = arith.constant 48 : index
        %swap3A_923 = tpu.vector_load %arg16[%swap3A_920, %swap3A_921, %swap3A_922] {strides = array<i32>} : memref<2x64x128xf32, #tpu.memory_space<vmem>>, vector<1x1x16xf32>,
        %swap3A_924 = vector.shape_cast %swap3A_923 : vector<1x1x16xf32> to vector<16xf32>
        %swap3A_925 = vector.shape_cast %mul3A_845 : vector<16xf32> to vector<1x1x16xf32>
        tpu.vector_store %arg16[%swap3A_920, %swap3A_921, %swap3A_922], %swap3A_925 {strides = array<i32>} : memref<2x64x128xf32, #tpu.memory_space<vmem>>, vector<1x1x16xf32>,
        %swap3A_926 = arith.constant 0 : i32
        %swap3A_927 = arith.index_cast %swap3A_926 : i32 to index
        %swap3A_928 = arith.index_cast %scan3A_793 : i32 to index
        %swap3A_929 = arith.constant 64 : index
        %swap3A_930 = tpu.vector_load %arg16[%swap3A_927, %swap3A_928, %swap3A_929] {strides = array<i32>} : memref<2x64x128xf32, #tpu.memory_space<vmem>>, vector<1x1x16xf32>,
        %swap3A_931 = vector.shape_cast %swap3A_930 : vector<1x1x16xf32> to vector<16xf32>
        %swap3A_932 = vector.shape_cast %mul3A_858 : vector<16xf32> to vector<1x1x16xf32>
        tpu.vector_store %arg16[%swap3A_927, %swap3A_928, %swap3A_929], %swap3A_932 {strides = array<i32>} : memref<2x64x128xf32, #tpu.memory_space<vmem>>, vector<1x1x16xf32>,
        %swap3A_933 = arith.constant 0 : i32
        %swap3A_934 = arith.index_cast %swap3A_933 : i32 to index
        %swap3A_935 = arith.index_cast %scan3A_793 : i32 to index
        %swap3A_936 = arith.constant 80 : index
        %swap3A_937 = tpu.vector_load %arg16[%swap3A_934, %swap3A_935, %swap3A_936] {strides = array<i32>} : memref<2x64x128xf32, #tpu.memory_space<vmem>>, vector<1x1x16xf32>,
        %swap3A_938 = vector.shape_cast %swap3A_937 : vector<1x1x16xf32> to vector<16xf32>
        %swap3A_939 = vector.shape_cast %mul3A_871 : vector<16xf32> to vector<1x1x16xf32>
        tpu.vector_store %arg16[%swap3A_934, %swap3A_935, %swap3A_936], %swap3A_939 {strides = array<i32>} : memref<2x64x128xf32, #tpu.memory_space<vmem>>, vector<1x1x16xf32>,
        %swap3A_940 = arith.constant 0 : i32
        %swap3A_941 = arith.index_cast %swap3A_940 : i32 to index
        %swap3A_942 = arith.index_cast %scan3A_793 : i32 to index
        %swap3A_943 = arith.constant 96 : index
        %swap3A_944 = tpu.vector_load %arg16[%swap3A_941, %swap3A_942, %swap3A_943] {strides = array<i32>} : memref<2x64x128xf32, #tpu.memory_space<vmem>>, vector<1x1x16xf32>,
        %swap3A_945 = vector.shape_cast %swap3A_944 : vector<1x1x16xf32> to vector<16xf32>
        %swap3A_946 = vector.shape_cast %mul3A_884 : vector<16xf32> to vector<1x1x16xf32>
        tpu.vector_store %arg16[%swap3A_941, %swap3A_942, %swap3A_943], %swap3A_946 {strides = array<i32>} : memref<2x64x128xf32, #tpu.memory_space<vmem>>, vector<1x1x16xf32>,
        %swap3A_947 = arith.constant 0 : i32
        %swap3A_948 = arith.index_cast %swap3A_947 : i32 to index
        %swap3A_949 = arith.index_cast %scan3A_793 : i32 to index
        %swap3A_950 = arith.constant 112 : index
        %swap3A_951 = tpu.vector_load %arg16[%swap3A_948, %swap3A_949, %swap3A_950] {strides = array<i32>} : memref<2x64x128xf32, #tpu.memory_space<vmem>>, vector<1x1x16xf32>,
        %swap3A_952 = vector.shape_cast %swap3A_951 : vector<1x1x16xf32> to vector<16xf32>
        %swap3A_953 = vector.shape_cast %mul3A_897 : vector<16xf32> to vector<1x1x16xf32>
        tpu.vector_store %arg16[%swap3A_948, %swap3A_949, %swap3A_950], %swap3A_953 {strides = array<i32>} : memref<2x64x128xf32, #tpu.memory_space<vmem>>, vector<1x1x16xf32>,
        %scan3A_954 = arith.constant 2 : i32
        %scan3A_955 = arith.addi %scan3A_631, %scan3A_954 : i32
        %get3A_956 = arith.constant 0 : i32
        %get3A_957 = arith.index_cast %get3A_956 : i32 to index
        %get3A_958 = arith.index_cast %scan3A_955 : i32 to index
        %get3A_959 = arith.constant 0 : index
        %get3A_960 = tpu.vector_load %arg14[%get3A_957, %get3A_958, %get3A_959] {strides = array<i32>} : memref<2x64x128xf32, #tpu.memory_space<vmem>>, vector<1x1x16xf32>,
        %get3A_961 = vector.shape_cast %get3A_960 : vector<1x1x16xf32> to vector<16xf32>
        %get3A_962 = arith.constant 0 : i32
        %get3A_963 = arith.index_cast %get3A_962 : i32 to index
        %get3A_964 = arith.index_cast %scan3A_955 : i32 to index
        %get3A_965 = arith.constant 0 : index
        %get3A_966 = tpu.vector_load %arg15[%get3A_963, %get3A_964, %get3A_965] {strides = array<i32>} : memref<2x64x128xf32, #tpu.memory_space<vmem>>, vector<1x1x16xf32>,
        %get3A_967 = vector.shape_cast %get3A_966 : vector<1x1x16xf32> to vector<16xf32>
        %mul3A_968 = arith.mulf %get3A_961, %get3A_967 : vector<16xf32>
        %get3A_969 = arith.constant 0 : i32
        %get3A_970 = arith.index_cast %get3A_969 : i32 to index
        %get3A_971 = arith.index_cast %scan3A_955 : i32 to index
        %get3A_972 = arith.constant 16 : index
        %get3A_973 = tpu.vector_load %arg14[%get3A_970, %get3A_971, %get3A_972] {strides = array<i32>} : memref<2x64x128xf32, #tpu.memory_space<vmem>>, vector<1x1x16xf32>,
        %get3A_974 = vector.shape_cast %get3A_973 : vector<1x1x16xf32> to vector<16xf32>
        %get3A_975 = arith.constant 0 : i32
        %get3A_976 = arith.index_cast %get3A_975 : i32 to index
        %get3A_977 = arith.index_cast %scan3A_955 : i32 to index
        %get3A_978 = arith.constant 16 : index
        %get3A_979 = tpu.vector_load %arg15[%get3A_976, %get3A_977, %get3A_978] {strides = array<i32>} : memref<2x64x128xf32, #tpu.memory_space<vmem>>, vector<1x1x16xf32>,
        %get3A_980 = vector.shape_cast %get3A_979 : vector<1x1x16xf32> to vector<16xf32>
        %mul3A_981 = arith.mulf %get3A_974, %get3A_980 : vector<16xf32>
        %get3A_982 = arith.constant 0 : i32
        %get3A_983 = arith.index_cast %get3A_982 : i32 to index
        %get3A_984 = arith.index_cast %scan3A_955 : i32 to index
        %get3A_985 = arith.constant 32 : index
        %get3A_986 = tpu.vector_load %arg14[%get3A_983, %get3A_984, %get3A_985] {strides = array<i32>} : memref<2x64x128xf32, #tpu.memory_space<vmem>>, vector<1x1x16xf32>,
        %get3A_987 = vector.shape_cast %get3A_986 : vector<1x1x16xf32> to vector<16xf32>
        %get3A_988 = arith.constant 0 : i32
        %get3A_989 = arith.index_cast %get3A_988 : i32 to index
        %get3A_990 = arith.index_cast %scan3A_955 : i32 to index
        %get3A_991 = arith.constant 32 : index
        %get3A_992 = tpu.vector_load %arg15[%get3A_989, %get3A_990, %get3A_991] {strides = array<i32>} : memref<2x64x128xf32, #tpu.memory_space<vmem>>, vector<1x1x16xf32>,
        %get3A_993 = vector.shape_cast %get3A_992 : vector<1x1x16xf32> to vector<16xf32>
        %mul3A_994 = arith.mulf %get3A_987, %get3A_993 : vector<16xf32>
        %get3A_995 = arith.constant 0 : i32
        %get3A_996 = arith.index_cast %get3A_995 : i32 to index
        %get3A_997 = arith.index_cast %scan3A_955 : i32 to index
        %get3A_998 = arith.constant 48 : index
        %get3A_999 = tpu.vector_load %arg14[%get3A_996, %get3A_997, %get3A_998] {strides = array<i32>} : memref<2x64x128xf32, #tpu.memory_space<vmem>>, vector<1x1x16xf32>,
        %get3A_1000 = vector.shape_cast %get3A_999 : vector<1x1x16xf32> to vector<16xf32>
        %get3A_1001 = arith.constant 0 : i32
        %get3A_1002 = arith.index_cast %get3A_1001 : i32 to index
        %get3A_1003 = arith.index_cast %scan3A_955 : i32 to index
        %get3A_1004 = arith.constant 48 : index
        %get3A_1005 = tpu.vector_load %arg15[%get3A_1002, %get3A_1003, %get3A_1004] {strides = array<i32>} : memref<2x64x128xf32, #tpu.memory_space<vmem>>, vector<1x1x16xf32>,
        %get3A_1006 = vector.shape_cast %get3A_1005 : vector<1x1x16xf32> to vector<16xf32>
        %mul3A_1007 = arith.mulf %get3A_1000, %get3A_1006 : vector<16xf32>
        %get3A_1008 = arith.constant 0 : i32
        %get3A_1009 = arith.index_cast %get3A_1008 : i32 to index
        %get3A_1010 = arith.index_cast %scan3A_955 : i32 to index
        %get3A_1011 = arith.constant 64 : index
        %get3A_1012 = tpu.vector_load %arg14[%get3A_1009, %get3A_1010, %get3A_1011] {strides = array<i32>} : memref<2x64x128xf32, #tpu.memory_space<vmem>>, vector<1x1x16xf32>,
        %get3A_1013 = vector.shape_cast %get3A_1012 : vector<1x1x16xf32> to vector<16xf32>
        %get3A_1014 = arith.constant 0 : i32
        %get3A_1015 = arith.index_cast %get3A_1014 : i32 to index
        %get3A_1016 = arith.index_cast %scan3A_955 : i32 to index
        %get3A_1017 = arith.constant 64 : index
        %get3A_1018 = tpu.vector_load %arg15[%get3A_1015, %get3A_1016, %get3A_1017] {strides = array<i32>} : memref<2x64x128xf32, #tpu.memory_space<vmem>>, vector<1x1x16xf32>,
        %get3A_1019 = vector.shape_cast %get3A_1018 : vector<1x1x16xf32> to vector<16xf32>
        %mul3A_1020 = arith.mulf %get3A_1013, %get3A_1019 : vector<16xf32>
        %get3A_1021 = arith.constant 0 : i32
        %get3A_1022 = arith.index_cast %get3A_1021 : i32 to index
        %get3A_1023 = arith.index_cast %scan3A_955 : i32 to index
        %get3A_1024 = arith.constant 80 : index
        %get3A_1025 = tpu.vector_load %arg14[%get3A_1022, %get3A_1023, %get3A_1024] {strides = array<i32>} : memref<2x64x128xf32, #tpu.memory_space<vmem>>, vector<1x1x16xf32>,
        %get3A_1026 = vector.shape_cast %get3A_1025 : vector<1x1x16xf32> to vector<16xf32>
        %get3A_1027 = arith.constant 0 : i32
        %get3A_1028 = arith.index_cast %get3A_1027 : i32 to index
        %get3A_1029 = arith.index_cast %scan3A_955 : i32 to index
        %get3A_1030 = arith.constant 80 : index
        %get3A_1031 = tpu.vector_load %arg15[%get3A_1028, %get3A_1029, %get3A_1030] {strides = array<i32>} : memref<2x64x128xf32, #tpu.memory_space<vmem>>, vector<1x1x16xf32>,
        %get3A_1032 = vector.shape_cast %get3A_1031 : vector<1x1x16xf32> to vector<16xf32>
        %mul3A_1033 = arith.mulf %get3A_1026, %get3A_1032 : vector<16xf32>
        %get3A_1034 = arith.constant 0 : i32
        %get3A_1035 = arith.index_cast %get3A_1034 : i32 to index
        %get3A_1036 = arith.index_cast %scan3A_955 : i32 to index
        %get3A_1037 = arith.constant 96 : index
        %get3A_1038 = tpu.vector_load %arg14[%get3A_1035, %get3A_1036, %get3A_1037] {strides = array<i32>} : memref<2x64x128xf32, #tpu.memory_space<vmem>>, vector<1x1x16xf32>,
        %get3A_1039 = vector.shape_cast %get3A_1038 : vector<1x1x16xf32> to vector<16xf32>
        %get3A_1040 = arith.constant 0 : i32
        %get3A_1041 = arith.index_cast %get3A_1040 : i32 to index
        %get3A_1042 = arith.index_cast %scan3A_955 : i32 to index
        %get3A_1043 = arith.constant 96 : index
        %get3A_1044 = tpu.vector_load %arg15[%get3A_1041, %get3A_1042, %get3A_1043] {strides = array<i32>} : memref<2x64x128xf32, #tpu.memory_space<vmem>>, vector<1x1x16xf32>,
        %get3A_1045 = vector.shape_cast %get3A_1044 : vector<1x1x16xf32> to vector<16xf32>
        %mul3A_1046 = arith.mulf %get3A_1039, %get3A_1045 : vector<16xf32>
        %get3A_1047 = arith.constant 0 : i32
        %get3A_1048 = arith.index_cast %get3A_1047 : i32 to index
        %get3A_1049 = arith.index_cast %scan3A_955 : i32 to index
        %get3A_1050 = arith.constant 112 : index
        %get3A_1051 = tpu.vector_load %arg14[%get3A_1048, %get3A_1049, %get3A_1050] {strides = array<i32>} : memref<2x64x128xf32, #tpu.memory_space<vmem>>, vector<1x1x16xf32>,
        %get3A_1052 = vector.shape_cast %get3A_1051 : vector<1x1x16xf32> to vector<16xf32>
        %get3A_1053 = arith.constant 0 : i32
        %get3A_1054 = arith.index_cast %get3A_1053 : i32 to index
        %get3A_1055 = arith.index_cast %scan3A_955 : i32 to index
        %get3A_1056 = arith.constant 112 : index
        %get3A_1057 = tpu.vector_load %arg15[%get3A_1054, %get3A_1055, %get3A_1056] {strides = array<i32>} : memref<2x64x128xf32, #tpu.memory_space<vmem>>, vector<1x1x16xf32>,
        %get3A_1058 = vector.shape_cast %get3A_1057 : vector<1x1x16xf32> to vector<16xf32>
        %mul3A_1059 = arith.mulf %get3A_1052, %get3A_1058 : vector<16xf32>
        %swap3A_1060 = arith.constant 0 : i32
        %swap3A_1061 = arith.index_cast %swap3A_1060 : i32 to index
        %swap3A_1062 = arith.index_cast %scan3A_955 : i32 to index
        %swap3A_1063 = arith.constant 0 : index
        %swap3A_1064 = tpu.vector_load %arg16[%swap3A_1061, %swap3A_1062, %swap3A_1063] {strides = array<i32>} : memref<2x64x128xf32, #tpu.memory_space<vmem>>, vector<1x1x16xf32>,
        %swap3A_1065 = vector.shape_cast %swap3A_1064 : vector<1x1x16xf32> to vector<16xf32>
        %swap3A_1066 = vector.shape_cast %mul3A_968 : vector<16xf32> to vector<1x1x16xf32>
        tpu.vector_store %arg16[%swap3A_1061, %swap3A_1062, %swap3A_1063], %swap3A_1066 {strides = array<i32>} : memref<2x64x128xf32, #tpu.memory_space<vmem>>, vector<1x1x16xf32>,
        %swap3A_1067 = arith.constant 0 : i32
        %swap3A_1068 = arith.index_cast %swap3A_1067 : i32 to index
        %swap3A_1069 = arith.index_cast %scan3A_955 : i32 to index
        %swap3A_1070 = arith.constant 16 : index
        %swap3A_1071 = tpu.vector_load %arg16[%swap3A_1068, %swap3A_1069, %swap3A_1070] {strides = array<i32>} : memref<2x64x128xf32, #tpu.memory_space<vmem>>, vector<1x1x16xf32>,
        %swap3A_1072 = vector.shape_cast %swap3A_1071 : vector<1x1x16xf32> to vector<16xf32>
        %swap3A_1073 = vector.shape_cast %mul3A_981 : vector<16xf32> to vector<1x1x16xf32>
        tpu.vector_store %arg16[%swap3A_1068, %swap3A_1069, %swap3A_1070], %swap3A_1073 {strides = array<i32>} : memref<2x64x128xf32, #tpu.memory_space<vmem>>, vector<1x1x16xf32>,
        %swap3A_1074 = arith.constant 0 : i32
        %swap3A_1075 = arith.index_cast %swap3A_1074 : i32 to index
        %swap3A_1076 = arith.index_cast %scan3A_955 : i32 to index
        %swap3A_1077 = arith.constant 32 : index
        %swap3A_1078 = tpu.vector_load %arg16[%swap3A_1075, %swap3A_1076, %swap3A_1077] {strides = array<i32>} : memref<2x64x128xf32, #tpu.memory_space<vmem>>, vector<1x1x16xf32>,
        %swap3A_1079 = vector.shape_cast %swap3A_1078 : vector<1x1x16xf32> to vector<16xf32>
        %swap3A_1080 = vector.shape_cast %mul3A_994 : vector<16xf32> to vector<1x1x16xf32>
        tpu.vector_store %arg16[%swap3A_1075, %swap3A_1076, %swap3A_1077], %swap3A_1080 {strides = array<i32>} : memref<2x64x128xf32, #tpu.memory_space<vmem>>, vector<1x1x16xf32>,
        %swap3A_1081 = arith.constant 0 : i32
        %swap3A_1082 = arith.index_cast %swap3A_1081 : i32 to index
        %swap3A_1083 = arith.index_cast %scan3A_955 : i32 to index
        %swap3A_1084 = arith.constant 48 : index
        %swap3A_1085 = tpu.vector_load %arg16[%swap3A_1082, %swap3A_1083, %swap3A_1084] {strides = array<i32>} : memref<2x64x128xf32, #tpu.memory_space<vmem>>, vector<1x1x16xf32>,
        %swap3A_1086 = vector.shape_cast %swap3A_1085 : vector<1x1x16xf32> to vector<16xf32>
        %swap3A_1087 = vector.shape_cast %mul3A_1007 : vector<16xf32> to vector<1x1x16xf32>
        tpu.vector_store %arg16[%swap3A_1082, %swap3A_1083, %swap3A_1084], %swap3A_1087 {strides = array<i32>} : memref<2x64x128xf32, #tpu.memory_space<vmem>>, vector<1x1x16xf32>,
        %swap3A_1088 = arith.constant 0 : i32
        %swap3A_1089 = arith.index_cast %swap3A_1088 : i32 to index
        %swap3A_1090 = arith.index_cast %scan3A_955 : i32 to index
        %swap3A_1091 = arith.constant 64 : index
        %swap3A_1092 = tpu.vector_load %arg16[%swap3A_1089, %swap3A_1090, %swap3A_1091] {strides = array<i32>} : memref<2x64x128xf32, #tpu.memory_space<vmem>>, vector<1x1x16xf32>,
        %swap3A_1093 = vector.shape_cast %swap3A_1092 : vector<1x1x16xf32> to vector<16xf32>
        %swap3A_1094 = vector.shape_cast %mul3A_1020 : vector<16xf32> to vector<1x1x16xf32>
        tpu.vector_store %arg16[%swap3A_1089, %swap3A_1090, %swap3A_1091], %swap3A_1094 {strides = array<i32>} : memref<2x64x128xf32, #tpu.memory_space<vmem>>, vector<1x1x16xf32>,
        %swap3A_1095 = arith.constant 0 : i32
        %swap3A_1096 = arith.index_cast %swap3A_1095 : i32 to index
        %swap3A_1097 = arith.index_cast %scan3A_955 : i32 to index
        %swap3A_1098 = arith.constant 80 : index
        %swap3A_1099 = tpu.vector_load %arg16[%swap3A_1096, %swap3A_1097, %swap3A_1098] {strides = array<i32>} : memref<2x64x128xf32, #tpu.memory_space<vmem>>, vector<1x1x16xf32>,
        %swap3A_1100 = vector.shape_cast %swap3A_1099 : vector<1x1x16xf32> to vector<16xf32>
        %swap3A_1101 = vector.shape_cast %mul3A_1033 : vector<16xf32> to vector<1x1x16xf32>
        tpu.vector_store %arg16[%swap3A_1096, %swap3A_1097, %swap3A_1098], %swap3A_1101 {strides = array<i32>} : memref<2x64x128xf32, #tpu.memory_space<vmem>>, vector<1x1x16xf32>,
        %swap3A_1102 = arith.constant 0 : i32
        %swap3A_1103 = arith.index_cast %swap3A_1102 : i32 to index
        %swap3A_1104 = arith.index_cast %scan3A_955 : i32 to index
        %swap3A_1105 = arith.constant 96 : index
        %swap3A_1106 = tpu.vector_load %arg16[%swap3A_1103, %swap3A_1104, %swap3A_1105] {strides = array<i32>} : memref<2x64x128xf32, #tpu.memory_space<vmem>>, vector<1x1x16xf32>,
        %swap3A_1107 = vector.shape_cast %swap3A_1106 : vector<1x1x16xf32> to vector<16xf32>
        %swap3A_1108 = vector.shape_cast %mul3A_1046 : vector<16xf32> to vector<1x1x16xf32>
        tpu.vector_store %arg16[%swap3A_1103, %swap3A_1104, %swap3A_1105], %swap3A_1108 {strides = array<i32>} : memref<2x64x128xf32, #tpu.memory_space<vmem>>, vector<1x1x16xf32>,
        %swap3A_1109 = arith.constant 0 : i32
        %swap3A_1110 = arith.index_cast %swap3A_1109 : i32 to index
        %swap3A_1111 = arith.index_cast %scan3A_955 : i32 to index
        %swap3A_1112 = arith.constant 112 : index
        %swap3A_1113 = tpu.vector_load %arg16[%swap3A_1110, %swap3A_1111, %swap3A_1112] {strides = array<i32>} : memref<2x64x128xf32, #tpu.memory_space<vmem>>, vector<1x1x16xf32>,
        %swap3A_1114 = vector.shape_cast %swap3A_1113 : vector<1x1x16xf32> to vector<16xf32>
        %swap3A_1115 = vector.shape_cast %mul3A_1059 : vector<16xf32> to vector<1x1x16xf32>
        tpu.vector_store %arg16[%swap3A_1110, %swap3A_1111, %swap3A_1112], %swap3A_1115 {strides = array<i32>} : memref<2x64x128xf32, #tpu.memory_space<vmem>>, vector<1x1x16xf32>,
        %scan3A_1116 = arith.constant 3 : i32
        %scan3A_1117 = arith.addi %scan3A_631, %scan3A_1116 : i32
        %get3A_1118 = arith.constant 0 : i32
        %get3A_1119 = arith.index_cast %get3A_1118 : i32 to index
        %get3A_1120 = arith.index_cast %scan3A_1117 : i32 to index
        %get3A_1121 = arith.constant 0 : index
        %get3A_1122 = tpu.vector_load %arg14[%get3A_1119, %get3A_1120, %get3A_1121] {strides = array<i32>} : memref<2x64x128xf32, #tpu.memory_space<vmem>>, vector<1x1x16xf32>,
        %get3A_1123 = vector.shape_cast %get3A_1122 : vector<1x1x16xf32> to vector<16xf32>
        %get3A_1124 = arith.constant 0 : i32
        %get3A_1125 = arith.index_cast %get3A_1124 : i32 to index
        %get3A_1126 = arith.index_cast %scan3A_1117 : i32 to index
        %get3A_1127 = arith.constant 0 : index
        %get3A_1128 = tpu.vector_load %arg15[%get3A_1125, %get3A_1126, %get3A_1127] {strides = array<i32>} : memref<2x64x128xf32, #tpu.memory_space<vmem>>, vector<1x1x16xf32>,
        %get3A_1129 = vector.shape_cast %get3A_1128 : vector<1x1x16xf32> to vector<16xf32>
        %mul3A_1130 = arith.mulf %get3A_1123, %get3A_1129 : vector<16xf32>
        %get3A_1131 = arith.constant 0 : i32
        %get3A_1132 = arith.index_cast %get3A_1131 : i32 to index
        %get3A_1133 = arith.index_cast %scan3A_1117 : i32 to index
        %get3A_1134 = arith.constant 16 : index
        %get3A_1135 = tpu.vector_load %arg14[%get3A_1132, %get3A_1133, %get3A_1134] {strides = array<i32>} : memref<2x64x128xf32, #tpu.memory_space<vmem>>, vector<1x1x16xf32>,
        %get3A_1136 = vector.shape_cast %get3A_1135 : vector<1x1x16xf32> to vector<16xf32>
        %get3A_1137 = arith.constant 0 : i32
        %get3A_1138 = arith.index_cast %get3A_1137 : i32 to index
        %get3A_1139 = arith.index_cast %scan3A_1117 : i32 to index
        %get3A_1140 = arith.constant 16 : index
        %get3A_1141 = tpu.vector_load %arg15[%get3A_1138, %get3A_1139, %get3A_1140] {strides = array<i32>} : memref<2x64x128xf32, #tpu.memory_space<vmem>>, vector<1x1x16xf32>,
        %get3A_1142 = vector.shape_cast %get3A_1141 : vector<1x1x16xf32> to vector<16xf32>
        %mul3A_1143 = arith.mulf %get3A_1136, %get3A_1142 : vector<16xf32>
        %get3A_1144 = arith.constant 0 : i32
        %get3A_1145 = arith.index_cast %get3A_1144 : i32 to index
        %get3A_1146 = arith.index_cast %scan3A_1117 : i32 to index
        %get3A_1147 = arith.constant 32 : index
        %get3A_1148 = tpu.vector_load %arg14[%get3A_1145, %get3A_1146, %get3A_1147] {strides = array<i32>} : memref<2x64x128xf32, #tpu.memory_space<vmem>>, vector<1x1x16xf32>,
        %get3A_1149 = vector.shape_cast %get3A_1148 : vector<1x1x16xf32> to vector<16xf32>
        %get3A_1150 = arith.constant 0 : i32
        %get3A_1151 = arith.index_cast %get3A_1150 : i32 to index
        %get3A_1152 = arith.index_cast %scan3A_1117 : i32 to index
        %get3A_1153 = arith.constant 32 : index
        %get3A_1154 = tpu.vector_load %arg15[%get3A_1151, %get3A_1152, %get3A_1153] {strides = array<i32>} : memref<2x64x128xf32, #tpu.memory_space<vmem>>, vector<1x1x16xf32>,
        %get3A_1155 = vector.shape_cast %get3A_1154 : vector<1x1x16xf32> to vector<16xf32>
        %mul3A_1156 = arith.mulf %get3A_1149, %get3A_1155 : vector<16xf32>
        %get3A_1157 = arith.constant 0 : i32
        %get3A_1158 = arith.index_cast %get3A_1157 : i32 to index
        %get3A_1159 = arith.index_cast %scan3A_1117 : i32 to index
        %get3A_1160 = arith.constant 48 : index
        %get3A_1161 = tpu.vector_load %arg14[%get3A_1158, %get3A_1159, %get3A_1160] {strides = array<i32>} : memref<2x64x128xf32, #tpu.memory_space<vmem>>, vector<1x1x16xf32>,
        %get3A_1162 = vector.shape_cast %get3A_1161 : vector<1x1x16xf32> to vector<16xf32>
        %get3A_1163 = arith.constant 0 : i32
        %get3A_1164 = arith.index_cast %get3A_1163 : i32 to index
        %get3A_1165 = arith.index_cast %scan3A_1117 : i32 to index
        %get3A_1166 = arith.constant 48 : index
        %get3A_1167 = tpu.vector_load %arg15[%get3A_1164, %get3A_1165, %get3A_1166] {strides = array<i32>} : memref<2x64x128xf32, #tpu.memory_space<vmem>>, vector<1x1x16xf32>,
        %get3A_1168 = vector.shape_cast %get3A_1167 : vector<1x1x16xf32> to vector<16xf32>
        %mul3A_1169 = arith.mulf %get3A_1162, %get3A_1168 : vector<16xf32>
        %get3A_1170 = arith.constant 0 : i32
        %get3A_1171 = arith.index_cast %get3A_1170 : i32 to index
        %get3A_1172 = arith.index_cast %scan3A_1117 : i32 to index
        %get3A_1173 = arith.constant 64 : index
        %get3A_1174 = tpu.vector_load %arg14[%get3A_1171, %get3A_1172, %get3A_1173] {strides = array<i32>} : memref<2x64x128xf32, #tpu.memory_space<vmem>>, vector<1x1x16xf32>,
        %get3A_1175 = vector.shape_cast %get3A_1174 : vector<1x1x16xf32> to vector<16xf32>
        %get3A_1176 = arith.constant 0 : i32
        %get3A_1177 = arith.index_cast %get3A_1176 : i32 to index
        %get3A_1178 = arith.index_cast %scan3A_1117 : i32 to index
        %get3A_1179 = arith.constant 64 : index
        %get3A_1180 = tpu.vector_load %arg15[%get3A_1177, %get3A_1178, %get3A_1179] {strides = array<i32>} : memref<2x64x128xf32, #tpu.memory_space<vmem>>, vector<1x1x16xf32>,
        %get3A_1181 = vector.shape_cast %get3A_1180 : vector<1x1x16xf32> to vector<16xf32>
        %mul3A_1182 = arith.mulf %get3A_1175, %get3A_1181 : vector<16xf32>
        %get3A_1183 = arith.constant 0 : i32
        %get3A_1184 = arith.index_cast %get3A_1183 : i32 to index
        %get3A_1185 = arith.index_cast %scan3A_1117 : i32 to index
        %get3A_1186 = arith.constant 80 : index
        %get3A_1187 = tpu.vector_load %arg14[%get3A_1184, %get3A_1185, %get3A_1186] {strides = array<i32>} : memref<2x64x128xf32, #tpu.memory_space<vmem>>, vector<1x1x16xf32>,
        %get3A_1188 = vector.shape_cast %get3A_1187 : vector<1x1x16xf32> to vector<16xf32>
        %get3A_1189 = arith.constant 0 : i32
        %get3A_1190 = arith.index_cast %get3A_1189 : i32 to index
        %get3A_1191 = arith.index_cast %scan3A_1117 : i32 to index
        %get3A_1192 = arith.constant 80 : index
        %get3A_1193 = tpu.vector_load %arg15[%get3A_1190, %get3A_1191, %get3A_1192] {strides = array<i32>} : memref<2x64x128xf32, #tpu.memory_space<vmem>>, vector<1x1x16xf32>,
        %get3A_1194 = vector.shape_cast %get3A_1193 : vector<1x1x16xf32> to vector<16xf32>
        %mul3A_1195 = arith.mulf %get3A_1188, %get3A_1194 : vector<16xf32>
        %get3A_1196 = arith.constant 0 : i32
        %get3A_1197 = arith.index_cast %get3A_1196 : i32 to index
        %get3A_1198 = arith.index_cast %scan3A_1117 : i32 to index
        %get3A_1199 = arith.constant 96 : index
        %get3A_1200 = tpu.vector_load %arg14[%get3A_1197, %get3A_1198, %get3A_1199] {strides = array<i32>} : memref<2x64x128xf32, #tpu.memory_space<vmem>>, vector<1x1x16xf32>,
        %get3A_1201 = vector.shape_cast %get3A_1200 : vector<1x1x16xf32> to vector<16xf32>
        %get3A_1202 = arith.constant 0 : i32
        %get3A_1203 = arith.index_cast %get3A_1202 : i32 to index
        %get3A_1204 = arith.index_cast %scan3A_1117 : i32 to index
        %get3A_1205 = arith.constant 96 : index
        %get3A_1206 = tpu.vector_load %arg15[%get3A_1203, %get3A_1204, %get3A_1205] {strides = array<i32>} : memref<2x64x128xf32, #tpu.memory_space<vmem>>, vector<1x1x16xf32>,
        %get3A_1207 = vector.shape_cast %get3A_1206 : vector<1x1x16xf32> to vector<16xf32>
        %mul3A_1208 = arith.mulf %get3A_1201, %get3A_1207 : vector<16xf32>
        %get3A_1209 = arith.constant 0 : i32
        %get3A_1210 = arith.index_cast %get3A_1209 : i32 to index
        %get3A_1211 = arith.index_cast %scan3A_1117 : i32 to index
        %get3A_1212 = arith.constant 112 : index
        %get3A_1213 = tpu.vector_load %arg14[%get3A_1210, %get3A_1211, %get3A_1212] {strides = array<i32>} : memref<2x64x128xf32, #tpu.memory_space<vmem>>, vector<1x1x16xf32>,
        %get3A_1214 = vector.shape_cast %get3A_1213 : vector<1x1x16xf32> to vector<16xf32>
        %get3A_1215 = arith.constant 0 : i32
        %get3A_1216 = arith.index_cast %get3A_1215 : i32 to index
        %get3A_1217 = arith.index_cast %scan3A_1117 : i32 to index
        %get3A_1218 = arith.constant 112 : index
        %get3A_1219 = tpu.vector_load %arg15[%get3A_1216, %get3A_1217, %get3A_1218] {strides = array<i32>} : memref<2x64x128xf32, #tpu.memory_space<vmem>>, vector<1x1x16xf32>,
        %get3A_1220 = vector.shape_cast %get3A_1219 : vector<1x1x16xf32> to vector<16xf32>
        %mul3A_1221 = arith.mulf %get3A_1214, %get3A_1220 : vector<16xf32>
        %swap3A_1222 = arith.constant 0 : i32
        %swap3A_1223 = arith.index_cast %swap3A_1222 : i32 to index
        %swap3A_1224 = arith.index_cast %scan3A_1117 : i32 to index
        %swap3A_1225 = arith.constant 0 : index
        %swap3A_1226 = tpu.vector_load %arg16[%swap3A_1223, %swap3A_1224, %swap3A_1225] {strides = array<i32>} : memref<2x64x128xf32, #tpu.memory_space<vmem>>, vector<1x1x16xf32>,
        %swap3A_1227 = vector.shape_cast %swap3A_1226 : vector<1x1x16xf32> to vector<16xf32>
        %swap3A_1228 = vector.shape_cast %mul3A_1130 : vector<16xf32> to vector<1x1x16xf32>
        tpu.vector_store %arg16[%swap3A_1223, %swap3A_1224, %swap3A_1225], %swap3A_1228 {strides = array<i32>} : memref<2x64x128xf32, #tpu.memory_space<vmem>>, vector<1x1x16xf32>,
        %swap3A_1229 = arith.constant 0 : i32
        %swap3A_1230 = arith.index_cast %swap3A_1229 : i32 to index
        %swap3A_1231 = arith.index_cast %scan3A_1117 : i32 to index
        %swap3A_1232 = arith.constant 16 : index
        %swap3A_1233 = tpu.vector_load %arg16[%swap3A_1230, %swap3A_1231, %swap3A_1232] {strides = array<i32>} : memref<2x64x128xf32, #tpu.memory_space<vmem>>, vector<1x1x16xf32>,
        %swap3A_1234 = vector.shape_cast %swap3A_1233 : vector<1x1x16xf32> to vector<16xf32>
        %swap3A_1235 = vector.shape_cast %mul3A_1143 : vector<16xf32> to vector<1x1x16xf32>
        tpu.vector_store %arg16[%swap3A_1230, %swap3A_1231, %swap3A_1232], %swap3A_1235 {strides = array<i32>} : memref<2x64x128xf32, #tpu.memory_space<vmem>>, vector<1x1x16xf32>,
        %swap3A_1236 = arith.constant 0 : i32
        %swap3A_1237 = arith.index_cast %swap3A_1236 : i32 to index
        %swap3A_1238 = arith.index_cast %scan3A_1117 : i32 to index
        %swap3A_1239 = arith.constant 32 : index
        %swap3A_1240 = tpu.vector_load %arg16[%swap3A_1237, %swap3A_1238, %swap3A_1239] {strides = array<i32>} : memref<2x64x128xf32, #tpu.memory_space<vmem>>, vector<1x1x16xf32>,
        %swap3A_1241 = vector.shape_cast %swap3A_1240 : vector<1x1x16xf32> to vector<16xf32>
        %swap3A_1242 = vector.shape_cast %mul3A_1156 : vector<16xf32> to vector<1x1x16xf32>
        tpu.vector_store %arg16[%swap3A_1237, %swap3A_1238, %swap3A_1239], %swap3A_1242 {strides = array<i32>} : memref<2x64x128xf32, #tpu.memory_space<vmem>>, vector<1x1x16xf32>,
        %swap3A_1243 = arith.constant 0 : i32
        %swap3A_1244 = arith.index_cast %swap3A_1243 : i32 to index
        %swap3A_1245 = arith.index_cast %scan3A_1117 : i32 to index
        %swap3A_1246 = arith.constant 48 : index
        %swap3A_1247 = tpu.vector_load %arg16[%swap3A_1244, %swap3A_1245, %swap3A_1246] {strides = array<i32>} : memref<2x64x128xf32, #tpu.memory_space<vmem>>, vector<1x1x16xf32>,
        %swap3A_1248 = vector.shape_cast %swap3A_1247 : vector<1x1x16xf32> to vector<16xf32>
        %swap3A_1249 = vector.shape_cast %mul3A_1169 : vector<16xf32> to vector<1x1x16xf32>
        tpu.vector_store %arg16[%swap3A_1244, %swap3A_1245, %swap3A_1246], %swap3A_1249 {strides = array<i32>} : memref<2x64x128xf32, #tpu.memory_space<vmem>>, vector<1x1x16xf32>,
        %swap3A_1250 = arith.constant 0 : i32
        %swap3A_1251 = arith.index_cast %swap3A_1250 : i32 to index
        %swap3A_1252 = arith.index_cast %scan3A_1117 : i32 to index
        %swap3A_1253 = arith.constant 64 : index
        %swap3A_1254 = tpu.vector_load %arg16[%swap3A_1251, %swap3A_1252, %swap3A_1253] {strides = array<i32>} : memref<2x64x128xf32, #tpu.memory_space<vmem>>, vector<1x1x16xf32>,
        %swap3A_1255 = vector.shape_cast %swap3A_1254 : vector<1x1x16xf32> to vector<16xf32>
        %swap3A_1256 = vector.shape_cast %mul3A_1182 : vector<16xf32> to vector<1x1x16xf32>
        tpu.vector_store %arg16[%swap3A_1251, %swap3A_1252, %swap3A_1253], %swap3A_1256 {strides = array<i32>} : memref<2x64x128xf32, #tpu.memory_space<vmem>>, vector<1x1x16xf32>,
        %swap3A_1257 = arith.constant 0 : i32
        %swap3A_1258 = arith.index_cast %swap3A_1257 : i32 to index
        %swap3A_1259 = arith.index_cast %scan3A_1117 : i32 to index
        %swap3A_1260 = arith.constant 80 : index
        %swap3A_1261 = tpu.vector_load %arg16[%swap3A_1258, %swap3A_1259, %swap3A_1260] {strides = array<i32>} : memref<2x64x128xf32, #tpu.memory_space<vmem>>, vector<1x1x16xf32>,
        %swap3A_1262 = vector.shape_cast %swap3A_1261 : vector<1x1x16xf32> to vector<16xf32>
        %swap3A_1263 = vector.shape_cast %mul3A_1195 : vector<16xf32> to vector<1x1x16xf32>
        tpu.vector_store %arg16[%swap3A_1258, %swap3A_1259, %swap3A_1260], %swap3A_1263 {strides = array<i32>} : memref<2x64x128xf32, #tpu.memory_space<vmem>>, vector<1x1x16xf32>,
        %swap3A_1264 = arith.constant 0 : i32
        %swap3A_1265 = arith.index_cast %swap3A_1264 : i32 to index
        %swap3A_1266 = arith.index_cast %scan3A_1117 : i32 to index
        %swap3A_1267 = arith.constant 96 : index
        %swap3A_1268 = tpu.vector_load %arg16[%swap3A_1265, %swap3A_1266, %swap3A_1267] {strides = array<i32>} : memref<2x64x128xf32, #tpu.memory_space<vmem>>, vector<1x1x16xf32>,
        %swap3A_1269 = vector.shape_cast %swap3A_1268 : vector<1x1x16xf32> to vector<16xf32>
        %swap3A_1270 = vector.shape_cast %mul3A_1208 : vector<16xf32> to vector<1x1x16xf32>
        tpu.vector_store %arg16[%swap3A_1265, %swap3A_1266, %swap3A_1267], %swap3A_1270 {strides = array<i32>} : memref<2x64x128xf32, #tpu.memory_space<vmem>>, vector<1x1x16xf32>,
        %swap3A_1271 = arith.constant 0 : i32
        %swap3A_1272 = arith.index_cast %swap3A_1271 : i32 to index
        %swap3A_1273 = arith.index_cast %scan3A_1117 : i32 to index
        %swap3A_1274 = arith.constant 112 : index
        %swap3A_1275 = tpu.vector_load %arg16[%swap3A_1272, %swap3A_1273, %swap3A_1274] {strides = array<i32>} : memref<2x64x128xf32, #tpu.memory_space<vmem>>, vector<1x1x16xf32>,
        %swap3A_1276 = vector.shape_cast %swap3A_1275 : vector<1x1x16xf32> to vector<16xf32>
        %swap3A_1277 = vector.shape_cast %mul3A_1221 : vector<16xf32> to vector<1x1x16xf32>
        tpu.vector_store %arg16[%swap3A_1272, %swap3A_1273, %swap3A_1274], %swap3A_1277 {strides = array<i32>} : memref<2x64x128xf32, #tpu.memory_space<vmem>>, vector<1x1x16xf32>,
      }
      %scan3A_466 = arith.constant 64 : i32
      %dma_start3A_467 = arith.constant 0 : i32
      %dma_start3A_468 = arith.constant 0 : i32
      %dma_start3A_469 = arith.constant 0 : i32
      %dma_start3A_470 = tpu.memref_slice %arg16[%dma_start3A_467, %dma_start3A_468, %dma_start3A_469] : memref<2x64x128xf32, #tpu.memory_space<vmem>> -> memref<1x64x128xf32, #tpu.memory_space<vmem>>
      %dma_start3A_471 = tpu.memref_squeeze %dma_start3A_470 : memref<1x64x128xf32, #tpu.memory_space<vmem>> -> memref<64x128xf32, #tpu.memory_space<vmem>>
      %dma_start3A_472 = arith.constant 0 : i32
      %dma_start3A_473 = arith.constant 0 : i32
      %dma_start3A_474 = tpu.memref_slice %arg17[%dma_start3A_472, %dma_start3A_473] : memref<10000x128xf32, #tpu.memory_space<vmem_shared>> -> memref<10000x128xf32, #tpu.memory_space<vmem_shared>>
      tpu.enqueue_indirect_dma source(%dma_start3A_471 : memref<64x128xf32, #tpu.memory_space<vmem>>) target(%dma_start3A_474 : memref<10000x128xf32, #tpu.memory_space<vmem_shared>>) offsets(%arg10 : memref<64xi32, #tpu.memory_space<vmem>>) semaphore(%arg22 : memref<!tpu.dma_semaphore, #tpu.memory_space<semaphore_mem>>) {add = true}
      %add3A_475 = arith.constant 2 : i32
      %add3A_476 = arith.addi %mul3A_360, %add3A_475 : i32
      %mul3A_477 = arith.constant 64 : i32
      %mul3A_478 = arith.muli %add3A_476, %mul3A_477 : i32
      %add3A_479 = arith.addi %add3A, %mul3A_478 : i32
      %dma_start3A_480 = arith.constant 0 : i32
      %dma_start3A_481 = arith.constant 0 : i32
      %dma_start3A_482 = tpu.memref_slice %arg8[%dma_start3A_480, %dma_start3A_481] : memref<2x64xi32, #tpu.memory_space<vmem>> -> memref<1x64xi32, #tpu.memory_space<vmem>>
      %dma_start3A_483 = tpu.memref_squeeze %dma_start3A_482 : memref<1x64xi32, #tpu.memory_space<vmem>> -> memref<64xi32, #tpu.memory_space<vmem>>
      %dma_start3A_484 = tpu.memref_slice %arg4[%add3A_479] : memref<320000xi32, #tpu.memory_space<hbm>> -> memref<64xi32, #tpu.memory_space<hbm>>
      %dma_start3A_485 = arith.constant 0 : i32
      %dma_start3A_486 = tpu.memref_slice %arg8[%dma_start3A_480, %dma_start3A_485] : memref<2x64xi32, #tpu.memory_space<vmem>> -> memref<1x64xi32, #tpu.memory_space<vmem>>
      %dma_start3A_487 = tpu.memref_squeeze %dma_start3A_486 : memref<1x64xi32, #tpu.memory_space<vmem>> -> memref<64xi32, #tpu.memory_space<vmem>>
      %dma_start3A_488 = tpu.memref_slice %arg4[%add3A_479] : memref<320000xi32, #tpu.memory_space<hbm>> -> memref<64xi32, #tpu.memory_space<hbm>>
      tpu.enqueue_dma source(%dma_start3A_488 : memref<64xi32, #tpu.memory_space<hbm>>) target(%dma_start3A_487 : memref<64xi32, #tpu.memory_space<vmem>>) target_semaphore(%arg18 : memref<!tpu.dma_semaphore, #tpu.memory_space<semaphore_mem>>)
      %dma_start3A_489 = arith.constant 0 : i32
      %dma_start3A_490 = arith.constant 0 : i32
      %dma_start3A_491 = tpu.memref_slice %arg9[%dma_start3A_489, %dma_start3A_490] : memref<2x64xi32, #tpu.memory_space<vmem>> -> memref<1x64xi32, #tpu.memory_space<vmem>>
      %dma_start3A_492 = tpu.memref_squeeze %dma_start3A_491 : memref<1x64xi32, #tpu.memory_space<vmem>> -> memref<64xi32, #tpu.memory_space<vmem>>
      %dma_start3A_493 = tpu.memref_slice %arg5[%add3A_479] : memref<320000xi32, #tpu.memory_space<hbm>> -> memref<64xi32, #tpu.memory_space<hbm>>
      %dma_start3A_494 = arith.constant 0 : i32
      %dma_start3A_495 = tpu.memref_slice %arg9[%dma_start3A_489, %dma_start3A_494] : memref<2x64xi32, #tpu.memory_space<vmem>> -> memref<1x64xi32, #tpu.memory_space<vmem>>
      %dma_start3A_496 = tpu.memref_squeeze %dma_start3A_495 : memref<1x64xi32, #tpu.memory_space<vmem>> -> memref<64xi32, #tpu.memory_space<vmem>>
      %dma_start3A_497 = tpu.memref_slice %arg5[%add3A_479] : memref<320000xi32, #tpu.memory_space<hbm>> -> memref<64xi32, #tpu.memory_space<hbm>>
      tpu.enqueue_dma source(%dma_start3A_497 : memref<64xi32, #tpu.memory_space<hbm>>) target(%dma_start3A_496 : memref<64xi32, #tpu.memory_space<vmem>>) target_semaphore(%arg18 : memref<!tpu.dma_semaphore, #tpu.memory_space<semaphore_mem>>)
      %dma_start3A_498 = arith.constant 0 : i32
      %dma_start3A_499 = arith.constant 0 : i32
      %dma_start3A_500 = arith.constant 0 : i32
      %dma_start3A_501 = tpu.memref_slice %arg15[%dma_start3A_498, %dma_start3A_499, %dma_start3A_500] : memref<2x64x128xf32, #tpu.memory_space<vmem>> -> memref<1x64x128xf32, #tpu.memory_space<vmem>>
      %dma_start3A_502 = tpu.memref_squeeze %dma_start3A_501 : memref<1x64x128xf32, #tpu.memory_space<vmem>> -> memref<64x128xf32, #tpu.memory_space<vmem>>
      %dma_start3A_503 = arith.constant 0 : i32
      %dma_start3A_504 = tpu.memref_slice %arg3[%add3A_479, %dma_start3A_503] : memref<320000x128xf32, #tpu.memory_space<hbm>> -> memref<64x128xf32, #tpu.memory_space<hbm>>
      %dma_start3A_505 = arith.constant 0 : i32
      %dma_start3A_506 = arith.constant 0 : i32
      %dma_start3A_507 = tpu.memref_slice %arg15[%dma_start3A_498, %dma_start3A_505, %dma_start3A_506] : memref<2x64x128xf32, #tpu.memory_space<vmem>> -> memref<1x64x128xf32, #tpu.memory_space<vmem>>
      %dma_start3A_508 = tpu.memref_squeeze %dma_start3A_507 : memref<1x64x128xf32, #tpu.memory_space<vmem>> -> memref<64x128xf32, #tpu.memory_space<vmem>>
      %dma_start3A_509 = arith.constant 0 : i32
      %dma_start3A_510 = tpu.memref_slice %arg3[%add3A_479, %dma_start3A_509] : memref<320000x128xf32, #tpu.memory_space<hbm>> -> memref<64x128xf32, #tpu.memory_space<hbm>>
      tpu.enqueue_dma source(%dma_start3A_510 : memref<64x128xf32, #tpu.memory_space<hbm>>) target(%dma_start3A_508 : memref<64x128xf32, #tpu.memory_space<vmem>>) target_semaphore(%arg18 : memref<!tpu.dma_semaphore, #tpu.memory_space<semaphore_mem>>)
      %add3A_511 = arith.constant 2 : i32
      %add3A_512 = arith.addi %mul3A_360, %add3A_511 : i32
      %mul3A_513 = arith.constant 64 : i32
      %mul3A_514 = arith.muli %add3A_512, %mul3A_513 : i32
      %add3A_515 = arith.addi %add3A, %mul3A_514 : i32
      %dma_wait3A_516 = arith.constant 0 : i32
      %dma_wait3A_517 = arith.constant 0 : i32
      %dma_wait3A_518 = tpu.memref_slice %arg8[%dma_wait3A_516, %dma_wait3A_517] : memref<2x64xi32, #tpu.memory_space<vmem>> -> memref<1x64xi32, #tpu.memory_space<vmem>>
      %dma_wait3A_519 = tpu.memref_squeeze %dma_wait3A_518 : memref<1x64xi32, #tpu.memory_space<vmem>> -> memref<64xi32, #tpu.memory_space<vmem>>
      %dma_wait3A_520 = tpu.memref_slice %arg4[%add3A_515] : memref<320000xi32, #tpu.memory_space<hbm>> -> memref<64xi32, #tpu.memory_space<hbm>>
      %dma_wait3A_521 = arith.constant 0 : i32
      %dma_wait3A_522 = tpu.memref_slice %arg8[%dma_wait3A_516, %dma_wait3A_521] : memref<2x64xi32, #tpu.memory_space<vmem>> -> memref<1x64xi32, #tpu.memory_space<vmem>>
      %dma_wait3A_523 = tpu.memref_squeeze %dma_wait3A_522 : memref<1x64xi32, #tpu.memory_space<vmem>> -> memref<64xi32, #tpu.memory_space<vmem>>
      %dma_wait3A_524 = tpu.memref_slice %arg4[%add3A_515] : memref<320000xi32, #tpu.memory_space<hbm>> -> memref<64xi32, #tpu.memory_space<hbm>>
      tpu.wait_dma2 semaphore(%arg18 : memref<!tpu.dma_semaphore, #tpu.memory_space<semaphore_mem>>) src(%dma_wait3A_524 : memref<64xi32, #tpu.memory_space<hbm>>) dst(%dma_wait3A_523 : memref<64xi32, #tpu.memory_space<vmem>>)
      %dma_wait3A_525 = arith.constant 0 : i32
      %dma_wait3A_526 = arith.constant 0 : i32
      %dma_wait3A_527 = tpu.memref_slice %arg9[%dma_wait3A_525, %dma_wait3A_526] : memref<2x64xi32, #tpu.memory_space<vmem>> -> memref<1x64xi32, #tpu.memory_space<vmem>>
      %dma_wait3A_528 = tpu.memref_squeeze %dma_wait3A_527 : memref<1x64xi32, #tpu.memory_space<vmem>> -> memref<64xi32, #tpu.memory_space<vmem>>
      %dma_wait3A_529 = tpu.memref_slice %arg5[%add3A_515] : memref<320000xi32, #tpu.memory_space<hbm>> -> memref<64xi32, #tpu.memory_space<hbm>>
      %dma_wait3A_530 = arith.constant 0 : i32
      %dma_wait3A_531 = tpu.memref_slice %arg9[%dma_wait3A_525, %dma_wait3A_530] : memref<2x64xi32, #tpu.memory_space<vmem>> -> memref<1x64xi32, #tpu.memory_space<vmem>>
      %dma_wait3A_532 = tpu.memref_squeeze %dma_wait3A_531 : memref<1x64xi32, #tpu.memory_space<vmem>> -> memref<64xi32, #tpu.memory_space<vmem>>
      %dma_wait3A_533 = tpu.memref_slice %arg5[%add3A_515] : memref<320000xi32, #tpu.memory_space<hbm>> -> memref<64xi32, #tpu.memory_space<hbm>>
      tpu.wait_dma2 semaphore(%arg18 : memref<!tpu.dma_semaphore, #tpu.memory_space<semaphore_mem>>) src(%dma_wait3A_533 : memref<64xi32, #tpu.memory_space<hbm>>) dst(%dma_wait3A_532 : memref<64xi32, #tpu.memory_space<vmem>>)
      %dma_wait3A_534 = arith.constant 0 : i32
      %dma_wait3A_535 = arith.constant 0 : i32
      %dma_wait3A_536 = arith.constant 0 : i32
      %dma_wait3A_537 = tpu.memref_slice %arg15[%dma_wait3A_534, %dma_wait3A_535, %dma_wait3A_536] : memref<2x64x128xf32, #tpu.memory_space<vmem>> -> memref<1x64x128xf32, #tpu.memory_space<vmem>>
      %dma_wait3A_538 = tpu.memref_squeeze %dma_wait3A_537 : memref<1x64x128xf32, #tpu.memory_space<vmem>> -> memref<64x128xf32, #tpu.memory_space<vmem>>
      %dma_wait3A_539 = arith.constant 0 : i32
      %dma_wait3A_540 = tpu.memref_slice %arg3[%add3A_515, %dma_wait3A_539] : memref<320000x128xf32, #tpu.memory_space<hbm>> -> memref<64x128xf32, #tpu.memory_space<hbm>>
      %dma_wait3A_541 = arith.constant 0 : i32
      %dma_wait3A_542 = arith.constant 0 : i32
      %dma_wait3A_543 = tpu.memref_slice %arg15[%dma_wait3A_534, %dma_wait3A_541, %dma_wait3A_542] : memref<2x64x128xf32, #tpu.memory_space<vmem>> -> memref<1x64x128xf32, #tpu.memory_space<vmem>>
      %dma_wait3A_544 = tpu.memref_squeeze %dma_wait3A_543 : memref<1x64x128xf32, #tpu.memory_space<vmem>> -> memref<64x128xf32, #tpu.memory_space<vmem>>
      %dma_wait3A_545 = arith.constant 0 : i32
      %dma_wait3A_546 = tpu.memref_slice %arg3[%add3A_515, %dma_wait3A_545] : memref<320000x128xf32, #tpu.memory_space<hbm>> -> memref<64x128xf32, #tpu.memory_space<hbm>>
      tpu.wait_dma2 semaphore(%arg18 : memref<!tpu.dma_semaphore, #tpu.memory_space<semaphore_mem>>) src(%dma_wait3A_546 : memref<64x128xf32, #tpu.memory_space<hbm>>) dst(%dma_wait3A_544 : memref<64x128xf32, #tpu.memory_space<vmem>>)
      %dma_start3A_547 = arith.constant 0 : i32
      %dma_start3A_548 = arith.constant 0 : i32
      %dma_start3A_549 = arith.constant 0 : i32
      %dma_start3A_550 = arith.constant 0 : i32
      %dma_start3A_551 = tpu.memref_slice %arg14[%dma_start3A_548, %dma_start3A_549, %dma_start3A_550] : memref<2x64x128xf32, #tpu.memory_space<vmem>> -> memref<1x64x128xf32, #tpu.memory_space<vmem>>
      %dma_start3A_552 = tpu.memref_squeeze %dma_start3A_551 : memref<1x64x128xf32, #tpu.memory_space<vmem>> -> memref<64x128xf32, #tpu.memory_space<vmem>>
      %dma_start3A_553 = arith.constant 0 : i32
      %dma_start3A_554 = tpu.memref_slice %arg8[%dma_start3A_547, %dma_start3A_553] : memref<2x64xi32, #tpu.memory_space<vmem>> -> memref<1x64xi32, #tpu.memory_space<vmem>>
      %dma_start3A_555 = tpu.memref_squeeze %dma_start3A_554 : memref<1x64xi32, #tpu.memory_space<vmem>> -> memref<64xi32, #tpu.memory_space<vmem>>
      %dma_start3A_556 = arith.constant 0 : i32
      %dma_start3A_557 = arith.constant 0 : i32
      %dma_start3A_558 = tpu.memref_slice %arg2[%dma_start3A_556, %dma_start3A_557] : memref<10000x128xf32, #tpu.memory_space<hbm>> -> memref<10000x128xf32, #tpu.memory_space<hbm>>
      tpu.enqueue_indirect_dma source(%dma_start3A_558 : memref<10000x128xf32, #tpu.memory_space<hbm>>) target(%dma_start3A_552 : memref<64x128xf32, #tpu.memory_space<vmem>>) offsets(%dma_start3A_555 : memref<64xi32, #tpu.memory_space<vmem>>) semaphore(%arg20 : memref<!tpu.dma_semaphore, #tpu.memory_space<semaphore_mem>>)
      %dma_wait3A_559 = arith.constant 1 : i32
      %dma_wait3A_560 = arith.constant 1 : i32
      %dma_wait3A_561 = arith.constant 0 : i32
      %dma_wait3A_562 = arith.constant 0 : i32
      %dma_wait3A_563 = tpu.memref_slice %arg14[%dma_wait3A_560, %dma_wait3A_561, %dma_wait3A_562] : memref<2x64x128xf32, #tpu.memory_space<vmem>> -> memref<1x64x128xf32, #tpu.memory_space<vmem>>
      %dma_wait3A_564 = tpu.memref_squeeze %dma_wait3A_563 : memref<1x64x128xf32, #tpu.memory_space<vmem>> -> memref<64x128xf32, #tpu.memory_space<vmem>>
      %dma_wait3A_565 = arith.constant 0 : i32
      %dma_wait3A_566 = tpu.memref_slice %arg8[%dma_wait3A_559, %dma_wait3A_565] : memref<2x64xi32, #tpu.memory_space<vmem>> -> memref<1x64xi32, #tpu.memory_space<vmem>>
      %dma_wait3A_567 = tpu.memref_squeeze %dma_wait3A_566 : memref<1x64xi32, #tpu.memory_space<vmem>> -> memref<64xi32, #tpu.memory_space<vmem>>
      %dma_wait3A_568 = arith.constant 0 : i32
      %dma_wait3A_569 = arith.constant 0 : i32
      %dma_wait3A_570 = tpu.memref_slice %arg2[%dma_wait3A_568, %dma_wait3A_569] : memref<10000x128xf32, #tpu.memory_space<hbm>> -> memref<10000x128xf32, #tpu.memory_space<hbm>>
      tpu.wait_indirect_dma semaphore(%arg21 : memref<!tpu.dma_semaphore, #tpu.memory_space<semaphore_mem>>) src(%dma_wait3A_570 : memref<10000x128xf32, #tpu.memory_space<hbm>>) dst(%dma_wait3A_564 : memref<64x128xf32, #tpu.memory_space<vmem>>)
      %convert_element_type3A_571 = arith.extui %ge3A_361 : i1 to i32
      %cond3A_572 = arith.constant 0 : i32
      %cond3A_573 = arith.cmpi ne, %convert_element_type3A_571, %cond3A_572 : i32
      scf.if %cond3A_573 {
        %dma_wait3A_631 = arith.constant 1 : i32
        %dma_wait3A_632 = arith.constant 0 : i32
        %dma_wait3A_633 = arith.constant 0 : i32
        %dma_wait3A_634 = tpu.memref_slice %arg16[%dma_wait3A_631, %dma_wait3A_632, %dma_wait3A_633] : memref<2x64x128xf32, #tpu.memory_space<vmem>> -> memref<1x64x128xf32, #tpu.memory_space<vmem>>
        %dma_wait3A_635 = tpu.memref_squeeze %dma_wait3A_634 : memref<1x64x128xf32, #tpu.memory_space<vmem>> -> memref<64x128xf32, #tpu.memory_space<vmem>>
        %dma_wait3A_636 = arith.constant 0 : i32
        %dma_wait3A_637 = arith.constant 0 : i32
        %dma_wait3A_638 = tpu.memref_slice %arg17[%dma_wait3A_636, %dma_wait3A_637] : memref<10000x128xf32, #tpu.memory_space<vmem_shared>> -> memref<10000x128xf32, #tpu.memory_space<vmem_shared>>
        tpu.wait_indirect_dma semaphore(%arg23 : memref<!tpu.dma_semaphore, #tpu.memory_space<semaphore_mem>>) src(%dma_wait3A_635 : memref<64x128xf32, #tpu.memory_space<vmem>>) dst(%dma_wait3A_638 : memref<10000x128xf32, #tpu.memory_space<vmem_shared>>)
      } else {
      }
      %get3A_574 = arith.constant 1 : i32
      %get3A_575 = arith.index_cast %get3A_574 : i32 to index
      %get3A_576 = arith.constant 0 : index
      %get3A_577 = tpu.vector_load %arg9[%get3A_575, %get3A_576] {strides = array<i32>} : memref<2x64xi32, #tpu.memory_space<vmem>>, vector<1x16xi32>,
      %get3A_578 = vector.shape_cast %get3A_577 : vector<1x16xi32> to vector<16xi32>
      %swap3A_579 = arith.constant 0 : index
      %swap3A_580 = tpu.vector_load %arg11[%swap3A_579] {strides = array<i32>} : memref<64xi32, #tpu.memory_space<vmem>>, vector<16xi32>,
      %swap3A_581 = vector.shape_cast %swap3A_580 : vector<16xi32> to vector<16xi32>
      %swap3A_582 = vector.shape_cast %get3A_578 : vector<16xi32> to vector<16xi32>
      tpu.vector_store %arg11[%swap3A_579], %swap3A_582 {strides = array<i32>} : memref<64xi32, #tpu.memory_space<vmem>>, vector<16xi32>,
      %get3A_583 = arith.constant 1 : i32
      %get3A_584 = arith.index_cast %get3A_583 : i32 to index
      %get3A_585 = arith.constant 16 : index
      %get3A_586 = tpu.vector_load %arg9[%get3A_584, %get3A_585] {strides = array<i32>} : memref<2x64xi32, #tpu.memory_space<vmem>>, vector<1x16xi32>,
      %get3A_587 = vector.shape_cast %get3A_586 : vector<1x16xi32> to vector<16xi32>
      %swap3A_588 = arith.constant 16 : index
      %swap3A_589 = tpu.vector_load %arg11[%swap3A_588] {strides = array<i32>} : memref<64xi32, #tpu.memory_space<vmem>>, vector<16xi32>,
      %swap3A_590 = vector.shape_cast %swap3A_589 : vector<16xi32> to vector<16xi32>
      %swap3A_591 = vector.shape_cast %get3A_587 : vector<16xi32> to vector<16xi32>
      tpu.vector_store %arg11[%swap3A_588], %swap3A_591 {strides = array<i32>} : memref<64xi32, #tpu.memory_space<vmem>>, vector<16xi32>,
      %get3A_592 = arith.constant 1 : i32
      %get3A_593 = arith.index_cast %get3A_592 : i32 to index
      %get3A_594 = arith.constant 32 : index
      %get3A_595 = tpu.vector_load %arg9[%get3A_593, %get3A_594] {strides = array<i32>} : memref<2x64xi32, #tpu.memory_space<vmem>>, vector<1x16xi32>,
      %get3A_596 = vector.shape_cast %get3A_595 : vector<1x16xi32> to vector<16xi32>
      %swap3A_597 = arith.constant 32 : index
      %swap3A_598 = tpu.vector_load %arg11[%swap3A_597] {strides = array<i32>} : memref<64xi32, #tpu.memory_space<vmem>>, vector<16xi32>,
      %swap3A_599 = vector.shape_cast %swap3A_598 : vector<16xi32> to vector<16xi32>
      %swap3A_600 = vector.shape_cast %get3A_596 : vector<16xi32> to vector<16xi32>
      tpu.vector_store %arg11[%swap3A_597], %swap3A_600 {strides = array<i32>} : memref<64xi32, #tpu.memory_space<vmem>>, vector<16xi32>,
      %get3A_601 = arith.constant 1 : i32
      %get3A_602 = arith.index_cast %get3A_601 : i32 to index
      %get3A_603 = arith.constant 48 : index
      %get3A_604 = tpu.vector_load %arg9[%get3A_602, %get3A_603] {strides = array<i32>} : memref<2x64xi32, #tpu.memory_space<vmem>>, vector<1x16xi32>,
      %get3A_605 = vector.shape_cast %get3A_604 : vector<1x16xi32> to vector<16xi32>
      %swap3A_606 = arith.constant 48 : index
      %swap3A_607 = tpu.vector_load %arg11[%swap3A_606] {strides = array<i32>} : memref<64xi32, #tpu.memory_space<vmem>>, vector<16xi32>,
      %swap3A_608 = vector.shape_cast %swap3A_607 : vector<16xi32> to vector<16xi32>
      %swap3A_609 = vector.shape_cast %get3A_605 : vector<16xi32> to vector<16xi32>
      tpu.vector_store %arg11[%swap3A_606], %swap3A_609 {strides = array<i32>} : memref<64xi32, #tpu.memory_space<vmem>>, vector<16xi32>,
      %scan3A_610 = arith.constant 0 : i32
      %scan3A_611 = arith.constant 0 : i32
      %scan3A_612 = arith.constant 64 : i32
      %scan3A_613 = arith.addi %scan3A_611, %scan3A_612 : i32
      %scan3A_614 = arith.constant 4 : i32
      scf.for %scan3A_631 = %scan3A_611 to %scan3A_613 step %scan3A_614  : i32 {
        %get3A_632 = arith.constant 1 : i32
        %get3A_633 = arith.index_cast %get3A_632 : i32 to index
        %get3A_634 = arith.index_cast %scan3A_631 : i32 to index
        %get3A_635 = arith.constant 0 : index
        %get3A_636 = tpu.vector_load %arg14[%get3A_633, %get3A_634, %get3A_635] {strides = array<i32>} : memref<2x64x128xf32, #tpu.memory_space<vmem>>, vector<1x1x16xf32>,
        %get3A_637 = vector.shape_cast %get3A_636 : vector<1x1x16xf32> to vector<16xf32>
        %get3A_638 = arith.constant 1 : i32
        %get3A_639 = arith.index_cast %get3A_638 : i32 to index
        %get3A_640 = arith.index_cast %scan3A_631 : i32 to index
        %get3A_641 = arith.constant 0 : index
        %get3A_642 = tpu.vector_load %arg15[%get3A_639, %get3A_640, %get3A_641] {strides = array<i32>} : memref<2x64x128xf32, #tpu.memory_space<vmem>>, vector<1x1x16xf32>,
        %get3A_643 = vector.shape_cast %get3A_642 : vector<1x1x16xf32> to vector<16xf32>
        %mul3A_644 = arith.mulf %get3A_637, %get3A_643 : vector<16xf32>
        %get3A_645 = arith.constant 1 : i32
        %get3A_646 = arith.index_cast %get3A_645 : i32 to index
        %get3A_647 = arith.index_cast %scan3A_631 : i32 to index
        %get3A_648 = arith.constant 16 : index
        %get3A_649 = tpu.vector_load %arg14[%get3A_646, %get3A_647, %get3A_648] {strides = array<i32>} : memref<2x64x128xf32, #tpu.memory_space<vmem>>, vector<1x1x16xf32>,
        %get3A_650 = vector.shape_cast %get3A_649 : vector<1x1x16xf32> to vector<16xf32>
        %get3A_651 = arith.constant 1 : i32
        %get3A_652 = arith.index_cast %get3A_651 : i32 to index
        %get3A_653 = arith.index_cast %scan3A_631 : i32 to index
        %get3A_654 = arith.constant 16 : index
        %get3A_655 = tpu.vector_load %arg15[%get3A_652, %get3A_653, %get3A_654] {strides = array<i32>} : memref<2x64x128xf32, #tpu.memory_space<vmem>>, vector<1x1x16xf32>,
        %get3A_656 = vector.shape_cast %get3A_655 : vector<1x1x16xf32> to vector<16xf32>
        %mul3A_657 = arith.mulf %get3A_650, %get3A_656 : vector<16xf32>
        %get3A_658 = arith.constant 1 : i32
        %get3A_659 = arith.index_cast %get3A_658 : i32 to index
        %get3A_660 = arith.index_cast %scan3A_631 : i32 to index
        %get3A_661 = arith.constant 32 : index
        %get3A_662 = tpu.vector_load %arg14[%get3A_659, %get3A_660, %get3A_661] {strides = array<i32>} : memref<2x64x128xf32, #tpu.memory_space<vmem>>, vector<1x1x16xf32>,
        %get3A_663 = vector.shape_cast %get3A_662 : vector<1x1x16xf32> to vector<16xf32>
        %get3A_664 = arith.constant 1 : i32
        %get3A_665 = arith.index_cast %get3A_664 : i32 to index
        %get3A_666 = arith.index_cast %scan3A_631 : i32 to index
        %get3A_667 = arith.constant 32 : index
        %get3A_668 = tpu.vector_load %arg15[%get3A_665, %get3A_666, %get3A_667] {strides = array<i32>} : memref<2x64x128xf32, #tpu.memory_space<vmem>>, vector<1x1x16xf32>,
        %get3A_669 = vector.shape_cast %get3A_668 : vector<1x1x16xf32> to vector<16xf32>
        %mul3A_670 = arith.mulf %get3A_663, %get3A_669 : vector<16xf32>
        %get3A_671 = arith.constant 1 : i32
        %get3A_672 = arith.index_cast %get3A_671 : i32 to index
        %get3A_673 = arith.index_cast %scan3A_631 : i32 to index
        %get3A_674 = arith.constant 48 : index
        %get3A_675 = tpu.vector_load %arg14[%get3A_672, %get3A_673, %get3A_674] {strides = array<i32>} : memref<2x64x128xf32, #tpu.memory_space<vmem>>, vector<1x1x16xf32>,
        %get3A_676 = vector.shape_cast %get3A_675 : vector<1x1x16xf32> to vector<16xf32>
        %get3A_677 = arith.constant 1 : i32
        %get3A_678 = arith.index_cast %get3A_677 : i32 to index
        %get3A_679 = arith.index_cast %scan3A_631 : i32 to index
        %get3A_680 = arith.constant 48 : index
        %get3A_681 = tpu.vector_load %arg15[%get3A_678, %get3A_679, %get3A_680] {strides = array<i32>} : memref<2x64x128xf32, #tpu.memory_space<vmem>>, vector<1x1x16xf32>,
        %get3A_682 = vector.shape_cast %get3A_681 : vector<1x1x16xf32> to vector<16xf32>
        %mul3A_683 = arith.mulf %get3A_676, %get3A_682 : vector<16xf32>
        %get3A_684 = arith.constant 1 : i32
        %get3A_685 = arith.index_cast %get3A_684 : i32 to index
        %get3A_686 = arith.index_cast %scan3A_631 : i32 to index
        %get3A_687 = arith.constant 64 : index
        %get3A_688 = tpu.vector_load %arg14[%get3A_685, %get3A_686, %get3A_687] {strides = array<i32>} : memref<2x64x128xf32, #tpu.memory_space<vmem>>, vector<1x1x16xf32>,
        %get3A_689 = vector.shape_cast %get3A_688 : vector<1x1x16xf32> to vector<16xf32>
        %get3A_690 = arith.constant 1 : i32
        %get3A_691 = arith.index_cast %get3A_690 : i32 to index
        %get3A_692 = arith.index_cast %scan3A_631 : i32 to index
        %get3A_693 = arith.constant 64 : index
        %get3A_694 = tpu.vector_load %arg15[%get3A_691, %get3A_692, %get3A_693] {strides = array<i32>} : memref<2x64x128xf32, #tpu.memory_space<vmem>>, vector<1x1x16xf32>,
        %get3A_695 = vector.shape_cast %get3A_694 : vector<1x1x16xf32> to vector<16xf32>
        %mul3A_696 = arith.mulf %get3A_689, %get3A_695 : vector<16xf32>
        %get3A_697 = arith.constant 1 : i32
        %get3A_698 = arith.index_cast %get3A_697 : i32 to index
        %get3A_699 = arith.index_cast %scan3A_631 : i32 to index
        %get3A_700 = arith.constant 80 : index
        %get3A_701 = tpu.vector_load %arg14[%get3A_698, %get3A_699, %get3A_700] {strides = array<i32>} : memref<2x64x128xf32, #tpu.memory_space<vmem>>, vector<1x1x16xf32>,
        %get3A_702 = vector.shape_cast %get3A_701 : vector<1x1x16xf32> to vector<16xf32>
        %get3A_703 = arith.constant 1 : i32
        %get3A_704 = arith.index_cast %get3A_703 : i32 to index
        %get3A_705 = arith.index_cast %scan3A_631 : i32 to index
        %get3A_706 = arith.constant 80 : index
        %get3A_707 = tpu.vector_load %arg15[%get3A_704, %get3A_705, %get3A_706] {strides = array<i32>} : memref<2x64x128xf32, #tpu.memory_space<vmem>>, vector<1x1x16xf32>,
        %get3A_708 = vector.shape_cast %get3A_707 : vector<1x1x16xf32> to vector<16xf32>
        %mul3A_709 = arith.mulf %get3A_702, %get3A_708 : vector<16xf32>
        %get3A_710 = arith.constant 1 : i32
        %get3A_711 = arith.index_cast %get3A_710 : i32 to index
        %get3A_712 = arith.index_cast %scan3A_631 : i32 to index
        %get3A_713 = arith.constant 96 : index
        %get3A_714 = tpu.vector_load %arg14[%get3A_711, %get3A_712, %get3A_713] {strides = array<i32>} : memref<2x64x128xf32, #tpu.memory_space<vmem>>, vector<1x1x16xf32>,
        %get3A_715 = vector.shape_cast %get3A_714 : vector<1x1x16xf32> to vector<16xf32>
        %get3A_716 = arith.constant 1 : i32
        %get3A_717 = arith.index_cast %get3A_716 : i32 to index
        %get3A_718 = arith.index_cast %scan3A_631 : i32 to index
        %get3A_719 = arith.constant 96 : index
        %get3A_720 = tpu.vector_load %arg15[%get3A_717, %get3A_718, %get3A_719] {strides = array<i32>} : memref<2x64x128xf32, #tpu.memory_space<vmem>>, vector<1x1x16xf32>,
        %get3A_721 = vector.shape_cast %get3A_720 : vector<1x1x16xf32> to vector<16xf32>
        %mul3A_722 = arith.mulf %get3A_715, %get3A_721 : vector<16xf32>
        %get3A_723 = arith.constant 1 : i32
        %get3A_724 = arith.index_cast %get3A_723 : i32 to index
        %get3A_725 = arith.index_cast %scan3A_631 : i32 to index
        %get3A_726 = arith.constant 112 : index
        %get3A_727 = tpu.vector_load %arg14[%get3A_724, %get3A_725, %get3A_726] {strides = array<i32>} : memref<2x64x128xf32, #tpu.memory_space<vmem>>, vector<1x1x16xf32>,
        %get3A_728 = vector.shape_cast %get3A_727 : vector<1x1x16xf32> to vector<16xf32>
        %get3A_729 = arith.constant 1 : i32
        %get3A_730 = arith.index_cast %get3A_729 : i32 to index
        %get3A_731 = arith.index_cast %scan3A_631 : i32 to index
        %get3A_732 = arith.constant 112 : index
        %get3A_733 = tpu.vector_load %arg15[%get3A_730, %get3A_731, %get3A_732] {strides = array<i32>} : memref<2x64x128xf32, #tpu.memory_space<vmem>>, vector<1x1x16xf32>,
        %get3A_734 = vector.shape_cast %get3A_733 : vector<1x1x16xf32> to vector<16xf32>
        %mul3A_735 = arith.mulf %get3A_728, %get3A_734 : vector<16xf32>
        %swap3A_736 = arith.constant 1 : i32
        %swap3A_737 = arith.index_cast %swap3A_736 : i32 to index
        %swap3A_738 = arith.index_cast %scan3A_631 : i32 to index
        %swap3A_739 = arith.constant 0 : index
        %swap3A_740 = tpu.vector_load %arg16[%swap3A_737, %swap3A_738, %swap3A_739] {strides = array<i32>} : memref<2x64x128xf32, #tpu.memory_space<vmem>>, vector<1x1x16xf32>,
        %swap3A_741 = vector.shape_cast %swap3A_740 : vector<1x1x16xf32> to vector<16xf32>
        %swap3A_742 = vector.shape_cast %mul3A_644 : vector<16xf32> to vector<1x1x16xf32>
        tpu.vector_store %arg16[%swap3A_737, %swap3A_738, %swap3A_739], %swap3A_742 {strides = array<i32>} : memref<2x64x128xf32, #tpu.memory_space<vmem>>, vector<1x1x16xf32>,
        %swap3A_743 = arith.constant 1 : i32
        %swap3A_744 = arith.index_cast %swap3A_743 : i32 to index
        %swap3A_745 = arith.index_cast %scan3A_631 : i32 to index
        %swap3A_746 = arith.constant 16 : index
        %swap3A_747 = tpu.vector_load %arg16[%swap3A_744, %swap3A_745, %swap3A_746] {strides = array<i32>} : memref<2x64x128xf32, #tpu.memory_space<vmem>>, vector<1x1x16xf32>,
        %swap3A_748 = vector.shape_cast %swap3A_747 : vector<1x1x16xf32> to vector<16xf32>
        %swap3A_749 = vector.shape_cast %mul3A_657 : vector<16xf32> to vector<1x1x16xf32>
        tpu.vector_store %arg16[%swap3A_744, %swap3A_745, %swap3A_746], %swap3A_749 {strides = array<i32>} : memref<2x64x128xf32, #tpu.memory_space<vmem>>, vector<1x1x16xf32>,
        %swap3A_750 = arith.constant 1 : i32
        %swap3A_751 = arith.index_cast %swap3A_750 : i32 to index
        %swap3A_752 = arith.index_cast %scan3A_631 : i32 to index
        %swap3A_753 = arith.constant 32 : index
        %swap3A_754 = tpu.vector_load %arg16[%swap3A_751, %swap3A_752, %swap3A_753] {strides = array<i32>} : memref<2x64x128xf32, #tpu.memory_space<vmem>>, vector<1x1x16xf32>,
        %swap3A_755 = vector.shape_cast %swap3A_754 : vector<1x1x16xf32> to vector<16xf32>
        %swap3A_756 = vector.shape_cast %mul3A_670 : vector<16xf32> to vector<1x1x16xf32>
        tpu.vector_store %arg16[%swap3A_751, %swap3A_752, %swap3A_753], %swap3A_756 {strides = array<i32>} : memref<2x64x128xf32, #tpu.memory_space<vmem>>, vector<1x1x16xf32>,
        %swap3A_757 = arith.constant 1 : i32
        %swap3A_758 = arith.index_cast %swap3A_757 : i32 to index
        %swap3A_759 = arith.index_cast %scan3A_631 : i32 to index
        %swap3A_760 = arith.constant 48 : index
        %swap3A_761 = tpu.vector_load %arg16[%swap3A_758, %swap3A_759, %swap3A_760] {strides = array<i32>} : memref<2x64x128xf32, #tpu.memory_space<vmem>>, vector<1x1x16xf32>,
        %swap3A_762 = vector.shape_cast %swap3A_761 : vector<1x1x16xf32> to vector<16xf32>
        %swap3A_763 = vector.shape_cast %mul3A_683 : vector<16xf32> to vector<1x1x16xf32>
        tpu.vector_store %arg16[%swap3A_758, %swap3A_759, %swap3A_760], %swap3A_763 {strides = array<i32>} : memref<2x64x128xf32, #tpu.memory_space<vmem>>, vector<1x1x16xf32>,
        %swap3A_764 = arith.constant 1 : i32
        %swap3A_765 = arith.index_cast %swap3A_764 : i32 to index
        %swap3A_766 = arith.index_cast %scan3A_631 : i32 to index
        %swap3A_767 = arith.constant 64 : index
        %swap3A_768 = tpu.vector_load %arg16[%swap3A_765, %swap3A_766, %swap3A_767] {strides = array<i32>} : memref<2x64x128xf32, #tpu.memory_space<vmem>>, vector<1x1x16xf32>,
        %swap3A_769 = vector.shape_cast %swap3A_768 : vector<1x1x16xf32> to vector<16xf32>
        %swap3A_770 = vector.shape_cast %mul3A_696 : vector<16xf32> to vector<1x1x16xf32>
        tpu.vector_store %arg16[%swap3A_765, %swap3A_766, %swap3A_767], %swap3A_770 {strides = array<i32>} : memref<2x64x128xf32, #tpu.memory_space<vmem>>, vector<1x1x16xf32>,
        %swap3A_771 = arith.constant 1 : i32
        %swap3A_772 = arith.index_cast %swap3A_771 : i32 to index
        %swap3A_773 = arith.index_cast %scan3A_631 : i32 to index
        %swap3A_774 = arith.constant 80 : index
        %swap3A_775 = tpu.vector_load %arg16[%swap3A_772, %swap3A_773, %swap3A_774] {strides = array<i32>} : memref<2x64x128xf32, #tpu.memory_space<vmem>>, vector<1x1x16xf32>,
        %swap3A_776 = vector.shape_cast %swap3A_775 : vector<1x1x16xf32> to vector<16xf32>
        %swap3A_777 = vector.shape_cast %mul3A_709 : vector<16xf32> to vector<1x1x16xf32>
        tpu.vector_store %arg16[%swap3A_772, %swap3A_773, %swap3A_774], %swap3A_777 {strides = array<i32>} : memref<2x64x128xf32, #tpu.memory_space<vmem>>, vector<1x1x16xf32>,
        %swap3A_778 = arith.constant 1 : i32
        %swap3A_779 = arith.index_cast %swap3A_778 : i32 to index
        %swap3A_780 = arith.index_cast %scan3A_631 : i32 to index
        %swap3A_781 = arith.constant 96 : index
        %swap3A_782 = tpu.vector_load %arg16[%swap3A_779, %swap3A_780, %swap3A_781] {strides = array<i32>} : memref<2x64x128xf32, #tpu.memory_space<vmem>>, vector<1x1x16xf32>,
        %swap3A_783 = vector.shape_cast %swap3A_782 : vector<1x1x16xf32> to vector<16xf32>
        %swap3A_784 = vector.shape_cast %mul3A_722 : vector<16xf32> to vector<1x1x16xf32>
        tpu.vector_store %arg16[%swap3A_779, %swap3A_780, %swap3A_781], %swap3A_784 {strides = array<i32>} : memref<2x64x128xf32, #tpu.memory_space<vmem>>, vector<1x1x16xf32>,
        %swap3A_785 = arith.constant 1 : i32
        %swap3A_786 = arith.index_cast %swap3A_785 : i32 to index
        %swap3A_787 = arith.index_cast %scan3A_631 : i32 to index
        %swap3A_788 = arith.constant 112 : index
        %swap3A_789 = tpu.vector_load %arg16[%swap3A_786, %swap3A_787, %swap3A_788] {strides = array<i32>} : memref<2x64x128xf32, #tpu.memory_space<vmem>>, vector<1x1x16xf32>,
        %swap3A_790 = vector.shape_cast %swap3A_789 : vector<1x1x16xf32> to vector<16xf32>
        %swap3A_791 = vector.shape_cast %mul3A_735 : vector<16xf32> to vector<1x1x16xf32>
        tpu.vector_store %arg16[%swap3A_786, %swap3A_787, %swap3A_788], %swap3A_791 {strides = array<i32>} : memref<2x64x128xf32, #tpu.memory_space<vmem>>, vector<1x1x16xf32>,
        %scan3A_792 = arith.constant 1 : i32
        %scan3A_793 = arith.addi %scan3A_631, %scan3A_792 : i32
        %get3A_794 = arith.constant 1 : i32
        %get3A_795 = arith.index_cast %get3A_794 : i32 to index
        %get3A_796 = arith.index_cast %scan3A_793 : i32 to index
        %get3A_797 = arith.constant 0 : index
        %get3A_798 = tpu.vector_load %arg14[%get3A_795, %get3A_796, %get3A_797] {strides = array<i32>} : memref<2x64x128xf32, #tpu.memory_space<vmem>>, vector<1x1x16xf32>,
        %get3A_799 = vector.shape_cast %get3A_798 : vector<1x1x16xf32> to vector<16xf32>
        %get3A_800 = arith.constant 1 : i32
        %get3A_801 = arith.index_cast %get3A_800 : i32 to index
        %get3A_802 = arith.index_cast %scan3A_793 : i32 to index
        %get3A_803 = arith.constant 0 : index
        %get3A_804 = tpu.vector_load %arg15[%get3A_801, %get3A_802, %get3A_803] {strides = array<i32>} : memref<2x64x128xf32, #tpu.memory_space<vmem>>, vector<1x1x16xf32>,
        %get3A_805 = vector.shape_cast %get3A_804 : vector<1x1x16xf32> to vector<16xf32>
        %mul3A_806 = arith.mulf %get3A_799, %get3A_805 : vector<16xf32>
        %get3A_807 = arith.constant 1 : i32
        %get3A_808 = arith.index_cast %get3A_807 : i32 to index
        %get3A_809 = arith.index_cast %scan3A_793 : i32 to index
        %get3A_810 = arith.constant 16 : index
        %get3A_811 = tpu.vector_load %arg14[%get3A_808, %get3A_809, %get3A_810] {strides = array<i32>} : memref<2x64x128xf32, #tpu.memory_space<vmem>>, vector<1x1x16xf32>,
        %get3A_812 = vector.shape_cast %get3A_811 : vector<1x1x16xf32> to vector<16xf32>
        %get3A_813 = arith.constant 1 : i32
        %get3A_814 = arith.index_cast %get3A_813 : i32 to index
        %get3A_815 = arith.index_cast %scan3A_793 : i32 to index
        %get3A_816 = arith.constant 16 : index
        %get3A_817 = tpu.vector_load %arg15[%get3A_814, %get3A_815, %get3A_816] {strides = array<i32>} : memref<2x64x128xf32, #tpu.memory_space<vmem>>, vector<1x1x16xf32>,
        %get3A_818 = vector.shape_cast %get3A_817 : vector<1x1x16xf32> to vector<16xf32>
        %mul3A_819 = arith.mulf %get3A_812, %get3A_818 : vector<16xf32>
        %get3A_820 = arith.constant 1 : i32
        %get3A_821 = arith.index_cast %get3A_820 : i32 to index
        %get3A_822 = arith.index_cast %scan3A_793 : i32 to index
        %get3A_823 = arith.constant 32 : index
        %get3A_824 = tpu.vector_load %arg14[%get3A_821, %get3A_822, %get3A_823] {strides = array<i32>} : memref<2x64x128xf32, #tpu.memory_space<vmem>>, vector<1x1x16xf32>,
        %get3A_825 = vector.shape_cast %get3A_824 : vector<1x1x16xf32> to vector<16xf32>
        %get3A_826 = arith.constant 1 : i32
        %get3A_827 = arith.index_cast %get3A_826 : i32 to index
        %get3A_828 = arith.index_cast %scan3A_793 : i32 to index
        %get3A_829 = arith.constant 32 : index
        %get3A_830 = tpu.vector_load %arg15[%get3A_827, %get3A_828, %get3A_829] {strides = array<i32>} : memref<2x64x128xf32, #tpu.memory_space<vmem>>, vector<1x1x16xf32>,
        %get3A_831 = vector.shape_cast %get3A_830 : vector<1x1x16xf32> to vector<16xf32>
        %mul3A_832 = arith.mulf %get3A_825, %get3A_831 : vector<16xf32>
        %get3A_833 = arith.constant 1 : i32
        %get3A_834 = arith.index_cast %get3A_833 : i32 to index
        %get3A_835 = arith.index_cast %scan3A_793 : i32 to index
        %get3A_836 = arith.constant 48 : index
        %get3A_837 = tpu.vector_load %arg14[%get3A_834, %get3A_835, %get3A_836] {strides = array<i32>} : memref<2x64x128xf32, #tpu.memory_space<vmem>>, vector<1x1x16xf32>,
        %get3A_838 = vector.shape_cast %get3A_837 : vector<1x1x16xf32> to vector<16xf32>
        %get3A_839 = arith.constant 1 : i32
        %get3A_840 = arith.index_cast %get3A_839 : i32 to index
        %get3A_841 = arith.index_cast %scan3A_793 : i32 to index
        %get3A_842 = arith.constant 48 : index
        %get3A_843 = tpu.vector_load %arg15[%get3A_840, %get3A_841, %get3A_842] {strides = array<i32>} : memref<2x64x128xf32, #tpu.memory_space<vmem>>, vector<1x1x16xf32>,
        %get3A_844 = vector.shape_cast %get3A_843 : vector<1x1x16xf32> to vector<16xf32>
        %mul3A_845 = arith.mulf %get3A_838, %get3A_844 : vector<16xf32>
        %get3A_846 = arith.constant 1 : i32
        %get3A_847 = arith.index_cast %get3A_846 : i32 to index
        %get3A_848 = arith.index_cast %scan3A_793 : i32 to index
        %get3A_849 = arith.constant 64 : index
        %get3A_850 = tpu.vector_load %arg14[%get3A_847, %get3A_848, %get3A_849] {strides = array<i32>} : memref<2x64x128xf32, #tpu.memory_space<vmem>>, vector<1x1x16xf32>,
        %get3A_851 = vector.shape_cast %get3A_850 : vector<1x1x16xf32> to vector<16xf32>
        %get3A_852 = arith.constant 1 : i32
        %get3A_853 = arith.index_cast %get3A_852 : i32 to index
        %get3A_854 = arith.index_cast %scan3A_793 : i32 to index
        %get3A_855 = arith.constant 64 : index
        %get3A_856 = tpu.vector_load %arg15[%get3A_853, %get3A_854, %get3A_855] {strides = array<i32>} : memref<2x64x128xf32, #tpu.memory_space<vmem>>, vector<1x1x16xf32>,
        %get3A_857 = vector.shape_cast %get3A_856 : vector<1x1x16xf32> to vector<16xf32>
        %mul3A_858 = arith.mulf %get3A_851, %get3A_857 : vector<16xf32>
        %get3A_859 = arith.constant 1 : i32
        %get3A_860 = arith.index_cast %get3A_859 : i32 to index
        %get3A_861 = arith.index_cast %scan3A_793 : i32 to index
        %get3A_862 = arith.constant 80 : index
        %get3A_863 = tpu.vector_load %arg14[%get3A_860, %get3A_861, %get3A_862] {strides = array<i32>} : memref<2x64x128xf32, #tpu.memory_space<vmem>>, vector<1x1x16xf32>,
        %get3A_864 = vector.shape_cast %get3A_863 : vector<1x1x16xf32> to vector<16xf32>
        %get3A_865 = arith.constant 1 : i32
        %get3A_866 = arith.index_cast %get3A_865 : i32 to index
        %get3A_867 = arith.index_cast %scan3A_793 : i32 to index
        %get3A_868 = arith.constant 80 : index
        %get3A_869 = tpu.vector_load %arg15[%get3A_866, %get3A_867, %get3A_868] {strides = array<i32>} : memref<2x64x128xf32, #tpu.memory_space<vmem>>, vector<1x1x16xf32>,
        %get3A_870 = vector.shape_cast %get3A_869 : vector<1x1x16xf32> to vector<16xf32>
        %mul3A_871 = arith.mulf %get3A_864, %get3A_870 : vector<16xf32>
        %get3A_872 = arith.constant 1 : i32
        %get3A_873 = arith.index_cast %get3A_872 : i32 to index
        %get3A_874 = arith.index_cast %scan3A_793 : i32 to index
        %get3A_875 = arith.constant 96 : index
        %get3A_876 = tpu.vector_load %arg14[%get3A_873, %get3A_874, %get3A_875] {strides = array<i32>} : memref<2x64x128xf32, #tpu.memory_space<vmem>>, vector<1x1x16xf32>,
        %get3A_877 = vector.shape_cast %get3A_876 : vector<1x1x16xf32> to vector<16xf32>
        %get3A_878 = arith.constant 1 : i32
        %get3A_879 = arith.index_cast %get3A_878 : i32 to index
        %get3A_880 = arith.index_cast %scan3A_793 : i32 to index
        %get3A_881 = arith.constant 96 : index
        %get3A_882 = tpu.vector_load %arg15[%get3A_879, %get3A_880, %get3A_881] {strides = array<i32>} : memref<2x64x128xf32, #tpu.memory_space<vmem>>, vector<1x1x16xf32>,
        %get3A_883 = vector.shape_cast %get3A_882 : vector<1x1x16xf32> to vector<16xf32>
        %mul3A_884 = arith.mulf %get3A_877, %get3A_883 : vector<16xf32>
        %get3A_885 = arith.constant 1 : i32
        %get3A_886 = arith.index_cast %get3A_885 : i32 to index
        %get3A_887 = arith.index_cast %scan3A_793 : i32 to index
        %get3A_888 = arith.constant 112 : index
        %get3A_889 = tpu.vector_load %arg14[%get3A_886, %get3A_887, %get3A_888] {strides = array<i32>} : memref<2x64x128xf32, #tpu.memory_space<vmem>>, vector<1x1x16xf32>,
        %get3A_890 = vector.shape_cast %get3A_889 : vector<1x1x16xf32> to vector<16xf32>
        %get3A_891 = arith.constant 1 : i32
        %get3A_892 = arith.index_cast %get3A_891 : i32 to index
        %get3A_893 = arith.index_cast %scan3A_793 : i32 to index
        %get3A_894 = arith.constant 112 : index
        %get3A_895 = tpu.vector_load %arg15[%get3A_892, %get3A_893, %get3A_894] {strides = array<i32>} : memref<2x64x128xf32, #tpu.memory_space<vmem>>, vector<1x1x16xf32>,
        %get3A_896 = vector.shape_cast %get3A_895 : vector<1x1x16xf32> to vector<16xf32>
        %mul3A_897 = arith.mulf %get3A_890, %get3A_896 : vector<16xf32>
        %swap3A_898 = arith.constant 1 : i32
        %swap3A_899 = arith.index_cast %swap3A_898 : i32 to index
        %swap3A_900 = arith.index_cast %scan3A_793 : i32 to index
        %swap3A_901 = arith.constant 0 : index
        %swap3A_902 = tpu.vector_load %arg16[%swap3A_899, %swap3A_900, %swap3A_901] {strides = array<i32>} : memref<2x64x128xf32, #tpu.memory_space<vmem>>, vector<1x1x16xf32>,
        %swap3A_903 = vector.shape_cast %swap3A_902 : vector<1x1x16xf32> to vector<16xf32>
        %swap3A_904 = vector.shape_cast %mul3A_806 : vector<16xf32> to vector<1x1x16xf32>
        tpu.vector_store %arg16[%swap3A_899, %swap3A_900, %swap3A_901], %swap3A_904 {strides = array<i32>} : memref<2x64x128xf32, #tpu.memory_space<vmem>>, vector<1x1x16xf32>,
        %swap3A_905 = arith.constant 1 : i32
        %swap3A_906 = arith.index_cast %swap3A_905 : i32 to index
        %swap3A_907 = arith.index_cast %scan3A_793 : i32 to index
        %swap3A_908 = arith.constant 16 : index
        %swap3A_909 = tpu.vector_load %arg16[%swap3A_906, %swap3A_907, %swap3A_908] {strides = array<i32>} : memref<2x64x128xf32, #tpu.memory_space<vmem>>, vector<1x1x16xf32>,
        %swap3A_910 = vector.shape_cast %swap3A_909 : vector<1x1x16xf32> to vector<16xf32>
        %swap3A_911 = vector.shape_cast %mul3A_819 : vector<16xf32> to vector<1x1x16xf32>
        tpu.vector_store %arg16[%swap3A_906, %swap3A_907, %swap3A_908], %swap3A_911 {strides = array<i32>} : memref<2x64x128xf32, #tpu.memory_space<vmem>>, vector<1x1x16xf32>,
        %swap3A_912 = arith.constant 1 : i32
        %swap3A_913 = arith.index_cast %swap3A_912 : i32 to index
        %swap3A_914 = arith.index_cast %scan3A_793 : i32 to index
        %swap3A_915 = arith.constant 32 : index
        %swap3A_916 = tpu.vector_load %arg16[%swap3A_913, %swap3A_914, %swap3A_915] {strides = array<i32>} : memref<2x64x128xf32, #tpu.memory_space<vmem>>, vector<1x1x16xf32>,
        %swap3A_917 = vector.shape_cast %swap3A_916 : vector<1x1x16xf32> to vector<16xf32>
        %swap3A_918 = vector.shape_cast %mul3A_832 : vector<16xf32> to vector<1x1x16xf32>
        tpu.vector_store %arg16[%swap3A_913, %swap3A_914, %swap3A_915], %swap3A_918 {strides = array<i32>} : memref<2x64x128xf32, #tpu.memory_space<vmem>>, vector<1x1x16xf32>,
        %swap3A_919 = arith.constant 1 : i32
        %swap3A_920 = arith.index_cast %swap3A_919 : i32 to index
        %swap3A_921 = arith.index_cast %scan3A_793 : i32 to index
        %swap3A_922 = arith.constant 48 : index
        %swap3A_923 = tpu.vector_load %arg16[%swap3A_920, %swap3A_921, %swap3A_922] {strides = array<i32>} : memref<2x64x128xf32, #tpu.memory_space<vmem>>, vector<1x1x16xf32>,
        %swap3A_924 = vector.shape_cast %swap3A_923 : vector<1x1x16xf32> to vector<16xf32>
        %swap3A_925 = vector.shape_cast %mul3A_845 : vector<16xf32> to vector<1x1x16xf32>
        tpu.vector_store %arg16[%swap3A_920, %swap3A_921, %swap3A_922], %swap3A_925 {strides = array<i32>} : memref<2x64x128xf32, #tpu.memory_space<vmem>>, vector<1x1x16xf32>,
        %swap3A_926 = arith.constant 1 : i32
        %swap3A_927 = arith.index_cast %swap3A_926 : i32 to index
        %swap3A_928 = arith.index_cast %scan3A_793 : i32 to index
        %swap3A_929 = arith.constant 64 : index
        %swap3A_930 = tpu.vector_load %arg16[%swap3A_927, %swap3A_928, %swap3A_929] {strides = array<i32>} : memref<2x64x128xf32, #tpu.memory_space<vmem>>, vector<1x1x16xf32>,
        %swap3A_931 = vector.shape_cast %swap3A_930 : vector<1x1x16xf32> to vector<16xf32>
        %swap3A_932 = vector.shape_cast %mul3A_858 : vector<16xf32> to vector<1x1x16xf32>
        tpu.vector_store %arg16[%swap3A_927, %swap3A_928, %swap3A_929], %swap3A_932 {strides = array<i32>} : memref<2x64x128xf32, #tpu.memory_space<vmem>>, vector<1x1x16xf32>,
        %swap3A_933 = arith.constant 1 : i32
        %swap3A_934 = arith.index_cast %swap3A_933 : i32 to index
        %swap3A_935 = arith.index_cast %scan3A_793 : i32 to index
        %swap3A_936 = arith.constant 80 : index
        %swap3A_937 = tpu.vector_load %arg16[%swap3A_934, %swap3A_935, %swap3A_936] {strides = array<i32>} : memref<2x64x128xf32, #tpu.memory_space<vmem>>, vector<1x1x16xf32>,
        %swap3A_938 = vector.shape_cast %swap3A_937 : vector<1x1x16xf32> to vector<16xf32>
        %swap3A_939 = vector.shape_cast %mul3A_871 : vector<16xf32> to vector<1x1x16xf32>
        tpu.vector_store %arg16[%swap3A_934, %swap3A_935, %swap3A_936], %swap3A_939 {strides = array<i32>} : memref<2x64x128xf32, #tpu.memory_space<vmem>>, vector<1x1x16xf32>,
        %swap3A_940 = arith.constant 1 : i32
        %swap3A_941 = arith.index_cast %swap3A_940 : i32 to index
        %swap3A_942 = arith.index_cast %scan3A_793 : i32 to index
        %swap3A_943 = arith.constant 96 : index
        %swap3A_944 = tpu.vector_load %arg16[%swap3A_941, %swap3A_942, %swap3A_943] {strides = array<i32>} : memref<2x64x128xf32, #tpu.memory_space<vmem>>, vector<1x1x16xf32>,
        %swap3A_945 = vector.shape_cast %swap3A_944 : vector<1x1x16xf32> to vector<16xf32>
        %swap3A_946 = vector.shape_cast %mul3A_884 : vector<16xf32> to vector<1x1x16xf32>
        tpu.vector_store %arg16[%swap3A_941, %swap3A_942, %swap3A_943], %swap3A_946 {strides = array<i32>} : memref<2x64x128xf32, #tpu.memory_space<vmem>>, vector<1x1x16xf32>,
        %swap3A_947 = arith.constant 1 : i32
        %swap3A_948 = arith.index_cast %swap3A_947 : i32 to index
        %swap3A_949 = arith.index_cast %scan3A_793 : i32 to index
        %swap3A_950 = arith.constant 112 : index
        %swap3A_951 = tpu.vector_load %arg16[%swap3A_948, %swap3A_949, %swap3A_950] {strides = array<i32>} : memref<2x64x128xf32, #tpu.memory_space<vmem>>, vector<1x1x16xf32>,
        %swap3A_952 = vector.shape_cast %swap3A_951 : vector<1x1x16xf32> to vector<16xf32>
        %swap3A_953 = vector.shape_cast %mul3A_897 : vector<16xf32> to vector<1x1x16xf32>
        tpu.vector_store %arg16[%swap3A_948, %swap3A_949, %swap3A_950], %swap3A_953 {strides = array<i32>} : memref<2x64x128xf32, #tpu.memory_space<vmem>>, vector<1x1x16xf32>,
        %scan3A_954 = arith.constant 2 : i32
        %scan3A_955 = arith.addi %scan3A_631, %scan3A_954 : i32
        %get3A_956 = arith.constant 1 : i32
        %get3A_957 = arith.index_cast %get3A_956 : i32 to index
        %get3A_958 = arith.index_cast %scan3A_955 : i32 to index
        %get3A_959 = arith.constant 0 : index
        %get3A_960 = tpu.vector_load %arg14[%get3A_957, %get3A_958, %get3A_959] {strides = array<i32>} : memref<2x64x128xf32, #tpu.memory_space<vmem>>, vector<1x1x16xf32>,
        %get3A_961 = vector.shape_cast %get3A_960 : vector<1x1x16xf32> to vector<16xf32>
        %get3A_962 = arith.constant 1 : i32
        %get3A_963 = arith.index_cast %get3A_962 : i32 to index
        %get3A_964 = arith.index_cast %scan3A_955 : i32 to index
        %get3A_965 = arith.constant 0 : index
        %get3A_966 = tpu.vector_load %arg15[%get3A_963, %get3A_964, %get3A_965] {strides = array<i32>} : memref<2x64x128xf32, #tpu.memory_space<vmem>>, vector<1x1x16xf32>,
        %get3A_967 = vector.shape_cast %get3A_966 : vector<1x1x16xf32> to vector<16xf32>
        %mul3A_968 = arith.mulf %get3A_961, %get3A_967 : vector<16xf32>
        %get3A_969 = arith.constant 1 : i32
        %get3A_970 = arith.index_cast %get3A_969 : i32 to index
        %get3A_971 = arith.index_cast %scan3A_955 : i32 to index
        %get3A_972 = arith.constant 16 : index
        %get3A_973 = tpu.vector_load %arg14[%get3A_970, %get3A_971, %get3A_972] {strides = array<i32>} : memref<2x64x128xf32, #tpu.memory_space<vmem>>, vector<1x1x16xf32>,
        %get3A_974 = vector.shape_cast %get3A_973 : vector<1x1x16xf32> to vector<16xf32>
        %get3A_975 = arith.constant 1 : i32
        %get3A_976 = arith.index_cast %get3A_975 : i32 to index
        %get3A_977 = arith.index_cast %scan3A_955 : i32 to index
        %get3A_978 = arith.constant 16 : index
        %get3A_979 = tpu.vector_load %arg15[%get3A_976, %get3A_977, %get3A_978] {strides = array<i32>} : memref<2x64x128xf32, #tpu.memory_space<vmem>>, vector<1x1x16xf32>,
        %get3A_980 = vector.shape_cast %get3A_979 : vector<1x1x16xf32> to vector<16xf32>
        %mul3A_981 = arith.mulf %get3A_974, %get3A_980 : vector<16xf32>
        %get3A_982 = arith.constant 1 : i32
        %get3A_983 = arith.index_cast %get3A_982 : i32 to index
        %get3A_984 = arith.index_cast %scan3A_955 : i32 to index
        %get3A_985 = arith.constant 32 : index
        %get3A_986 = tpu.vector_load %arg14[%get3A_983, %get3A_984, %get3A_985] {strides = array<i32>} : memref<2x64x128xf32, #tpu.memory_space<vmem>>, vector<1x1x16xf32>,
        %get3A_987 = vector.shape_cast %get3A_986 : vector<1x1x16xf32> to vector<16xf32>
        %get3A_988 = arith.constant 1 : i32
        %get3A_989 = arith.index_cast %get3A_988 : i32 to index
        %get3A_990 = arith.index_cast %scan3A_955 : i32 to index
        %get3A_991 = arith.constant 32 : index
        %get3A_992 = tpu.vector_load %arg15[%get3A_989, %get3A_990, %get3A_991] {strides = array<i32>} : memref<2x64x128xf32, #tpu.memory_space<vmem>>, vector<1x1x16xf32>,
        %get3A_993 = vector.shape_cast %get3A_992 : vector<1x1x16xf32> to vector<16xf32>
        %mul3A_994 = arith.mulf %get3A_987, %get3A_993 : vector<16xf32>
        %get3A_995 = arith.constant 1 : i32
        %get3A_996 = arith.index_cast %get3A_995 : i32 to index
        %get3A_997 = arith.index_cast %scan3A_955 : i32 to index
        %get3A_998 = arith.constant 48 : index
        %get3A_999 = tpu.vector_load %arg14[%get3A_996, %get3A_997, %get3A_998] {strides = array<i32>} : memref<2x64x128xf32, #tpu.memory_space<vmem>>, vector<1x1x16xf32>,
        %get3A_1000 = vector.shape_cast %get3A_999 : vector<1x1x16xf32> to vector<16xf32>
        %get3A_1001 = arith.constant 1 : i32
        %get3A_1002 = arith.index_cast %get3A_1001 : i32 to index
        %get3A_1003 = arith.index_cast %scan3A_955 : i32 to index
        %get3A_1004 = arith.constant 48 : index
        %get3A_1005 = tpu.vector_load %arg15[%get3A_1002, %get3A_1003, %get3A_1004] {strides = array<i32>} : memref<2x64x128xf32, #tpu.memory_space<vmem>>, vector<1x1x16xf32>,
        %get3A_1006 = vector.shape_cast %get3A_1005 : vector<1x1x16xf32> to vector<16xf32>
        %mul3A_1007 = arith.mulf %get3A_1000, %get3A_1006 : vector<16xf32>
        %get3A_1008 = arith.constant 1 : i32
        %get3A_1009 = arith.index_cast %get3A_1008 : i32 to index
        %get3A_1010 = arith.index_cast %scan3A_955 : i32 to index
        %get3A_1011 = arith.constant 64 : index
        %get3A_1012 = tpu.vector_load %arg14[%get3A_1009, %get3A_1010, %get3A_1011] {strides = array<i32>} : memref<2x64x128xf32, #tpu.memory_space<vmem>>, vector<1x1x16xf32>,
        %get3A_1013 = vector.shape_cast %get3A_1012 : vector<1x1x16xf32> to vector<16xf32>
        %get3A_1014 = arith.constant 1 : i32
        %get3A_1015 = arith.index_cast %get3A_1014 : i32 to index
        %get3A_1016 = arith.index_cast %scan3A_955 : i32 to index
        %get3A_1017 = arith.constant 64 : index
        %get3A_1018 = tpu.vector_load %arg15[%get3A_1015, %get3A_1016, %get3A_1017] {strides = array<i32>} : memref<2x64x128xf32, #tpu.memory_space<vmem>>, vector<1x1x16xf32>,
        %get3A_1019 = vector.shape_cast %get3A_1018 : vector<1x1x16xf32> to vector<16xf32>
        %mul3A_1020 = arith.mulf %get3A_1013, %get3A_1019 : vector<16xf32>
        %get3A_1021 = arith.constant 1 : i32
        %get3A_1022 = arith.index_cast %get3A_1021 : i32 to index
        %get3A_1023 = arith.index_cast %scan3A_955 : i32 to index
        %get3A_1024 = arith.constant 80 : index
        %get3A_1025 = tpu.vector_load %arg14[%get3A_1022, %get3A_1023, %get3A_1024] {strides = array<i32>} : memref<2x64x128xf32, #tpu.memory_space<vmem>>, vector<1x1x16xf32>,
        %get3A_1026 = vector.shape_cast %get3A_1025 : vector<1x1x16xf32> to vector<16xf32>
        %get3A_1027 = arith.constant 1 : i32
        %get3A_1028 = arith.index_cast %get3A_1027 : i32 to index
        %get3A_1029 = arith.index_cast %scan3A_955 : i32 to index
        %get3A_1030 = arith.constant 80 : index
        %get3A_1031 = tpu.vector_load %arg15[%get3A_1028, %get3A_1029, %get3A_1030] {strides = array<i32>} : memref<2x64x128xf32, #tpu.memory_space<vmem>>, vector<1x1x16xf32>,
        %get3A_1032 = vector.shape_cast %get3A_1031 : vector<1x1x16xf32> to vector<16xf32>
        %mul3A_1033 = arith.mulf %get3A_1026, %get3A_1032 : vector<16xf32>
        %get3A_1034 = arith.constant 1 : i32
        %get3A_1035 = arith.index_cast %get3A_1034 : i32 to index
        %get3A_1036 = arith.index_cast %scan3A_955 : i32 to index
        %get3A_1037 = arith.constant 96 : index
        %get3A_1038 = tpu.vector_load %arg14[%get3A_1035, %get3A_1036, %get3A_1037] {strides = array<i32>} : memref<2x64x128xf32, #tpu.memory_space<vmem>>, vector<1x1x16xf32>,
        %get3A_1039 = vector.shape_cast %get3A_1038 : vector<1x1x16xf32> to vector<16xf32>
        %get3A_1040 = arith.constant 1 : i32
        %get3A_1041 = arith.index_cast %get3A_1040 : i32 to index
        %get3A_1042 = arith.index_cast %scan3A_955 : i32 to index
        %get3A_1043 = arith.constant 96 : index
        %get3A_1044 = tpu.vector_load %arg15[%get3A_1041, %get3A_1042, %get3A_1043] {strides = array<i32>} : memref<2x64x128xf32, #tpu.memory_space<vmem>>, vector<1x1x16xf32>,
        %get3A_1045 = vector.shape_cast %get3A_1044 : vector<1x1x16xf32> to vector<16xf32>
        %mul3A_1046 = arith.mulf %get3A_1039, %get3A_1045 : vector<16xf32>
        %get3A_1047 = arith.constant 1 : i32
        %get3A_1048 = arith.index_cast %get3A_1047 : i32 to index
        %get3A_1049 = arith.index_cast %scan3A_955 : i32 to index
        %get3A_1050 = arith.constant 112 : index
        %get3A_1051 = tpu.vector_load %arg14[%get3A_1048, %get3A_1049, %get3A_1050] {strides = array<i32>} : memref<2x64x128xf32, #tpu.memory_space<vmem>>, vector<1x1x16xf32>,
        %get3A_1052 = vector.shape_cast %get3A_1051 : vector<1x1x16xf32> to vector<16xf32>
        %get3A_1053 = arith.constant 1 : i32
        %get3A_1054 = arith.index_cast %get3A_1053 : i32 to index
        %get3A_1055 = arith.index_cast %scan3A_955 : i32 to index
        %get3A_1056 = arith.constant 112 : index
        %get3A_1057 = tpu.vector_load %arg15[%get3A_1054, %get3A_1055, %get3A_1056] {strides = array<i32>} : memref<2x64x128xf32, #tpu.memory_space<vmem>>, vector<1x1x16xf32>,
        %get3A_1058 = vector.shape_cast %get3A_1057 : vector<1x1x16xf32> to vector<16xf32>
        %mul3A_1059 = arith.mulf %get3A_1052, %get3A_1058 : vector<16xf32>
        %swap3A_1060 = arith.constant 1 : i32
        %swap3A_1061 = arith.index_cast %swap3A_1060 : i32 to index
        %swap3A_1062 = arith.index_cast %scan3A_955 : i32 to index
        %swap3A_1063 = arith.constant 0 : index
        %swap3A_1064 = tpu.vector_load %arg16[%swap3A_1061, %swap3A_1062, %swap3A_1063] {strides = array<i32>} : memref<2x64x128xf32, #tpu.memory_space<vmem>>, vector<1x1x16xf32>,
        %swap3A_1065 = vector.shape_cast %swap3A_1064 : vector<1x1x16xf32> to vector<16xf32>
        %swap3A_1066 = vector.shape_cast %mul3A_968 : vector<16xf32> to vector<1x1x16xf32>
        tpu.vector_store %arg16[%swap3A_1061, %swap3A_1062, %swap3A_1063], %swap3A_1066 {strides = array<i32>} : memref<2x64x128xf32, #tpu.memory_space<vmem>>, vector<1x1x16xf32>,
        %swap3A_1067 = arith.constant 1 : i32
        %swap3A_1068 = arith.index_cast %swap3A_1067 : i32 to index
        %swap3A_1069 = arith.index_cast %scan3A_955 : i32 to index
        %swap3A_1070 = arith.constant 16 : index
        %swap3A_1071 = tpu.vector_load %arg16[%swap3A_1068, %swap3A_1069, %swap3A_1070] {strides = array<i32>} : memref<2x64x128xf32, #tpu.memory_space<vmem>>, vector<1x1x16xf32>,
        %swap3A_1072 = vector.shape_cast %swap3A_1071 : vector<1x1x16xf32> to vector<16xf32>
        %swap3A_1073 = vector.shape_cast %mul3A_981 : vector<16xf32> to vector<1x1x16xf32>
        tpu.vector_store %arg16[%swap3A_1068, %swap3A_1069, %swap3A_1070], %swap3A_1073 {strides = array<i32>} : memref<2x64x128xf32, #tpu.memory_space<vmem>>, vector<1x1x16xf32>,
        %swap3A_1074 = arith.constant 1 : i32
        %swap3A_1075 = arith.index_cast %swap3A_1074 : i32 to index
        %swap3A_1076 = arith.index_cast %scan3A_955 : i32 to index
        %swap3A_1077 = arith.constant 32 : index
        %swap3A_1078 = tpu.vector_load %arg16[%swap3A_1075, %swap3A_1076, %swap3A_1077] {strides = array<i32>} : memref<2x64x128xf32, #tpu.memory_space<vmem>>, vector<1x1x16xf32>,
        %swap3A_1079 = vector.shape_cast %swap3A_1078 : vector<1x1x16xf32> to vector<16xf32>
        %swap3A_1080 = vector.shape_cast %mul3A_994 : vector<16xf32> to vector<1x1x16xf32>
        tpu.vector_store %arg16[%swap3A_1075, %swap3A_1076, %swap3A_1077], %swap3A_1080 {strides = array<i32>} : memref<2x64x128xf32, #tpu.memory_space<vmem>>, vector<1x1x16xf32>,
        %swap3A_1081 = arith.constant 1 : i32
        %swap3A_1082 = arith.index_cast %swap3A_1081 : i32 to index
        %swap3A_1083 = arith.index_cast %scan3A_955 : i32 to index
        %swap3A_1084 = arith.constant 48 : index
        %swap3A_1085 = tpu.vector_load %arg16[%swap3A_1082, %swap3A_1083, %swap3A_1084] {strides = array<i32>} : memref<2x64x128xf32, #tpu.memory_space<vmem>>, vector<1x1x16xf32>,
        %swap3A_1086 = vector.shape_cast %swap3A_1085 : vector<1x1x16xf32> to vector<16xf32>
        %swap3A_1087 = vector.shape_cast %mul3A_1007 : vector<16xf32> to vector<1x1x16xf32>
        tpu.vector_store %arg16[%swap3A_1082, %swap3A_1083, %swap3A_1084], %swap3A_1087 {strides = array<i32>} : memref<2x64x128xf32, #tpu.memory_space<vmem>>, vector<1x1x16xf32>,
        %swap3A_1088 = arith.constant 1 : i32
        %swap3A_1089 = arith.index_cast %swap3A_1088 : i32 to index
        %swap3A_1090 = arith.index_cast %scan3A_955 : i32 to index
        %swap3A_1091 = arith.constant 64 : index
        %swap3A_1092 = tpu.vector_load %arg16[%swap3A_1089, %swap3A_1090, %swap3A_1091] {strides = array<i32>} : memref<2x64x128xf32, #tpu.memory_space<vmem>>, vector<1x1x16xf32>,
        %swap3A_1093 = vector.shape_cast %swap3A_1092 : vector<1x1x16xf32> to vector<16xf32>
        %swap3A_1094 = vector.shape_cast %mul3A_1020 : vector<16xf32> to vector<1x1x16xf32>
        tpu.vector_store %arg16[%swap3A_1089, %swap3A_1090, %swap3A_1091], %swap3A_1094 {strides = array<i32>} : memref<2x64x128xf32, #tpu.memory_space<vmem>>, vector<1x1x16xf32>,
        %swap3A_1095 = arith.constant 1 : i32
        %swap3A_1096 = arith.index_cast %swap3A_1095 : i32 to index
        %swap3A_1097 = arith.index_cast %scan3A_955 : i32 to index
        %swap3A_1098 = arith.constant 80 : index
        %swap3A_1099 = tpu.vector_load %arg16[%swap3A_1096, %swap3A_1097, %swap3A_1098] {strides = array<i32>} : memref<2x64x128xf32, #tpu.memory_space<vmem>>, vector<1x1x16xf32>,
        %swap3A_1100 = vector.shape_cast %swap3A_1099 : vector<1x1x16xf32> to vector<16xf32>
        %swap3A_1101 = vector.shape_cast %mul3A_1033 : vector<16xf32> to vector<1x1x16xf32>
        tpu.vector_store %arg16[%swap3A_1096, %swap3A_1097, %swap3A_1098], %swap3A_1101 {strides = array<i32>} : memref<2x64x128xf32, #tpu.memory_space<vmem>>, vector<1x1x16xf32>,
        %swap3A_1102 = arith.constant 1 : i32
        %swap3A_1103 = arith.index_cast %swap3A_1102 : i32 to index
        %swap3A_1104 = arith.index_cast %scan3A_955 : i32 to index
        %swap3A_1105 = arith.constant 96 : index
        %swap3A_1106 = tpu.vector_load %arg16[%swap3A_1103, %swap3A_1104, %swap3A_1105] {strides = array<i32>} : memref<2x64x128xf32, #tpu.memory_space<vmem>>, vector<1x1x16xf32>,
        %swap3A_1107 = vector.shape_cast %swap3A_1106 : vector<1x1x16xf32> to vector<16xf32>
        %swap3A_1108 = vector.shape_cast %mul3A_1046 : vector<16xf32> to vector<1x1x16xf32>
        tpu.vector_store %arg16[%swap3A_1103, %swap3A_1104, %swap3A_1105], %swap3A_1108 {strides = array<i32>} : memref<2x64x128xf32, #tpu.memory_space<vmem>>, vector<1x1x16xf32>,
        %swap3A_1109 = arith.constant 1 : i32
        %swap3A_1110 = arith.index_cast %swap3A_1109 : i32 to index
        %swap3A_1111 = arith.index_cast %scan3A_955 : i32 to index
        %swap3A_1112 = arith.constant 112 : index
        %swap3A_1113 = tpu.vector_load %arg16[%swap3A_1110, %swap3A_1111, %swap3A_1112] {strides = array<i32>} : memref<2x64x128xf32, #tpu.memory_space<vmem>>, vector<1x1x16xf32>,
        %swap3A_1114 = vector.shape_cast %swap3A_1113 : vector<1x1x16xf32> to vector<16xf32>
        %swap3A_1115 = vector.shape_cast %mul3A_1059 : vector<16xf32> to vector<1x1x16xf32>
        tpu.vector_store %arg16[%swap3A_1110, %swap3A_1111, %swap3A_1112], %swap3A_1115 {strides = array<i32>} : memref<2x64x128xf32, #tpu.memory_space<vmem>>, vector<1x1x16xf32>,
        %scan3A_1116 = arith.constant 3 : i32
        %scan3A_1117 = arith.addi %scan3A_631, %scan3A_1116 : i32
        %get3A_1118 = arith.constant 1 : i32
        %get3A_1119 = arith.index_cast %get3A_1118 : i32 to index
        %get3A_1120 = arith.index_cast %scan3A_1117 : i32 to index
        %get3A_1121 = arith.constant 0 : index
        %get3A_1122 = tpu.vector_load %arg14[%get3A_1119, %get3A_1120, %get3A_1121] {strides = array<i32>} : memref<2x64x128xf32, #tpu.memory_space<vmem>>, vector<1x1x16xf32>,
        %get3A_1123 = vector.shape_cast %get3A_1122 : vector<1x1x16xf32> to vector<16xf32>
        %get3A_1124 = arith.constant 1 : i32
        %get3A_1125 = arith.index_cast %get3A_1124 : i32 to index
        %get3A_1126 = arith.index_cast %scan3A_1117 : i32 to index
        %get3A_1127 = arith.constant 0 : index
        %get3A_1128 = tpu.vector_load %arg15[%get3A_1125, %get3A_1126, %get3A_1127] {strides = array<i32>} : memref<2x64x128xf32, #tpu.memory_space<vmem>>, vector<1x1x16xf32>,
        %get3A_1129 = vector.shape_cast %get3A_1128 : vector<1x1x16xf32> to vector<16xf32>
        %mul3A_1130 = arith.mulf %get3A_1123, %get3A_1129 : vector<16xf32>
        %get3A_1131 = arith.constant 1 : i32
        %get3A_1132 = arith.index_cast %get3A_1131 : i32 to index
        %get3A_1133 = arith.index_cast %scan3A_1117 : i32 to index
        %get3A_1134 = arith.constant 16 : index
        %get3A_1135 = tpu.vector_load %arg14[%get3A_1132, %get3A_1133, %get3A_1134] {strides = array<i32>} : memref<2x64x128xf32, #tpu.memory_space<vmem>>, vector<1x1x16xf32>,
        %get3A_1136 = vector.shape_cast %get3A_1135 : vector<1x1x16xf32> to vector<16xf32>
        %get3A_1137 = arith.constant 1 : i32
        %get3A_1138 = arith.index_cast %get3A_1137 : i32 to index
        %get3A_1139 = arith.index_cast %scan3A_1117 : i32 to index
        %get3A_1140 = arith.constant 16 : index
        %get3A_1141 = tpu.vector_load %arg15[%get3A_1138, %get3A_1139, %get3A_1140] {strides = array<i32>} : memref<2x64x128xf32, #tpu.memory_space<vmem>>, vector<1x1x16xf32>,
        %get3A_1142 = vector.shape_cast %get3A_1141 : vector<1x1x16xf32> to vector<16xf32>
        %mul3A_1143 = arith.mulf %get3A_1136, %get3A_1142 : vector<16xf32>
        %get3A_1144 = arith.constant 1 : i32
        %get3A_1145 = arith.index_cast %get3A_1144 : i32 to index
        %get3A_1146 = arith.index_cast %scan3A_1117 : i32 to index
        %get3A_1147 = arith.constant 32 : index
        %get3A_1148 = tpu.vector_load %arg14[%get3A_1145, %get3A_1146, %get3A_1147] {strides = array<i32>} : memref<2x64x128xf32, #tpu.memory_space<vmem>>, vector<1x1x16xf32>,
        %get3A_1149 = vector.shape_cast %get3A_1148 : vector<1x1x16xf32> to vector<16xf32>
        %get3A_1150 = arith.constant 1 : i32
        %get3A_1151 = arith.index_cast %get3A_1150 : i32 to index
        %get3A_1152 = arith.index_cast %scan3A_1117 : i32 to index
        %get3A_1153 = arith.constant 32 : index
        %get3A_1154 = tpu.vector_load %arg15[%get3A_1151, %get3A_1152, %get3A_1153] {strides = array<i32>} : memref<2x64x128xf32, #tpu.memory_space<vmem>>, vector<1x1x16xf32>,
        %get3A_1155 = vector.shape_cast %get3A_1154 : vector<1x1x16xf32> to vector<16xf32>
        %mul3A_1156 = arith.mulf %get3A_1149, %get3A_1155 : vector<16xf32>
        %get3A_1157 = arith.constant 1 : i32
        %get3A_1158 = arith.index_cast %get3A_1157 : i32 to index
        %get3A_1159 = arith.index_cast %scan3A_1117 : i32 to index
        %get3A_1160 = arith.constant 48 : index
        %get3A_1161 = tpu.vector_load %arg14[%get3A_1158, %get3A_1159, %get3A_1160] {strides = array<i32>} : memref<2x64x128xf32, #tpu.memory_space<vmem>>, vector<1x1x16xf32>,
        %get3A_1162 = vector.shape_cast %get3A_1161 : vector<1x1x16xf32> to vector<16xf32>
        %get3A_1163 = arith.constant 1 : i32
        %get3A_1164 = arith.index_cast %get3A_1163 : i32 to index
        %get3A_1165 = arith.index_cast %scan3A_1117 : i32 to index
        %get3A_1166 = arith.constant 48 : index
        %get3A_1167 = tpu.vector_load %arg15[%get3A_1164, %get3A_1165, %get3A_1166] {strides = array<i32>} : memref<2x64x128xf32, #tpu.memory_space<vmem>>, vector<1x1x16xf32>,
        %get3A_1168 = vector.shape_cast %get3A_1167 : vector<1x1x16xf32> to vector<16xf32>
        %mul3A_1169 = arith.mulf %get3A_1162, %get3A_1168 : vector<16xf32>
        %get3A_1170 = arith.constant 1 : i32
        %get3A_1171 = arith.index_cast %get3A_1170 : i32 to index
        %get3A_1172 = arith.index_cast %scan3A_1117 : i32 to index
        %get3A_1173 = arith.constant 64 : index
        %get3A_1174 = tpu.vector_load %arg14[%get3A_1171, %get3A_1172, %get3A_1173] {strides = array<i32>} : memref<2x64x128xf32, #tpu.memory_space<vmem>>, vector<1x1x16xf32>,
        %get3A_1175 = vector.shape_cast %get3A_1174 : vector<1x1x16xf32> to vector<16xf32>
        %get3A_1176 = arith.constant 1 : i32
        %get3A_1177 = arith.index_cast %get3A_1176 : i32 to index
        %get3A_1178 = arith.index_cast %scan3A_1117 : i32 to index
        %get3A_1179 = arith.constant 64 : index
        %get3A_1180 = tpu.vector_load %arg15[%get3A_1177, %get3A_1178, %get3A_1179] {strides = array<i32>} : memref<2x64x128xf32, #tpu.memory_space<vmem>>, vector<1x1x16xf32>,
        %get3A_1181 = vector.shape_cast %get3A_1180 : vector<1x1x16xf32> to vector<16xf32>
        %mul3A_1182 = arith.mulf %get3A_1175, %get3A_1181 : vector<16xf32>
        %get3A_1183 = arith.constant 1 : i32
        %get3A_1184 = arith.index_cast %get3A_1183 : i32 to index
        %get3A_1185 = arith.index_cast %scan3A_1117 : i32 to index
        %get3A_1186 = arith.constant 80 : index
        %get3A_1187 = tpu.vector_load %arg14[%get3A_1184, %get3A_1185, %get3A_1186] {strides = array<i32>} : memref<2x64x128xf32, #tpu.memory_space<vmem>>, vector<1x1x16xf32>,
        %get3A_1188 = vector.shape_cast %get3A_1187 : vector<1x1x16xf32> to vector<16xf32>
        %get3A_1189 = arith.constant 1 : i32
        %get3A_1190 = arith.index_cast %get3A_1189 : i32 to index
        %get3A_1191 = arith.index_cast %scan3A_1117 : i32 to index
        %get3A_1192 = arith.constant 80 : index
        %get3A_1193 = tpu.vector_load %arg15[%get3A_1190, %get3A_1191, %get3A_1192] {strides = array<i32>} : memref<2x64x128xf32, #tpu.memory_space<vmem>>, vector<1x1x16xf32>,
        %get3A_1194 = vector.shape_cast %get3A_1193 : vector<1x1x16xf32> to vector<16xf32>
        %mul3A_1195 = arith.mulf %get3A_1188, %get3A_1194 : vector<16xf32>
        %get3A_1196 = arith.constant 1 : i32
        %get3A_1197 = arith.index_cast %get3A_1196 : i32 to index
        %get3A_1198 = arith.index_cast %scan3A_1117 : i32 to index
        %get3A_1199 = arith.constant 96 : index
        %get3A_1200 = tpu.vector_load %arg14[%get3A_1197, %get3A_1198, %get3A_1199] {strides = array<i32>} : memref<2x64x128xf32, #tpu.memory_space<vmem>>, vector<1x1x16xf32>,
        %get3A_1201 = vector.shape_cast %get3A_1200 : vector<1x1x16xf32> to vector<16xf32>
        %get3A_1202 = arith.constant 1 : i32
        %get3A_1203 = arith.index_cast %get3A_1202 : i32 to index
        %get3A_1204 = arith.index_cast %scan3A_1117 : i32 to index
        %get3A_1205 = arith.constant 96 : index
        %get3A_1206 = tpu.vector_load %arg15[%get3A_1203, %get3A_1204, %get3A_1205] {strides = array<i32>} : memref<2x64x128xf32, #tpu.memory_space<vmem>>, vector<1x1x16xf32>,
        %get3A_1207 = vector.shape_cast %get3A_1206 : vector<1x1x16xf32> to vector<16xf32>
        %mul3A_1208 = arith.mulf %get3A_1201, %get3A_1207 : vector<16xf32>
        %get3A_1209 = arith.constant 1 : i32
        %get3A_1210 = arith.index_cast %get3A_1209 : i32 to index
        %get3A_1211 = arith.index_cast %scan3A_1117 : i32 to index
        %get3A_1212 = arith.constant 112 : index
        %get3A_1213 = tpu.vector_load %arg14[%get3A_1210, %get3A_1211, %get3A_1212] {strides = array<i32>} : memref<2x64x128xf32, #tpu.memory_space<vmem>>, vector<1x1x16xf32>,
        %get3A_1214 = vector.shape_cast %get3A_1213 : vector<1x1x16xf32> to vector<16xf32>
        %get3A_1215 = arith.constant 1 : i32
        %get3A_1216 = arith.index_cast %get3A_1215 : i32 to index
        %get3A_1217 = arith.index_cast %scan3A_1117 : i32 to index
        %get3A_1218 = arith.constant 112 : index
        %get3A_1219 = tpu.vector_load %arg15[%get3A_1216, %get3A_1217, %get3A_1218] {strides = array<i32>} : memref<2x64x128xf32, #tpu.memory_space<vmem>>, vector<1x1x16xf32>,
        %get3A_1220 = vector.shape_cast %get3A_1219 : vector<1x1x16xf32> to vector<16xf32>
        %mul3A_1221 = arith.mulf %get3A_1214, %get3A_1220 : vector<16xf32>
        %swap3A_1222 = arith.constant 1 : i32
        %swap3A_1223 = arith.index_cast %swap3A_1222 : i32 to index
        %swap3A_1224 = arith.index_cast %scan3A_1117 : i32 to index
        %swap3A_1225 = arith.constant 0 : index
        %swap3A_1226 = tpu.vector_load %arg16[%swap3A_1223, %swap3A_1224, %swap3A_1225] {strides = array<i32>} : memref<2x64x128xf32, #tpu.memory_space<vmem>>, vector<1x1x16xf32>,
        %swap3A_1227 = vector.shape_cast %swap3A_1226 : vector<1x1x16xf32> to vector<16xf32>
        %swap3A_1228 = vector.shape_cast %mul3A_1130 : vector<16xf32> to vector<1x1x16xf32>
        tpu.vector_store %arg16[%swap3A_1223, %swap3A_1224, %swap3A_1225], %swap3A_1228 {strides = array<i32>} : memref<2x64x128xf32, #tpu.memory_space<vmem>>, vector<1x1x16xf32>,
        %swap3A_1229 = arith.constant 1 : i32
        %swap3A_1230 = arith.index_cast %swap3A_1229 : i32 to index
        %swap3A_1231 = arith.index_cast %scan3A_1117 : i32 to index
        %swap3A_1232 = arith.constant 16 : index
        %swap3A_1233 = tpu.vector_load %arg16[%swap3A_1230, %swap3A_1231, %swap3A_1232] {strides = array<i32>} : memref<2x64x128xf32, #tpu.memory_space<vmem>>, vector<1x1x16xf32>,
        %swap3A_1234 = vector.shape_cast %swap3A_1233 : vector<1x1x16xf32> to vector<16xf32>
        %swap3A_1235 = vector.shape_cast %mul3A_1143 : vector<16xf32> to vector<1x1x16xf32>
        tpu.vector_store %arg16[%swap3A_1230, %swap3A_1231, %swap3A_1232], %swap3A_1235 {strides = array<i32>} : memref<2x64x128xf32, #tpu.memory_space<vmem>>, vector<1x1x16xf32>,
        %swap3A_1236 = arith.constant 1 : i32
        %swap3A_1237 = arith.index_cast %swap3A_1236 : i32 to index
        %swap3A_1238 = arith.index_cast %scan3A_1117 : i32 to index
        %swap3A_1239 = arith.constant 32 : index
        %swap3A_1240 = tpu.vector_load %arg16[%swap3A_1237, %swap3A_1238, %swap3A_1239] {strides = array<i32>} : memref<2x64x128xf32, #tpu.memory_space<vmem>>, vector<1x1x16xf32>,
        %swap3A_1241 = vector.shape_cast %swap3A_1240 : vector<1x1x16xf32> to vector<16xf32>
        %swap3A_1242 = vector.shape_cast %mul3A_1156 : vector<16xf32> to vector<1x1x16xf32>
        tpu.vector_store %arg16[%swap3A_1237, %swap3A_1238, %swap3A_1239], %swap3A_1242 {strides = array<i32>} : memref<2x64x128xf32, #tpu.memory_space<vmem>>, vector<1x1x16xf32>,
        %swap3A_1243 = arith.constant 1 : i32
        %swap3A_1244 = arith.index_cast %swap3A_1243 : i32 to index
        %swap3A_1245 = arith.index_cast %scan3A_1117 : i32 to index
        %swap3A_1246 = arith.constant 48 : index
        %swap3A_1247 = tpu.vector_load %arg16[%swap3A_1244, %swap3A_1245, %swap3A_1246] {strides = array<i32>} : memref<2x64x128xf32, #tpu.memory_space<vmem>>, vector<1x1x16xf32>,
        %swap3A_1248 = vector.shape_cast %swap3A_1247 : vector<1x1x16xf32> to vector<16xf32>
        %swap3A_1249 = vector.shape_cast %mul3A_1169 : vector<16xf32> to vector<1x1x16xf32>
        tpu.vector_store %arg16[%swap3A_1244, %swap3A_1245, %swap3A_1246], %swap3A_1249 {strides = array<i32>} : memref<2x64x128xf32, #tpu.memory_space<vmem>>, vector<1x1x16xf32>,
        %swap3A_1250 = arith.constant 1 : i32
        %swap3A_1251 = arith.index_cast %swap3A_1250 : i32 to index
        %swap3A_1252 = arith.index_cast %scan3A_1117 : i32 to index
        %swap3A_1253 = arith.constant 64 : index
        %swap3A_1254 = tpu.vector_load %arg16[%swap3A_1251, %swap3A_1252, %swap3A_1253] {strides = array<i32>} : memref<2x64x128xf32, #tpu.memory_space<vmem>>, vector<1x1x16xf32>,
        %swap3A_1255 = vector.shape_cast %swap3A_1254 : vector<1x1x16xf32> to vector<16xf32>
        %swap3A_1256 = vector.shape_cast %mul3A_1182 : vector<16xf32> to vector<1x1x16xf32>
        tpu.vector_store %arg16[%swap3A_1251, %swap3A_1252, %swap3A_1253], %swap3A_1256 {strides = array<i32>} : memref<2x64x128xf32, #tpu.memory_space<vmem>>, vector<1x1x16xf32>,
        %swap3A_1257 = arith.constant 1 : i32
        %swap3A_1258 = arith.index_cast %swap3A_1257 : i32 to index
        %swap3A_1259 = arith.index_cast %scan3A_1117 : i32 to index
        %swap3A_1260 = arith.constant 80 : index
        %swap3A_1261 = tpu.vector_load %arg16[%swap3A_1258, %swap3A_1259, %swap3A_1260] {strides = array<i32>} : memref<2x64x128xf32, #tpu.memory_space<vmem>>, vector<1x1x16xf32>,
        %swap3A_1262 = vector.shape_cast %swap3A_1261 : vector<1x1x16xf32> to vector<16xf32>
        %swap3A_1263 = vector.shape_cast %mul3A_1195 : vector<16xf32> to vector<1x1x16xf32>
        tpu.vector_store %arg16[%swap3A_1258, %swap3A_1259, %swap3A_1260], %swap3A_1263 {strides = array<i32>} : memref<2x64x128xf32, #tpu.memory_space<vmem>>, vector<1x1x16xf32>,
        %swap3A_1264 = arith.constant 1 : i32
        %swap3A_1265 = arith.index_cast %swap3A_1264 : i32 to index
        %swap3A_1266 = arith.index_cast %scan3A_1117 : i32 to index
        %swap3A_1267 = arith.constant 96 : index
        %swap3A_1268 = tpu.vector_load %arg16[%swap3A_1265, %swap3A_1266, %swap3A_1267] {strides = array<i32>} : memref<2x64x128xf32, #tpu.memory_space<vmem>>, vector<1x1x16xf32>,
        %swap3A_1269 = vector.shape_cast %swap3A_1268 : vector<1x1x16xf32> to vector<16xf32>
        %swap3A_1270 = vector.shape_cast %mul3A_1208 : vector<16xf32> to vector<1x1x16xf32>
        tpu.vector_store %arg16[%swap3A_1265, %swap3A_1266, %swap3A_1267], %swap3A_1270 {strides = array<i32>} : memref<2x64x128xf32, #tpu.memory_space<vmem>>, vector<1x1x16xf32>,
        %swap3A_1271 = arith.constant 1 : i32
        %swap3A_1272 = arith.index_cast %swap3A_1271 : i32 to index
        %swap3A_1273 = arith.index_cast %scan3A_1117 : i32 to index
        %swap3A_1274 = arith.constant 112 : index
        %swap3A_1275 = tpu.vector_load %arg16[%swap3A_1272, %swap3A_1273, %swap3A_1274] {strides = array<i32>} : memref<2x64x128xf32, #tpu.memory_space<vmem>>, vector<1x1x16xf32>,
        %swap3A_1276 = vector.shape_cast %swap3A_1275 : vector<1x1x16xf32> to vector<16xf32>
        %swap3A_1277 = vector.shape_cast %mul3A_1221 : vector<16xf32> to vector<1x1x16xf32>
        tpu.vector_store %arg16[%swap3A_1272, %swap3A_1273, %swap3A_1274], %swap3A_1277 {strides = array<i32>} : memref<2x64x128xf32, #tpu.memory_space<vmem>>, vector<1x1x16xf32>,
      }
      %scan3A_615 = arith.constant 64 : i32
      %dma_start3A_616 = arith.constant 1 : i32
      %dma_start3A_617 = arith.constant 0 : i32
      %dma_start3A_618 = arith.constant 0 : i32
      %dma_start3A_619 = tpu.memref_slice %arg16[%dma_start3A_616, %dma_start3A_617, %dma_start3A_618] : memref<2x64x128xf32, #tpu.memory_space<vmem>> -> memref<1x64x128xf32, #tpu.memory_space<vmem>>
      %dma_start3A_620 = tpu.memref_squeeze %dma_start3A_619 : memref<1x64x128xf32, #tpu.memory_space<vmem>> -> memref<64x128xf32, #tpu.memory_space<vmem>>
      %dma_start3A_621 = arith.constant 0 : i32
      %dma_start3A_622 = arith.constant 0 : i32
      %dma_start3A_623 = tpu.memref_slice %arg17[%dma_start3A_621, %dma_start3A_622] : memref<10000x128xf32, #tpu.memory_space<vmem_shared>> -> memref<10000x128xf32, #tpu.memory_space<vmem_shared>>
      tpu.enqueue_indirect_dma source(%dma_start3A_620 : memref<64x128xf32, #tpu.memory_space<vmem>>) target(%dma_start3A_623 : memref<10000x128xf32, #tpu.memory_space<vmem_shared>>) offsets(%arg11 : memref<64xi32, #tpu.memory_space<vmem>>) semaphore(%arg23 : memref<!tpu.dma_semaphore, #tpu.memory_space<semaphore_mem>>) {add = true}
      %add3A_624 = arith.constant 3 : i32
      %add3A_625 = arith.addi %mul3A_360, %add3A_624 : i32
      %lt3A_626 = arith.constant 156 : i32
      %lt3A_627 = arith.cmpi slt, %add3A_625, %lt3A_626 : i32
      %convert_element_type3A_628 = arith.extui %lt3A_627 : i1 to i32
      %cond3A_629 = arith.constant 0 : i32
      %cond3A_630 = arith.cmpi ne, %convert_element_type3A_628, %cond3A_629 : i32
      scf.if %cond3A_630 {
        %add3A_631 = arith.constant 3 : i32
        %add3A_632 = arith.addi %mul3A_360, %add3A_631 : i32
        %mul3A_633 = arith.constant 64 : i32
        %mul3A_634 = arith.muli %add3A_632, %mul3A_633 : i32
        %add3A_635 = arith.addi %add3A, %mul3A_634 : i32
        %dma_start3A_636 = arith.constant 1 : i32
        %dma_start3A_637 = arith.constant 0 : i32
        %dma_start3A_638 = tpu.memref_slice %arg8[%dma_start3A_636, %dma_start3A_637] : memref<2x64xi32, #tpu.memory_space<vmem>> -> memref<1x64xi32, #tpu.memory_space<vmem>>
        %dma_start3A_639 = tpu.memref_squeeze %dma_start3A_638 : memref<1x64xi32, #tpu.memory_space<vmem>> -> memref<64xi32, #tpu.memory_space<vmem>>
        %dma_start3A_640 = tpu.memref_slice %arg4[%add3A_635] : memref<320000xi32, #tpu.memory_space<hbm>> -> memref<64xi32, #tpu.memory_space<hbm>>
        %dma_start3A_641 = arith.constant 0 : i32
        %dma_start3A_642 = tpu.memref_slice %arg8[%dma_start3A_636, %dma_start3A_641] : memref<2x64xi32, #tpu.memory_space<vmem>> -> memref<1x64xi32, #tpu.memory_space<vmem>>
        %dma_start3A_643 = tpu.memref_squeeze %dma_start3A_642 : memref<1x64xi32, #tpu.memory_space<vmem>> -> memref<64xi32, #tpu.memory_space<vmem>>
        %dma_start3A_644 = tpu.memref_slice %arg4[%add3A_635] : memref<320000xi32, #tpu.memory_space<hbm>> -> memref<64xi32, #tpu.memory_space<hbm>>
        tpu.enqueue_dma source(%dma_start3A_644 : memref<64xi32, #tpu.memory_space<hbm>>) target(%dma_start3A_643 : memref<64xi32, #tpu.memory_space<vmem>>) target_semaphore(%arg19 : memref<!tpu.dma_semaphore, #tpu.memory_space<semaphore_mem>>)
        %dma_start3A_645 = arith.constant 1 : i32
        %dma_start3A_646 = arith.constant 0 : i32
        %dma_start3A_647 = tpu.memref_slice %arg9[%dma_start3A_645, %dma_start3A_646] : memref<2x64xi32, #tpu.memory_space<vmem>> -> memref<1x64xi32, #tpu.memory_space<vmem>>
        %dma_start3A_648 = tpu.memref_squeeze %dma_start3A_647 : memref<1x64xi32, #tpu.memory_space<vmem>> -> memref<64xi32, #tpu.memory_space<vmem>>
        %dma_start3A_649 = tpu.memref_slice %arg5[%add3A_635] : memref<320000xi32, #tpu.memory_space<hbm>> -> memref<64xi32, #tpu.memory_space<hbm>>
        %dma_start3A_650 = arith.constant 0 : i32
        %dma_start3A_651 = tpu.memref_slice %arg9[%dma_start3A_645, %dma_start3A_650] : memref<2x64xi32, #tpu.memory_space<vmem>> -> memref<1x64xi32, #tpu.memory_space<vmem>>
        %dma_start3A_652 = tpu.memref_squeeze %dma_start3A_651 : memref<1x64xi32, #tpu.memory_space<vmem>> -> memref<64xi32, #tpu.memory_space<vmem>>
        %dma_start3A_653 = tpu.memref_slice %arg5[%add3A_635] : memref<320000xi32, #tpu.memory_space<hbm>> -> memref<64xi32, #tpu.memory_space<hbm>>
        tpu.enqueue_dma source(%dma_start3A_653 : memref<64xi32, #tpu.memory_space<hbm>>) target(%dma_start3A_652 : memref<64xi32, #tpu.memory_space<vmem>>) target_semaphore(%arg19 : memref<!tpu.dma_semaphore, #tpu.memory_space<semaphore_mem>>)
        %dma_start3A_654 = arith.constant 1 : i32
        %dma_start3A_655 = arith.constant 0 : i32
        %dma_start3A_656 = arith.constant 0 : i32
        %dma_start3A_657 = tpu.memref_slice %arg15[%dma_start3A_654, %dma_start3A_655, %dma_start3A_656] : memref<2x64x128xf32, #tpu.memory_space<vmem>> -> memref<1x64x128xf32, #tpu.memory_space<vmem>>
        %dma_start3A_658 = tpu.memref_squeeze %dma_start3A_657 : memref<1x64x128xf32, #tpu.memory_space<vmem>> -> memref<64x128xf32, #tpu.memory_space<vmem>>
        %dma_start3A_659 = arith.constant 0 : i32
        %dma_start3A_660 = tpu.memref_slice %arg3[%add3A_635, %dma_start3A_659] : memref<320000x128xf32, #tpu.memory_space<hbm>> -> memref<64x128xf32, #tpu.memory_space<hbm>>
        %dma_start3A_661 = arith.constant 0 : i32
        %dma_start3A_662 = arith.constant 0 : i32
        %dma_start3A_663 = tpu.memref_slice %arg15[%dma_start3A_654, %dma_start3A_661, %dma_start3A_662] : memref<2x64x128xf32, #tpu.memory_space<vmem>> -> memref<1x64x128xf32, #tpu.memory_space<vmem>>
        %dma_start3A_664 = tpu.memref_squeeze %dma_start3A_663 : memref<1x64x128xf32, #tpu.memory_space<vmem>> -> memref<64x128xf32, #tpu.memory_space<vmem>>
        %dma_start3A_665 = arith.constant 0 : i32
        %dma_start3A_666 = tpu.memref_slice %arg3[%add3A_635, %dma_start3A_665] : memref<320000x128xf32, #tpu.memory_space<hbm>> -> memref<64x128xf32, #tpu.memory_space<hbm>>
        tpu.enqueue_dma source(%dma_start3A_666 : memref<64x128xf32, #tpu.memory_space<hbm>>) target(%dma_start3A_664 : memref<64x128xf32, #tpu.memory_space<vmem>>) target_semaphore(%arg19 : memref<!tpu.dma_semaphore, #tpu.memory_space<semaphore_mem>>)
      } else {
      }
    }
    %scan3A_122 = arith.constant 77 : i32
    %add3A_123 = arith.constant 9920 : i32
    %add3A_124 = arith.addi %add3A, %add3A_123 : i32
    %dma_wait3A_125 = arith.constant 1 : i32
    %dma_wait3A_126 = arith.constant 0 : i32
    %dma_wait3A_127 = tpu.memref_slice %arg8[%dma_wait3A_125, %dma_wait3A_126] : memref<2x64xi32, #tpu.memory_space<vmem>> -> memref<1x64xi32, #tpu.memory_space<vmem>>
    %dma_wait3A_128 = tpu.memref_squeeze %dma_wait3A_127 : memref<1x64xi32, #tpu.memory_space<vmem>> -> memref<64xi32, #tpu.memory_space<vmem>>
    %dma_wait3A_129 = tpu.memref_slice %arg4[%add3A_124] : memref<320000xi32, #tpu.memory_space<hbm>> -> memref<64xi32, #tpu.memory_space<hbm>>
    %dma_wait3A_130 = arith.constant 0 : i32
    %dma_wait3A_131 = tpu.memref_slice %arg8[%dma_wait3A_125, %dma_wait3A_130] : memref<2x64xi32, #tpu.memory_space<vmem>> -> memref<1x64xi32, #tpu.memory_space<vmem>>
    %dma_wait3A_132 = tpu.memref_squeeze %dma_wait3A_131 : memref<1x64xi32, #tpu.memory_space<vmem>> -> memref<64xi32, #tpu.memory_space<vmem>>
    %dma_wait3A_133 = tpu.memref_slice %arg4[%add3A_124] : memref<320000xi32, #tpu.memory_space<hbm>> -> memref<64xi32, #tpu.memory_space<hbm>>
    tpu.wait_dma2 semaphore(%arg19 : memref<!tpu.dma_semaphore, #tpu.memory_space<semaphore_mem>>) src(%dma_wait3A_133 : memref<64xi32, #tpu.memory_space<hbm>>) dst(%dma_wait3A_132 : memref<64xi32, #tpu.memory_space<vmem>>)
    %dma_wait3A_134 = arith.constant 1 : i32
    %dma_wait3A_135 = arith.constant 0 : i32
    %dma_wait3A_136 = tpu.memref_slice %arg9[%dma_wait3A_134, %dma_wait3A_135] : memref<2x64xi32, #tpu.memory_space<vmem>> -> memref<1x64xi32, #tpu.memory_space<vmem>>
    %dma_wait3A_137 = tpu.memref_squeeze %dma_wait3A_136 : memref<1x64xi32, #tpu.memory_space<vmem>> -> memref<64xi32, #tpu.memory_space<vmem>>
    %dma_wait3A_138 = tpu.memref_slice %arg5[%add3A_124] : memref<320000xi32, #tpu.memory_space<hbm>> -> memref<64xi32, #tpu.memory_space<hbm>>
    %dma_wait3A_139 = arith.constant 0 : i32
    %dma_wait3A_140 = tpu.memref_slice %arg9[%dma_wait3A_134, %dma_wait3A_139] : memref<2x64xi32, #tpu.memory_space<vmem>> -> memref<1x64xi32, #tpu.memory_space<vmem>>
    %dma_wait3A_141 = tpu.memref_squeeze %dma_wait3A_140 : memref<1x64xi32, #tpu.memory_space<vmem>> -> memref<64xi32, #tpu.memory_space<vmem>>
    %dma_wait3A_142 = tpu.memref_slice %arg5[%add3A_124] : memref<320000xi32, #tpu.memory_space<hbm>> -> memref<64xi32, #tpu.memory_space<hbm>>
    tpu.wait_dma2 semaphore(%arg19 : memref<!tpu.dma_semaphore, #tpu.memory_space<semaphore_mem>>) src(%dma_wait3A_142 : memref<64xi32, #tpu.memory_space<hbm>>) dst(%dma_wait3A_141 : memref<64xi32, #tpu.memory_space<vmem>>)
    %dma_wait3A_143 = arith.constant 1 : i32
    %dma_wait3A_144 = arith.constant 0 : i32
    %dma_wait3A_145 = arith.constant 0 : i32
    %dma_wait3A_146 = tpu.memref_slice %arg15[%dma_wait3A_143, %dma_wait3A_144, %dma_wait3A_145] : memref<2x64x128xf32, #tpu.memory_space<vmem>> -> memref<1x64x128xf32, #tpu.memory_space<vmem>>
    %dma_wait3A_147 = tpu.memref_squeeze %dma_wait3A_146 : memref<1x64x128xf32, #tpu.memory_space<vmem>> -> memref<64x128xf32, #tpu.memory_space<vmem>>
    %dma_wait3A_148 = arith.constant 0 : i32
    %dma_wait3A_149 = tpu.memref_slice %arg3[%add3A_124, %dma_wait3A_148] : memref<320000x128xf32, #tpu.memory_space<hbm>> -> memref<64x128xf32, #tpu.memory_space<hbm>>
    %dma_wait3A_150 = arith.constant 0 : i32
    %dma_wait3A_151 = arith.constant 0 : i32
    %dma_wait3A_152 = tpu.memref_slice %arg15[%dma_wait3A_143, %dma_wait3A_150, %dma_wait3A_151] : memref<2x64x128xf32, #tpu.memory_space<vmem>> -> memref<1x64x128xf32, #tpu.memory_space<vmem>>
    %dma_wait3A_153 = tpu.memref_squeeze %dma_wait3A_152 : memref<1x64x128xf32, #tpu.memory_space<vmem>> -> memref<64x128xf32, #tpu.memory_space<vmem>>
    %dma_wait3A_154 = arith.constant 0 : i32
    %dma_wait3A_155 = tpu.memref_slice %arg3[%add3A_124, %dma_wait3A_154] : memref<320000x128xf32, #tpu.memory_space<hbm>> -> memref<64x128xf32, #tpu.memory_space<hbm>>
    tpu.wait_dma2 semaphore(%arg19 : memref<!tpu.dma_semaphore, #tpu.memory_space<semaphore_mem>>) src(%dma_wait3A_155 : memref<64x128xf32, #tpu.memory_space<hbm>>) dst(%dma_wait3A_153 : memref<64x128xf32, #tpu.memory_space<vmem>>)
    %dma_start3A_156 = arith.constant 1 : i32
    %dma_start3A_157 = arith.constant 1 : i32
    %dma_start3A_158 = arith.constant 0 : i32
    %dma_start3A_159 = arith.constant 0 : i32
    %dma_start3A_160 = tpu.memref_slice %arg14[%dma_start3A_157, %dma_start3A_158, %dma_start3A_159] : memref<2x64x128xf32, #tpu.memory_space<vmem>> -> memref<1x64x128xf32, #tpu.memory_space<vmem>>
    %dma_start3A_161 = tpu.memref_squeeze %dma_start3A_160 : memref<1x64x128xf32, #tpu.memory_space<vmem>> -> memref<64x128xf32, #tpu.memory_space<vmem>>
    %dma_start3A_162 = arith.constant 0 : i32
    %dma_start3A_163 = tpu.memref_slice %arg8[%dma_start3A_156, %dma_start3A_162] : memref<2x64xi32, #tpu.memory_space<vmem>> -> memref<1x64xi32, #tpu.memory_space<vmem>>
    %dma_start3A_164 = tpu.memref_squeeze %dma_start3A_163 : memref<1x64xi32, #tpu.memory_space<vmem>> -> memref<64xi32, #tpu.memory_space<vmem>>
    %dma_start3A_165 = arith.constant 0 : i32
    %dma_start3A_166 = arith.constant 0 : i32
    %dma_start3A_167 = tpu.memref_slice %arg2[%dma_start3A_165, %dma_start3A_166] : memref<10000x128xf32, #tpu.memory_space<hbm>> -> memref<10000x128xf32, #tpu.memory_space<hbm>>
    tpu.enqueue_indirect_dma source(%dma_start3A_167 : memref<10000x128xf32, #tpu.memory_space<hbm>>) target(%dma_start3A_161 : memref<64x128xf32, #tpu.memory_space<vmem>>) offsets(%dma_start3A_164 : memref<64xi32, #tpu.memory_space<vmem>>) semaphore(%arg21 : memref<!tpu.dma_semaphore, #tpu.memory_space<semaphore_mem>>)
    %dma_wait3A_168 = arith.constant 0 : i32
    %dma_wait3A_169 = arith.constant 0 : i32
    %dma_wait3A_170 = arith.constant 0 : i32
    %dma_wait3A_171 = arith.constant 0 : i32
    %dma_wait3A_172 = tpu.memref_slice %arg14[%dma_wait3A_169, %dma_wait3A_170, %dma_wait3A_171] : memref<2x64x128xf32, #tpu.memory_space<vmem>> -> memref<1x64x128xf32, #tpu.memory_space<vmem>>
    %dma_wait3A_173 = tpu.memref_squeeze %dma_wait3A_172 : memref<1x64x128xf32, #tpu.memory_space<vmem>> -> memref<64x128xf32, #tpu.memory_space<vmem>>
    %dma_wait3A_174 = arith.constant 0 : i32
    %dma_wait3A_175 = tpu.memref_slice %arg8[%dma_wait3A_168, %dma_wait3A_174] : memref<2x64xi32, #tpu.memory_space<vmem>> -> memref<1x64xi32, #tpu.memory_space<vmem>>
    %dma_wait3A_176 = tpu.memref_squeeze %dma_wait3A_175 : memref<1x64xi32, #tpu.memory_space<vmem>> -> memref<64xi32, #tpu.memory_space<vmem>>
    %dma_wait3A_177 = arith.constant 0 : i32
    %dma_wait3A_178 = arith.constant 0 : i32
    %dma_wait3A_179 = tpu.memref_slice %arg2[%dma_wait3A_177, %dma_wait3A_178] : memref<10000x128xf32, #tpu.memory_space<hbm>> -> memref<10000x128xf32, #tpu.memory_space<hbm>>
    tpu.wait_indirect_dma semaphore(%arg20 : memref<!tpu.dma_semaphore, #tpu.memory_space<semaphore_mem>>) src(%dma_wait3A_179 : memref<10000x128xf32, #tpu.memory_space<hbm>>) dst(%dma_wait3A_173 : memref<64x128xf32, #tpu.memory_space<vmem>>)
    %dma_wait3A_180 = arith.constant 0 : i32
    %dma_wait3A_181 = arith.constant 0 : i32
    %dma_wait3A_182 = arith.constant 0 : i32
    %dma_wait3A_183 = tpu.memref_slice %arg16[%dma_wait3A_180, %dma_wait3A_181, %dma_wait3A_182] : memref<2x64x128xf32, #tpu.memory_space<vmem>> -> memref<1x64x128xf32, #tpu.memory_space<vmem>>
    %dma_wait3A_184 = tpu.memref_squeeze %dma_wait3A_183 : memref<1x64x128xf32, #tpu.memory_space<vmem>> -> memref<64x128xf32, #tpu.memory_space<vmem>>
    %dma_wait3A_185 = arith.constant 0 : i32
    %dma_wait3A_186 = arith.constant 0 : i32
    %dma_wait3A_187 = tpu.memref_slice %arg17[%dma_wait3A_185, %dma_wait3A_186] : memref<10000x128xf32, #tpu.memory_space<vmem_shared>> -> memref<10000x128xf32, #tpu.memory_space<vmem_shared>>
    tpu.wait_indirect_dma semaphore(%arg22 : memref<!tpu.dma_semaphore, #tpu.memory_space<semaphore_mem>>) src(%dma_wait3A_184 : memref<64x128xf32, #tpu.memory_space<vmem>>) dst(%dma_wait3A_187 : memref<10000x128xf32, #tpu.memory_space<vmem_shared>>)
    %get3A = arith.constant 0 : i32
    %get3A_188 = arith.index_cast %get3A : i32 to index
    %get3A_189 = arith.constant 0 : index
    %get3A_190 = tpu.vector_load %arg9[%get3A_188, %get3A_189] {strides = array<i32>} : memref<2x64xi32, #tpu.memory_space<vmem>>, vector<1x16xi32>,
    %get3A_191 = vector.shape_cast %get3A_190 : vector<1x16xi32> to vector<16xi32>
    %swap3A = arith.constant 0 : index
    %swap3A_192 = tpu.vector_load %arg10[%swap3A] {strides = array<i32>} : memref<64xi32, #tpu.memory_space<vmem>>, vector<16xi32>,
    %swap3A_193 = vector.shape_cast %swap3A_192 : vector<16xi32> to vector<16xi32>
    %swap3A_194 = vector.shape_cast %get3A_191 : vector<16xi32> to vector<16xi32>
    tpu.vector_store %arg10[%swap3A], %swap3A_194 {strides = array<i32>} : memref<64xi32, #tpu.memory_space<vmem>>, vector<16xi32>,
    %get3A_195 = arith.constant 0 : i32
    %get3A_196 = arith.index_cast %get3A_195 : i32 to index
    %get3A_197 = arith.constant 16 : index
    %get3A_198 = tpu.vector_load %arg9[%get3A_196, %get3A_197] {strides = array<i32>} : memref<2x64xi32, #tpu.memory_space<vmem>>, vector<1x16xi32>,
    %get3A_199 = vector.shape_cast %get3A_198 : vector<1x16xi32> to vector<16xi32>
    %swap3A_200 = arith.constant 16 : index
    %swap3A_201 = tpu.vector_load %arg10[%swap3A_200] {strides = array<i32>} : memref<64xi32, #tpu.memory_space<vmem>>, vector<16xi32>,
    %swap3A_202 = vector.shape_cast %swap3A_201 : vector<16xi32> to vector<16xi32>
    %swap3A_203 = vector.shape_cast %get3A_199 : vector<16xi32> to vector<16xi32>
    tpu.vector_store %arg10[%swap3A_200], %swap3A_203 {strides = array<i32>} : memref<64xi32, #tpu.memory_space<vmem>>, vector<16xi32>,
    %get3A_204 = arith.constant 0 : i32
    %get3A_205 = arith.index_cast %get3A_204 : i32 to index
    %get3A_206 = arith.constant 32 : index
    %get3A_207 = tpu.vector_load %arg9[%get3A_205, %get3A_206] {strides = array<i32>} : memref<2x64xi32, #tpu.memory_space<vmem>>, vector<1x16xi32>,
    %get3A_208 = vector.shape_cast %get3A_207 : vector<1x16xi32> to vector<16xi32>
    %swap3A_209 = arith.constant 32 : index
    %swap3A_210 = tpu.vector_load %arg10[%swap3A_209] {strides = array<i32>} : memref<64xi32, #tpu.memory_space<vmem>>, vector<16xi32>,
    %swap3A_211 = vector.shape_cast %swap3A_210 : vector<16xi32> to vector<16xi32>
    %swap3A_212 = vector.shape_cast %get3A_208 : vector<16xi32> to vector<16xi32>
    tpu.vector_store %arg10[%swap3A_209], %swap3A_212 {strides = array<i32>} : memref<64xi32, #tpu.memory_space<vmem>>, vector<16xi32>,
    %get3A_213 = arith.constant 0 : i32
    %get3A_214 = arith.index_cast %get3A_213 : i32 to index
    %get3A_215 = arith.constant 48 : index
    %get3A_216 = tpu.vector_load %arg9[%get3A_214, %get3A_215] {strides = array<i32>} : memref<2x64xi32, #tpu.memory_space<vmem>>, vector<1x16xi32>,
    %get3A_217 = vector.shape_cast %get3A_216 : vector<1x16xi32> to vector<16xi32>
    %swap3A_218 = arith.constant 48 : index
    %swap3A_219 = tpu.vector_load %arg10[%swap3A_218] {strides = array<i32>} : memref<64xi32, #tpu.memory_space<vmem>>, vector<16xi32>,
    %swap3A_220 = vector.shape_cast %swap3A_219 : vector<16xi32> to vector<16xi32>
    %swap3A_221 = vector.shape_cast %get3A_217 : vector<16xi32> to vector<16xi32>
    tpu.vector_store %arg10[%swap3A_218], %swap3A_221 {strides = array<i32>} : memref<64xi32, #tpu.memory_space<vmem>>, vector<16xi32>,
    %scan3A_222 = arith.constant 0 : i32
    %scan3A_223 = arith.constant 0 : i32
    %scan3A_224 = arith.constant 64 : i32
    %scan3A_225 = arith.addi %scan3A_223, %scan3A_224 : i32
    %scan3A_226 = arith.constant 4 : i32
    scf.for %scan3A_358 = %scan3A_223 to %scan3A_225 step %scan3A_226  : i32 {
      %get3A_359 = arith.constant 0 : i32
      %get3A_360 = arith.index_cast %get3A_359 : i32 to index
      %get3A_361 = arith.index_cast %scan3A_358 : i32 to index
      %get3A_362 = arith.constant 0 : index
      %get3A_363 = tpu.vector_load %arg14[%get3A_360, %get3A_361, %get3A_362] {strides = array<i32>} : memref<2x64x128xf32, #tpu.memory_space<vmem>>, vector<1x1x16xf32>,
      %get3A_364 = vector.shape_cast %get3A_363 : vector<1x1x16xf32> to vector<16xf32>
      %get3A_365 = arith.constant 0 : i32
      %get3A_366 = arith.index_cast %get3A_365 : i32 to index
      %get3A_367 = arith.index_cast %scan3A_358 : i32 to index
      %get3A_368 = arith.constant 0 : index
      %get3A_369 = tpu.vector_load %arg15[%get3A_366, %get3A_367, %get3A_368] {strides = array<i32>} : memref<2x64x128xf32, #tpu.memory_space<vmem>>, vector<1x1x16xf32>,
      %get3A_370 = vector.shape_cast %get3A_369 : vector<1x1x16xf32> to vector<16xf32>
      %mul3A_371 = arith.mulf %get3A_364, %get3A_370 : vector<16xf32>
      %get3A_372 = arith.constant 0 : i32
      %get3A_373 = arith.index_cast %get3A_372 : i32 to index
      %get3A_374 = arith.index_cast %scan3A_358 : i32 to index
      %get3A_375 = arith.constant 16 : index
      %get3A_376 = tpu.vector_load %arg14[%get3A_373, %get3A_374, %get3A_375] {strides = array<i32>} : memref<2x64x128xf32, #tpu.memory_space<vmem>>, vector<1x1x16xf32>,
      %get3A_377 = vector.shape_cast %get3A_376 : vector<1x1x16xf32> to vector<16xf32>
      %get3A_378 = arith.constant 0 : i32
      %get3A_379 = arith.index_cast %get3A_378 : i32 to index
      %get3A_380 = arith.index_cast %scan3A_358 : i32 to index
      %get3A_381 = arith.constant 16 : index
      %get3A_382 = tpu.vector_load %arg15[%get3A_379, %get3A_380, %get3A_381] {strides = array<i32>} : memref<2x64x128xf32, #tpu.memory_space<vmem>>, vector<1x1x16xf32>,
      %get3A_383 = vector.shape_cast %get3A_382 : vector<1x1x16xf32> to vector<16xf32>
      %mul3A_384 = arith.mulf %get3A_377, %get3A_383 : vector<16xf32>
      %get3A_385 = arith.constant 0 : i32
      %get3A_386 = arith.index_cast %get3A_385 : i32 to index
      %get3A_387 = arith.index_cast %scan3A_358 : i32 to index
      %get3A_388 = arith.constant 32 : index
      %get3A_389 = tpu.vector_load %arg14[%get3A_386, %get3A_387, %get3A_388] {strides = array<i32>} : memref<2x64x128xf32, #tpu.memory_space<vmem>>, vector<1x1x16xf32>,
      %get3A_390 = vector.shape_cast %get3A_389 : vector<1x1x16xf32> to vector<16xf32>
      %get3A_391 = arith.constant 0 : i32
      %get3A_392 = arith.index_cast %get3A_391 : i32 to index
      %get3A_393 = arith.index_cast %scan3A_358 : i32 to index
      %get3A_394 = arith.constant 32 : index
      %get3A_395 = tpu.vector_load %arg15[%get3A_392, %get3A_393, %get3A_394] {strides = array<i32>} : memref<2x64x128xf32, #tpu.memory_space<vmem>>, vector<1x1x16xf32>,
      %get3A_396 = vector.shape_cast %get3A_395 : vector<1x1x16xf32> to vector<16xf32>
      %mul3A_397 = arith.mulf %get3A_390, %get3A_396 : vector<16xf32>
      %get3A_398 = arith.constant 0 : i32
      %get3A_399 = arith.index_cast %get3A_398 : i32 to index
      %get3A_400 = arith.index_cast %scan3A_358 : i32 to index
      %get3A_401 = arith.constant 48 : index
      %get3A_402 = tpu.vector_load %arg14[%get3A_399, %get3A_400, %get3A_401] {strides = array<i32>} : memref<2x64x128xf32, #tpu.memory_space<vmem>>, vector<1x1x16xf32>,
      %get3A_403 = vector.shape_cast %get3A_402 : vector<1x1x16xf32> to vector<16xf32>
      %get3A_404 = arith.constant 0 : i32
      %get3A_405 = arith.index_cast %get3A_404 : i32 to index
      %get3A_406 = arith.index_cast %scan3A_358 : i32 to index
      %get3A_407 = arith.constant 48 : index
      %get3A_408 = tpu.vector_load %arg15[%get3A_405, %get3A_406, %get3A_407] {strides = array<i32>} : memref<2x64x128xf32, #tpu.memory_space<vmem>>, vector<1x1x16xf32>,
      %get3A_409 = vector.shape_cast %get3A_408 : vector<1x1x16xf32> to vector<16xf32>
      %mul3A_410 = arith.mulf %get3A_403, %get3A_409 : vector<16xf32>
      %get3A_411 = arith.constant 0 : i32
      %get3A_412 = arith.index_cast %get3A_411 : i32 to index
      %get3A_413 = arith.index_cast %scan3A_358 : i32 to index
      %get3A_414 = arith.constant 64 : index
      %get3A_415 = tpu.vector_load %arg14[%get3A_412, %get3A_413, %get3A_414] {strides = array<i32>} : memref<2x64x128xf32, #tpu.memory_space<vmem>>, vector<1x1x16xf32>,
      %get3A_416 = vector.shape_cast %get3A_415 : vector<1x1x16xf32> to vector<16xf32>
      %get3A_417 = arith.constant 0 : i32
      %get3A_418 = arith.index_cast %get3A_417 : i32 to index
      %get3A_419 = arith.index_cast %scan3A_358 : i32 to index
      %get3A_420 = arith.constant 64 : index
      %get3A_421 = tpu.vector_load %arg15[%get3A_418, %get3A_419, %get3A_420] {strides = array<i32>} : memref<2x64x128xf32, #tpu.memory_space<vmem>>, vector<1x1x16xf32>,
      %get3A_422 = vector.shape_cast %get3A_421 : vector<1x1x16xf32> to vector<16xf32>
      %mul3A_423 = arith.mulf %get3A_416, %get3A_422 : vector<16xf32>
      %get3A_424 = arith.constant 0 : i32
      %get3A_425 = arith.index_cast %get3A_424 : i32 to index
      %get3A_426 = arith.index_cast %scan3A_358 : i32 to index
      %get3A_427 = arith.constant 80 : index
      %get3A_428 = tpu.vector_load %arg14[%get3A_425, %get3A_426, %get3A_427] {strides = array<i32>} : memref<2x64x128xf32, #tpu.memory_space<vmem>>, vector<1x1x16xf32>,
      %get3A_429 = vector.shape_cast %get3A_428 : vector<1x1x16xf32> to vector<16xf32>
      %get3A_430 = arith.constant 0 : i32
      %get3A_431 = arith.index_cast %get3A_430 : i32 to index
      %get3A_432 = arith.index_cast %scan3A_358 : i32 to index
      %get3A_433 = arith.constant 80 : index
      %get3A_434 = tpu.vector_load %arg15[%get3A_431, %get3A_432, %get3A_433] {strides = array<i32>} : memref<2x64x128xf32, #tpu.memory_space<vmem>>, vector<1x1x16xf32>,
      %get3A_435 = vector.shape_cast %get3A_434 : vector<1x1x16xf32> to vector<16xf32>
      %mul3A_436 = arith.mulf %get3A_429, %get3A_435 : vector<16xf32>
      %get3A_437 = arith.constant 0 : i32
      %get3A_438 = arith.index_cast %get3A_437 : i32 to index
      %get3A_439 = arith.index_cast %scan3A_358 : i32 to index
      %get3A_440 = arith.constant 96 : index
      %get3A_441 = tpu.vector_load %arg14[%get3A_438, %get3A_439, %get3A_440] {strides = array<i32>} : memref<2x64x128xf32, #tpu.memory_space<vmem>>, vector<1x1x16xf32>,
      %get3A_442 = vector.shape_cast %get3A_441 : vector<1x1x16xf32> to vector<16xf32>
      %get3A_443 = arith.constant 0 : i32
      %get3A_444 = arith.index_cast %get3A_443 : i32 to index
      %get3A_445 = arith.index_cast %scan3A_358 : i32 to index
      %get3A_446 = arith.constant 96 : index
      %get3A_447 = tpu.vector_load %arg15[%get3A_444, %get3A_445, %get3A_446] {strides = array<i32>} : memref<2x64x128xf32, #tpu.memory_space<vmem>>, vector<1x1x16xf32>,
      %get3A_448 = vector.shape_cast %get3A_447 : vector<1x1x16xf32> to vector<16xf32>
      %mul3A_449 = arith.mulf %get3A_442, %get3A_448 : vector<16xf32>
      %get3A_450 = arith.constant 0 : i32
      %get3A_451 = arith.index_cast %get3A_450 : i32 to index
      %get3A_452 = arith.index_cast %scan3A_358 : i32 to index
      %get3A_453 = arith.constant 112 : index
      %get3A_454 = tpu.vector_load %arg14[%get3A_451, %get3A_452, %get3A_453] {strides = array<i32>} : memref<2x64x128xf32, #tpu.memory_space<vmem>>, vector<1x1x16xf32>,
      %get3A_455 = vector.shape_cast %get3A_454 : vector<1x1x16xf32> to vector<16xf32>
      %get3A_456 = arith.constant 0 : i32
      %get3A_457 = arith.index_cast %get3A_456 : i32 to index
      %get3A_458 = arith.index_cast %scan3A_358 : i32 to index
      %get3A_459 = arith.constant 112 : index
      %get3A_460 = tpu.vector_load %arg15[%get3A_457, %get3A_458, %get3A_459] {strides = array<i32>} : memref<2x64x128xf32, #tpu.memory_space<vmem>>, vector<1x1x16xf32>,
      %get3A_461 = vector.shape_cast %get3A_460 : vector<1x1x16xf32> to vector<16xf32>
      %mul3A_462 = arith.mulf %get3A_455, %get3A_461 : vector<16xf32>
      %swap3A_463 = arith.constant 0 : i32
      %swap3A_464 = arith.index_cast %swap3A_463 : i32 to index
      %swap3A_465 = arith.index_cast %scan3A_358 : i32 to index
      %swap3A_466 = arith.constant 0 : index
      %swap3A_467 = tpu.vector_load %arg16[%swap3A_464, %swap3A_465, %swap3A_466] {strides = array<i32>} : memref<2x64x128xf32, #tpu.memory_space<vmem>>, vector<1x1x16xf32>,
      %swap3A_468 = vector.shape_cast %swap3A_467 : vector<1x1x16xf32> to vector<16xf32>
      %swap3A_469 = vector.shape_cast %mul3A_371 : vector<16xf32> to vector<1x1x16xf32>
      tpu.vector_store %arg16[%swap3A_464, %swap3A_465, %swap3A_466], %swap3A_469 {strides = array<i32>} : memref<2x64x128xf32, #tpu.memory_space<vmem>>, vector<1x1x16xf32>,
      %swap3A_470 = arith.constant 0 : i32
      %swap3A_471 = arith.index_cast %swap3A_470 : i32 to index
      %swap3A_472 = arith.index_cast %scan3A_358 : i32 to index
      %swap3A_473 = arith.constant 16 : index
      %swap3A_474 = tpu.vector_load %arg16[%swap3A_471, %swap3A_472, %swap3A_473] {strides = array<i32>} : memref<2x64x128xf32, #tpu.memory_space<vmem>>, vector<1x1x16xf32>,
      %swap3A_475 = vector.shape_cast %swap3A_474 : vector<1x1x16xf32> to vector<16xf32>
      %swap3A_476 = vector.shape_cast %mul3A_384 : vector<16xf32> to vector<1x1x16xf32>
      tpu.vector_store %arg16[%swap3A_471, %swap3A_472, %swap3A_473], %swap3A_476 {strides = array<i32>} : memref<2x64x128xf32, #tpu.memory_space<vmem>>, vector<1x1x16xf32>,
      %swap3A_477 = arith.constant 0 : i32
      %swap3A_478 = arith.index_cast %swap3A_477 : i32 to index
      %swap3A_479 = arith.index_cast %scan3A_358 : i32 to index
      %swap3A_480 = arith.constant 32 : index
      %swap3A_481 = tpu.vector_load %arg16[%swap3A_478, %swap3A_479, %swap3A_480] {strides = array<i32>} : memref<2x64x128xf32, #tpu.memory_space<vmem>>, vector<1x1x16xf32>,
      %swap3A_482 = vector.shape_cast %swap3A_481 : vector<1x1x16xf32> to vector<16xf32>
      %swap3A_483 = vector.shape_cast %mul3A_397 : vector<16xf32> to vector<1x1x16xf32>
      tpu.vector_store %arg16[%swap3A_478, %swap3A_479, %swap3A_480], %swap3A_483 {strides = array<i32>} : memref<2x64x128xf32, #tpu.memory_space<vmem>>, vector<1x1x16xf32>,
      %swap3A_484 = arith.constant 0 : i32
      %swap3A_485 = arith.index_cast %swap3A_484 : i32 to index
      %swap3A_486 = arith.index_cast %scan3A_358 : i32 to index
      %swap3A_487 = arith.constant 48 : index
      %swap3A_488 = tpu.vector_load %arg16[%swap3A_485, %swap3A_486, %swap3A_487] {strides = array<i32>} : memref<2x64x128xf32, #tpu.memory_space<vmem>>, vector<1x1x16xf32>,
      %swap3A_489 = vector.shape_cast %swap3A_488 : vector<1x1x16xf32> to vector<16xf32>
      %swap3A_490 = vector.shape_cast %mul3A_410 : vector<16xf32> to vector<1x1x16xf32>
      tpu.vector_store %arg16[%swap3A_485, %swap3A_486, %swap3A_487], %swap3A_490 {strides = array<i32>} : memref<2x64x128xf32, #tpu.memory_space<vmem>>, vector<1x1x16xf32>,
      %swap3A_491 = arith.constant 0 : i32
      %swap3A_492 = arith.index_cast %swap3A_491 : i32 to index
      %swap3A_493 = arith.index_cast %scan3A_358 : i32 to index
      %swap3A_494 = arith.constant 64 : index
      %swap3A_495 = tpu.vector_load %arg16[%swap3A_492, %swap3A_493, %swap3A_494] {strides = array<i32>} : memref<2x64x128xf32, #tpu.memory_space<vmem>>, vector<1x1x16xf32>,
      %swap3A_496 = vector.shape_cast %swap3A_495 : vector<1x1x16xf32> to vector<16xf32>
      %swap3A_497 = vector.shape_cast %mul3A_423 : vector<16xf32> to vector<1x1x16xf32>
      tpu.vector_store %arg16[%swap3A_492, %swap3A_493, %swap3A_494], %swap3A_497 {strides = array<i32>} : memref<2x64x128xf32, #tpu.memory_space<vmem>>, vector<1x1x16xf32>,
      %swap3A_498 = arith.constant 0 : i32
      %swap3A_499 = arith.index_cast %swap3A_498 : i32 to index
      %swap3A_500 = arith.index_cast %scan3A_358 : i32 to index
      %swap3A_501 = arith.constant 80 : index
      %swap3A_502 = tpu.vector_load %arg16[%swap3A_499, %swap3A_500, %swap3A_501] {strides = array<i32>} : memref<2x64x128xf32, #tpu.memory_space<vmem>>, vector<1x1x16xf32>,
      %swap3A_503 = vector.shape_cast %swap3A_502 : vector<1x1x16xf32> to vector<16xf32>
      %swap3A_504 = vector.shape_cast %mul3A_436 : vector<16xf32> to vector<1x1x16xf32>
      tpu.vector_store %arg16[%swap3A_499, %swap3A_500, %swap3A_501], %swap3A_504 {strides = array<i32>} : memref<2x64x128xf32, #tpu.memory_space<vmem>>, vector<1x1x16xf32>,
      %swap3A_505 = arith.constant 0 : i32
      %swap3A_506 = arith.index_cast %swap3A_505 : i32 to index
      %swap3A_507 = arith.index_cast %scan3A_358 : i32 to index
      %swap3A_508 = arith.constant 96 : index
      %swap3A_509 = tpu.vector_load %arg16[%swap3A_506, %swap3A_507, %swap3A_508] {strides = array<i32>} : memref<2x64x128xf32, #tpu.memory_space<vmem>>, vector<1x1x16xf32>,
      %swap3A_510 = vector.shape_cast %swap3A_509 : vector<1x1x16xf32> to vector<16xf32>
      %swap3A_511 = vector.shape_cast %mul3A_449 : vector<16xf32> to vector<1x1x16xf32>
      tpu.vector_store %arg16[%swap3A_506, %swap3A_507, %swap3A_508], %swap3A_511 {strides = array<i32>} : memref<2x64x128xf32, #tpu.memory_space<vmem>>, vector<1x1x16xf32>,
      %swap3A_512 = arith.constant 0 : i32
      %swap3A_513 = arith.index_cast %swap3A_512 : i32 to index
      %swap3A_514 = arith.index_cast %scan3A_358 : i32 to index
      %swap3A_515 = arith.constant 112 : index
      %swap3A_516 = tpu.vector_load %arg16[%swap3A_513, %swap3A_514, %swap3A_515] {strides = array<i32>} : memref<2x64x128xf32, #tpu.memory_space<vmem>>, vector<1x1x16xf32>,
      %swap3A_517 = vector.shape_cast %swap3A_516 : vector<1x1x16xf32> to vector<16xf32>
      %swap3A_518 = vector.shape_cast %mul3A_462 : vector<16xf32> to vector<1x1x16xf32>
      tpu.vector_store %arg16[%swap3A_513, %swap3A_514, %swap3A_515], %swap3A_518 {strides = array<i32>} : memref<2x64x128xf32, #tpu.memory_space<vmem>>, vector<1x1x16xf32>,
      %scan3A_519 = arith.constant 1 : i32
      %scan3A_520 = arith.addi %scan3A_358, %scan3A_519 : i32
      %get3A_521 = arith.constant 0 : i32
      %get3A_522 = arith.index_cast %get3A_521 : i32 to index
      %get3A_523 = arith.index_cast %scan3A_520 : i32 to index
      %get3A_524 = arith.constant 0 : index
      %get3A_525 = tpu.vector_load %arg14[%get3A_522, %get3A_523, %get3A_524] {strides = array<i32>} : memref<2x64x128xf32, #tpu.memory_space<vmem>>, vector<1x1x16xf32>,
      %get3A_526 = vector.shape_cast %get3A_525 : vector<1x1x16xf32> to vector<16xf32>
      %get3A_527 = arith.constant 0 : i32
      %get3A_528 = arith.index_cast %get3A_527 : i32 to index
      %get3A_529 = arith.index_cast %scan3A_520 : i32 to index
      %get3A_530 = arith.constant 0 : index
      %get3A_531 = tpu.vector_load %arg15[%get3A_528, %get3A_529, %get3A_530] {strides = array<i32>} : memref<2x64x128xf32, #tpu.memory_space<vmem>>, vector<1x1x16xf32>,
      %get3A_532 = vector.shape_cast %get3A_531 : vector<1x1x16xf32> to vector<16xf32>
      %mul3A_533 = arith.mulf %get3A_526, %get3A_532 : vector<16xf32>
      %get3A_534 = arith.constant 0 : i32
      %get3A_535 = arith.index_cast %get3A_534 : i32 to index
      %get3A_536 = arith.index_cast %scan3A_520 : i32 to index
      %get3A_537 = arith.constant 16 : index
      %get3A_538 = tpu.vector_load %arg14[%get3A_535, %get3A_536, %get3A_537] {strides = array<i32>} : memref<2x64x128xf32, #tpu.memory_space<vmem>>, vector<1x1x16xf32>,
      %get3A_539 = vector.shape_cast %get3A_538 : vector<1x1x16xf32> to vector<16xf32>
      %get3A_540 = arith.constant 0 : i32
      %get3A_541 = arith.index_cast %get3A_540 : i32 to index
      %get3A_542 = arith.index_cast %scan3A_520 : i32 to index
      %get3A_543 = arith.constant 16 : index
      %get3A_544 = tpu.vector_load %arg15[%get3A_541, %get3A_542, %get3A_543] {strides = array<i32>} : memref<2x64x128xf32, #tpu.memory_space<vmem>>, vector<1x1x16xf32>,
      %get3A_545 = vector.shape_cast %get3A_544 : vector<1x1x16xf32> to vector<16xf32>
      %mul3A_546 = arith.mulf %get3A_539, %get3A_545 : vector<16xf32>
      %get3A_547 = arith.constant 0 : i32
      %get3A_548 = arith.index_cast %get3A_547 : i32 to index
      %get3A_549 = arith.index_cast %scan3A_520 : i32 to index
      %get3A_550 = arith.constant 32 : index
      %get3A_551 = tpu.vector_load %arg14[%get3A_548, %get3A_549, %get3A_550] {strides = array<i32>} : memref<2x64x128xf32, #tpu.memory_space<vmem>>, vector<1x1x16xf32>,
      %get3A_552 = vector.shape_cast %get3A_551 : vector<1x1x16xf32> to vector<16xf32>
      %get3A_553 = arith.constant 0 : i32
      %get3A_554 = arith.index_cast %get3A_553 : i32 to index
      %get3A_555 = arith.index_cast %scan3A_520 : i32 to index
      %get3A_556 = arith.constant 32 : index
      %get3A_557 = tpu.vector_load %arg15[%get3A_554, %get3A_555, %get3A_556] {strides = array<i32>} : memref<2x64x128xf32, #tpu.memory_space<vmem>>, vector<1x1x16xf32>,
      %get3A_558 = vector.shape_cast %get3A_557 : vector<1x1x16xf32> to vector<16xf32>
      %mul3A_559 = arith.mulf %get3A_552, %get3A_558 : vector<16xf32>
      %get3A_560 = arith.constant 0 : i32
      %get3A_561 = arith.index_cast %get3A_560 : i32 to index
      %get3A_562 = arith.index_cast %scan3A_520 : i32 to index
      %get3A_563 = arith.constant 48 : index
      %get3A_564 = tpu.vector_load %arg14[%get3A_561, %get3A_562, %get3A_563] {strides = array<i32>} : memref<2x64x128xf32, #tpu.memory_space<vmem>>, vector<1x1x16xf32>,
      %get3A_565 = vector.shape_cast %get3A_564 : vector<1x1x16xf32> to vector<16xf32>
      %get3A_566 = arith.constant 0 : i32
      %get3A_567 = arith.index_cast %get3A_566 : i32 to index
      %get3A_568 = arith.index_cast %scan3A_520 : i32 to index
      %get3A_569 = arith.constant 48 : index
      %get3A_570 = tpu.vector_load %arg15[%get3A_567, %get3A_568, %get3A_569] {strides = array<i32>} : memref<2x64x128xf32, #tpu.memory_space<vmem>>, vector<1x1x16xf32>,
      %get3A_571 = vector.shape_cast %get3A_570 : vector<1x1x16xf32> to vector<16xf32>
      %mul3A_572 = arith.mulf %get3A_565, %get3A_571 : vector<16xf32>
      %get3A_573 = arith.constant 0 : i32
      %get3A_574 = arith.index_cast %get3A_573 : i32 to index
      %get3A_575 = arith.index_cast %scan3A_520 : i32 to index
      %get3A_576 = arith.constant 64 : index
      %get3A_577 = tpu.vector_load %arg14[%get3A_574, %get3A_575, %get3A_576] {strides = array<i32>} : memref<2x64x128xf32, #tpu.memory_space<vmem>>, vector<1x1x16xf32>,
      %get3A_578 = vector.shape_cast %get3A_577 : vector<1x1x16xf32> to vector<16xf32>
      %get3A_579 = arith.constant 0 : i32
      %get3A_580 = arith.index_cast %get3A_579 : i32 to index
      %get3A_581 = arith.index_cast %scan3A_520 : i32 to index
      %get3A_582 = arith.constant 64 : index
      %get3A_583 = tpu.vector_load %arg15[%get3A_580, %get3A_581, %get3A_582] {strides = array<i32>} : memref<2x64x128xf32, #tpu.memory_space<vmem>>, vector<1x1x16xf32>,
      %get3A_584 = vector.shape_cast %get3A_583 : vector<1x1x16xf32> to vector<16xf32>
      %mul3A_585 = arith.mulf %get3A_578, %get3A_584 : vector<16xf32>
      %get3A_586 = arith.constant 0 : i32
      %get3A_587 = arith.index_cast %get3A_586 : i32 to index
      %get3A_588 = arith.index_cast %scan3A_520 : i32 to index
      %get3A_589 = arith.constant 80 : index
      %get3A_590 = tpu.vector_load %arg14[%get3A_587, %get3A_588, %get3A_589] {strides = array<i32>} : memref<2x64x128xf32, #tpu.memory_space<vmem>>, vector<1x1x16xf32>,
      %get3A_591 = vector.shape_cast %get3A_590 : vector<1x1x16xf32> to vector<16xf32>
      %get3A_592 = arith.constant 0 : i32
      %get3A_593 = arith.index_cast %get3A_592 : i32 to index
      %get3A_594 = arith.index_cast %scan3A_520 : i32 to index
      %get3A_595 = arith.constant 80 : index
      %get3A_596 = tpu.vector_load %arg15[%get3A_593, %get3A_594, %get3A_595] {strides = array<i32>} : memref<2x64x128xf32, #tpu.memory_space<vmem>>, vector<1x1x16xf32>,
      %get3A_597 = vector.shape_cast %get3A_596 : vector<1x1x16xf32> to vector<16xf32>
      %mul3A_598 = arith.mulf %get3A_591, %get3A_597 : vector<16xf32>
      %get3A_599 = arith.constant 0 : i32
      %get3A_600 = arith.index_cast %get3A_599 : i32 to index
      %get3A_601 = arith.index_cast %scan3A_520 : i32 to index
      %get3A_602 = arith.constant 96 : index
      %get3A_603 = tpu.vector_load %arg14[%get3A_600, %get3A_601, %get3A_602] {strides = array<i32>} : memref<2x64x128xf32, #tpu.memory_space<vmem>>, vector<1x1x16xf32>,
      %get3A_604 = vector.shape_cast %get3A_603 : vector<1x1x16xf32> to vector<16xf32>
      %get3A_605 = arith.constant 0 : i32
      %get3A_606 = arith.index_cast %get3A_605 : i32 to index
      %get3A_607 = arith.index_cast %scan3A_520 : i32 to index
      %get3A_608 = arith.constant 96 : index
      %get3A_609 = tpu.vector_load %arg15[%get3A_606, %get3A_607, %get3A_608] {strides = array<i32>} : memref<2x64x128xf32, #tpu.memory_space<vmem>>, vector<1x1x16xf32>,
      %get3A_610 = vector.shape_cast %get3A_609 : vector<1x1x16xf32> to vector<16xf32>
      %mul3A_611 = arith.mulf %get3A_604, %get3A_610 : vector<16xf32>
      %get3A_612 = arith.constant 0 : i32
      %get3A_613 = arith.index_cast %get3A_612 : i32 to index
      %get3A_614 = arith.index_cast %scan3A_520 : i32 to index
      %get3A_615 = arith.constant 112 : index
      %get3A_616 = tpu.vector_load %arg14[%get3A_613, %get3A_614, %get3A_615] {strides = array<i32>} : memref<2x64x128xf32, #tpu.memory_space<vmem>>, vector<1x1x16xf32>,
      %get3A_617 = vector.shape_cast %get3A_616 : vector<1x1x16xf32> to vector<16xf32>
      %get3A_618 = arith.constant 0 : i32
      %get3A_619 = arith.index_cast %get3A_618 : i32 to index
      %get3A_620 = arith.index_cast %scan3A_520 : i32 to index
      %get3A_621 = arith.constant 112 : index
      %get3A_622 = tpu.vector_load %arg15[%get3A_619, %get3A_620, %get3A_621] {strides = array<i32>} : memref<2x64x128xf32, #tpu.memory_space<vmem>>, vector<1x1x16xf32>,
      %get3A_623 = vector.shape_cast %get3A_622 : vector<1x1x16xf32> to vector<16xf32>
      %mul3A_624 = arith.mulf %get3A_617, %get3A_623 : vector<16xf32>
      %swap3A_625 = arith.constant 0 : i32
      %swap3A_626 = arith.index_cast %swap3A_625 : i32 to index
      %swap3A_627 = arith.index_cast %scan3A_520 : i32 to index
      %swap3A_628 = arith.constant 0 : index
      %swap3A_629 = tpu.vector_load %arg16[%swap3A_626, %swap3A_627, %swap3A_628] {strides = array<i32>} : memref<2x64x128xf32, #tpu.memory_space<vmem>>, vector<1x1x16xf32>,
      %swap3A_630 = vector.shape_cast %swap3A_629 : vector<1x1x16xf32> to vector<16xf32>
      %swap3A_631 = vector.shape_cast %mul3A_533 : vector<16xf32> to vector<1x1x16xf32>
      tpu.vector_store %arg16[%swap3A_626, %swap3A_627, %swap3A_628], %swap3A_631 {strides = array<i32>} : memref<2x64x128xf32, #tpu.memory_space<vmem>>, vector<1x1x16xf32>,
      %swap3A_632 = arith.constant 0 : i32
      %swap3A_633 = arith.index_cast %swap3A_632 : i32 to index
      %swap3A_634 = arith.index_cast %scan3A_520 : i32 to index
      %swap3A_635 = arith.constant 16 : index
      %swap3A_636 = tpu.vector_load %arg16[%swap3A_633, %swap3A_634, %swap3A_635] {strides = array<i32>} : memref<2x64x128xf32, #tpu.memory_space<vmem>>, vector<1x1x16xf32>,
      %swap3A_637 = vector.shape_cast %swap3A_636 : vector<1x1x16xf32> to vector<16xf32>
      %swap3A_638 = vector.shape_cast %mul3A_546 : vector<16xf32> to vector<1x1x16xf32>
      tpu.vector_store %arg16[%swap3A_633, %swap3A_634, %swap3A_635], %swap3A_638 {strides = array<i32>} : memref<2x64x128xf32, #tpu.memory_space<vmem>>, vector<1x1x16xf32>,
      %swap3A_639 = arith.constant 0 : i32
      %swap3A_640 = arith.index_cast %swap3A_639 : i32 to index
      %swap3A_641 = arith.index_cast %scan3A_520 : i32 to index
      %swap3A_642 = arith.constant 32 : index
      %swap3A_643 = tpu.vector_load %arg16[%swap3A_640, %swap3A_641, %swap3A_642] {strides = array<i32>} : memref<2x64x128xf32, #tpu.memory_space<vmem>>, vector<1x1x16xf32>,
      %swap3A_644 = vector.shape_cast %swap3A_643 : vector<1x1x16xf32> to vector<16xf32>
      %swap3A_645 = vector.shape_cast %mul3A_559 : vector<16xf32> to vector<1x1x16xf32>
      tpu.vector_store %arg16[%swap3A_640, %swap3A_641, %swap3A_642], %swap3A_645 {strides = array<i32>} : memref<2x64x128xf32, #tpu.memory_space<vmem>>, vector<1x1x16xf32>,
      %swap3A_646 = arith.constant 0 : i32
      %swap3A_647 = arith.index_cast %swap3A_646 : i32 to index
      %swap3A_648 = arith.index_cast %scan3A_520 : i32 to index
      %swap3A_649 = arith.constant 48 : index
      %swap3A_650 = tpu.vector_load %arg16[%swap3A_647, %swap3A_648, %swap3A_649] {strides = array<i32>} : memref<2x64x128xf32, #tpu.memory_space<vmem>>, vector<1x1x16xf32>,
      %swap3A_651 = vector.shape_cast %swap3A_650 : vector<1x1x16xf32> to vector<16xf32>
      %swap3A_652 = vector.shape_cast %mul3A_572 : vector<16xf32> to vector<1x1x16xf32>
      tpu.vector_store %arg16[%swap3A_647, %swap3A_648, %swap3A_649], %swap3A_652 {strides = array<i32>} : memref<2x64x128xf32, #tpu.memory_space<vmem>>, vector<1x1x16xf32>,
      %swap3A_653 = arith.constant 0 : i32
      %swap3A_654 = arith.index_cast %swap3A_653 : i32 to index
      %swap3A_655 = arith.index_cast %scan3A_520 : i32 to index
      %swap3A_656 = arith.constant 64 : index
      %swap3A_657 = tpu.vector_load %arg16[%swap3A_654, %swap3A_655, %swap3A_656] {strides = array<i32>} : memref<2x64x128xf32, #tpu.memory_space<vmem>>, vector<1x1x16xf32>,
      %swap3A_658 = vector.shape_cast %swap3A_657 : vector<1x1x16xf32> to vector<16xf32>
      %swap3A_659 = vector.shape_cast %mul3A_585 : vector<16xf32> to vector<1x1x16xf32>
      tpu.vector_store %arg16[%swap3A_654, %swap3A_655, %swap3A_656], %swap3A_659 {strides = array<i32>} : memref<2x64x128xf32, #tpu.memory_space<vmem>>, vector<1x1x16xf32>,
      %swap3A_660 = arith.constant 0 : i32
      %swap3A_661 = arith.index_cast %swap3A_660 : i32 to index
      %swap3A_662 = arith.index_cast %scan3A_520 : i32 to index
      %swap3A_663 = arith.constant 80 : index
      %swap3A_664 = tpu.vector_load %arg16[%swap3A_661, %swap3A_662, %swap3A_663] {strides = array<i32>} : memref<2x64x128xf32, #tpu.memory_space<vmem>>, vector<1x1x16xf32>,
      %swap3A_665 = vector.shape_cast %swap3A_664 : vector<1x1x16xf32> to vector<16xf32>
      %swap3A_666 = vector.shape_cast %mul3A_598 : vector<16xf32> to vector<1x1x16xf32>
      tpu.vector_store %arg16[%swap3A_661, %swap3A_662, %swap3A_663], %swap3A_666 {strides = array<i32>} : memref<2x64x128xf32, #tpu.memory_space<vmem>>, vector<1x1x16xf32>,
      %swap3A_667 = arith.constant 0 : i32
      %swap3A_668 = arith.index_cast %swap3A_667 : i32 to index
      %swap3A_669 = arith.index_cast %scan3A_520 : i32 to index
      %swap3A_670 = arith.constant 96 : index
      %swap3A_671 = tpu.vector_load %arg16[%swap3A_668, %swap3A_669, %swap3A_670] {strides = array<i32>} : memref<2x64x128xf32, #tpu.memory_space<vmem>>, vector<1x1x16xf32>,
      %swap3A_672 = vector.shape_cast %swap3A_671 : vector<1x1x16xf32> to vector<16xf32>
      %swap3A_673 = vector.shape_cast %mul3A_611 : vector<16xf32> to vector<1x1x16xf32>
      tpu.vector_store %arg16[%swap3A_668, %swap3A_669, %swap3A_670], %swap3A_673 {strides = array<i32>} : memref<2x64x128xf32, #tpu.memory_space<vmem>>, vector<1x1x16xf32>,
      %swap3A_674 = arith.constant 0 : i32
      %swap3A_675 = arith.index_cast %swap3A_674 : i32 to index
      %swap3A_676 = arith.index_cast %scan3A_520 : i32 to index
      %swap3A_677 = arith.constant 112 : index
      %swap3A_678 = tpu.vector_load %arg16[%swap3A_675, %swap3A_676, %swap3A_677] {strides = array<i32>} : memref<2x64x128xf32, #tpu.memory_space<vmem>>, vector<1x1x16xf32>,
      %swap3A_679 = vector.shape_cast %swap3A_678 : vector<1x1x16xf32> to vector<16xf32>
      %swap3A_680 = vector.shape_cast %mul3A_624 : vector<16xf32> to vector<1x1x16xf32>
      tpu.vector_store %arg16[%swap3A_675, %swap3A_676, %swap3A_677], %swap3A_680 {strides = array<i32>} : memref<2x64x128xf32, #tpu.memory_space<vmem>>, vector<1x1x16xf32>,
      %scan3A_681 = arith.constant 2 : i32
      %scan3A_682 = arith.addi %scan3A_358, %scan3A_681 : i32
      %get3A_683 = arith.constant 0 : i32
      %get3A_684 = arith.index_cast %get3A_683 : i32 to index
      %get3A_685 = arith.index_cast %scan3A_682 : i32 to index
      %get3A_686 = arith.constant 0 : index
      %get3A_687 = tpu.vector_load %arg14[%get3A_684, %get3A_685, %get3A_686] {strides = array<i32>} : memref<2x64x128xf32, #tpu.memory_space<vmem>>, vector<1x1x16xf32>,
      %get3A_688 = vector.shape_cast %get3A_687 : vector<1x1x16xf32> to vector<16xf32>
      %get3A_689 = arith.constant 0 : i32
      %get3A_690 = arith.index_cast %get3A_689 : i32 to index
      %get3A_691 = arith.index_cast %scan3A_682 : i32 to index
      %get3A_692 = arith.constant 0 : index
      %get3A_693 = tpu.vector_load %arg15[%get3A_690, %get3A_691, %get3A_692] {strides = array<i32>} : memref<2x64x128xf32, #tpu.memory_space<vmem>>, vector<1x1x16xf32>,
      %get3A_694 = vector.shape_cast %get3A_693 : vector<1x1x16xf32> to vector<16xf32>
      %mul3A_695 = arith.mulf %get3A_688, %get3A_694 : vector<16xf32>
      %get3A_696 = arith.constant 0 : i32
      %get3A_697 = arith.index_cast %get3A_696 : i32 to index
      %get3A_698 = arith.index_cast %scan3A_682 : i32 to index
      %get3A_699 = arith.constant 16 : index
      %get3A_700 = tpu.vector_load %arg14[%get3A_697, %get3A_698, %get3A_699] {strides = array<i32>} : memref<2x64x128xf32, #tpu.memory_space<vmem>>, vector<1x1x16xf32>,
      %get3A_701 = vector.shape_cast %get3A_700 : vector<1x1x16xf32> to vector<16xf32>
      %get3A_702 = arith.constant 0 : i32
      %get3A_703 = arith.index_cast %get3A_702 : i32 to index
      %get3A_704 = arith.index_cast %scan3A_682 : i32 to index
      %get3A_705 = arith.constant 16 : index
      %get3A_706 = tpu.vector_load %arg15[%get3A_703, %get3A_704, %get3A_705] {strides = array<i32>} : memref<2x64x128xf32, #tpu.memory_space<vmem>>, vector<1x1x16xf32>,
      %get3A_707 = vector.shape_cast %get3A_706 : vector<1x1x16xf32> to vector<16xf32>
      %mul3A_708 = arith.mulf %get3A_701, %get3A_707 : vector<16xf32>
      %get3A_709 = arith.constant 0 : i32
      %get3A_710 = arith.index_cast %get3A_709 : i32 to index
      %get3A_711 = arith.index_cast %scan3A_682 : i32 to index
      %get3A_712 = arith.constant 32 : index
      %get3A_713 = tpu.vector_load %arg14[%get3A_710, %get3A_711, %get3A_712] {strides = array<i32>} : memref<2x64x128xf32, #tpu.memory_space<vmem>>, vector<1x1x16xf32>,
      %get3A_714 = vector.shape_cast %get3A_713 : vector<1x1x16xf32> to vector<16xf32>
      %get3A_715 = arith.constant 0 : i32
      %get3A_716 = arith.index_cast %get3A_715 : i32 to index
      %get3A_717 = arith.index_cast %scan3A_682 : i32 to index
      %get3A_718 = arith.constant 32 : index
      %get3A_719 = tpu.vector_load %arg15[%get3A_716, %get3A_717, %get3A_718] {strides = array<i32>} : memref<2x64x128xf32, #tpu.memory_space<vmem>>, vector<1x1x16xf32>,
      %get3A_720 = vector.shape_cast %get3A_719 : vector<1x1x16xf32> to vector<16xf32>
      %mul3A_721 = arith.mulf %get3A_714, %get3A_720 : vector<16xf32>
      %get3A_722 = arith.constant 0 : i32
      %get3A_723 = arith.index_cast %get3A_722 : i32 to index
      %get3A_724 = arith.index_cast %scan3A_682 : i32 to index
      %get3A_725 = arith.constant 48 : index
      %get3A_726 = tpu.vector_load %arg14[%get3A_723, %get3A_724, %get3A_725] {strides = array<i32>} : memref<2x64x128xf32, #tpu.memory_space<vmem>>, vector<1x1x16xf32>,
      %get3A_727 = vector.shape_cast %get3A_726 : vector<1x1x16xf32> to vector<16xf32>
      %get3A_728 = arith.constant 0 : i32
      %get3A_729 = arith.index_cast %get3A_728 : i32 to index
      %get3A_730 = arith.index_cast %scan3A_682 : i32 to index
      %get3A_731 = arith.constant 48 : index
      %get3A_732 = tpu.vector_load %arg15[%get3A_729, %get3A_730, %get3A_731] {strides = array<i32>} : memref<2x64x128xf32, #tpu.memory_space<vmem>>, vector<1x1x16xf32>,
      %get3A_733 = vector.shape_cast %get3A_732 : vector<1x1x16xf32> to vector<16xf32>
      %mul3A_734 = arith.mulf %get3A_727, %get3A_733 : vector<16xf32>
      %get3A_735 = arith.constant 0 : i32
      %get3A_736 = arith.index_cast %get3A_735 : i32 to index
      %get3A_737 = arith.index_cast %scan3A_682 : i32 to index
      %get3A_738 = arith.constant 64 : index
      %get3A_739 = tpu.vector_load %arg14[%get3A_736, %get3A_737, %get3A_738] {strides = array<i32>} : memref<2x64x128xf32, #tpu.memory_space<vmem>>, vector<1x1x16xf32>,
      %get3A_740 = vector.shape_cast %get3A_739 : vector<1x1x16xf32> to vector<16xf32>
      %get3A_741 = arith.constant 0 : i32
      %get3A_742 = arith.index_cast %get3A_741 : i32 to index
      %get3A_743 = arith.index_cast %scan3A_682 : i32 to index
      %get3A_744 = arith.constant 64 : index
      %get3A_745 = tpu.vector_load %arg15[%get3A_742, %get3A_743, %get3A_744] {strides = array<i32>} : memref<2x64x128xf32, #tpu.memory_space<vmem>>, vector<1x1x16xf32>,
      %get3A_746 = vector.shape_cast %get3A_745 : vector<1x1x16xf32> to vector<16xf32>
      %mul3A_747 = arith.mulf %get3A_740, %get3A_746 : vector<16xf32>
      %get3A_748 = arith.constant 0 : i32
      %get3A_749 = arith.index_cast %get3A_748 : i32 to index
      %get3A_750 = arith.index_cast %scan3A_682 : i32 to index
      %get3A_751 = arith.constant 80 : index
      %get3A_752 = tpu.vector_load %arg14[%get3A_749, %get3A_750, %get3A_751] {strides = array<i32>} : memref<2x64x128xf32, #tpu.memory_space<vmem>>, vector<1x1x16xf32>,
      %get3A_753 = vector.shape_cast %get3A_752 : vector<1x1x16xf32> to vector<16xf32>
      %get3A_754 = arith.constant 0 : i32
      %get3A_755 = arith.index_cast %get3A_754 : i32 to index
      %get3A_756 = arith.index_cast %scan3A_682 : i32 to index
      %get3A_757 = arith.constant 80 : index
      %get3A_758 = tpu.vector_load %arg15[%get3A_755, %get3A_756, %get3A_757] {strides = array<i32>} : memref<2x64x128xf32, #tpu.memory_space<vmem>>, vector<1x1x16xf32>,
      %get3A_759 = vector.shape_cast %get3A_758 : vector<1x1x16xf32> to vector<16xf32>
      %mul3A_760 = arith.mulf %get3A_753, %get3A_759 : vector<16xf32>
      %get3A_761 = arith.constant 0 : i32
      %get3A_762 = arith.index_cast %get3A_761 : i32 to index
      %get3A_763 = arith.index_cast %scan3A_682 : i32 to index
      %get3A_764 = arith.constant 96 : index
      %get3A_765 = tpu.vector_load %arg14[%get3A_762, %get3A_763, %get3A_764] {strides = array<i32>} : memref<2x64x128xf32, #tpu.memory_space<vmem>>, vector<1x1x16xf32>,
      %get3A_766 = vector.shape_cast %get3A_765 : vector<1x1x16xf32> to vector<16xf32>
      %get3A_767 = arith.constant 0 : i32
      %get3A_768 = arith.index_cast %get3A_767 : i32 to index
      %get3A_769 = arith.index_cast %scan3A_682 : i32 to index
      %get3A_770 = arith.constant 96 : index
      %get3A_771 = tpu.vector_load %arg15[%get3A_768, %get3A_769, %get3A_770] {strides = array<i32>} : memref<2x64x128xf32, #tpu.memory_space<vmem>>, vector<1x1x16xf32>,
      %get3A_772 = vector.shape_cast %get3A_771 : vector<1x1x16xf32> to vector<16xf32>
      %mul3A_773 = arith.mulf %get3A_766, %get3A_772 : vector<16xf32>
      %get3A_774 = arith.constant 0 : i32
      %get3A_775 = arith.index_cast %get3A_774 : i32 to index
      %get3A_776 = arith.index_cast %scan3A_682 : i32 to index
      %get3A_777 = arith.constant 112 : index
      %get3A_778 = tpu.vector_load %arg14[%get3A_775, %get3A_776, %get3A_777] {strides = array<i32>} : memref<2x64x128xf32, #tpu.memory_space<vmem>>, vector<1x1x16xf32>,
      %get3A_779 = vector.shape_cast %get3A_778 : vector<1x1x16xf32> to vector<16xf32>
      %get3A_780 = arith.constant 0 : i32
      %get3A_781 = arith.index_cast %get3A_780 : i32 to index
      %get3A_782 = arith.index_cast %scan3A_682 : i32 to index
      %get3A_783 = arith.constant 112 : index
      %get3A_784 = tpu.vector_load %arg15[%get3A_781, %get3A_782, %get3A_783] {strides = array<i32>} : memref<2x64x128xf32, #tpu.memory_space<vmem>>, vector<1x1x16xf32>,
      %get3A_785 = vector.shape_cast %get3A_784 : vector<1x1x16xf32> to vector<16xf32>
      %mul3A_786 = arith.mulf %get3A_779, %get3A_785 : vector<16xf32>
      %swap3A_787 = arith.constant 0 : i32
      %swap3A_788 = arith.index_cast %swap3A_787 : i32 to index
      %swap3A_789 = arith.index_cast %scan3A_682 : i32 to index
      %swap3A_790 = arith.constant 0 : index
      %swap3A_791 = tpu.vector_load %arg16[%swap3A_788, %swap3A_789, %swap3A_790] {strides = array<i32>} : memref<2x64x128xf32, #tpu.memory_space<vmem>>, vector<1x1x16xf32>,
      %swap3A_792 = vector.shape_cast %swap3A_791 : vector<1x1x16xf32> to vector<16xf32>
      %swap3A_793 = vector.shape_cast %mul3A_695 : vector<16xf32> to vector<1x1x16xf32>
      tpu.vector_store %arg16[%swap3A_788, %swap3A_789, %swap3A_790], %swap3A_793 {strides = array<i32>} : memref<2x64x128xf32, #tpu.memory_space<vmem>>, vector<1x1x16xf32>,
      %swap3A_794 = arith.constant 0 : i32
      %swap3A_795 = arith.index_cast %swap3A_794 : i32 to index
      %swap3A_796 = arith.index_cast %scan3A_682 : i32 to index
      %swap3A_797 = arith.constant 16 : index
      %swap3A_798 = tpu.vector_load %arg16[%swap3A_795, %swap3A_796, %swap3A_797] {strides = array<i32>} : memref<2x64x128xf32, #tpu.memory_space<vmem>>, vector<1x1x16xf32>,
      %swap3A_799 = vector.shape_cast %swap3A_798 : vector<1x1x16xf32> to vector<16xf32>
      %swap3A_800 = vector.shape_cast %mul3A_708 : vector<16xf32> to vector<1x1x16xf32>
      tpu.vector_store %arg16[%swap3A_795, %swap3A_796, %swap3A_797], %swap3A_800 {strides = array<i32>} : memref<2x64x128xf32, #tpu.memory_space<vmem>>, vector<1x1x16xf32>,
      %swap3A_801 = arith.constant 0 : i32
      %swap3A_802 = arith.index_cast %swap3A_801 : i32 to index
      %swap3A_803 = arith.index_cast %scan3A_682 : i32 to index
      %swap3A_804 = arith.constant 32 : index
      %swap3A_805 = tpu.vector_load %arg16[%swap3A_802, %swap3A_803, %swap3A_804] {strides = array<i32>} : memref<2x64x128xf32, #tpu.memory_space<vmem>>, vector<1x1x16xf32>,
      %swap3A_806 = vector.shape_cast %swap3A_805 : vector<1x1x16xf32> to vector<16xf32>
      %swap3A_807 = vector.shape_cast %mul3A_721 : vector<16xf32> to vector<1x1x16xf32>
      tpu.vector_store %arg16[%swap3A_802, %swap3A_803, %swap3A_804], %swap3A_807 {strides = array<i32>} : memref<2x64x128xf32, #tpu.memory_space<vmem>>, vector<1x1x16xf32>,
      %swap3A_808 = arith.constant 0 : i32
      %swap3A_809 = arith.index_cast %swap3A_808 : i32 to index
      %swap3A_810 = arith.index_cast %scan3A_682 : i32 to index
      %swap3A_811 = arith.constant 48 : index
      %swap3A_812 = tpu.vector_load %arg16[%swap3A_809, %swap3A_810, %swap3A_811] {strides = array<i32>} : memref<2x64x128xf32, #tpu.memory_space<vmem>>, vector<1x1x16xf32>,
      %swap3A_813 = vector.shape_cast %swap3A_812 : vector<1x1x16xf32> to vector<16xf32>
      %swap3A_814 = vector.shape_cast %mul3A_734 : vector<16xf32> to vector<1x1x16xf32>
      tpu.vector_store %arg16[%swap3A_809, %swap3A_810, %swap3A_811], %swap3A_814 {strides = array<i32>} : memref<2x64x128xf32, #tpu.memory_space<vmem>>, vector<1x1x16xf32>,
      %swap3A_815 = arith.constant 0 : i32
      %swap3A_816 = arith.index_cast %swap3A_815 : i32 to index
      %swap3A_817 = arith.index_cast %scan3A_682 : i32 to index
      %swap3A_818 = arith.constant 64 : index
      %swap3A_819 = tpu.vector_load %arg16[%swap3A_816, %swap3A_817, %swap3A_818] {strides = array<i32>} : memref<2x64x128xf32, #tpu.memory_space<vmem>>, vector<1x1x16xf32>,
      %swap3A_820 = vector.shape_cast %swap3A_819 : vector<1x1x16xf32> to vector<16xf32>
      %swap3A_821 = vector.shape_cast %mul3A_747 : vector<16xf32> to vector<1x1x16xf32>
      tpu.vector_store %arg16[%swap3A_816, %swap3A_817, %swap3A_818], %swap3A_821 {strides = array<i32>} : memref<2x64x128xf32, #tpu.memory_space<vmem>>, vector<1x1x16xf32>,
      %swap3A_822 = arith.constant 0 : i32
      %swap3A_823 = arith.index_cast %swap3A_822 : i32 to index
      %swap3A_824 = arith.index_cast %scan3A_682 : i32 to index
      %swap3A_825 = arith.constant 80 : index
      %swap3A_826 = tpu.vector_load %arg16[%swap3A_823, %swap3A_824, %swap3A_825] {strides = array<i32>} : memref<2x64x128xf32, #tpu.memory_space<vmem>>, vector<1x1x16xf32>,
      %swap3A_827 = vector.shape_cast %swap3A_826 : vector<1x1x16xf32> to vector<16xf32>
      %swap3A_828 = vector.shape_cast %mul3A_760 : vector<16xf32> to vector<1x1x16xf32>
      tpu.vector_store %arg16[%swap3A_823, %swap3A_824, %swap3A_825], %swap3A_828 {strides = array<i32>} : memref<2x64x128xf32, #tpu.memory_space<vmem>>, vector<1x1x16xf32>,
      %swap3A_829 = arith.constant 0 : i32
      %swap3A_830 = arith.index_cast %swap3A_829 : i32 to index
      %swap3A_831 = arith.index_cast %scan3A_682 : i32 to index
      %swap3A_832 = arith.constant 96 : index
      %swap3A_833 = tpu.vector_load %arg16[%swap3A_830, %swap3A_831, %swap3A_832] {strides = array<i32>} : memref<2x64x128xf32, #tpu.memory_space<vmem>>, vector<1x1x16xf32>,
      %swap3A_834 = vector.shape_cast %swap3A_833 : vector<1x1x16xf32> to vector<16xf32>
      %swap3A_835 = vector.shape_cast %mul3A_773 : vector<16xf32> to vector<1x1x16xf32>
      tpu.vector_store %arg16[%swap3A_830, %swap3A_831, %swap3A_832], %swap3A_835 {strides = array<i32>} : memref<2x64x128xf32, #tpu.memory_space<vmem>>, vector<1x1x16xf32>,
      %swap3A_836 = arith.constant 0 : i32
      %swap3A_837 = arith.index_cast %swap3A_836 : i32 to index
      %swap3A_838 = arith.index_cast %scan3A_682 : i32 to index
      %swap3A_839 = arith.constant 112 : index
      %swap3A_840 = tpu.vector_load %arg16[%swap3A_837, %swap3A_838, %swap3A_839] {strides = array<i32>} : memref<2x64x128xf32, #tpu.memory_space<vmem>>, vector<1x1x16xf32>,
      %swap3A_841 = vector.shape_cast %swap3A_840 : vector<1x1x16xf32> to vector<16xf32>
      %swap3A_842 = vector.shape_cast %mul3A_786 : vector<16xf32> to vector<1x1x16xf32>
      tpu.vector_store %arg16[%swap3A_837, %swap3A_838, %swap3A_839], %swap3A_842 {strides = array<i32>} : memref<2x64x128xf32, #tpu.memory_space<vmem>>, vector<1x1x16xf32>,
      %scan3A_843 = arith.constant 3 : i32
      %scan3A_844 = arith.addi %scan3A_358, %scan3A_843 : i32
      %get3A_845 = arith.constant 0 : i32
      %get3A_846 = arith.index_cast %get3A_845 : i32 to index
      %get3A_847 = arith.index_cast %scan3A_844 : i32 to index
      %get3A_848 = arith.constant 0 : index
      %get3A_849 = tpu.vector_load %arg14[%get3A_846, %get3A_847, %get3A_848] {strides = array<i32>} : memref<2x64x128xf32, #tpu.memory_space<vmem>>, vector<1x1x16xf32>,
      %get3A_850 = vector.shape_cast %get3A_849 : vector<1x1x16xf32> to vector<16xf32>
      %get3A_851 = arith.constant 0 : i32
      %get3A_852 = arith.index_cast %get3A_851 : i32 to index
      %get3A_853 = arith.index_cast %scan3A_844 : i32 to index
      %get3A_854 = arith.constant 0 : index
      %get3A_855 = tpu.vector_load %arg15[%get3A_852, %get3A_853, %get3A_854] {strides = array<i32>} : memref<2x64x128xf32, #tpu.memory_space<vmem>>, vector<1x1x16xf32>,
      %get3A_856 = vector.shape_cast %get3A_855 : vector<1x1x16xf32> to vector<16xf32>
      %mul3A_857 = arith.mulf %get3A_850, %get3A_856 : vector<16xf32>
      %get3A_858 = arith.constant 0 : i32
      %get3A_859 = arith.index_cast %get3A_858 : i32 to index
      %get3A_860 = arith.index_cast %scan3A_844 : i32 to index
      %get3A_861 = arith.constant 16 : index
      %get3A_862 = tpu.vector_load %arg14[%get3A_859, %get3A_860, %get3A_861] {strides = array<i32>} : memref<2x64x128xf32, #tpu.memory_space<vmem>>, vector<1x1x16xf32>,
      %get3A_863 = vector.shape_cast %get3A_862 : vector<1x1x16xf32> to vector<16xf32>
      %get3A_864 = arith.constant 0 : i32
      %get3A_865 = arith.index_cast %get3A_864 : i32 to index
      %get3A_866 = arith.index_cast %scan3A_844 : i32 to index
      %get3A_867 = arith.constant 16 : index
      %get3A_868 = tpu.vector_load %arg15[%get3A_865, %get3A_866, %get3A_867] {strides = array<i32>} : memref<2x64x128xf32, #tpu.memory_space<vmem>>, vector<1x1x16xf32>,
      %get3A_869 = vector.shape_cast %get3A_868 : vector<1x1x16xf32> to vector<16xf32>
      %mul3A_870 = arith.mulf %get3A_863, %get3A_869 : vector<16xf32>
      %get3A_871 = arith.constant 0 : i32
      %get3A_872 = arith.index_cast %get3A_871 : i32 to index
      %get3A_873 = arith.index_cast %scan3A_844 : i32 to index
      %get3A_874 = arith.constant 32 : index
      %get3A_875 = tpu.vector_load %arg14[%get3A_872, %get3A_873, %get3A_874] {strides = array<i32>} : memref<2x64x128xf32, #tpu.memory_space<vmem>>, vector<1x1x16xf32>,
      %get3A_876 = vector.shape_cast %get3A_875 : vector<1x1x16xf32> to vector<16xf32>
      %get3A_877 = arith.constant 0 : i32
      %get3A_878 = arith.index_cast %get3A_877 : i32 to index
      %get3A_879 = arith.index_cast %scan3A_844 : i32 to index
      %get3A_880 = arith.constant 32 : index
      %get3A_881 = tpu.vector_load %arg15[%get3A_878, %get3A_879, %get3A_880] {strides = array<i32>} : memref<2x64x128xf32, #tpu.memory_space<vmem>>, vector<1x1x16xf32>,
      %get3A_882 = vector.shape_cast %get3A_881 : vector<1x1x16xf32> to vector<16xf32>
      %mul3A_883 = arith.mulf %get3A_876, %get3A_882 : vector<16xf32>
      %get3A_884 = arith.constant 0 : i32
      %get3A_885 = arith.index_cast %get3A_884 : i32 to index
      %get3A_886 = arith.index_cast %scan3A_844 : i32 to index
      %get3A_887 = arith.constant 48 : index
      %get3A_888 = tpu.vector_load %arg14[%get3A_885, %get3A_886, %get3A_887] {strides = array<i32>} : memref<2x64x128xf32, #tpu.memory_space<vmem>>, vector<1x1x16xf32>,
      %get3A_889 = vector.shape_cast %get3A_888 : vector<1x1x16xf32> to vector<16xf32>
      %get3A_890 = arith.constant 0 : i32
      %get3A_891 = arith.index_cast %get3A_890 : i32 to index
      %get3A_892 = arith.index_cast %scan3A_844 : i32 to index
      %get3A_893 = arith.constant 48 : index
      %get3A_894 = tpu.vector_load %arg15[%get3A_891, %get3A_892, %get3A_893] {strides = array<i32>} : memref<2x64x128xf32, #tpu.memory_space<vmem>>, vector<1x1x16xf32>,
      %get3A_895 = vector.shape_cast %get3A_894 : vector<1x1x16xf32> to vector<16xf32>
      %mul3A_896 = arith.mulf %get3A_889, %get3A_895 : vector<16xf32>
      %get3A_897 = arith.constant 0 : i32
      %get3A_898 = arith.index_cast %get3A_897 : i32 to index
      %get3A_899 = arith.index_cast %scan3A_844 : i32 to index
      %get3A_900 = arith.constant 64 : index
      %get3A_901 = tpu.vector_load %arg14[%get3A_898, %get3A_899, %get3A_900] {strides = array<i32>} : memref<2x64x128xf32, #tpu.memory_space<vmem>>, vector<1x1x16xf32>,
      %get3A_902 = vector.shape_cast %get3A_901 : vector<1x1x16xf32> to vector<16xf32>
      %get3A_903 = arith.constant 0 : i32
      %get3A_904 = arith.index_cast %get3A_903 : i32 to index
      %get3A_905 = arith.index_cast %scan3A_844 : i32 to index
      %get3A_906 = arith.constant 64 : index
      %get3A_907 = tpu.vector_load %arg15[%get3A_904, %get3A_905, %get3A_906] {strides = array<i32>} : memref<2x64x128xf32, #tpu.memory_space<vmem>>, vector<1x1x16xf32>,
      %get3A_908 = vector.shape_cast %get3A_907 : vector<1x1x16xf32> to vector<16xf32>
      %mul3A_909 = arith.mulf %get3A_902, %get3A_908 : vector<16xf32>
      %get3A_910 = arith.constant 0 : i32
      %get3A_911 = arith.index_cast %get3A_910 : i32 to index
      %get3A_912 = arith.index_cast %scan3A_844 : i32 to index
      %get3A_913 = arith.constant 80 : index
      %get3A_914 = tpu.vector_load %arg14[%get3A_911, %get3A_912, %get3A_913] {strides = array<i32>} : memref<2x64x128xf32, #tpu.memory_space<vmem>>, vector<1x1x16xf32>,
      %get3A_915 = vector.shape_cast %get3A_914 : vector<1x1x16xf32> to vector<16xf32>
      %get3A_916 = arith.constant 0 : i32
      %get3A_917 = arith.index_cast %get3A_916 : i32 to index
      %get3A_918 = arith.index_cast %scan3A_844 : i32 to index
      %get3A_919 = arith.constant 80 : index
      %get3A_920 = tpu.vector_load %arg15[%get3A_917, %get3A_918, %get3A_919] {strides = array<i32>} : memref<2x64x128xf32, #tpu.memory_space<vmem>>, vector<1x1x16xf32>,
      %get3A_921 = vector.shape_cast %get3A_920 : vector<1x1x16xf32> to vector<16xf32>
      %mul3A_922 = arith.mulf %get3A_915, %get3A_921 : vector<16xf32>
      %get3A_923 = arith.constant 0 : i32
      %get3A_924 = arith.index_cast %get3A_923 : i32 to index
      %get3A_925 = arith.index_cast %scan3A_844 : i32 to index
      %get3A_926 = arith.constant 96 : index
      %get3A_927 = tpu.vector_load %arg14[%get3A_924, %get3A_925, %get3A_926] {strides = array<i32>} : memref<2x64x128xf32, #tpu.memory_space<vmem>>, vector<1x1x16xf32>,
      %get3A_928 = vector.shape_cast %get3A_927 : vector<1x1x16xf32> to vector<16xf32>
      %get3A_929 = arith.constant 0 : i32
      %get3A_930 = arith.index_cast %get3A_929 : i32 to index
      %get3A_931 = arith.index_cast %scan3A_844 : i32 to index
      %get3A_932 = arith.constant 96 : index
      %get3A_933 = tpu.vector_load %arg15[%get3A_930, %get3A_931, %get3A_932] {strides = array<i32>} : memref<2x64x128xf32, #tpu.memory_space<vmem>>, vector<1x1x16xf32>,
      %get3A_934 = vector.shape_cast %get3A_933 : vector<1x1x16xf32> to vector<16xf32>
      %mul3A_935 = arith.mulf %get3A_928, %get3A_934 : vector<16xf32>
      %get3A_936 = arith.constant 0 : i32
      %get3A_937 = arith.index_cast %get3A_936 : i32 to index
      %get3A_938 = arith.index_cast %scan3A_844 : i32 to index
      %get3A_939 = arith.constant 112 : index
      %get3A_940 = tpu.vector_load %arg14[%get3A_937, %get3A_938, %get3A_939] {strides = array<i32>} : memref<2x64x128xf32, #tpu.memory_space<vmem>>, vector<1x1x16xf32>,
      %get3A_941 = vector.shape_cast %get3A_940 : vector<1x1x16xf32> to vector<16xf32>
      %get3A_942 = arith.constant 0 : i32
      %get3A_943 = arith.index_cast %get3A_942 : i32 to index
      %get3A_944 = arith.index_cast %scan3A_844 : i32 to index
      %get3A_945 = arith.constant 112 : index
      %get3A_946 = tpu.vector_load %arg15[%get3A_943, %get3A_944, %get3A_945] {strides = array<i32>} : memref<2x64x128xf32, #tpu.memory_space<vmem>>, vector<1x1x16xf32>,
      %get3A_947 = vector.shape_cast %get3A_946 : vector<1x1x16xf32> to vector<16xf32>
      %mul3A_948 = arith.mulf %get3A_941, %get3A_947 : vector<16xf32>
      %swap3A_949 = arith.constant 0 : i32
      %swap3A_950 = arith.index_cast %swap3A_949 : i32 to index
      %swap3A_951 = arith.index_cast %scan3A_844 : i32 to index
      %swap3A_952 = arith.constant 0 : index
      %swap3A_953 = tpu.vector_load %arg16[%swap3A_950, %swap3A_951, %swap3A_952] {strides = array<i32>} : memref<2x64x128xf32, #tpu.memory_space<vmem>>, vector<1x1x16xf32>,
      %swap3A_954 = vector.shape_cast %swap3A_953 : vector<1x1x16xf32> to vector<16xf32>
      %swap3A_955 = vector.shape_cast %mul3A_857 : vector<16xf32> to vector<1x1x16xf32>
      tpu.vector_store %arg16[%swap3A_950, %swap3A_951, %swap3A_952], %swap3A_955 {strides = array<i32>} : memref<2x64x128xf32, #tpu.memory_space<vmem>>, vector<1x1x16xf32>,
      %swap3A_956 = arith.constant 0 : i32
      %swap3A_957 = arith.index_cast %swap3A_956 : i32 to index
      %swap3A_958 = arith.index_cast %scan3A_844 : i32 to index
      %swap3A_959 = arith.constant 16 : index
      %swap3A_960 = tpu.vector_load %arg16[%swap3A_957, %swap3A_958, %swap3A_959] {strides = array<i32>} : memref<2x64x128xf32, #tpu.memory_space<vmem>>, vector<1x1x16xf32>,
      %swap3A_961 = vector.shape_cast %swap3A_960 : vector<1x1x16xf32> to vector<16xf32>
      %swap3A_962 = vector.shape_cast %mul3A_870 : vector<16xf32> to vector<1x1x16xf32>
      tpu.vector_store %arg16[%swap3A_957, %swap3A_958, %swap3A_959], %swap3A_962 {strides = array<i32>} : memref<2x64x128xf32, #tpu.memory_space<vmem>>, vector<1x1x16xf32>,
      %swap3A_963 = arith.constant 0 : i32
      %swap3A_964 = arith.index_cast %swap3A_963 : i32 to index
      %swap3A_965 = arith.index_cast %scan3A_844 : i32 to index
      %swap3A_966 = arith.constant 32 : index
      %swap3A_967 = tpu.vector_load %arg16[%swap3A_964, %swap3A_965, %swap3A_966] {strides = array<i32>} : memref<2x64x128xf32, #tpu.memory_space<vmem>>, vector<1x1x16xf32>,
      %swap3A_968 = vector.shape_cast %swap3A_967 : vector<1x1x16xf32> to vector<16xf32>
      %swap3A_969 = vector.shape_cast %mul3A_883 : vector<16xf32> to vector<1x1x16xf32>
      tpu.vector_store %arg16[%swap3A_964, %swap3A_965, %swap3A_966], %swap3A_969 {strides = array<i32>} : memref<2x64x128xf32, #tpu.memory_space<vmem>>, vector<1x1x16xf32>,
      %swap3A_970 = arith.constant 0 : i32
      %swap3A_971 = arith.index_cast %swap3A_970 : i32 to index
      %swap3A_972 = arith.index_cast %scan3A_844 : i32 to index
      %swap3A_973 = arith.constant 48 : index
      %swap3A_974 = tpu.vector_load %arg16[%swap3A_971, %swap3A_972, %swap3A_973] {strides = array<i32>} : memref<2x64x128xf32, #tpu.memory_space<vmem>>, vector<1x1x16xf32>,
      %swap3A_975 = vector.shape_cast %swap3A_974 : vector<1x1x16xf32> to vector<16xf32>
      %swap3A_976 = vector.shape_cast %mul3A_896 : vector<16xf32> to vector<1x1x16xf32>
      tpu.vector_store %arg16[%swap3A_971, %swap3A_972, %swap3A_973], %swap3A_976 {strides = array<i32>} : memref<2x64x128xf32, #tpu.memory_space<vmem>>, vector<1x1x16xf32>,
      %swap3A_977 = arith.constant 0 : i32
      %swap3A_978 = arith.index_cast %swap3A_977 : i32 to index
      %swap3A_979 = arith.index_cast %scan3A_844 : i32 to index
      %swap3A_980 = arith.constant 64 : index
      %swap3A_981 = tpu.vector_load %arg16[%swap3A_978, %swap3A_979, %swap3A_980] {strides = array<i32>} : memref<2x64x128xf32, #tpu.memory_space<vmem>>, vector<1x1x16xf32>,
      %swap3A_982 = vector.shape_cast %swap3A_981 : vector<1x1x16xf32> to vector<16xf32>
      %swap3A_983 = vector.shape_cast %mul3A_909 : vector<16xf32> to vector<1x1x16xf32>
      tpu.vector_store %arg16[%swap3A_978, %swap3A_979, %swap3A_980], %swap3A_983 {strides = array<i32>} : memref<2x64x128xf32, #tpu.memory_space<vmem>>, vector<1x1x16xf32>,
      %swap3A_984 = arith.constant 0 : i32
      %swap3A_985 = arith.index_cast %swap3A_984 : i32 to index
      %swap3A_986 = arith.index_cast %scan3A_844 : i32 to index
      %swap3A_987 = arith.constant 80 : index
      %swap3A_988 = tpu.vector_load %arg16[%swap3A_985, %swap3A_986, %swap3A_987] {strides = array<i32>} : memref<2x64x128xf32, #tpu.memory_space<vmem>>, vector<1x1x16xf32>,
      %swap3A_989 = vector.shape_cast %swap3A_988 : vector<1x1x16xf32> to vector<16xf32>
      %swap3A_990 = vector.shape_cast %mul3A_922 : vector<16xf32> to vector<1x1x16xf32>
      tpu.vector_store %arg16[%swap3A_985, %swap3A_986, %swap3A_987], %swap3A_990 {strides = array<i32>} : memref<2x64x128xf32, #tpu.memory_space<vmem>>, vector<1x1x16xf32>,
      %swap3A_991 = arith.constant 0 : i32
      %swap3A_992 = arith.index_cast %swap3A_991 : i32 to index
      %swap3A_993 = arith.index_cast %scan3A_844 : i32 to index
      %swap3A_994 = arith.constant 96 : index
      %swap3A_995 = tpu.vector_load %arg16[%swap3A_992, %swap3A_993, %swap3A_994] {strides = array<i32>} : memref<2x64x128xf32, #tpu.memory_space<vmem>>, vector<1x1x16xf32>,
      %swap3A_996 = vector.shape_cast %swap3A_995 : vector<1x1x16xf32> to vector<16xf32>
      %swap3A_997 = vector.shape_cast %mul3A_935 : vector<16xf32> to vector<1x1x16xf32>
      tpu.vector_store %arg16[%swap3A_992, %swap3A_993, %swap3A_994], %swap3A_997 {strides = array<i32>} : memref<2x64x128xf32, #tpu.memory_space<vmem>>, vector<1x1x16xf32>,
      %swap3A_998 = arith.constant 0 : i32
      %swap3A_999 = arith.index_cast %swap3A_998 : i32 to index
      %swap3A_1000 = arith.index_cast %scan3A_844 : i32 to index
      %swap3A_1001 = arith.constant 112 : index
      %swap3A_1002 = tpu.vector_load %arg16[%swap3A_999, %swap3A_1000, %swap3A_1001] {strides = array<i32>} : memref<2x64x128xf32, #tpu.memory_space<vmem>>, vector<1x1x16xf32>,
      %swap3A_1003 = vector.shape_cast %swap3A_1002 : vector<1x1x16xf32> to vector<16xf32>
      %swap3A_1004 = vector.shape_cast %mul3A_948 : vector<16xf32> to vector<1x1x16xf32>
      tpu.vector_store %arg16[%swap3A_999, %swap3A_1000, %swap3A_1001], %swap3A_1004 {strides = array<i32>} : memref<2x64x128xf32, #tpu.memory_space<vmem>>, vector<1x1x16xf32>,
    }
    %scan3A_227 = arith.constant 64 : i32
    %dma_start3A_228 = arith.constant 0 : i32
    %dma_start3A_229 = arith.constant 0 : i32
    %dma_start3A_230 = arith.constant 0 : i32
    %dma_start3A_231 = tpu.memref_slice %arg16[%dma_start3A_228, %dma_start3A_229, %dma_start3A_230] : memref<2x64x128xf32, #tpu.memory_space<vmem>> -> memref<1x64x128xf32, #tpu.memory_space<vmem>>
    %dma_start3A_232 = tpu.memref_squeeze %dma_start3A_231 : memref<1x64x128xf32, #tpu.memory_space<vmem>> -> memref<64x128xf32, #tpu.memory_space<vmem>>
    %dma_start3A_233 = arith.constant 0 : i32
    %dma_start3A_234 = arith.constant 0 : i32
    %dma_start3A_235 = tpu.memref_slice %arg17[%dma_start3A_233, %dma_start3A_234] : memref<10000x128xf32, #tpu.memory_space<vmem_shared>> -> memref<10000x128xf32, #tpu.memory_space<vmem_shared>>
    tpu.enqueue_indirect_dma source(%dma_start3A_232 : memref<64x128xf32, #tpu.memory_space<vmem>>) target(%dma_start3A_235 : memref<10000x128xf32, #tpu.memory_space<vmem_shared>>) offsets(%arg10 : memref<64xi32, #tpu.memory_space<vmem>>) semaphore(%arg22 : memref<!tpu.dma_semaphore, #tpu.memory_space<semaphore_mem>>) {add = true}
    %dma_wait3A_236 = arith.constant 1 : i32
    %dma_wait3A_237 = arith.constant 1 : i32
    %dma_wait3A_238 = arith.constant 0 : i32
    %dma_wait3A_239 = arith.constant 0 : i32
    %dma_wait3A_240 = tpu.memref_slice %arg14[%dma_wait3A_237, %dma_wait3A_238, %dma_wait3A_239] : memref<2x64x128xf32, #tpu.memory_space<vmem>> -> memref<1x64x128xf32, #tpu.memory_space<vmem>>
    %dma_wait3A_241 = tpu.memref_squeeze %dma_wait3A_240 : memref<1x64x128xf32, #tpu.memory_space<vmem>> -> memref<64x128xf32, #tpu.memory_space<vmem>>
    %dma_wait3A_242 = arith.constant 0 : i32
    %dma_wait3A_243 = tpu.memref_slice %arg8[%dma_wait3A_236, %dma_wait3A_242] : memref<2x64xi32, #tpu.memory_space<vmem>> -> memref<1x64xi32, #tpu.memory_space<vmem>>
    %dma_wait3A_244 = tpu.memref_squeeze %dma_wait3A_243 : memref<1x64xi32, #tpu.memory_space<vmem>> -> memref<64xi32, #tpu.memory_space<vmem>>
    %dma_wait3A_245 = arith.constant 0 : i32
    %dma_wait3A_246 = arith.constant 0 : i32
    %dma_wait3A_247 = tpu.memref_slice %arg2[%dma_wait3A_245, %dma_wait3A_246] : memref<10000x128xf32, #tpu.memory_space<hbm>> -> memref<10000x128xf32, #tpu.memory_space<hbm>>
    tpu.wait_indirect_dma semaphore(%arg21 : memref<!tpu.dma_semaphore, #tpu.memory_space<semaphore_mem>>) src(%dma_wait3A_247 : memref<10000x128xf32, #tpu.memory_space<hbm>>) dst(%dma_wait3A_241 : memref<64x128xf32, #tpu.memory_space<vmem>>)
    %dma_wait3A_248 = arith.constant 1 : i32
    %dma_wait3A_249 = arith.constant 0 : i32
    %dma_wait3A_250 = arith.constant 0 : i32
    %dma_wait3A_251 = tpu.memref_slice %arg16[%dma_wait3A_248, %dma_wait3A_249, %dma_wait3A_250] : memref<2x64x128xf32, #tpu.memory_space<vmem>> -> memref<1x64x128xf32, #tpu.memory_space<vmem>>
    %dma_wait3A_252 = tpu.memref_squeeze %dma_wait3A_251 : memref<1x64x128xf32, #tpu.memory_space<vmem>> -> memref<64x128xf32, #tpu.memory_space<vmem>>
    %dma_wait3A_253 = arith.constant 0 : i32
    %dma_wait3A_254 = arith.constant 0 : i32
    %dma_wait3A_255 = tpu.memref_slice %arg17[%dma_wait3A_253, %dma_wait3A_254] : memref<10000x128xf32, #tpu.memory_space<vmem_shared>> -> memref<10000x128xf32, #tpu.memory_space<vmem_shared>>
    tpu.wait_indirect_dma semaphore(%arg23 : memref<!tpu.dma_semaphore, #tpu.memory_space<semaphore_mem>>) src(%dma_wait3A_252 : memref<64x128xf32, #tpu.memory_space<vmem>>) dst(%dma_wait3A_255 : memref<10000x128xf32, #tpu.memory_space<vmem_shared>>)
    %get3A_256 = arith.constant 1 : i32
    %get3A_257 = arith.index_cast %get3A_256 : i32 to index
    %get3A_258 = arith.constant 0 : index
    %get3A_259 = tpu.vector_load %arg9[%get3A_257, %get3A_258] {strides = array<i32>} : memref<2x64xi32, #tpu.memory_space<vmem>>, vector<1x16xi32>,
    %get3A_260 = vector.shape_cast %get3A_259 : vector<1x16xi32> to vector<16xi32>
    %swap3A_261 = arith.constant 0 : index
    %swap3A_262 = tpu.vector_load %arg11[%swap3A_261] {strides = array<i32>} : memref<64xi32, #tpu.memory_space<vmem>>, vector<16xi32>,
    %swap3A_263 = vector.shape_cast %swap3A_262 : vector<16xi32> to vector<16xi32>
    %swap3A_264 = vector.shape_cast %get3A_260 : vector<16xi32> to vector<16xi32>
    tpu.vector_store %arg11[%swap3A_261], %swap3A_264 {strides = array<i32>} : memref<64xi32, #tpu.memory_space<vmem>>, vector<16xi32>,
    %get3A_265 = arith.constant 1 : i32
    %get3A_266 = arith.index_cast %get3A_265 : i32 to index
    %get3A_267 = arith.constant 16 : index
    %get3A_268 = tpu.vector_load %arg9[%get3A_266, %get3A_267] {strides = array<i32>} : memref<2x64xi32, #tpu.memory_space<vmem>>, vector<1x16xi32>,
    %get3A_269 = vector.shape_cast %get3A_268 : vector<1x16xi32> to vector<16xi32>
    %swap3A_270 = arith.constant 16 : index
    %swap3A_271 = tpu.vector_load %arg11[%swap3A_270] {strides = array<i32>} : memref<64xi32, #tpu.memory_space<vmem>>, vector<16xi32>,
    %swap3A_272 = vector.shape_cast %swap3A_271 : vector<16xi32> to vector<16xi32>
    %swap3A_273 = vector.shape_cast %get3A_269 : vector<16xi32> to vector<16xi32>
    tpu.vector_store %arg11[%swap3A_270], %swap3A_273 {strides = array<i32>} : memref<64xi32, #tpu.memory_space<vmem>>, vector<16xi32>,
    %get3A_274 = arith.constant 1 : i32
    %get3A_275 = arith.index_cast %get3A_274 : i32 to index
    %get3A_276 = arith.constant 32 : index
    %get3A_277 = tpu.vector_load %arg9[%get3A_275, %get3A_276] {strides = array<i32>} : memref<2x64xi32, #tpu.memory_space<vmem>>, vector<1x16xi32>,
    %get3A_278 = vector.shape_cast %get3A_277 : vector<1x16xi32> to vector<16xi32>
    %swap3A_279 = arith.constant 32 : index
    %swap3A_280 = tpu.vector_load %arg11[%swap3A_279] {strides = array<i32>} : memref<64xi32, #tpu.memory_space<vmem>>, vector<16xi32>,
    %swap3A_281 = vector.shape_cast %swap3A_280 : vector<16xi32> to vector<16xi32>
    %swap3A_282 = vector.shape_cast %get3A_278 : vector<16xi32> to vector<16xi32>
    tpu.vector_store %arg11[%swap3A_279], %swap3A_282 {strides = array<i32>} : memref<64xi32, #tpu.memory_space<vmem>>, vector<16xi32>,
    %get3A_283 = arith.constant 1 : i32
    %get3A_284 = arith.index_cast %get3A_283 : i32 to index
    %get3A_285 = arith.constant 48 : index
    %get3A_286 = tpu.vector_load %arg9[%get3A_284, %get3A_285] {strides = array<i32>} : memref<2x64xi32, #tpu.memory_space<vmem>>, vector<1x16xi32>,
    %get3A_287 = vector.shape_cast %get3A_286 : vector<1x16xi32> to vector<16xi32>
    %swap3A_288 = arith.constant 48 : index
    %swap3A_289 = tpu.vector_load %arg11[%swap3A_288] {strides = array<i32>} : memref<64xi32, #tpu.memory_space<vmem>>, vector<16xi32>,
    %swap3A_290 = vector.shape_cast %swap3A_289 : vector<16xi32> to vector<16xi32>
    %swap3A_291 = vector.shape_cast %get3A_287 : vector<16xi32> to vector<16xi32>
    tpu.vector_store %arg11[%swap3A_288], %swap3A_291 {strides = array<i32>} : memref<64xi32, #tpu.memory_space<vmem>>, vector<16xi32>,
    %scan3A_292 = arith.constant 0 : i32
    %scan3A_293 = arith.constant 0 : i32
    %scan3A_294 = arith.constant 64 : i32
    %scan3A_295 = arith.addi %scan3A_293, %scan3A_294 : i32
    %scan3A_296 = arith.constant 4 : i32
    scf.for %scan3A_358 = %scan3A_293 to %scan3A_295 step %scan3A_296  : i32 {
      %get3A_359 = arith.constant 1 : i32
      %get3A_360 = arith.index_cast %get3A_359 : i32 to index
      %get3A_361 = arith.index_cast %scan3A_358 : i32 to index
      %get3A_362 = arith.constant 0 : index
      %get3A_363 = tpu.vector_load %arg14[%get3A_360, %get3A_361, %get3A_362] {strides = array<i32>} : memref<2x64x128xf32, #tpu.memory_space<vmem>>, vector<1x1x16xf32>,
      %get3A_364 = vector.shape_cast %get3A_363 : vector<1x1x16xf32> to vector<16xf32>
      %get3A_365 = arith.constant 1 : i32
      %get3A_366 = arith.index_cast %get3A_365 : i32 to index
      %get3A_367 = arith.index_cast %scan3A_358 : i32 to index
      %get3A_368 = arith.constant 0 : index
      %get3A_369 = tpu.vector_load %arg15[%get3A_366, %get3A_367, %get3A_368] {strides = array<i32>} : memref<2x64x128xf32, #tpu.memory_space<vmem>>, vector<1x1x16xf32>,
      %get3A_370 = vector.shape_cast %get3A_369 : vector<1x1x16xf32> to vector<16xf32>
      %mul3A_371 = arith.mulf %get3A_364, %get3A_370 : vector<16xf32>
      %get3A_372 = arith.constant 1 : i32
      %get3A_373 = arith.index_cast %get3A_372 : i32 to index
      %get3A_374 = arith.index_cast %scan3A_358 : i32 to index
      %get3A_375 = arith.constant 16 : index
      %get3A_376 = tpu.vector_load %arg14[%get3A_373, %get3A_374, %get3A_375] {strides = array<i32>} : memref<2x64x128xf32, #tpu.memory_space<vmem>>, vector<1x1x16xf32>,
      %get3A_377 = vector.shape_cast %get3A_376 : vector<1x1x16xf32> to vector<16xf32>
      %get3A_378 = arith.constant 1 : i32
      %get3A_379 = arith.index_cast %get3A_378 : i32 to index
      %get3A_380 = arith.index_cast %scan3A_358 : i32 to index
      %get3A_381 = arith.constant 16 : index
      %get3A_382 = tpu.vector_load %arg15[%get3A_379, %get3A_380, %get3A_381] {strides = array<i32>} : memref<2x64x128xf32, #tpu.memory_space<vmem>>, vector<1x1x16xf32>,
      %get3A_383 = vector.shape_cast %get3A_382 : vector<1x1x16xf32> to vector<16xf32>
      %mul3A_384 = arith.mulf %get3A_377, %get3A_383 : vector<16xf32>
      %get3A_385 = arith.constant 1 : i32
      %get3A_386 = arith.index_cast %get3A_385 : i32 to index
      %get3A_387 = arith.index_cast %scan3A_358 : i32 to index
      %get3A_388 = arith.constant 32 : index
      %get3A_389 = tpu.vector_load %arg14[%get3A_386, %get3A_387, %get3A_388] {strides = array<i32>} : memref<2x64x128xf32, #tpu.memory_space<vmem>>, vector<1x1x16xf32>,
      %get3A_390 = vector.shape_cast %get3A_389 : vector<1x1x16xf32> to vector<16xf32>
      %get3A_391 = arith.constant 1 : i32
      %get3A_392 = arith.index_cast %get3A_391 : i32 to index
      %get3A_393 = arith.index_cast %scan3A_358 : i32 to index
      %get3A_394 = arith.constant 32 : index
      %get3A_395 = tpu.vector_load %arg15[%get3A_392, %get3A_393, %get3A_394] {strides = array<i32>} : memref<2x64x128xf32, #tpu.memory_space<vmem>>, vector<1x1x16xf32>,
      %get3A_396 = vector.shape_cast %get3A_395 : vector<1x1x16xf32> to vector<16xf32>
      %mul3A_397 = arith.mulf %get3A_390, %get3A_396 : vector<16xf32>
      %get3A_398 = arith.constant 1 : i32
      %get3A_399 = arith.index_cast %get3A_398 : i32 to index
      %get3A_400 = arith.index_cast %scan3A_358 : i32 to index
      %get3A_401 = arith.constant 48 : index
      %get3A_402 = tpu.vector_load %arg14[%get3A_399, %get3A_400, %get3A_401] {strides = array<i32>} : memref<2x64x128xf32, #tpu.memory_space<vmem>>, vector<1x1x16xf32>,
      %get3A_403 = vector.shape_cast %get3A_402 : vector<1x1x16xf32> to vector<16xf32>
      %get3A_404 = arith.constant 1 : i32
      %get3A_405 = arith.index_cast %get3A_404 : i32 to index
      %get3A_406 = arith.index_cast %scan3A_358 : i32 to index
      %get3A_407 = arith.constant 48 : index
      %get3A_408 = tpu.vector_load %arg15[%get3A_405, %get3A_406, %get3A_407] {strides = array<i32>} : memref<2x64x128xf32, #tpu.memory_space<vmem>>, vector<1x1x16xf32>,
      %get3A_409 = vector.shape_cast %get3A_408 : vector<1x1x16xf32> to vector<16xf32>
      %mul3A_410 = arith.mulf %get3A_403, %get3A_409 : vector<16xf32>
      %get3A_411 = arith.constant 1 : i32
      %get3A_412 = arith.index_cast %get3A_411 : i32 to index
      %get3A_413 = arith.index_cast %scan3A_358 : i32 to index
      %get3A_414 = arith.constant 64 : index
      %get3A_415 = tpu.vector_load %arg14[%get3A_412, %get3A_413, %get3A_414] {strides = array<i32>} : memref<2x64x128xf32, #tpu.memory_space<vmem>>, vector<1x1x16xf32>,
      %get3A_416 = vector.shape_cast %get3A_415 : vector<1x1x16xf32> to vector<16xf32>
      %get3A_417 = arith.constant 1 : i32
      %get3A_418 = arith.index_cast %get3A_417 : i32 to index
      %get3A_419 = arith.index_cast %scan3A_358 : i32 to index
      %get3A_420 = arith.constant 64 : index
      %get3A_421 = tpu.vector_load %arg15[%get3A_418, %get3A_419, %get3A_420] {strides = array<i32>} : memref<2x64x128xf32, #tpu.memory_space<vmem>>, vector<1x1x16xf32>,
      %get3A_422 = vector.shape_cast %get3A_421 : vector<1x1x16xf32> to vector<16xf32>
      %mul3A_423 = arith.mulf %get3A_416, %get3A_422 : vector<16xf32>
      %get3A_424 = arith.constant 1 : i32
      %get3A_425 = arith.index_cast %get3A_424 : i32 to index
      %get3A_426 = arith.index_cast %scan3A_358 : i32 to index
      %get3A_427 = arith.constant 80 : index
      %get3A_428 = tpu.vector_load %arg14[%get3A_425, %get3A_426, %get3A_427] {strides = array<i32>} : memref<2x64x128xf32, #tpu.memory_space<vmem>>, vector<1x1x16xf32>,
      %get3A_429 = vector.shape_cast %get3A_428 : vector<1x1x16xf32> to vector<16xf32>
      %get3A_430 = arith.constant 1 : i32
      %get3A_431 = arith.index_cast %get3A_430 : i32 to index
      %get3A_432 = arith.index_cast %scan3A_358 : i32 to index
      %get3A_433 = arith.constant 80 : index
      %get3A_434 = tpu.vector_load %arg15[%get3A_431, %get3A_432, %get3A_433] {strides = array<i32>} : memref<2x64x128xf32, #tpu.memory_space<vmem>>, vector<1x1x16xf32>,
      %get3A_435 = vector.shape_cast %get3A_434 : vector<1x1x16xf32> to vector<16xf32>
      %mul3A_436 = arith.mulf %get3A_429, %get3A_435 : vector<16xf32>
      %get3A_437 = arith.constant 1 : i32
      %get3A_438 = arith.index_cast %get3A_437 : i32 to index
      %get3A_439 = arith.index_cast %scan3A_358 : i32 to index
      %get3A_440 = arith.constant 96 : index
      %get3A_441 = tpu.vector_load %arg14[%get3A_438, %get3A_439, %get3A_440] {strides = array<i32>} : memref<2x64x128xf32, #tpu.memory_space<vmem>>, vector<1x1x16xf32>,
      %get3A_442 = vector.shape_cast %get3A_441 : vector<1x1x16xf32> to vector<16xf32>
      %get3A_443 = arith.constant 1 : i32
      %get3A_444 = arith.index_cast %get3A_443 : i32 to index
      %get3A_445 = arith.index_cast %scan3A_358 : i32 to index
      %get3A_446 = arith.constant 96 : index
      %get3A_447 = tpu.vector_load %arg15[%get3A_444, %get3A_445, %get3A_446] {strides = array<i32>} : memref<2x64x128xf32, #tpu.memory_space<vmem>>, vector<1x1x16xf32>,
      %get3A_448 = vector.shape_cast %get3A_447 : vector<1x1x16xf32> to vector<16xf32>
      %mul3A_449 = arith.mulf %get3A_442, %get3A_448 : vector<16xf32>
      %get3A_450 = arith.constant 1 : i32
      %get3A_451 = arith.index_cast %get3A_450 : i32 to index
      %get3A_452 = arith.index_cast %scan3A_358 : i32 to index
      %get3A_453 = arith.constant 112 : index
      %get3A_454 = tpu.vector_load %arg14[%get3A_451, %get3A_452, %get3A_453] {strides = array<i32>} : memref<2x64x128xf32, #tpu.memory_space<vmem>>, vector<1x1x16xf32>,
      %get3A_455 = vector.shape_cast %get3A_454 : vector<1x1x16xf32> to vector<16xf32>
      %get3A_456 = arith.constant 1 : i32
      %get3A_457 = arith.index_cast %get3A_456 : i32 to index
      %get3A_458 = arith.index_cast %scan3A_358 : i32 to index
      %get3A_459 = arith.constant 112 : index
      %get3A_460 = tpu.vector_load %arg15[%get3A_457, %get3A_458, %get3A_459] {strides = array<i32>} : memref<2x64x128xf32, #tpu.memory_space<vmem>>, vector<1x1x16xf32>,
      %get3A_461 = vector.shape_cast %get3A_460 : vector<1x1x16xf32> to vector<16xf32>
      %mul3A_462 = arith.mulf %get3A_455, %get3A_461 : vector<16xf32>
      %swap3A_463 = arith.constant 1 : i32
      %swap3A_464 = arith.index_cast %swap3A_463 : i32 to index
      %swap3A_465 = arith.index_cast %scan3A_358 : i32 to index
      %swap3A_466 = arith.constant 0 : index
      %swap3A_467 = tpu.vector_load %arg16[%swap3A_464, %swap3A_465, %swap3A_466] {strides = array<i32>} : memref<2x64x128xf32, #tpu.memory_space<vmem>>, vector<1x1x16xf32>,
      %swap3A_468 = vector.shape_cast %swap3A_467 : vector<1x1x16xf32> to vector<16xf32>
      %swap3A_469 = vector.shape_cast %mul3A_371 : vector<16xf32> to vector<1x1x16xf32>
      tpu.vector_store %arg16[%swap3A_464, %swap3A_465, %swap3A_466], %swap3A_469 {strides = array<i32>} : memref<2x64x128xf32, #tpu.memory_space<vmem>>, vector<1x1x16xf32>,
      %swap3A_470 = arith.constant 1 : i32
      %swap3A_471 = arith.index_cast %swap3A_470 : i32 to index
      %swap3A_472 = arith.index_cast %scan3A_358 : i32 to index
      %swap3A_473 = arith.constant 16 : index
      %swap3A_474 = tpu.vector_load %arg16[%swap3A_471, %swap3A_472, %swap3A_473] {strides = array<i32>} : memref<2x64x128xf32, #tpu.memory_space<vmem>>, vector<1x1x16xf32>,
      %swap3A_475 = vector.shape_cast %swap3A_474 : vector<1x1x16xf32> to vector<16xf32>
      %swap3A_476 = vector.shape_cast %mul3A_384 : vector<16xf32> to vector<1x1x16xf32>
      tpu.vector_store %arg16[%swap3A_471, %swap3A_472, %swap3A_473], %swap3A_476 {strides = array<i32>} : memref<2x64x128xf32, #tpu.memory_space<vmem>>, vector<1x1x16xf32>,
      %swap3A_477 = arith.constant 1 : i32
      %swap3A_478 = arith.index_cast %swap3A_477 : i32 to index
      %swap3A_479 = arith.index_cast %scan3A_358 : i32 to index
      %swap3A_480 = arith.constant 32 : index
      %swap3A_481 = tpu.vector_load %arg16[%swap3A_478, %swap3A_479, %swap3A_480] {strides = array<i32>} : memref<2x64x128xf32, #tpu.memory_space<vmem>>, vector<1x1x16xf32>,
      %swap3A_482 = vector.shape_cast %swap3A_481 : vector<1x1x16xf32> to vector<16xf32>
      %swap3A_483 = vector.shape_cast %mul3A_397 : vector<16xf32> to vector<1x1x16xf32>
      tpu.vector_store %arg16[%swap3A_478, %swap3A_479, %swap3A_480], %swap3A_483 {strides = array<i32>} : memref<2x64x128xf32, #tpu.memory_space<vmem>>, vector<1x1x16xf32>,
      %swap3A_484 = arith.constant 1 : i32
      %swap3A_485 = arith.index_cast %swap3A_484 : i32 to index
      %swap3A_486 = arith.index_cast %scan3A_358 : i32 to index
      %swap3A_487 = arith.constant 48 : index
      %swap3A_488 = tpu.vector_load %arg16[%swap3A_485, %swap3A_486, %swap3A_487] {strides = array<i32>} : memref<2x64x128xf32, #tpu.memory_space<vmem>>, vector<1x1x16xf32>,
      %swap3A_489 = vector.shape_cast %swap3A_488 : vector<1x1x16xf32> to vector<16xf32>
      %swap3A_490 = vector.shape_cast %mul3A_410 : vector<16xf32> to vector<1x1x16xf32>
      tpu.vector_store %arg16[%swap3A_485, %swap3A_486, %swap3A_487], %swap3A_490 {strides = array<i32>} : memref<2x64x128xf32, #tpu.memory_space<vmem>>, vector<1x1x16xf32>,
      %swap3A_491 = arith.constant 1 : i32
      %swap3A_492 = arith.index_cast %swap3A_491 : i32 to index
      %swap3A_493 = arith.index_cast %scan3A_358 : i32 to index
      %swap3A_494 = arith.constant 64 : index
      %swap3A_495 = tpu.vector_load %arg16[%swap3A_492, %swap3A_493, %swap3A_494] {strides = array<i32>} : memref<2x64x128xf32, #tpu.memory_space<vmem>>, vector<1x1x16xf32>,
      %swap3A_496 = vector.shape_cast %swap3A_495 : vector<1x1x16xf32> to vector<16xf32>
      %swap3A_497 = vector.shape_cast %mul3A_423 : vector<16xf32> to vector<1x1x16xf32>
      tpu.vector_store %arg16[%swap3A_492, %swap3A_493, %swap3A_494], %swap3A_497 {strides = array<i32>} : memref<2x64x128xf32, #tpu.memory_space<vmem>>, vector<1x1x16xf32>,
      %swap3A_498 = arith.constant 1 : i32
      %swap3A_499 = arith.index_cast %swap3A_498 : i32 to index
      %swap3A_500 = arith.index_cast %scan3A_358 : i32 to index
      %swap3A_501 = arith.constant 80 : index
      %swap3A_502 = tpu.vector_load %arg16[%swap3A_499, %swap3A_500, %swap3A_501] {strides = array<i32>} : memref<2x64x128xf32, #tpu.memory_space<vmem>>, vector<1x1x16xf32>,
      %swap3A_503 = vector.shape_cast %swap3A_502 : vector<1x1x16xf32> to vector<16xf32>
      %swap3A_504 = vector.shape_cast %mul3A_436 : vector<16xf32> to vector<1x1x16xf32>
      tpu.vector_store %arg16[%swap3A_499, %swap3A_500, %swap3A_501], %swap3A_504 {strides = array<i32>} : memref<2x64x128xf32, #tpu.memory_space<vmem>>, vector<1x1x16xf32>,
      %swap3A_505 = arith.constant 1 : i32
      %swap3A_506 = arith.index_cast %swap3A_505 : i32 to index
      %swap3A_507 = arith.index_cast %scan3A_358 : i32 to index
      %swap3A_508 = arith.constant 96 : index
      %swap3A_509 = tpu.vector_load %arg16[%swap3A_506, %swap3A_507, %swap3A_508] {strides = array<i32>} : memref<2x64x128xf32, #tpu.memory_space<vmem>>, vector<1x1x16xf32>,
      %swap3A_510 = vector.shape_cast %swap3A_509 : vector<1x1x16xf32> to vector<16xf32>
      %swap3A_511 = vector.shape_cast %mul3A_449 : vector<16xf32> to vector<1x1x16xf32>
      tpu.vector_store %arg16[%swap3A_506, %swap3A_507, %swap3A_508], %swap3A_511 {strides = array<i32>} : memref<2x64x128xf32, #tpu.memory_space<vmem>>, vector<1x1x16xf32>,
      %swap3A_512 = arith.constant 1 : i32
      %swap3A_513 = arith.index_cast %swap3A_512 : i32 to index
      %swap3A_514 = arith.index_cast %scan3A_358 : i32 to index
      %swap3A_515 = arith.constant 112 : index
      %swap3A_516 = tpu.vector_load %arg16[%swap3A_513, %swap3A_514, %swap3A_515] {strides = array<i32>} : memref<2x64x128xf32, #tpu.memory_space<vmem>>, vector<1x1x16xf32>,
      %swap3A_517 = vector.shape_cast %swap3A_516 : vector<1x1x16xf32> to vector<16xf32>
      %swap3A_518 = vector.shape_cast %mul3A_462 : vector<16xf32> to vector<1x1x16xf32>
      tpu.vector_store %arg16[%swap3A_513, %swap3A_514, %swap3A_515], %swap3A_518 {strides = array<i32>} : memref<2x64x128xf32, #tpu.memory_space<vmem>>, vector<1x1x16xf32>,
      %scan3A_519 = arith.constant 1 : i32
      %scan3A_520 = arith.addi %scan3A_358, %scan3A_519 : i32
      %get3A_521 = arith.constant 1 : i32
      %get3A_522 = arith.index_cast %get3A_521 : i32 to index
      %get3A_523 = arith.index_cast %scan3A_520 : i32 to index
      %get3A_524 = arith.constant 0 : index
      %get3A_525 = tpu.vector_load %arg14[%get3A_522, %get3A_523, %get3A_524] {strides = array<i32>} : memref<2x64x128xf32, #tpu.memory_space<vmem>>, vector<1x1x16xf32>,
      %get3A_526 = vector.shape_cast %get3A_525 : vector<1x1x16xf32> to vector<16xf32>
      %get3A_527 = arith.constant 1 : i32
      %get3A_528 = arith.index_cast %get3A_527 : i32 to index
      %get3A_529 = arith.index_cast %scan3A_520 : i32 to index
      %get3A_530 = arith.constant 0 : index
      %get3A_531 = tpu.vector_load %arg15[%get3A_528, %get3A_529, %get3A_530] {strides = array<i32>} : memref<2x64x128xf32, #tpu.memory_space<vmem>>, vector<1x1x16xf32>,
      %get3A_532 = vector.shape_cast %get3A_531 : vector<1x1x16xf32> to vector<16xf32>
      %mul3A_533 = arith.mulf %get3A_526, %get3A_532 : vector<16xf32>
      %get3A_534 = arith.constant 1 : i32
      %get3A_535 = arith.index_cast %get3A_534 : i32 to index
      %get3A_536 = arith.index_cast %scan3A_520 : i32 to index
      %get3A_537 = arith.constant 16 : index
      %get3A_538 = tpu.vector_load %arg14[%get3A_535, %get3A_536, %get3A_537] {strides = array<i32>} : memref<2x64x128xf32, #tpu.memory_space<vmem>>, vector<1x1x16xf32>,
      %get3A_539 = vector.shape_cast %get3A_538 : vector<1x1x16xf32> to vector<16xf32>
      %get3A_540 = arith.constant 1 : i32
      %get3A_541 = arith.index_cast %get3A_540 : i32 to index
      %get3A_542 = arith.index_cast %scan3A_520 : i32 to index
      %get3A_543 = arith.constant 16 : index
      %get3A_544 = tpu.vector_load %arg15[%get3A_541, %get3A_542, %get3A_543] {strides = array<i32>} : memref<2x64x128xf32, #tpu.memory_space<vmem>>, vector<1x1x16xf32>,
      %get3A_545 = vector.shape_cast %get3A_544 : vector<1x1x16xf32> to vector<16xf32>
      %mul3A_546 = arith.mulf %get3A_539, %get3A_545 : vector<16xf32>
      %get3A_547 = arith.constant 1 : i32
      %get3A_548 = arith.index_cast %get3A_547 : i32 to index
      %get3A_549 = arith.index_cast %scan3A_520 : i32 to index
      %get3A_550 = arith.constant 32 : index
      %get3A_551 = tpu.vector_load %arg14[%get3A_548, %get3A_549, %get3A_550] {strides = array<i32>} : memref<2x64x128xf32, #tpu.memory_space<vmem>>, vector<1x1x16xf32>,
      %get3A_552 = vector.shape_cast %get3A_551 : vector<1x1x16xf32> to vector<16xf32>
      %get3A_553 = arith.constant 1 : i32
      %get3A_554 = arith.index_cast %get3A_553 : i32 to index
      %get3A_555 = arith.index_cast %scan3A_520 : i32 to index
      %get3A_556 = arith.constant 32 : index
      %get3A_557 = tpu.vector_load %arg15[%get3A_554, %get3A_555, %get3A_556] {strides = array<i32>} : memref<2x64x128xf32, #tpu.memory_space<vmem>>, vector<1x1x16xf32>,
      %get3A_558 = vector.shape_cast %get3A_557 : vector<1x1x16xf32> to vector<16xf32>
      %mul3A_559 = arith.mulf %get3A_552, %get3A_558 : vector<16xf32>
      %get3A_560 = arith.constant 1 : i32
      %get3A_561 = arith.index_cast %get3A_560 : i32 to index
      %get3A_562 = arith.index_cast %scan3A_520 : i32 to index
      %get3A_563 = arith.constant 48 : index
      %get3A_564 = tpu.vector_load %arg14[%get3A_561, %get3A_562, %get3A_563] {strides = array<i32>} : memref<2x64x128xf32, #tpu.memory_space<vmem>>, vector<1x1x16xf32>,
      %get3A_565 = vector.shape_cast %get3A_564 : vector<1x1x16xf32> to vector<16xf32>
      %get3A_566 = arith.constant 1 : i32
      %get3A_567 = arith.index_cast %get3A_566 : i32 to index
      %get3A_568 = arith.index_cast %scan3A_520 : i32 to index
      %get3A_569 = arith.constant 48 : index
      %get3A_570 = tpu.vector_load %arg15[%get3A_567, %get3A_568, %get3A_569] {strides = array<i32>} : memref<2x64x128xf32, #tpu.memory_space<vmem>>, vector<1x1x16xf32>,
      %get3A_571 = vector.shape_cast %get3A_570 : vector<1x1x16xf32> to vector<16xf32>
      %mul3A_572 = arith.mulf %get3A_565, %get3A_571 : vector<16xf32>
      %get3A_573 = arith.constant 1 : i32
      %get3A_574 = arith.index_cast %get3A_573 : i32 to index
      %get3A_575 = arith.index_cast %scan3A_520 : i32 to index
      %get3A_576 = arith.constant 64 : index
      %get3A_577 = tpu.vector_load %arg14[%get3A_574, %get3A_575, %get3A_576] {strides = array<i32>} : memref<2x64x128xf32, #tpu.memory_space<vmem>>, vector<1x1x16xf32>,
      %get3A_578 = vector.shape_cast %get3A_577 : vector<1x1x16xf32> to vector<16xf32>
      %get3A_579 = arith.constant 1 : i32
      %get3A_580 = arith.index_cast %get3A_579 : i32 to index
      %get3A_581 = arith.index_cast %scan3A_520 : i32 to index
      %get3A_582 = arith.constant 64 : index
      %get3A_583 = tpu.vector_load %arg15[%get3A_580, %get3A_581, %get3A_582] {strides = array<i32>} : memref<2x64x128xf32, #tpu.memory_space<vmem>>, vector<1x1x16xf32>,
      %get3A_584 = vector.shape_cast %get3A_583 : vector<1x1x16xf32> to vector<16xf32>
      %mul3A_585 = arith.mulf %get3A_578, %get3A_584 : vector<16xf32>
      %get3A_586 = arith.constant 1 : i32
      %get3A_587 = arith.index_cast %get3A_586 : i32 to index
      %get3A_588 = arith.index_cast %scan3A_520 : i32 to index
      %get3A_589 = arith.constant 80 : index
      %get3A_590 = tpu.vector_load %arg14[%get3A_587, %get3A_588, %get3A_589] {strides = array<i32>} : memref<2x64x128xf32, #tpu.memory_space<vmem>>, vector<1x1x16xf32>,
      %get3A_591 = vector.shape_cast %get3A_590 : vector<1x1x16xf32> to vector<16xf32>
      %get3A_592 = arith.constant 1 : i32
      %get3A_593 = arith.index_cast %get3A_592 : i32 to index
      %get3A_594 = arith.index_cast %scan3A_520 : i32 to index
      %get3A_595 = arith.constant 80 : index
      %get3A_596 = tpu.vector_load %arg15[%get3A_593, %get3A_594, %get3A_595] {strides = array<i32>} : memref<2x64x128xf32, #tpu.memory_space<vmem>>, vector<1x1x16xf32>,
      %get3A_597 = vector.shape_cast %get3A_596 : vector<1x1x16xf32> to vector<16xf32>
      %mul3A_598 = arith.mulf %get3A_591, %get3A_597 : vector<16xf32>
      %get3A_599 = arith.constant 1 : i32
      %get3A_600 = arith.index_cast %get3A_599 : i32 to index
      %get3A_601 = arith.index_cast %scan3A_520 : i32 to index
      %get3A_602 = arith.constant 96 : index
      %get3A_603 = tpu.vector_load %arg14[%get3A_600, %get3A_601, %get3A_602] {strides = array<i32>} : memref<2x64x128xf32, #tpu.memory_space<vmem>>, vector<1x1x16xf32>,
      %get3A_604 = vector.shape_cast %get3A_603 : vector<1x1x16xf32> to vector<16xf32>
      %get3A_605 = arith.constant 1 : i32
      %get3A_606 = arith.index_cast %get3A_605 : i32 to index
      %get3A_607 = arith.index_cast %scan3A_520 : i32 to index
      %get3A_608 = arith.constant 96 : index
      %get3A_609 = tpu.vector_load %arg15[%get3A_606, %get3A_607, %get3A_608] {strides = array<i32>} : memref<2x64x128xf32, #tpu.memory_space<vmem>>, vector<1x1x16xf32>,
      %get3A_610 = vector.shape_cast %get3A_609 : vector<1x1x16xf32> to vector<16xf32>
      %mul3A_611 = arith.mulf %get3A_604, %get3A_610 : vector<16xf32>
      %get3A_612 = arith.constant 1 : i32
      %get3A_613 = arith.index_cast %get3A_612 : i32 to index
      %get3A_614 = arith.index_cast %scan3A_520 : i32 to index
      %get3A_615 = arith.constant 112 : index
      %get3A_616 = tpu.vector_load %arg14[%get3A_613, %get3A_614, %get3A_615] {strides = array<i32>} : memref<2x64x128xf32, #tpu.memory_space<vmem>>, vector<1x1x16xf32>,
      %get3A_617 = vector.shape_cast %get3A_616 : vector<1x1x16xf32> to vector<16xf32>
      %get3A_618 = arith.constant 1 : i32
      %get3A_619 = arith.index_cast %get3A_618 : i32 to index
      %get3A_620 = arith.index_cast %scan3A_520 : i32 to index
      %get3A_621 = arith.constant 112 : index
      %get3A_622 = tpu.vector_load %arg15[%get3A_619, %get3A_620, %get3A_621] {strides = array<i32>} : memref<2x64x128xf32, #tpu.memory_space<vmem>>, vector<1x1x16xf32>,
      %get3A_623 = vector.shape_cast %get3A_622 : vector<1x1x16xf32> to vector<16xf32>
      %mul3A_624 = arith.mulf %get3A_617, %get3A_623 : vector<16xf32>
      %swap3A_625 = arith.constant 1 : i32
      %swap3A_626 = arith.index_cast %swap3A_625 : i32 to index
      %swap3A_627 = arith.index_cast %scan3A_520 : i32 to index
      %swap3A_628 = arith.constant 0 : index
      %swap3A_629 = tpu.vector_load %arg16[%swap3A_626, %swap3A_627, %swap3A_628] {strides = array<i32>} : memref<2x64x128xf32, #tpu.memory_space<vmem>>, vector<1x1x16xf32>,
      %swap3A_630 = vector.shape_cast %swap3A_629 : vector<1x1x16xf32> to vector<16xf32>
      %swap3A_631 = vector.shape_cast %mul3A_533 : vector<16xf32> to vector<1x1x16xf32>
      tpu.vector_store %arg16[%swap3A_626, %swap3A_627, %swap3A_628], %swap3A_631 {strides = array<i32>} : memref<2x64x128xf32, #tpu.memory_space<vmem>>, vector<1x1x16xf32>,
      %swap3A_632 = arith.constant 1 : i32
      %swap3A_633 = arith.index_cast %swap3A_632 : i32 to index
      %swap3A_634 = arith.index_cast %scan3A_520 : i32 to index
      %swap3A_635 = arith.constant 16 : index
      %swap3A_636 = tpu.vector_load %arg16[%swap3A_633, %swap3A_634, %swap3A_635] {strides = array<i32>} : memref<2x64x128xf32, #tpu.memory_space<vmem>>, vector<1x1x16xf32>,
      %swap3A_637 = vector.shape_cast %swap3A_636 : vector<1x1x16xf32> to vector<16xf32>
      %swap3A_638 = vector.shape_cast %mul3A_546 : vector<16xf32> to vector<1x1x16xf32>
      tpu.vector_store %arg16[%swap3A_633, %swap3A_634, %swap3A_635], %swap3A_638 {strides = array<i32>} : memref<2x64x128xf32, #tpu.memory_space<vmem>>, vector<1x1x16xf32>,
      %swap3A_639 = arith.constant 1 : i32
      %swap3A_640 = arith.index_cast %swap3A_639 : i32 to index
      %swap3A_641 = arith.index_cast %scan3A_520 : i32 to index
      %swap3A_642 = arith.constant 32 : index
      %swap3A_643 = tpu.vector_load %arg16[%swap3A_640, %swap3A_641, %swap3A_642] {strides = array<i32>} : memref<2x64x128xf32, #tpu.memory_space<vmem>>, vector<1x1x16xf32>,
      %swap3A_644 = vector.shape_cast %swap3A_643 : vector<1x1x16xf32> to vector<16xf32>
      %swap3A_645 = vector.shape_cast %mul3A_559 : vector<16xf32> to vector<1x1x16xf32>
      tpu.vector_store %arg16[%swap3A_640, %swap3A_641, %swap3A_642], %swap3A_645 {strides = array<i32>} : memref<2x64x128xf32, #tpu.memory_space<vmem>>, vector<1x1x16xf32>,
      %swap3A_646 = arith.constant 1 : i32
      %swap3A_647 = arith.index_cast %swap3A_646 : i32 to index
      %swap3A_648 = arith.index_cast %scan3A_520 : i32 to index
      %swap3A_649 = arith.constant 48 : index
      %swap3A_650 = tpu.vector_load %arg16[%swap3A_647, %swap3A_648, %swap3A_649] {strides = array<i32>} : memref<2x64x128xf32, #tpu.memory_space<vmem>>, vector<1x1x16xf32>,
      %swap3A_651 = vector.shape_cast %swap3A_650 : vector<1x1x16xf32> to vector<16xf32>
      %swap3A_652 = vector.shape_cast %mul3A_572 : vector<16xf32> to vector<1x1x16xf32>
      tpu.vector_store %arg16[%swap3A_647, %swap3A_648, %swap3A_649], %swap3A_652 {strides = array<i32>} : memref<2x64x128xf32, #tpu.memory_space<vmem>>, vector<1x1x16xf32>,
      %swap3A_653 = arith.constant 1 : i32
      %swap3A_654 = arith.index_cast %swap3A_653 : i32 to index
      %swap3A_655 = arith.index_cast %scan3A_520 : i32 to index
      %swap3A_656 = arith.constant 64 : index
      %swap3A_657 = tpu.vector_load %arg16[%swap3A_654, %swap3A_655, %swap3A_656] {strides = array<i32>} : memref<2x64x128xf32, #tpu.memory_space<vmem>>, vector<1x1x16xf32>,
      %swap3A_658 = vector.shape_cast %swap3A_657 : vector<1x1x16xf32> to vector<16xf32>
      %swap3A_659 = vector.shape_cast %mul3A_585 : vector<16xf32> to vector<1x1x16xf32>
      tpu.vector_store %arg16[%swap3A_654, %swap3A_655, %swap3A_656], %swap3A_659 {strides = array<i32>} : memref<2x64x128xf32, #tpu.memory_space<vmem>>, vector<1x1x16xf32>,
      %swap3A_660 = arith.constant 1 : i32
      %swap3A_661 = arith.index_cast %swap3A_660 : i32 to index
      %swap3A_662 = arith.index_cast %scan3A_520 : i32 to index
      %swap3A_663 = arith.constant 80 : index
      %swap3A_664 = tpu.vector_load %arg16[%swap3A_661, %swap3A_662, %swap3A_663] {strides = array<i32>} : memref<2x64x128xf32, #tpu.memory_space<vmem>>, vector<1x1x16xf32>,
      %swap3A_665 = vector.shape_cast %swap3A_664 : vector<1x1x16xf32> to vector<16xf32>
      %swap3A_666 = vector.shape_cast %mul3A_598 : vector<16xf32> to vector<1x1x16xf32>
      tpu.vector_store %arg16[%swap3A_661, %swap3A_662, %swap3A_663], %swap3A_666 {strides = array<i32>} : memref<2x64x128xf32, #tpu.memory_space<vmem>>, vector<1x1x16xf32>,
      %swap3A_667 = arith.constant 1 : i32
      %swap3A_668 = arith.index_cast %swap3A_667 : i32 to index
      %swap3A_669 = arith.index_cast %scan3A_520 : i32 to index
      %swap3A_670 = arith.constant 96 : index
      %swap3A_671 = tpu.vector_load %arg16[%swap3A_668, %swap3A_669, %swap3A_670] {strides = array<i32>} : memref<2x64x128xf32, #tpu.memory_space<vmem>>, vector<1x1x16xf32>,
      %swap3A_672 = vector.shape_cast %swap3A_671 : vector<1x1x16xf32> to vector<16xf32>
      %swap3A_673 = vector.shape_cast %mul3A_611 : vector<16xf32> to vector<1x1x16xf32>
      tpu.vector_store %arg16[%swap3A_668, %swap3A_669, %swap3A_670], %swap3A_673 {strides = array<i32>} : memref<2x64x128xf32, #tpu.memory_space<vmem>>, vector<1x1x16xf32>,
      %swap3A_674 = arith.constant 1 : i32
      %swap3A_675 = arith.index_cast %swap3A_674 : i32 to index
      %swap3A_676 = arith.index_cast %scan3A_520 : i32 to index
      %swap3A_677 = arith.constant 112 : index
      %swap3A_678 = tpu.vector_load %arg16[%swap3A_675, %swap3A_676, %swap3A_677] {strides = array<i32>} : memref<2x64x128xf32, #tpu.memory_space<vmem>>, vector<1x1x16xf32>,
      %swap3A_679 = vector.shape_cast %swap3A_678 : vector<1x1x16xf32> to vector<16xf32>
      %swap3A_680 = vector.shape_cast %mul3A_624 : vector<16xf32> to vector<1x1x16xf32>
      tpu.vector_store %arg16[%swap3A_675, %swap3A_676, %swap3A_677], %swap3A_680 {strides = array<i32>} : memref<2x64x128xf32, #tpu.memory_space<vmem>>, vector<1x1x16xf32>,
      %scan3A_681 = arith.constant 2 : i32
      %scan3A_682 = arith.addi %scan3A_358, %scan3A_681 : i32
      %get3A_683 = arith.constant 1 : i32
      %get3A_684 = arith.index_cast %get3A_683 : i32 to index
      %get3A_685 = arith.index_cast %scan3A_682 : i32 to index
      %get3A_686 = arith.constant 0 : index
      %get3A_687 = tpu.vector_load %arg14[%get3A_684, %get3A_685, %get3A_686] {strides = array<i32>} : memref<2x64x128xf32, #tpu.memory_space<vmem>>, vector<1x1x16xf32>,
      %get3A_688 = vector.shape_cast %get3A_687 : vector<1x1x16xf32> to vector<16xf32>
      %get3A_689 = arith.constant 1 : i32
      %get3A_690 = arith.index_cast %get3A_689 : i32 to index
      %get3A_691 = arith.index_cast %scan3A_682 : i32 to index
      %get3A_692 = arith.constant 0 : index
      %get3A_693 = tpu.vector_load %arg15[%get3A_690, %get3A_691, %get3A_692] {strides = array<i32>} : memref<2x64x128xf32, #tpu.memory_space<vmem>>, vector<1x1x16xf32>,
      %get3A_694 = vector.shape_cast %get3A_693 : vector<1x1x16xf32> to vector<16xf32>
      %mul3A_695 = arith.mulf %get3A_688, %get3A_694 : vector<16xf32>
      %get3A_696 = arith.constant 1 : i32
      %get3A_697 = arith.index_cast %get3A_696 : i32 to index
      %get3A_698 = arith.index_cast %scan3A_682 : i32 to index
      %get3A_699 = arith.constant 16 : index
      %get3A_700 = tpu.vector_load %arg14[%get3A_697, %get3A_698, %get3A_699] {strides = array<i32>} : memref<2x64x128xf32, #tpu.memory_space<vmem>>, vector<1x1x16xf32>,
      %get3A_701 = vector.shape_cast %get3A_700 : vector<1x1x16xf32> to vector<16xf32>
      %get3A_702 = arith.constant 1 : i32
      %get3A_703 = arith.index_cast %get3A_702 : i32 to index
      %get3A_704 = arith.index_cast %scan3A_682 : i32 to index
      %get3A_705 = arith.constant 16 : index
      %get3A_706 = tpu.vector_load %arg15[%get3A_703, %get3A_704, %get3A_705] {strides = array<i32>} : memref<2x64x128xf32, #tpu.memory_space<vmem>>, vector<1x1x16xf32>,
      %get3A_707 = vector.shape_cast %get3A_706 : vector<1x1x16xf32> to vector<16xf32>
      %mul3A_708 = arith.mulf %get3A_701, %get3A_707 : vector<16xf32>
      %get3A_709 = arith.constant 1 : i32
      %get3A_710 = arith.index_cast %get3A_709 : i32 to index
      %get3A_711 = arith.index_cast %scan3A_682 : i32 to index
      %get3A_712 = arith.constant 32 : index
      %get3A_713 = tpu.vector_load %arg14[%get3A_710, %get3A_711, %get3A_712] {strides = array<i32>} : memref<2x64x128xf32, #tpu.memory_space<vmem>>, vector<1x1x16xf32>,
      %get3A_714 = vector.shape_cast %get3A_713 : vector<1x1x16xf32> to vector<16xf32>
      %get3A_715 = arith.constant 1 : i32
      %get3A_716 = arith.index_cast %get3A_715 : i32 to index
      %get3A_717 = arith.index_cast %scan3A_682 : i32 to index
      %get3A_718 = arith.constant 32 : index
      %get3A_719 = tpu.vector_load %arg15[%get3A_716, %get3A_717, %get3A_718] {strides = array<i32>} : memref<2x64x128xf32, #tpu.memory_space<vmem>>, vector<1x1x16xf32>,
      %get3A_720 = vector.shape_cast %get3A_719 : vector<1x1x16xf32> to vector<16xf32>
      %mul3A_721 = arith.mulf %get3A_714, %get3A_720 : vector<16xf32>
      %get3A_722 = arith.constant 1 : i32
      %get3A_723 = arith.index_cast %get3A_722 : i32 to index
      %get3A_724 = arith.index_cast %scan3A_682 : i32 to index
      %get3A_725 = arith.constant 48 : index
      %get3A_726 = tpu.vector_load %arg14[%get3A_723, %get3A_724, %get3A_725] {strides = array<i32>} : memref<2x64x128xf32, #tpu.memory_space<vmem>>, vector<1x1x16xf32>,
      %get3A_727 = vector.shape_cast %get3A_726 : vector<1x1x16xf32> to vector<16xf32>
      %get3A_728 = arith.constant 1 : i32
      %get3A_729 = arith.index_cast %get3A_728 : i32 to index
      %get3A_730 = arith.index_cast %scan3A_682 : i32 to index
      %get3A_731 = arith.constant 48 : index
      %get3A_732 = tpu.vector_load %arg15[%get3A_729, %get3A_730, %get3A_731] {strides = array<i32>} : memref<2x64x128xf32, #tpu.memory_space<vmem>>, vector<1x1x16xf32>,
      %get3A_733 = vector.shape_cast %get3A_732 : vector<1x1x16xf32> to vector<16xf32>
      %mul3A_734 = arith.mulf %get3A_727, %get3A_733 : vector<16xf32>
      %get3A_735 = arith.constant 1 : i32
      %get3A_736 = arith.index_cast %get3A_735 : i32 to index
      %get3A_737 = arith.index_cast %scan3A_682 : i32 to index
      %get3A_738 = arith.constant 64 : index
      %get3A_739 = tpu.vector_load %arg14[%get3A_736, %get3A_737, %get3A_738] {strides = array<i32>} : memref<2x64x128xf32, #tpu.memory_space<vmem>>, vector<1x1x16xf32>,
      %get3A_740 = vector.shape_cast %get3A_739 : vector<1x1x16xf32> to vector<16xf32>
      %get3A_741 = arith.constant 1 : i32
      %get3A_742 = arith.index_cast %get3A_741 : i32 to index
      %get3A_743 = arith.index_cast %scan3A_682 : i32 to index
      %get3A_744 = arith.constant 64 : index
      %get3A_745 = tpu.vector_load %arg15[%get3A_742, %get3A_743, %get3A_744] {strides = array<i32>} : memref<2x64x128xf32, #tpu.memory_space<vmem>>, vector<1x1x16xf32>,
      %get3A_746 = vector.shape_cast %get3A_745 : vector<1x1x16xf32> to vector<16xf32>
      %mul3A_747 = arith.mulf %get3A_740, %get3A_746 : vector<16xf32>
      %get3A_748 = arith.constant 1 : i32
      %get3A_749 = arith.index_cast %get3A_748 : i32 to index
      %get3A_750 = arith.index_cast %scan3A_682 : i32 to index
      %get3A_751 = arith.constant 80 : index
      %get3A_752 = tpu.vector_load %arg14[%get3A_749, %get3A_750, %get3A_751] {strides = array<i32>} : memref<2x64x128xf32, #tpu.memory_space<vmem>>, vector<1x1x16xf32>,
      %get3A_753 = vector.shape_cast %get3A_752 : vector<1x1x16xf32> to vector<16xf32>
      %get3A_754 = arith.constant 1 : i32
      %get3A_755 = arith.index_cast %get3A_754 : i32 to index
      %get3A_756 = arith.index_cast %scan3A_682 : i32 to index
      %get3A_757 = arith.constant 80 : index
      %get3A_758 = tpu.vector_load %arg15[%get3A_755, %get3A_756, %get3A_757] {strides = array<i32>} : memref<2x64x128xf32, #tpu.memory_space<vmem>>, vector<1x1x16xf32>,
      %get3A_759 = vector.shape_cast %get3A_758 : vector<1x1x16xf32> to vector<16xf32>
      %mul3A_760 = arith.mulf %get3A_753, %get3A_759 : vector<16xf32>
      %get3A_761 = arith.constant 1 : i32
      %get3A_762 = arith.index_cast %get3A_761 : i32 to index
      %get3A_763 = arith.index_cast %scan3A_682 : i32 to index
      %get3A_764 = arith.constant 96 : index
      %get3A_765 = tpu.vector_load %arg14[%get3A_762, %get3A_763, %get3A_764] {strides = array<i32>} : memref<2x64x128xf32, #tpu.memory_space<vmem>>, vector<1x1x16xf32>,
      %get3A_766 = vector.shape_cast %get3A_765 : vector<1x1x16xf32> to vector<16xf32>
      %get3A_767 = arith.constant 1 : i32
      %get3A_768 = arith.index_cast %get3A_767 : i32 to index
      %get3A_769 = arith.index_cast %scan3A_682 : i32 to index
      %get3A_770 = arith.constant 96 : index
      %get3A_771 = tpu.vector_load %arg15[%get3A_768, %get3A_769, %get3A_770] {strides = array<i32>} : memref<2x64x128xf32, #tpu.memory_space<vmem>>, vector<1x1x16xf32>,
      %get3A_772 = vector.shape_cast %get3A_771 : vector<1x1x16xf32> to vector<16xf32>
      %mul3A_773 = arith.mulf %get3A_766, %get3A_772 : vector<16xf32>
      %get3A_774 = arith.constant 1 : i32
      %get3A_775 = arith.index_cast %get3A_774 : i32 to index
      %get3A_776 = arith.index_cast %scan3A_682 : i32 to index
      %get3A_777 = arith.constant 112 : index
      %get3A_778 = tpu.vector_load %arg14[%get3A_775, %get3A_776, %get3A_777] {strides = array<i32>} : memref<2x64x128xf32, #tpu.memory_space<vmem>>, vector<1x1x16xf32>,
      %get3A_779 = vector.shape_cast %get3A_778 : vector<1x1x16xf32> to vector<16xf32>
      %get3A_780 = arith.constant 1 : i32
      %get3A_781 = arith.index_cast %get3A_780 : i32 to index
      %get3A_782 = arith.index_cast %scan3A_682 : i32 to index
      %get3A_783 = arith.constant 112 : index
      %get3A_784 = tpu.vector_load %arg15[%get3A_781, %get3A_782, %get3A_783] {strides = array<i32>} : memref<2x64x128xf32, #tpu.memory_space<vmem>>, vector<1x1x16xf32>,
      %get3A_785 = vector.shape_cast %get3A_784 : vector<1x1x16xf32> to vector<16xf32>
      %mul3A_786 = arith.mulf %get3A_779, %get3A_785 : vector<16xf32>
      %swap3A_787 = arith.constant 1 : i32
      %swap3A_788 = arith.index_cast %swap3A_787 : i32 to index
      %swap3A_789 = arith.index_cast %scan3A_682 : i32 to index
      %swap3A_790 = arith.constant 0 : index
      %swap3A_791 = tpu.vector_load %arg16[%swap3A_788, %swap3A_789, %swap3A_790] {strides = array<i32>} : memref<2x64x128xf32, #tpu.memory_space<vmem>>, vector<1x1x16xf32>,
      %swap3A_792 = vector.shape_cast %swap3A_791 : vector<1x1x16xf32> to vector<16xf32>
      %swap3A_793 = vector.shape_cast %mul3A_695 : vector<16xf32> to vector<1x1x16xf32>
      tpu.vector_store %arg16[%swap3A_788, %swap3A_789, %swap3A_790], %swap3A_793 {strides = array<i32>} : memref<2x64x128xf32, #tpu.memory_space<vmem>>, vector<1x1x16xf32>,
      %swap3A_794 = arith.constant 1 : i32
      %swap3A_795 = arith.index_cast %swap3A_794 : i32 to index
      %swap3A_796 = arith.index_cast %scan3A_682 : i32 to index
      %swap3A_797 = arith.constant 16 : index
      %swap3A_798 = tpu.vector_load %arg16[%swap3A_795, %swap3A_796, %swap3A_797] {strides = array<i32>} : memref<2x64x128xf32, #tpu.memory_space<vmem>>, vector<1x1x16xf32>,
      %swap3A_799 = vector.shape_cast %swap3A_798 : vector<1x1x16xf32> to vector<16xf32>
      %swap3A_800 = vector.shape_cast %mul3A_708 : vector<16xf32> to vector<1x1x16xf32>
      tpu.vector_store %arg16[%swap3A_795, %swap3A_796, %swap3A_797], %swap3A_800 {strides = array<i32>} : memref<2x64x128xf32, #tpu.memory_space<vmem>>, vector<1x1x16xf32>,
      %swap3A_801 = arith.constant 1 : i32
      %swap3A_802 = arith.index_cast %swap3A_801 : i32 to index
      %swap3A_803 = arith.index_cast %scan3A_682 : i32 to index
      %swap3A_804 = arith.constant 32 : index
      %swap3A_805 = tpu.vector_load %arg16[%swap3A_802, %swap3A_803, %swap3A_804] {strides = array<i32>} : memref<2x64x128xf32, #tpu.memory_space<vmem>>, vector<1x1x16xf32>,
      %swap3A_806 = vector.shape_cast %swap3A_805 : vector<1x1x16xf32> to vector<16xf32>
      %swap3A_807 = vector.shape_cast %mul3A_721 : vector<16xf32> to vector<1x1x16xf32>
      tpu.vector_store %arg16[%swap3A_802, %swap3A_803, %swap3A_804], %swap3A_807 {strides = array<i32>} : memref<2x64x128xf32, #tpu.memory_space<vmem>>, vector<1x1x16xf32>,
      %swap3A_808 = arith.constant 1 : i32
      %swap3A_809 = arith.index_cast %swap3A_808 : i32 to index
      %swap3A_810 = arith.index_cast %scan3A_682 : i32 to index
      %swap3A_811 = arith.constant 48 : index
      %swap3A_812 = tpu.vector_load %arg16[%swap3A_809, %swap3A_810, %swap3A_811] {strides = array<i32>} : memref<2x64x128xf32, #tpu.memory_space<vmem>>, vector<1x1x16xf32>,
      %swap3A_813 = vector.shape_cast %swap3A_812 : vector<1x1x16xf32> to vector<16xf32>
      %swap3A_814 = vector.shape_cast %mul3A_734 : vector<16xf32> to vector<1x1x16xf32>
      tpu.vector_store %arg16[%swap3A_809, %swap3A_810, %swap3A_811], %swap3A_814 {strides = array<i32>} : memref<2x64x128xf32, #tpu.memory_space<vmem>>, vector<1x1x16xf32>,
      %swap3A_815 = arith.constant 1 : i32
      %swap3A_816 = arith.index_cast %swap3A_815 : i32 to index
      %swap3A_817 = arith.index_cast %scan3A_682 : i32 to index
      %swap3A_818 = arith.constant 64 : index
      %swap3A_819 = tpu.vector_load %arg16[%swap3A_816, %swap3A_817, %swap3A_818] {strides = array<i32>} : memref<2x64x128xf32, #tpu.memory_space<vmem>>, vector<1x1x16xf32>,
      %swap3A_820 = vector.shape_cast %swap3A_819 : vector<1x1x16xf32> to vector<16xf32>
      %swap3A_821 = vector.shape_cast %mul3A_747 : vector<16xf32> to vector<1x1x16xf32>
      tpu.vector_store %arg16[%swap3A_816, %swap3A_817, %swap3A_818], %swap3A_821 {strides = array<i32>} : memref<2x64x128xf32, #tpu.memory_space<vmem>>, vector<1x1x16xf32>,
      %swap3A_822 = arith.constant 1 : i32
      %swap3A_823 = arith.index_cast %swap3A_822 : i32 to index
      %swap3A_824 = arith.index_cast %scan3A_682 : i32 to index
      %swap3A_825 = arith.constant 80 : index
      %swap3A_826 = tpu.vector_load %arg16[%swap3A_823, %swap3A_824, %swap3A_825] {strides = array<i32>} : memref<2x64x128xf32, #tpu.memory_space<vmem>>, vector<1x1x16xf32>,
      %swap3A_827 = vector.shape_cast %swap3A_826 : vector<1x1x16xf32> to vector<16xf32>
      %swap3A_828 = vector.shape_cast %mul3A_760 : vector<16xf32> to vector<1x1x16xf32>
      tpu.vector_store %arg16[%swap3A_823, %swap3A_824, %swap3A_825], %swap3A_828 {strides = array<i32>} : memref<2x64x128xf32, #tpu.memory_space<vmem>>, vector<1x1x16xf32>,
      %swap3A_829 = arith.constant 1 : i32
      %swap3A_830 = arith.index_cast %swap3A_829 : i32 to index
      %swap3A_831 = arith.index_cast %scan3A_682 : i32 to index
      %swap3A_832 = arith.constant 96 : index
      %swap3A_833 = tpu.vector_load %arg16[%swap3A_830, %swap3A_831, %swap3A_832] {strides = array<i32>} : memref<2x64x128xf32, #tpu.memory_space<vmem>>, vector<1x1x16xf32>,
      %swap3A_834 = vector.shape_cast %swap3A_833 : vector<1x1x16xf32> to vector<16xf32>
      %swap3A_835 = vector.shape_cast %mul3A_773 : vector<16xf32> to vector<1x1x16xf32>
      tpu.vector_store %arg16[%swap3A_830, %swap3A_831, %swap3A_832], %swap3A_835 {strides = array<i32>} : memref<2x64x128xf32, #tpu.memory_space<vmem>>, vector<1x1x16xf32>,
      %swap3A_836 = arith.constant 1 : i32
      %swap3A_837 = arith.index_cast %swap3A_836 : i32 to index
      %swap3A_838 = arith.index_cast %scan3A_682 : i32 to index
      %swap3A_839 = arith.constant 112 : index
      %swap3A_840 = tpu.vector_load %arg16[%swap3A_837, %swap3A_838, %swap3A_839] {strides = array<i32>} : memref<2x64x128xf32, #tpu.memory_space<vmem>>, vector<1x1x16xf32>,
      %swap3A_841 = vector.shape_cast %swap3A_840 : vector<1x1x16xf32> to vector<16xf32>
      %swap3A_842 = vector.shape_cast %mul3A_786 : vector<16xf32> to vector<1x1x16xf32>
      tpu.vector_store %arg16[%swap3A_837, %swap3A_838, %swap3A_839], %swap3A_842 {strides = array<i32>} : memref<2x64x128xf32, #tpu.memory_space<vmem>>, vector<1x1x16xf32>,
      %scan3A_843 = arith.constant 3 : i32
      %scan3A_844 = arith.addi %scan3A_358, %scan3A_843 : i32
      %get3A_845 = arith.constant 1 : i32
      %get3A_846 = arith.index_cast %get3A_845 : i32 to index
      %get3A_847 = arith.index_cast %scan3A_844 : i32 to index
      %get3A_848 = arith.constant 0 : index
      %get3A_849 = tpu.vector_load %arg14[%get3A_846, %get3A_847, %get3A_848] {strides = array<i32>} : memref<2x64x128xf32, #tpu.memory_space<vmem>>, vector<1x1x16xf32>,
      %get3A_850 = vector.shape_cast %get3A_849 : vector<1x1x16xf32> to vector<16xf32>
      %get3A_851 = arith.constant 1 : i32
      %get3A_852 = arith.index_cast %get3A_851 : i32 to index
      %get3A_853 = arith.index_cast %scan3A_844 : i32 to index
      %get3A_854 = arith.constant 0 : index
      %get3A_855 = tpu.vector_load %arg15[%get3A_852, %get3A_853, %get3A_854] {strides = array<i32>} : memref<2x64x128xf32, #tpu.memory_space<vmem>>, vector<1x1x16xf32>,
      %get3A_856 = vector.shape_cast %get3A_855 : vector<1x1x16xf32> to vector<16xf32>
      %mul3A_857 = arith.mulf %get3A_850, %get3A_856 : vector<16xf32>
      %get3A_858 = arith.constant 1 : i32
      %get3A_859 = arith.index_cast %get3A_858 : i32 to index
      %get3A_860 = arith.index_cast %scan3A_844 : i32 to index
      %get3A_861 = arith.constant 16 : index
      %get3A_862 = tpu.vector_load %arg14[%get3A_859, %get3A_860, %get3A_861] {strides = array<i32>} : memref<2x64x128xf32, #tpu.memory_space<vmem>>, vector<1x1x16xf32>,
      %get3A_863 = vector.shape_cast %get3A_862 : vector<1x1x16xf32> to vector<16xf32>
      %get3A_864 = arith.constant 1 : i32
      %get3A_865 = arith.index_cast %get3A_864 : i32 to index
      %get3A_866 = arith.index_cast %scan3A_844 : i32 to index
      %get3A_867 = arith.constant 16 : index
      %get3A_868 = tpu.vector_load %arg15[%get3A_865, %get3A_866, %get3A_867] {strides = array<i32>} : memref<2x64x128xf32, #tpu.memory_space<vmem>>, vector<1x1x16xf32>,
      %get3A_869 = vector.shape_cast %get3A_868 : vector<1x1x16xf32> to vector<16xf32>
      %mul3A_870 = arith.mulf %get3A_863, %get3A_869 : vector<16xf32>
      %get3A_871 = arith.constant 1 : i32
      %get3A_872 = arith.index_cast %get3A_871 : i32 to index
      %get3A_873 = arith.index_cast %scan3A_844 : i32 to index
      %get3A_874 = arith.constant 32 : index
      %get3A_875 = tpu.vector_load %arg14[%get3A_872, %get3A_873, %get3A_874] {strides = array<i32>} : memref<2x64x128xf32, #tpu.memory_space<vmem>>, vector<1x1x16xf32>,
      %get3A_876 = vector.shape_cast %get3A_875 : vector<1x1x16xf32> to vector<16xf32>
      %get3A_877 = arith.constant 1 : i32
      %get3A_878 = arith.index_cast %get3A_877 : i32 to index
      %get3A_879 = arith.index_cast %scan3A_844 : i32 to index
      %get3A_880 = arith.constant 32 : index
      %get3A_881 = tpu.vector_load %arg15[%get3A_878, %get3A_879, %get3A_880] {strides = array<i32>} : memref<2x64x128xf32, #tpu.memory_space<vmem>>, vector<1x1x16xf32>,
      %get3A_882 = vector.shape_cast %get3A_881 : vector<1x1x16xf32> to vector<16xf32>
      %mul3A_883 = arith.mulf %get3A_876, %get3A_882 : vector<16xf32>
      %get3A_884 = arith.constant 1 : i32
      %get3A_885 = arith.index_cast %get3A_884 : i32 to index
      %get3A_886 = arith.index_cast %scan3A_844 : i32 to index
      %get3A_887 = arith.constant 48 : index
      %get3A_888 = tpu.vector_load %arg14[%get3A_885, %get3A_886, %get3A_887] {strides = array<i32>} : memref<2x64x128xf32, #tpu.memory_space<vmem>>, vector<1x1x16xf32>,
      %get3A_889 = vector.shape_cast %get3A_888 : vector<1x1x16xf32> to vector<16xf32>
      %get3A_890 = arith.constant 1 : i32
      %get3A_891 = arith.index_cast %get3A_890 : i32 to index
      %get3A_892 = arith.index_cast %scan3A_844 : i32 to index
      %get3A_893 = arith.constant 48 : index
      %get3A_894 = tpu.vector_load %arg15[%get3A_891, %get3A_892, %get3A_893] {strides = array<i32>} : memref<2x64x128xf32, #tpu.memory_space<vmem>>, vector<1x1x16xf32>,
      %get3A_895 = vector.shape_cast %get3A_894 : vector<1x1x16xf32> to vector<16xf32>
      %mul3A_896 = arith.mulf %get3A_889, %get3A_895 : vector<16xf32>
      %get3A_897 = arith.constant 1 : i32
      %get3A_898 = arith.index_cast %get3A_897 : i32 to index
      %get3A_899 = arith.index_cast %scan3A_844 : i32 to index
      %get3A_900 = arith.constant 64 : index
      %get3A_901 = tpu.vector_load %arg14[%get3A_898, %get3A_899, %get3A_900] {strides = array<i32>} : memref<2x64x128xf32, #tpu.memory_space<vmem>>, vector<1x1x16xf32>,
      %get3A_902 = vector.shape_cast %get3A_901 : vector<1x1x16xf32> to vector<16xf32>
      %get3A_903 = arith.constant 1 : i32
      %get3A_904 = arith.index_cast %get3A_903 : i32 to index
      %get3A_905 = arith.index_cast %scan3A_844 : i32 to index
      %get3A_906 = arith.constant 64 : index
      %get3A_907 = tpu.vector_load %arg15[%get3A_904, %get3A_905, %get3A_906] {strides = array<i32>} : memref<2x64x128xf32, #tpu.memory_space<vmem>>, vector<1x1x16xf32>,
      %get3A_908 = vector.shape_cast %get3A_907 : vector<1x1x16xf32> to vector<16xf32>
      %mul3A_909 = arith.mulf %get3A_902, %get3A_908 : vector<16xf32>
      %get3A_910 = arith.constant 1 : i32
      %get3A_911 = arith.index_cast %get3A_910 : i32 to index
      %get3A_912 = arith.index_cast %scan3A_844 : i32 to index
      %get3A_913 = arith.constant 80 : index
      %get3A_914 = tpu.vector_load %arg14[%get3A_911, %get3A_912, %get3A_913] {strides = array<i32>} : memref<2x64x128xf32, #tpu.memory_space<vmem>>, vector<1x1x16xf32>,
      %get3A_915 = vector.shape_cast %get3A_914 : vector<1x1x16xf32> to vector<16xf32>
      %get3A_916 = arith.constant 1 : i32
      %get3A_917 = arith.index_cast %get3A_916 : i32 to index
      %get3A_918 = arith.index_cast %scan3A_844 : i32 to index
      %get3A_919 = arith.constant 80 : index
      %get3A_920 = tpu.vector_load %arg15[%get3A_917, %get3A_918, %get3A_919] {strides = array<i32>} : memref<2x64x128xf32, #tpu.memory_space<vmem>>, vector<1x1x16xf32>,
      %get3A_921 = vector.shape_cast %get3A_920 : vector<1x1x16xf32> to vector<16xf32>
      %mul3A_922 = arith.mulf %get3A_915, %get3A_921 : vector<16xf32>
      %get3A_923 = arith.constant 1 : i32
      %get3A_924 = arith.index_cast %get3A_923 : i32 to index
      %get3A_925 = arith.index_cast %scan3A_844 : i32 to index
      %get3A_926 = arith.constant 96 : index
      %get3A_927 = tpu.vector_load %arg14[%get3A_924, %get3A_925, %get3A_926] {strides = array<i32>} : memref<2x64x128xf32, #tpu.memory_space<vmem>>, vector<1x1x16xf32>,
      %get3A_928 = vector.shape_cast %get3A_927 : vector<1x1x16xf32> to vector<16xf32>
      %get3A_929 = arith.constant 1 : i32
      %get3A_930 = arith.index_cast %get3A_929 : i32 to index
      %get3A_931 = arith.index_cast %scan3A_844 : i32 to index
      %get3A_932 = arith.constant 96 : index
      %get3A_933 = tpu.vector_load %arg15[%get3A_930, %get3A_931, %get3A_932] {strides = array<i32>} : memref<2x64x128xf32, #tpu.memory_space<vmem>>, vector<1x1x16xf32>,
      %get3A_934 = vector.shape_cast %get3A_933 : vector<1x1x16xf32> to vector<16xf32>
      %mul3A_935 = arith.mulf %get3A_928, %get3A_934 : vector<16xf32>
      %get3A_936 = arith.constant 1 : i32
      %get3A_937 = arith.index_cast %get3A_936 : i32 to index
      %get3A_938 = arith.index_cast %scan3A_844 : i32 to index
      %get3A_939 = arith.constant 112 : index
      %get3A_940 = tpu.vector_load %arg14[%get3A_937, %get3A_938, %get3A_939] {strides = array<i32>} : memref<2x64x128xf32, #tpu.memory_space<vmem>>, vector<1x1x16xf32>,
      %get3A_941 = vector.shape_cast %get3A_940 : vector<1x1x16xf32> to vector<16xf32>
      %get3A_942 = arith.constant 1 : i32
      %get3A_943 = arith.index_cast %get3A_942 : i32 to index
      %get3A_944 = arith.index_cast %scan3A_844 : i32 to index
      %get3A_945 = arith.constant 112 : index
      %get3A_946 = tpu.vector_load %arg15[%get3A_943, %get3A_944, %get3A_945] {strides = array<i32>} : memref<2x64x128xf32, #tpu.memory_space<vmem>>, vector<1x1x16xf32>,
      %get3A_947 = vector.shape_cast %get3A_946 : vector<1x1x16xf32> to vector<16xf32>
      %mul3A_948 = arith.mulf %get3A_941, %get3A_947 : vector<16xf32>
      %swap3A_949 = arith.constant 1 : i32
      %swap3A_950 = arith.index_cast %swap3A_949 : i32 to index
      %swap3A_951 = arith.index_cast %scan3A_844 : i32 to index
      %swap3A_952 = arith.constant 0 : index
      %swap3A_953 = tpu.vector_load %arg16[%swap3A_950, %swap3A_951, %swap3A_952] {strides = array<i32>} : memref<2x64x128xf32, #tpu.memory_space<vmem>>, vector<1x1x16xf32>,
      %swap3A_954 = vector.shape_cast %swap3A_953 : vector<1x1x16xf32> to vector<16xf32>
      %swap3A_955 = vector.shape_cast %mul3A_857 : vector<16xf32> to vector<1x1x16xf32>
      tpu.vector_store %arg16[%swap3A_950, %swap3A_951, %swap3A_952], %swap3A_955 {strides = array<i32>} : memref<2x64x128xf32, #tpu.memory_space<vmem>>, vector<1x1x16xf32>,
      %swap3A_956 = arith.constant 1 : i32
      %swap3A_957 = arith.index_cast %swap3A_956 : i32 to index
      %swap3A_958 = arith.index_cast %scan3A_844 : i32 to index
      %swap3A_959 = arith.constant 16 : index
      %swap3A_960 = tpu.vector_load %arg16[%swap3A_957, %swap3A_958, %swap3A_959] {strides = array<i32>} : memref<2x64x128xf32, #tpu.memory_space<vmem>>, vector<1x1x16xf32>,
      %swap3A_961 = vector.shape_cast %swap3A_960 : vector<1x1x16xf32> to vector<16xf32>
      %swap3A_962 = vector.shape_cast %mul3A_870 : vector<16xf32> to vector<1x1x16xf32>
      tpu.vector_store %arg16[%swap3A_957, %swap3A_958, %swap3A_959], %swap3A_962 {strides = array<i32>} : memref<2x64x128xf32, #tpu.memory_space<vmem>>, vector<1x1x16xf32>,
      %swap3A_963 = arith.constant 1 : i32
      %swap3A_964 = arith.index_cast %swap3A_963 : i32 to index
      %swap3A_965 = arith.index_cast %scan3A_844 : i32 to index
      %swap3A_966 = arith.constant 32 : index
      %swap3A_967 = tpu.vector_load %arg16[%swap3A_964, %swap3A_965, %swap3A_966] {strides = array<i32>} : memref<2x64x128xf32, #tpu.memory_space<vmem>>, vector<1x1x16xf32>,
      %swap3A_968 = vector.shape_cast %swap3A_967 : vector<1x1x16xf32> to vector<16xf32>
      %swap3A_969 = vector.shape_cast %mul3A_883 : vector<16xf32> to vector<1x1x16xf32>
      tpu.vector_store %arg16[%swap3A_964, %swap3A_965, %swap3A_966], %swap3A_969 {strides = array<i32>} : memref<2x64x128xf32, #tpu.memory_space<vmem>>, vector<1x1x16xf32>,
      %swap3A_970 = arith.constant 1 : i32
      %swap3A_971 = arith.index_cast %swap3A_970 : i32 to index
      %swap3A_972 = arith.index_cast %scan3A_844 : i32 to index
      %swap3A_973 = arith.constant 48 : index
      %swap3A_974 = tpu.vector_load %arg16[%swap3A_971, %swap3A_972, %swap3A_973] {strides = array<i32>} : memref<2x64x128xf32, #tpu.memory_space<vmem>>, vector<1x1x16xf32>,
      %swap3A_975 = vector.shape_cast %swap3A_974 : vector<1x1x16xf32> to vector<16xf32>
      %swap3A_976 = vector.shape_cast %mul3A_896 : vector<16xf32> to vector<1x1x16xf32>
      tpu.vector_store %arg16[%swap3A_971, %swap3A_972, %swap3A_973], %swap3A_976 {strides = array<i32>} : memref<2x64x128xf32, #tpu.memory_space<vmem>>, vector<1x1x16xf32>,
      %swap3A_977 = arith.constant 1 : i32
      %swap3A_978 = arith.index_cast %swap3A_977 : i32 to index
      %swap3A_979 = arith.index_cast %scan3A_844 : i32 to index
      %swap3A_980 = arith.constant 64 : index
      %swap3A_981 = tpu.vector_load %arg16[%swap3A_978, %swap3A_979, %swap3A_980] {strides = array<i32>} : memref<2x64x128xf32, #tpu.memory_space<vmem>>, vector<1x1x16xf32>,
      %swap3A_982 = vector.shape_cast %swap3A_981 : vector<1x1x16xf32> to vector<16xf32>
      %swap3A_983 = vector.shape_cast %mul3A_909 : vector<16xf32> to vector<1x1x16xf32>
      tpu.vector_store %arg16[%swap3A_978, %swap3A_979, %swap3A_980], %swap3A_983 {strides = array<i32>} : memref<2x64x128xf32, #tpu.memory_space<vmem>>, vector<1x1x16xf32>,
      %swap3A_984 = arith.constant 1 : i32
      %swap3A_985 = arith.index_cast %swap3A_984 : i32 to index
      %swap3A_986 = arith.index_cast %scan3A_844 : i32 to index
      %swap3A_987 = arith.constant 80 : index
      %swap3A_988 = tpu.vector_load %arg16[%swap3A_985, %swap3A_986, %swap3A_987] {strides = array<i32>} : memref<2x64x128xf32, #tpu.memory_space<vmem>>, vector<1x1x16xf32>,
      %swap3A_989 = vector.shape_cast %swap3A_988 : vector<1x1x16xf32> to vector<16xf32>
      %swap3A_990 = vector.shape_cast %mul3A_922 : vector<16xf32> to vector<1x1x16xf32>
      tpu.vector_store %arg16[%swap3A_985, %swap3A_986, %swap3A_987], %swap3A_990 {strides = array<i32>} : memref<2x64x128xf32, #tpu.memory_space<vmem>>, vector<1x1x16xf32>,
      %swap3A_991 = arith.constant 1 : i32
      %swap3A_992 = arith.index_cast %swap3A_991 : i32 to index
      %swap3A_993 = arith.index_cast %scan3A_844 : i32 to index
      %swap3A_994 = arith.constant 96 : index
      %swap3A_995 = tpu.vector_load %arg16[%swap3A_992, %swap3A_993, %swap3A_994] {strides = array<i32>} : memref<2x64x128xf32, #tpu.memory_space<vmem>>, vector<1x1x16xf32>,
      %swap3A_996 = vector.shape_cast %swap3A_995 : vector<1x1x16xf32> to vector<16xf32>
      %swap3A_997 = vector.shape_cast %mul3A_935 : vector<16xf32> to vector<1x1x16xf32>
      tpu.vector_store %arg16[%swap3A_992, %swap3A_993, %swap3A_994], %swap3A_997 {strides = array<i32>} : memref<2x64x128xf32, #tpu.memory_space<vmem>>, vector<1x1x16xf32>,
      %swap3A_998 = arith.constant 1 : i32
      %swap3A_999 = arith.index_cast %swap3A_998 : i32 to index
      %swap3A_1000 = arith.index_cast %scan3A_844 : i32 to index
      %swap3A_1001 = arith.constant 112 : index
      %swap3A_1002 = tpu.vector_load %arg16[%swap3A_999, %swap3A_1000, %swap3A_1001] {strides = array<i32>} : memref<2x64x128xf32, #tpu.memory_space<vmem>>, vector<1x1x16xf32>,
      %swap3A_1003 = vector.shape_cast %swap3A_1002 : vector<1x1x16xf32> to vector<16xf32>
      %swap3A_1004 = vector.shape_cast %mul3A_948 : vector<16xf32> to vector<1x1x16xf32>
      tpu.vector_store %arg16[%swap3A_999, %swap3A_1000, %swap3A_1001], %swap3A_1004 {strides = array<i32>} : memref<2x64x128xf32, #tpu.memory_space<vmem>>, vector<1x1x16xf32>,
    }
    %scan3A_297 = arith.constant 64 : i32
    %dma_start3A_298 = arith.constant 1 : i32
    %dma_start3A_299 = arith.constant 0 : i32
    %dma_start3A_300 = arith.constant 0 : i32
    %dma_start3A_301 = tpu.memref_slice %arg16[%dma_start3A_298, %dma_start3A_299, %dma_start3A_300] : memref<2x64x128xf32, #tpu.memory_space<vmem>> -> memref<1x64x128xf32, #tpu.memory_space<vmem>>
    %dma_start3A_302 = tpu.memref_squeeze %dma_start3A_301 : memref<1x64x128xf32, #tpu.memory_space<vmem>> -> memref<64x128xf32, #tpu.memory_space<vmem>>
    %dma_start3A_303 = arith.constant 0 : i32
    %dma_start3A_304 = arith.constant 0 : i32
    %dma_start3A_305 = tpu.memref_slice %arg17[%dma_start3A_303, %dma_start3A_304] : memref<10000x128xf32, #tpu.memory_space<vmem_shared>> -> memref<10000x128xf32, #tpu.memory_space<vmem_shared>>
    tpu.enqueue_indirect_dma source(%dma_start3A_302 : memref<64x128xf32, #tpu.memory_space<vmem>>) target(%dma_start3A_305 : memref<10000x128xf32, #tpu.memory_space<vmem_shared>>) offsets(%arg11 : memref<64xi32, #tpu.memory_space<vmem>>) semaphore(%arg23 : memref<!tpu.dma_semaphore, #tpu.memory_space<semaphore_mem>>) {add = true}
    %dma_wait3A_306 = arith.constant 0 : i32
    %dma_wait3A_307 = arith.constant 0 : i32
    %dma_wait3A_308 = arith.constant 0 : i32
    %dma_wait3A_309 = tpu.memref_slice %arg16[%dma_wait3A_306, %dma_wait3A_307, %dma_wait3A_308] : memref<2x64x128xf32, #tpu.memory_space<vmem>> -> memref<1x64x128xf32, #tpu.memory_space<vmem>>
    %dma_wait3A_310 = tpu.memref_squeeze %dma_wait3A_309 : memref<1x64x128xf32, #tpu.memory_space<vmem>> -> memref<64x128xf32, #tpu.memory_space<vmem>>
    %dma_wait3A_311 = arith.constant 0 : i32
    %dma_wait3A_312 = arith.constant 0 : i32
    %dma_wait3A_313 = tpu.memref_slice %arg17[%dma_wait3A_311, %dma_wait3A_312] : memref<10000x128xf32, #tpu.memory_space<vmem_shared>> -> memref<10000x128xf32, #tpu.memory_space<vmem_shared>>
    tpu.wait_indirect_dma semaphore(%arg22 : memref<!tpu.dma_semaphore, #tpu.memory_space<semaphore_mem>>) src(%dma_wait3A_310 : memref<64x128xf32, #tpu.memory_space<vmem>>) dst(%dma_wait3A_313 : memref<10000x128xf32, #tpu.memory_space<vmem_shared>>)
    %dma_wait3A_314 = arith.constant 1 : i32
    %dma_wait3A_315 = arith.constant 0 : i32
    %dma_wait3A_316 = arith.constant 0 : i32
    %dma_wait3A_317 = tpu.memref_slice %arg16[%dma_wait3A_314, %dma_wait3A_315, %dma_wait3A_316] : memref<2x64x128xf32, #tpu.memory_space<vmem>> -> memref<1x64x128xf32, #tpu.memory_space<vmem>>
    %dma_wait3A_318 = tpu.memref_squeeze %dma_wait3A_317 : memref<1x64x128xf32, #tpu.memory_space<vmem>> -> memref<64x128xf32, #tpu.memory_space<vmem>>
    %dma_wait3A_319 = arith.constant 0 : i32
    %dma_wait3A_320 = arith.constant 0 : i32
    %dma_wait3A_321 = tpu.memref_slice %arg17[%dma_wait3A_319, %dma_wait3A_320] : memref<10000x128xf32, #tpu.memory_space<vmem_shared>> -> memref<10000x128xf32, #tpu.memory_space<vmem_shared>>
    tpu.wait_indirect_dma semaphore(%arg23 : memref<!tpu.dma_semaphore, #tpu.memory_space<semaphore_mem>>) src(%dma_wait3A_318 : memref<64x128xf32, #tpu.memory_space<vmem>>) dst(%dma_wait3A_321 : memref<10000x128xf32, #tpu.memory_space<vmem_shared>>)
    %add3A_322 = arith.constant 9984 : i32
    %add3A_323 = arith.addi %add3A, %add3A_322 : i32
    "tpu.region"() ({
      %run_scoped3A_358 = tpu.sem_alloc : memref<!tpu.dma_semaphore, #tpu.memory_space<semaphore_mem>>
      %dma_start3A_359 = tpu.memref_slice %arg4[%add3A_323] : memref<320000xi32, #tpu.memory_space<hbm>> -> memref<16xi32, #tpu.memory_space<hbm>>
      %dma_start3A_360 = tpu.memref_slice %arg4[%add3A_323] : memref<320000xi32, #tpu.memory_space<hbm>> -> memref<16xi32, #tpu.memory_space<hbm>>
      tpu.enqueue_dma source(%dma_start3A_360 : memref<16xi32, #tpu.memory_space<hbm>>) target(%arg12 : memref<16xi32, #tpu.memory_space<vmem>>) target_semaphore(%run_scoped3A_358 : memref<!tpu.dma_semaphore, #tpu.memory_space<semaphore_mem>>)
      %dma_wait3A_361 = tpu.memref_slice %arg4[%add3A_323] : memref<320000xi32, #tpu.memory_space<hbm>> -> memref<16xi32, #tpu.memory_space<hbm>>
      %dma_wait3A_362 = tpu.memref_slice %arg4[%add3A_323] : memref<320000xi32, #tpu.memory_space<hbm>> -> memref<16xi32, #tpu.memory_space<hbm>>
      tpu.wait_dma2 semaphore(%run_scoped3A_358 : memref<!tpu.dma_semaphore, #tpu.memory_space<semaphore_mem>>) src(%dma_wait3A_362 : memref<16xi32, #tpu.memory_space<hbm>>) dst(%arg12 : memref<16xi32, #tpu.memory_space<vmem>>)
      tpu.yield
    }) : () -> ()
    "tpu.region"() ({
      %run_scoped3A_358 = tpu.sem_alloc : memref<!tpu.dma_semaphore, #tpu.memory_space<semaphore_mem>>
      %dma_start3A_359 = tpu.memref_slice %arg5[%add3A_323] : memref<320000xi32, #tpu.memory_space<hbm>> -> memref<16xi32, #tpu.memory_space<hbm>>
      %dma_start3A_360 = tpu.memref_slice %arg5[%add3A_323] : memref<320000xi32, #tpu.memory_space<hbm>> -> memref<16xi32, #tpu.memory_space<hbm>>
      tpu.enqueue_dma source(%dma_start3A_360 : memref<16xi32, #tpu.memory_space<hbm>>) target(%arg13 : memref<16xi32, #tpu.memory_space<vmem>>) target_semaphore(%run_scoped3A_358 : memref<!tpu.dma_semaphore, #tpu.memory_space<semaphore_mem>>)
      %dma_wait3A_361 = tpu.memref_slice %arg5[%add3A_323] : memref<320000xi32, #tpu.memory_space<hbm>> -> memref<16xi32, #tpu.memory_space<hbm>>
      %dma_wait3A_362 = tpu.memref_slice %arg5[%add3A_323] : memref<320000xi32, #tpu.memory_space<hbm>> -> memref<16xi32, #tpu.memory_space<hbm>>
      tpu.wait_dma2 semaphore(%run_scoped3A_358 : memref<!tpu.dma_semaphore, #tpu.memory_space<semaphore_mem>>) src(%dma_wait3A_362 : memref<16xi32, #tpu.memory_space<hbm>>) dst(%arg13 : memref<16xi32, #tpu.memory_space<vmem>>)
      tpu.yield
    }) : () -> ()
    %run_scoped3A = arith.constant 0 : i32
    "tpu.region"() ({
      %run_scoped3A_358 = tpu.sem_alloc : memref<!tpu.dma_semaphore, #tpu.memory_space<semaphore_mem>>
      %dma_start3A_359 = arith.constant 0 : i32
      %dma_start3A_360 = arith.constant 0 : i32
      %dma_start3A_361 = tpu.memref_slice %arg15[%run_scoped3A, %dma_start3A_359, %dma_start3A_360] : memref<2x64x128xf32, #tpu.memory_space<vmem>> -> memref<1x16x128xf32, #tpu.memory_space<vmem>>
      %dma_start3A_362 = tpu.memref_squeeze %dma_start3A_361 : memref<1x16x128xf32, #tpu.memory_space<vmem>> -> memref<16x128xf32, #tpu.memory_space<vmem>>
      %dma_start3A_363 = arith.constant 0 : i32
      %dma_start3A_364 = tpu.memref_slice %arg3[%add3A_323, %dma_start3A_363] : memref<320000x128xf32, #tpu.memory_space<hbm>> -> memref<16x128xf32, #tpu.memory_space<hbm>>
      %dma_start3A_365 = arith.constant 0 : i32
      %dma_start3A_366 = arith.constant 0 : i32
      %dma_start3A_367 = tpu.memref_slice %arg15[%run_scoped3A, %dma_start3A_365, %dma_start3A_366] : memref<2x64x128xf32, #tpu.memory_space<vmem>> -> memref<1x16x128xf32, #tpu.memory_space<vmem>>
      %dma_start3A_368 = tpu.memref_squeeze %dma_start3A_367 : memref<1x16x128xf32, #tpu.memory_space<vmem>> -> memref<16x128xf32, #tpu.memory_space<vmem>>
      %dma_start3A_369 = arith.constant 0 : i32
      %dma_start3A_370 = tpu.memref_slice %arg3[%add3A_323, %dma_start3A_369] : memref<320000x128xf32, #tpu.memory_space<hbm>> -> memref<16x128xf32, #tpu.memory_space<hbm>>
      tpu.enqueue_dma source(%dma_start3A_370 : memref<16x128xf32, #tpu.memory_space<hbm>>) target(%dma_start3A_368 : memref<16x128xf32, #tpu.memory_space<vmem>>) target_semaphore(%run_scoped3A_358 : memref<!tpu.dma_semaphore, #tpu.memory_space<semaphore_mem>>)
      %dma_wait3A_371 = arith.constant 0 : i32
      %dma_wait3A_372 = arith.constant 0 : i32
      %dma_wait3A_373 = tpu.memref_slice %arg15[%run_scoped3A, %dma_wait3A_371, %dma_wait3A_372] : memref<2x64x128xf32, #tpu.memory_space<vmem>> -> memref<1x16x128xf32, #tpu.memory_space<vmem>>
      %dma_wait3A_374 = tpu.memref_squeeze %dma_wait3A_373 : memref<1x16x128xf32, #tpu.memory_space<vmem>> -> memref<16x128xf32, #tpu.memory_space<vmem>>
      %dma_wait3A_375 = arith.constant 0 : i32
      %dma_wait3A_376 = tpu.memref_slice %arg3[%add3A_323, %dma_wait3A_375] : memref<320000x128xf32, #tpu.memory_space<hbm>> -> memref<16x128xf32, #tpu.memory_space<hbm>>
      %dma_wait3A_377 = arith.constant 0 : i32
      %dma_wait3A_378 = arith.constant 0 : i32
      %dma_wait3A_379 = tpu.memref_slice %arg15[%run_scoped3A, %dma_wait3A_377, %dma_wait3A_378] : memref<2x64x128xf32, #tpu.memory_space<vmem>> -> memref<1x16x128xf32, #tpu.memory_space<vmem>>
      %dma_wait3A_380 = tpu.memref_squeeze %dma_wait3A_379 : memref<1x16x128xf32, #tpu.memory_space<vmem>> -> memref<16x128xf32, #tpu.memory_space<vmem>>
      %dma_wait3A_381 = arith.constant 0 : i32
      %dma_wait3A_382 = tpu.memref_slice %arg3[%add3A_323, %dma_wait3A_381] : memref<320000x128xf32, #tpu.memory_space<hbm>> -> memref<16x128xf32, #tpu.memory_space<hbm>>
      tpu.wait_dma2 semaphore(%run_scoped3A_358 : memref<!tpu.dma_semaphore, #tpu.memory_space<semaphore_mem>>) src(%dma_wait3A_382 : memref<16x128xf32, #tpu.memory_space<hbm>>) dst(%dma_wait3A_380 : memref<16x128xf32, #tpu.memory_space<vmem>>)
      tpu.yield
    }) : () -> ()
    %dma_start3A_324 = arith.constant 0 : i32
    %dma_start3A_325 = arith.constant 0 : i32
    %dma_start3A_326 = arith.constant 0 : i32
    %dma_start3A_327 = tpu.memref_slice %arg14[%dma_start3A_324, %dma_start3A_325, %dma_start3A_326] : memref<2x64x128xf32, #tpu.memory_space<vmem>> -> memref<1x16x128xf32, #tpu.memory_space<vmem>>
    %dma_start3A_328 = tpu.memref_squeeze %dma_start3A_327 : memref<1x16x128xf32, #tpu.memory_space<vmem>> -> memref<16x128xf32, #tpu.memory_space<vmem>>
    %dma_start3A_329 = arith.constant 0 : i32
    %dma_start3A_330 = arith.constant 0 : i32
    %dma_start3A_331 = tpu.memref_slice %arg2[%dma_start3A_329, %dma_start3A_330] : memref<10000x128xf32, #tpu.memory_space<hbm>> -> memref<10000x128xf32, #tpu.memory_space<hbm>>
    tpu.enqueue_indirect_dma source(%dma_start3A_331 : memref<10000x128xf32, #tpu.memory_space<hbm>>) target(%dma_start3A_328 : memref<16x128xf32, #tpu.memory_space<vmem>>) offsets(%arg12 : memref<16xi32, #tpu.memory_space<vmem>>) semaphore(%arg20 : memref<!tpu.dma_semaphore, #tpu.memory_space<semaphore_mem>>)
    %dma_wait3A_332 = arith.constant 0 : i32
    %dma_wait3A_333 = arith.constant 0 : i32
    %dma_wait3A_334 = arith.constant 0 : i32
    %dma_wait3A_335 = tpu.memref_slice %arg14[%dma_wait3A_332, %dma_wait3A_333, %dma_wait3A_334] : memref<2x64x128xf32, #tpu.memory_space<vmem>> -> memref<1x16x128xf32, #tpu.memory_space<vmem>>
    %dma_wait3A_336 = tpu.memref_squeeze %dma_wait3A_335 : memref<1x16x128xf32, #tpu.memory_space<vmem>> -> memref<16x128xf32, #tpu.memory_space<vmem>>
    %dma_wait3A_337 = arith.constant 0 : i32
    %dma_wait3A_338 = arith.constant 0 : i32
    %dma_wait3A_339 = tpu.memref_slice %arg2[%dma_wait3A_337, %dma_wait3A_338] : memref<10000x128xf32, #tpu.memory_space<hbm>> -> memref<10000x128xf32, #tpu.memory_space<hbm>>
    tpu.wait_indirect_dma semaphore(%arg20 : memref<!tpu.dma_semaphore, #tpu.memory_space<semaphore_mem>>) src(%dma_wait3A_339 : memref<10000x128xf32, #tpu.memory_space<hbm>>) dst(%dma_wait3A_336 : memref<16x128xf32, #tpu.memory_space<vmem>>)
    %scan3A_340 = arith.constant 0 : i32
    %scan3A_341 = arith.constant 0 : i32
    %scan3A_342 = arith.constant 16 : i32
    %scan3A_343 = arith.addi %scan3A_341, %scan3A_342 : i32
    %scan3A_344 = arith.constant 4 : i32
    scf.for %scan3A_358 = %scan3A_341 to %scan3A_343 step %scan3A_344  : i32 {
      %get3A_359 = arith.constant 0 : i32
      %get3A_360 = arith.index_cast %get3A_359 : i32 to index
      %get3A_361 = arith.index_cast %scan3A_358 : i32 to index
      %get3A_362 = arith.constant 0 : index
      %get3A_363 = tpu.vector_load %arg14[%get3A_360, %get3A_361, %get3A_362] {strides = array<i32>} : memref<2x64x128xf32, #tpu.memory_space<vmem>>, vector<1x1x16xf32>,
      %get3A_364 = vector.shape_cast %get3A_363 : vector<1x1x16xf32> to vector<16xf32>
      %get3A_365 = arith.constant 0 : i32
      %get3A_366 = arith.index_cast %get3A_365 : i32 to index
      %get3A_367 = arith.index_cast %scan3A_358 : i32 to index
      %get3A_368 = arith.constant 0 : index
      %get3A_369 = tpu.vector_load %arg15[%get3A_366, %get3A_367, %get3A_368] {strides = array<i32>} : memref<2x64x128xf32, #tpu.memory_space<vmem>>, vector<1x1x16xf32>,
      %get3A_370 = vector.shape_cast %get3A_369 : vector<1x1x16xf32> to vector<16xf32>
      %mul3A_371 = arith.mulf %get3A_364, %get3A_370 : vector<16xf32>
      %get3A_372 = arith.constant 0 : i32
      %get3A_373 = arith.index_cast %get3A_372 : i32 to index
      %get3A_374 = arith.index_cast %scan3A_358 : i32 to index
      %get3A_375 = arith.constant 16 : index
      %get3A_376 = tpu.vector_load %arg14[%get3A_373, %get3A_374, %get3A_375] {strides = array<i32>} : memref<2x64x128xf32, #tpu.memory_space<vmem>>, vector<1x1x16xf32>,
      %get3A_377 = vector.shape_cast %get3A_376 : vector<1x1x16xf32> to vector<16xf32>
      %get3A_378 = arith.constant 0 : i32
      %get3A_379 = arith.index_cast %get3A_378 : i32 to index
      %get3A_380 = arith.index_cast %scan3A_358 : i32 to index
      %get3A_381 = arith.constant 16 : index
      %get3A_382 = tpu.vector_load %arg15[%get3A_379, %get3A_380, %get3A_381] {strides = array<i32>} : memref<2x64x128xf32, #tpu.memory_space<vmem>>, vector<1x1x16xf32>,
      %get3A_383 = vector.shape_cast %get3A_382 : vector<1x1x16xf32> to vector<16xf32>
      %mul3A_384 = arith.mulf %get3A_377, %get3A_383 : vector<16xf32>
      %get3A_385 = arith.constant 0 : i32
      %get3A_386 = arith.index_cast %get3A_385 : i32 to index
      %get3A_387 = arith.index_cast %scan3A_358 : i32 to index
      %get3A_388 = arith.constant 32 : index
      %get3A_389 = tpu.vector_load %arg14[%get3A_386, %get3A_387, %get3A_388] {strides = array<i32>} : memref<2x64x128xf32, #tpu.memory_space<vmem>>, vector<1x1x16xf32>,
      %get3A_390 = vector.shape_cast %get3A_389 : vector<1x1x16xf32> to vector<16xf32>
      %get3A_391 = arith.constant 0 : i32
      %get3A_392 = arith.index_cast %get3A_391 : i32 to index
      %get3A_393 = arith.index_cast %scan3A_358 : i32 to index
      %get3A_394 = arith.constant 32 : index
      %get3A_395 = tpu.vector_load %arg15[%get3A_392, %get3A_393, %get3A_394] {strides = array<i32>} : memref<2x64x128xf32, #tpu.memory_space<vmem>>, vector<1x1x16xf32>,
      %get3A_396 = vector.shape_cast %get3A_395 : vector<1x1x16xf32> to vector<16xf32>
      %mul3A_397 = arith.mulf %get3A_390, %get3A_396 : vector<16xf32>
      %get3A_398 = arith.constant 0 : i32
      %get3A_399 = arith.index_cast %get3A_398 : i32 to index
      %get3A_400 = arith.index_cast %scan3A_358 : i32 to index
      %get3A_401 = arith.constant 48 : index
      %get3A_402 = tpu.vector_load %arg14[%get3A_399, %get3A_400, %get3A_401] {strides = array<i32>} : memref<2x64x128xf32, #tpu.memory_space<vmem>>, vector<1x1x16xf32>,
      %get3A_403 = vector.shape_cast %get3A_402 : vector<1x1x16xf32> to vector<16xf32>
      %get3A_404 = arith.constant 0 : i32
      %get3A_405 = arith.index_cast %get3A_404 : i32 to index
      %get3A_406 = arith.index_cast %scan3A_358 : i32 to index
      %get3A_407 = arith.constant 48 : index
      %get3A_408 = tpu.vector_load %arg15[%get3A_405, %get3A_406, %get3A_407] {strides = array<i32>} : memref<2x64x128xf32, #tpu.memory_space<vmem>>, vector<1x1x16xf32>,
      %get3A_409 = vector.shape_cast %get3A_408 : vector<1x1x16xf32> to vector<16xf32>
      %mul3A_410 = arith.mulf %get3A_403, %get3A_409 : vector<16xf32>
      %get3A_411 = arith.constant 0 : i32
      %get3A_412 = arith.index_cast %get3A_411 : i32 to index
      %get3A_413 = arith.index_cast %scan3A_358 : i32 to index
      %get3A_414 = arith.constant 64 : index
      %get3A_415 = tpu.vector_load %arg14[%get3A_412, %get3A_413, %get3A_414] {strides = array<i32>} : memref<2x64x128xf32, #tpu.memory_space<vmem>>, vector<1x1x16xf32>,
      %get3A_416 = vector.shape_cast %get3A_415 : vector<1x1x16xf32> to vector<16xf32>
      %get3A_417 = arith.constant 0 : i32
      %get3A_418 = arith.index_cast %get3A_417 : i32 to index
      %get3A_419 = arith.index_cast %scan3A_358 : i32 to index
      %get3A_420 = arith.constant 64 : index
      %get3A_421 = tpu.vector_load %arg15[%get3A_418, %get3A_419, %get3A_420] {strides = array<i32>} : memref<2x64x128xf32, #tpu.memory_space<vmem>>, vector<1x1x16xf32>,
      %get3A_422 = vector.shape_cast %get3A_421 : vector<1x1x16xf32> to vector<16xf32>
      %mul3A_423 = arith.mulf %get3A_416, %get3A_422 : vector<16xf32>
      %get3A_424 = arith.constant 0 : i32
      %get3A_425 = arith.index_cast %get3A_424 : i32 to index
      %get3A_426 = arith.index_cast %scan3A_358 : i32 to index
      %get3A_427 = arith.constant 80 : index
      %get3A_428 = tpu.vector_load %arg14[%get3A_425, %get3A_426, %get3A_427] {strides = array<i32>} : memref<2x64x128xf32, #tpu.memory_space<vmem>>, vector<1x1x16xf32>,
      %get3A_429 = vector.shape_cast %get3A_428 : vector<1x1x16xf32> to vector<16xf32>
      %get3A_430 = arith.constant 0 : i32
      %get3A_431 = arith.index_cast %get3A_430 : i32 to index
      %get3A_432 = arith.index_cast %scan3A_358 : i32 to index
      %get3A_433 = arith.constant 80 : index
      %get3A_434 = tpu.vector_load %arg15[%get3A_431, %get3A_432, %get3A_433] {strides = array<i32>} : memref<2x64x128xf32, #tpu.memory_space<vmem>>, vector<1x1x16xf32>,
      %get3A_435 = vector.shape_cast %get3A_434 : vector<1x1x16xf32> to vector<16xf32>
      %mul3A_436 = arith.mulf %get3A_429, %get3A_435 : vector<16xf32>
      %get3A_437 = arith.constant 0 : i32
      %get3A_438 = arith.index_cast %get3A_437 : i32 to index
      %get3A_439 = arith.index_cast %scan3A_358 : i32 to index
      %get3A_440 = arith.constant 96 : index
      %get3A_441 = tpu.vector_load %arg14[%get3A_438, %get3A_439, %get3A_440] {strides = array<i32>} : memref<2x64x128xf32, #tpu.memory_space<vmem>>, vector<1x1x16xf32>,
      %get3A_442 = vector.shape_cast %get3A_441 : vector<1x1x16xf32> to vector<16xf32>
      %get3A_443 = arith.constant 0 : i32
      %get3A_444 = arith.index_cast %get3A_443 : i32 to index
      %get3A_445 = arith.index_cast %scan3A_358 : i32 to index
      %get3A_446 = arith.constant 96 : index
      %get3A_447 = tpu.vector_load %arg15[%get3A_444, %get3A_445, %get3A_446] {strides = array<i32>} : memref<2x64x128xf32, #tpu.memory_space<vmem>>, vector<1x1x16xf32>,
      %get3A_448 = vector.shape_cast %get3A_447 : vector<1x1x16xf32> to vector<16xf32>
      %mul3A_449 = arith.mulf %get3A_442, %get3A_448 : vector<16xf32>
      %get3A_450 = arith.constant 0 : i32
      %get3A_451 = arith.index_cast %get3A_450 : i32 to index
      %get3A_452 = arith.index_cast %scan3A_358 : i32 to index
      %get3A_453 = arith.constant 112 : index
      %get3A_454 = tpu.vector_load %arg14[%get3A_451, %get3A_452, %get3A_453] {strides = array<i32>} : memref<2x64x128xf32, #tpu.memory_space<vmem>>, vector<1x1x16xf32>,
      %get3A_455 = vector.shape_cast %get3A_454 : vector<1x1x16xf32> to vector<16xf32>
      %get3A_456 = arith.constant 0 : i32
      %get3A_457 = arith.index_cast %get3A_456 : i32 to index
      %get3A_458 = arith.index_cast %scan3A_358 : i32 to index
      %get3A_459 = arith.constant 112 : index
      %get3A_460 = tpu.vector_load %arg15[%get3A_457, %get3A_458, %get3A_459] {strides = array<i32>} : memref<2x64x128xf32, #tpu.memory_space<vmem>>, vector<1x1x16xf32>,
      %get3A_461 = vector.shape_cast %get3A_460 : vector<1x1x16xf32> to vector<16xf32>
      %mul3A_462 = arith.mulf %get3A_455, %get3A_461 : vector<16xf32>
      %swap3A_463 = arith.constant 0 : i32
      %swap3A_464 = arith.index_cast %swap3A_463 : i32 to index
      %swap3A_465 = arith.index_cast %scan3A_358 : i32 to index
      %swap3A_466 = arith.constant 0 : index
      %swap3A_467 = tpu.vector_load %arg16[%swap3A_464, %swap3A_465, %swap3A_466] {strides = array<i32>} : memref<2x64x128xf32, #tpu.memory_space<vmem>>, vector<1x1x16xf32>,
      %swap3A_468 = vector.shape_cast %swap3A_467 : vector<1x1x16xf32> to vector<16xf32>
      %swap3A_469 = vector.shape_cast %mul3A_371 : vector<16xf32> to vector<1x1x16xf32>
      tpu.vector_store %arg16[%swap3A_464, %swap3A_465, %swap3A_466], %swap3A_469 {strides = array<i32>} : memref<2x64x128xf32, #tpu.memory_space<vmem>>, vector<1x1x16xf32>,
      %swap3A_470 = arith.constant 0 : i32
      %swap3A_471 = arith.index_cast %swap3A_470 : i32 to index
      %swap3A_472 = arith.index_cast %scan3A_358 : i32 to index
      %swap3A_473 = arith.constant 16 : index
      %swap3A_474 = tpu.vector_load %arg16[%swap3A_471, %swap3A_472, %swap3A_473] {strides = array<i32>} : memref<2x64x128xf32, #tpu.memory_space<vmem>>, vector<1x1x16xf32>,
      %swap3A_475 = vector.shape_cast %swap3A_474 : vector<1x1x16xf32> to vector<16xf32>
      %swap3A_476 = vector.shape_cast %mul3A_384 : vector<16xf32> to vector<1x1x16xf32>
      tpu.vector_store %arg16[%swap3A_471, %swap3A_472, %swap3A_473], %swap3A_476 {strides = array<i32>} : memref<2x64x128xf32, #tpu.memory_space<vmem>>, vector<1x1x16xf32>,
      %swap3A_477 = arith.constant 0 : i32
      %swap3A_478 = arith.index_cast %swap3A_477 : i32 to index
      %swap3A_479 = arith.index_cast %scan3A_358 : i32 to index
      %swap3A_480 = arith.constant 32 : index
      %swap3A_481 = tpu.vector_load %arg16[%swap3A_478, %swap3A_479, %swap3A_480] {strides = array<i32>} : memref<2x64x128xf32, #tpu.memory_space<vmem>>, vector<1x1x16xf32>,
      %swap3A_482 = vector.shape_cast %swap3A_481 : vector<1x1x16xf32> to vector<16xf32>
      %swap3A_483 = vector.shape_cast %mul3A_397 : vector<16xf32> to vector<1x1x16xf32>
      tpu.vector_store %arg16[%swap3A_478, %swap3A_479, %swap3A_480], %swap3A_483 {strides = array<i32>} : memref<2x64x128xf32, #tpu.memory_space<vmem>>, vector<1x1x16xf32>,
      %swap3A_484 = arith.constant 0 : i32
      %swap3A_485 = arith.index_cast %swap3A_484 : i32 to index
      %swap3A_486 = arith.index_cast %scan3A_358 : i32 to index
      %swap3A_487 = arith.constant 48 : index
      %swap3A_488 = tpu.vector_load %arg16[%swap3A_485, %swap3A_486, %swap3A_487] {strides = array<i32>} : memref<2x64x128xf32, #tpu.memory_space<vmem>>, vector<1x1x16xf32>,
      %swap3A_489 = vector.shape_cast %swap3A_488 : vector<1x1x16xf32> to vector<16xf32>
      %swap3A_490 = vector.shape_cast %mul3A_410 : vector<16xf32> to vector<1x1x16xf32>
      tpu.vector_store %arg16[%swap3A_485, %swap3A_486, %swap3A_487], %swap3A_490 {strides = array<i32>} : memref<2x64x128xf32, #tpu.memory_space<vmem>>, vector<1x1x16xf32>,
      %swap3A_491 = arith.constant 0 : i32
      %swap3A_492 = arith.index_cast %swap3A_491 : i32 to index
      %swap3A_493 = arith.index_cast %scan3A_358 : i32 to index
      %swap3A_494 = arith.constant 64 : index
      %swap3A_495 = tpu.vector_load %arg16[%swap3A_492, %swap3A_493, %swap3A_494] {strides = array<i32>} : memref<2x64x128xf32, #tpu.memory_space<vmem>>, vector<1x1x16xf32>,
      %swap3A_496 = vector.shape_cast %swap3A_495 : vector<1x1x16xf32> to vector<16xf32>
      %swap3A_497 = vector.shape_cast %mul3A_423 : vector<16xf32> to vector<1x1x16xf32>
      tpu.vector_store %arg16[%swap3A_492, %swap3A_493, %swap3A_494], %swap3A_497 {strides = array<i32>} : memref<2x64x128xf32, #tpu.memory_space<vmem>>, vector<1x1x16xf32>,
      %swap3A_498 = arith.constant 0 : i32
      %swap3A_499 = arith.index_cast %swap3A_498 : i32 to index
      %swap3A_500 = arith.index_cast %scan3A_358 : i32 to index
      %swap3A_501 = arith.constant 80 : index
      %swap3A_502 = tpu.vector_load %arg16[%swap3A_499, %swap3A_500, %swap3A_501] {strides = array<i32>} : memref<2x64x128xf32, #tpu.memory_space<vmem>>, vector<1x1x16xf32>,
      %swap3A_503 = vector.shape_cast %swap3A_502 : vector<1x1x16xf32> to vector<16xf32>
      %swap3A_504 = vector.shape_cast %mul3A_436 : vector<16xf32> to vector<1x1x16xf32>
      tpu.vector_store %arg16[%swap3A_499, %swap3A_500, %swap3A_501], %swap3A_504 {strides = array<i32>} : memref<2x64x128xf32, #tpu.memory_space<vmem>>, vector<1x1x16xf32>,
      %swap3A_505 = arith.constant 0 : i32
      %swap3A_506 = arith.index_cast %swap3A_505 : i32 to index
      %swap3A_507 = arith.index_cast %scan3A_358 : i32 to index
      %swap3A_508 = arith.constant 96 : index
      %swap3A_509 = tpu.vector_load %arg16[%swap3A_506, %swap3A_507, %swap3A_508] {strides = array<i32>} : memref<2x64x128xf32, #tpu.memory_space<vmem>>, vector<1x1x16xf32>,
      %swap3A_510 = vector.shape_cast %swap3A_509 : vector<1x1x16xf32> to vector<16xf32>
      %swap3A_511 = vector.shape_cast %mul3A_449 : vector<16xf32> to vector<1x1x16xf32>
      tpu.vector_store %arg16[%swap3A_506, %swap3A_507, %swap3A_508], %swap3A_511 {strides = array<i32>} : memref<2x64x128xf32, #tpu.memory_space<vmem>>, vector<1x1x16xf32>,
      %swap3A_512 = arith.constant 0 : i32
      %swap3A_513 = arith.index_cast %swap3A_512 : i32 to index
      %swap3A_514 = arith.index_cast %scan3A_358 : i32 to index
      %swap3A_515 = arith.constant 112 : index
      %swap3A_516 = tpu.vector_load %arg16[%swap3A_513, %swap3A_514, %swap3A_515] {strides = array<i32>} : memref<2x64x128xf32, #tpu.memory_space<vmem>>, vector<1x1x16xf32>,
      %swap3A_517 = vector.shape_cast %swap3A_516 : vector<1x1x16xf32> to vector<16xf32>
      %swap3A_518 = vector.shape_cast %mul3A_462 : vector<16xf32> to vector<1x1x16xf32>
      tpu.vector_store %arg16[%swap3A_513, %swap3A_514, %swap3A_515], %swap3A_518 {strides = array<i32>} : memref<2x64x128xf32, #tpu.memory_space<vmem>>, vector<1x1x16xf32>,
      %scan3A_519 = arith.constant 1 : i32
      %scan3A_520 = arith.addi %scan3A_358, %scan3A_519 : i32
      %get3A_521 = arith.constant 0 : i32
      %get3A_522 = arith.index_cast %get3A_521 : i32 to index
      %get3A_523 = arith.index_cast %scan3A_520 : i32 to index
      %get3A_524 = arith.constant 0 : index
      %get3A_525 = tpu.vector_load %arg14[%get3A_522, %get3A_523, %get3A_524] {strides = array<i32>} : memref<2x64x128xf32, #tpu.memory_space<vmem>>, vector<1x1x16xf32>,
      %get3A_526 = vector.shape_cast %get3A_525 : vector<1x1x16xf32> to vector<16xf32>
      %get3A_527 = arith.constant 0 : i32
      %get3A_528 = arith.index_cast %get3A_527 : i32 to index
      %get3A_529 = arith.index_cast %scan3A_520 : i32 to index
      %get3A_530 = arith.constant 0 : index
      %get3A_531 = tpu.vector_load %arg15[%get3A_528, %get3A_529, %get3A_530] {strides = array<i32>} : memref<2x64x128xf32, #tpu.memory_space<vmem>>, vector<1x1x16xf32>,
      %get3A_532 = vector.shape_cast %get3A_531 : vector<1x1x16xf32> to vector<16xf32>
      %mul3A_533 = arith.mulf %get3A_526, %get3A_532 : vector<16xf32>
      %get3A_534 = arith.constant 0 : i32
      %get3A_535 = arith.index_cast %get3A_534 : i32 to index
      %get3A_536 = arith.index_cast %scan3A_520 : i32 to index
      %get3A_537 = arith.constant 16 : index
      %get3A_538 = tpu.vector_load %arg14[%get3A_535, %get3A_536, %get3A_537] {strides = array<i32>} : memref<2x64x128xf32, #tpu.memory_space<vmem>>, vector<1x1x16xf32>,
      %get3A_539 = vector.shape_cast %get3A_538 : vector<1x1x16xf32> to vector<16xf32>
      %get3A_540 = arith.constant 0 : i32
      %get3A_541 = arith.index_cast %get3A_540 : i32 to index
      %get3A_542 = arith.index_cast %scan3A_520 : i32 to index
      %get3A_543 = arith.constant 16 : index
      %get3A_544 = tpu.vector_load %arg15[%get3A_541, %get3A_542, %get3A_543] {strides = array<i32>} : memref<2x64x128xf32, #tpu.memory_space<vmem>>, vector<1x1x16xf32>,
      %get3A_545 = vector.shape_cast %get3A_544 : vector<1x1x16xf32> to vector<16xf32>
      %mul3A_546 = arith.mulf %get3A_539, %get3A_545 : vector<16xf32>
      %get3A_547 = arith.constant 0 : i32
      %get3A_548 = arith.index_cast %get3A_547 : i32 to index
      %get3A_549 = arith.index_cast %scan3A_520 : i32 to index
      %get3A_550 = arith.constant 32 : index
      %get3A_551 = tpu.vector_load %arg14[%get3A_548, %get3A_549, %get3A_550] {strides = array<i32>} : memref<2x64x128xf32, #tpu.memory_space<vmem>>, vector<1x1x16xf32>,
      %get3A_552 = vector.shape_cast %get3A_551 : vector<1x1x16xf32> to vector<16xf32>
      %get3A_553 = arith.constant 0 : i32
      %get3A_554 = arith.index_cast %get3A_553 : i32 to index
      %get3A_555 = arith.index_cast %scan3A_520 : i32 to index
      %get3A_556 = arith.constant 32 : index
      %get3A_557 = tpu.vector_load %arg15[%get3A_554, %get3A_555, %get3A_556] {strides = array<i32>} : memref<2x64x128xf32, #tpu.memory_space<vmem>>, vector<1x1x16xf32>,
      %get3A_558 = vector.shape_cast %get3A_557 : vector<1x1x16xf32> to vector<16xf32>
      %mul3A_559 = arith.mulf %get3A_552, %get3A_558 : vector<16xf32>
      %get3A_560 = arith.constant 0 : i32
      %get3A_561 = arith.index_cast %get3A_560 : i32 to index
      %get3A_562 = arith.index_cast %scan3A_520 : i32 to index
      %get3A_563 = arith.constant 48 : index
      %get3A_564 = tpu.vector_load %arg14[%get3A_561, %get3A_562, %get3A_563] {strides = array<i32>} : memref<2x64x128xf32, #tpu.memory_space<vmem>>, vector<1x1x16xf32>,
      %get3A_565 = vector.shape_cast %get3A_564 : vector<1x1x16xf32> to vector<16xf32>
      %get3A_566 = arith.constant 0 : i32
      %get3A_567 = arith.index_cast %get3A_566 : i32 to index
      %get3A_568 = arith.index_cast %scan3A_520 : i32 to index
      %get3A_569 = arith.constant 48 : index
      %get3A_570 = tpu.vector_load %arg15[%get3A_567, %get3A_568, %get3A_569] {strides = array<i32>} : memref<2x64x128xf32, #tpu.memory_space<vmem>>, vector<1x1x16xf32>,
      %get3A_571 = vector.shape_cast %get3A_570 : vector<1x1x16xf32> to vector<16xf32>
      %mul3A_572 = arith.mulf %get3A_565, %get3A_571 : vector<16xf32>
      %get3A_573 = arith.constant 0 : i32
      %get3A_574 = arith.index_cast %get3A_573 : i32 to index
      %get3A_575 = arith.index_cast %scan3A_520 : i32 to index
      %get3A_576 = arith.constant 64 : index
      %get3A_577 = tpu.vector_load %arg14[%get3A_574, %get3A_575, %get3A_576] {strides = array<i32>} : memref<2x64x128xf32, #tpu.memory_space<vmem>>, vector<1x1x16xf32>,
      %get3A_578 = vector.shape_cast %get3A_577 : vector<1x1x16xf32> to vector<16xf32>
      %get3A_579 = arith.constant 0 : i32
      %get3A_580 = arith.index_cast %get3A_579 : i32 to index
      %get3A_581 = arith.index_cast %scan3A_520 : i32 to index
      %get3A_582 = arith.constant 64 : index
      %get3A_583 = tpu.vector_load %arg15[%get3A_580, %get3A_581, %get3A_582] {strides = array<i32>} : memref<2x64x128xf32, #tpu.memory_space<vmem>>, vector<1x1x16xf32>,
      %get3A_584 = vector.shape_cast %get3A_583 : vector<1x1x16xf32> to vector<16xf32>
      %mul3A_585 = arith.mulf %get3A_578, %get3A_584 : vector<16xf32>
      %get3A_586 = arith.constant 0 : i32
      %get3A_587 = arith.index_cast %get3A_586 : i32 to index
      %get3A_588 = arith.index_cast %scan3A_520 : i32 to index
      %get3A_589 = arith.constant 80 : index
      %get3A_590 = tpu.vector_load %arg14[%get3A_587, %get3A_588, %get3A_589] {strides = array<i32>} : memref<2x64x128xf32, #tpu.memory_space<vmem>>, vector<1x1x16xf32>,
      %get3A_591 = vector.shape_cast %get3A_590 : vector<1x1x16xf32> to vector<16xf32>
      %get3A_592 = arith.constant 0 : i32
      %get3A_593 = arith.index_cast %get3A_592 : i32 to index
      %get3A_594 = arith.index_cast %scan3A_520 : i32 to index
      %get3A_595 = arith.constant 80 : index
      %get3A_596 = tpu.vector_load %arg15[%get3A_593, %get3A_594, %get3A_595] {strides = array<i32>} : memref<2x64x128xf32, #tpu.memory_space<vmem>>, vector<1x1x16xf32>,
      %get3A_597 = vector.shape_cast %get3A_596 : vector<1x1x16xf32> to vector<16xf32>
      %mul3A_598 = arith.mulf %get3A_591, %get3A_597 : vector<16xf32>
      %get3A_599 = arith.constant 0 : i32
      %get3A_600 = arith.index_cast %get3A_599 : i32 to index
      %get3A_601 = arith.index_cast %scan3A_520 : i32 to index
      %get3A_602 = arith.constant 96 : index
      %get3A_603 = tpu.vector_load %arg14[%get3A_600, %get3A_601, %get3A_602] {strides = array<i32>} : memref<2x64x128xf32, #tpu.memory_space<vmem>>, vector<1x1x16xf32>,
      %get3A_604 = vector.shape_cast %get3A_603 : vector<1x1x16xf32> to vector<16xf32>
      %get3A_605 = arith.constant 0 : i32
      %get3A_606 = arith.index_cast %get3A_605 : i32 to index
      %get3A_607 = arith.index_cast %scan3A_520 : i32 to index
      %get3A_608 = arith.constant 96 : index
      %get3A_609 = tpu.vector_load %arg15[%get3A_606, %get3A_607, %get3A_608] {strides = array<i32>} : memref<2x64x128xf32, #tpu.memory_space<vmem>>, vector<1x1x16xf32>,
      %get3A_610 = vector.shape_cast %get3A_609 : vector<1x1x16xf32> to vector<16xf32>
      %mul3A_611 = arith.mulf %get3A_604, %get3A_610 : vector<16xf32>
      %get3A_612 = arith.constant 0 : i32
      %get3A_613 = arith.index_cast %get3A_612 : i32 to index
      %get3A_614 = arith.index_cast %scan3A_520 : i32 to index
      %get3A_615 = arith.constant 112 : index
      %get3A_616 = tpu.vector_load %arg14[%get3A_613, %get3A_614, %get3A_615] {strides = array<i32>} : memref<2x64x128xf32, #tpu.memory_space<vmem>>, vector<1x1x16xf32>,
      %get3A_617 = vector.shape_cast %get3A_616 : vector<1x1x16xf32> to vector<16xf32>
      %get3A_618 = arith.constant 0 : i32
      %get3A_619 = arith.index_cast %get3A_618 : i32 to index
      %get3A_620 = arith.index_cast %scan3A_520 : i32 to index
      %get3A_621 = arith.constant 112 : index
      %get3A_622 = tpu.vector_load %arg15[%get3A_619, %get3A_620, %get3A_621] {strides = array<i32>} : memref<2x64x128xf32, #tpu.memory_space<vmem>>, vector<1x1x16xf32>,
      %get3A_623 = vector.shape_cast %get3A_622 : vector<1x1x16xf32> to vector<16xf32>
      %mul3A_624 = arith.mulf %get3A_617, %get3A_623 : vector<16xf32>
      %swap3A_625 = arith.constant 0 : i32
      %swap3A_626 = arith.index_cast %swap3A_625 : i32 to index
      %swap3A_627 = arith.index_cast %scan3A_520 : i32 to index
      %swap3A_628 = arith.constant 0 : index
      %swap3A_629 = tpu.vector_load %arg16[%swap3A_626, %swap3A_627, %swap3A_628] {strides = array<i32>} : memref<2x64x128xf32, #tpu.memory_space<vmem>>, vector<1x1x16xf32>,
      %swap3A_630 = vector.shape_cast %swap3A_629 : vector<1x1x16xf32> to vector<16xf32>
      %swap3A_631 = vector.shape_cast %mul3A_533 : vector<16xf32> to vector<1x1x16xf32>
      tpu.vector_store %arg16[%swap3A_626, %swap3A_627, %swap3A_628], %swap3A_631 {strides = array<i32>} : memref<2x64x128xf32, #tpu.memory_space<vmem>>, vector<1x1x16xf32>,
      %swap3A_632 = arith.constant 0 : i32
      %swap3A_633 = arith.index_cast %swap3A_632 : i32 to index
      %swap3A_634 = arith.index_cast %scan3A_520 : i32 to index
      %swap3A_635 = arith.constant 16 : index
      %swap3A_636 = tpu.vector_load %arg16[%swap3A_633, %swap3A_634, %swap3A_635] {strides = array<i32>} : memref<2x64x128xf32, #tpu.memory_space<vmem>>, vector<1x1x16xf32>,
      %swap3A_637 = vector.shape_cast %swap3A_636 : vector<1x1x16xf32> to vector<16xf32>
      %swap3A_638 = vector.shape_cast %mul3A_546 : vector<16xf32> to vector<1x1x16xf32>
      tpu.vector_store %arg16[%swap3A_633, %swap3A_634, %swap3A_635], %swap3A_638 {strides = array<i32>} : memref<2x64x128xf32, #tpu.memory_space<vmem>>, vector<1x1x16xf32>,
      %swap3A_639 = arith.constant 0 : i32
      %swap3A_640 = arith.index_cast %swap3A_639 : i32 to index
      %swap3A_641 = arith.index_cast %scan3A_520 : i32 to index
      %swap3A_642 = arith.constant 32 : index
      %swap3A_643 = tpu.vector_load %arg16[%swap3A_640, %swap3A_641, %swap3A_642] {strides = array<i32>} : memref<2x64x128xf32, #tpu.memory_space<vmem>>, vector<1x1x16xf32>,
      %swap3A_644 = vector.shape_cast %swap3A_643 : vector<1x1x16xf32> to vector<16xf32>
      %swap3A_645 = vector.shape_cast %mul3A_559 : vector<16xf32> to vector<1x1x16xf32>
      tpu.vector_store %arg16[%swap3A_640, %swap3A_641, %swap3A_642], %swap3A_645 {strides = array<i32>} : memref<2x64x128xf32, #tpu.memory_space<vmem>>, vector<1x1x16xf32>,
      %swap3A_646 = arith.constant 0 : i32
      %swap3A_647 = arith.index_cast %swap3A_646 : i32 to index
      %swap3A_648 = arith.index_cast %scan3A_520 : i32 to index
      %swap3A_649 = arith.constant 48 : index
      %swap3A_650 = tpu.vector_load %arg16[%swap3A_647, %swap3A_648, %swap3A_649] {strides = array<i32>} : memref<2x64x128xf32, #tpu.memory_space<vmem>>, vector<1x1x16xf32>,
      %swap3A_651 = vector.shape_cast %swap3A_650 : vector<1x1x16xf32> to vector<16xf32>
      %swap3A_652 = vector.shape_cast %mul3A_572 : vector<16xf32> to vector<1x1x16xf32>
      tpu.vector_store %arg16[%swap3A_647, %swap3A_648, %swap3A_649], %swap3A_652 {strides = array<i32>} : memref<2x64x128xf32, #tpu.memory_space<vmem>>, vector<1x1x16xf32>,
      %swap3A_653 = arith.constant 0 : i32
      %swap3A_654 = arith.index_cast %swap3A_653 : i32 to index
      %swap3A_655 = arith.index_cast %scan3A_520 : i32 to index
      %swap3A_656 = arith.constant 64 : index
      %swap3A_657 = tpu.vector_load %arg16[%swap3A_654, %swap3A_655, %swap3A_656] {strides = array<i32>} : memref<2x64x128xf32, #tpu.memory_space<vmem>>, vector<1x1x16xf32>,
      %swap3A_658 = vector.shape_cast %swap3A_657 : vector<1x1x16xf32> to vector<16xf32>
      %swap3A_659 = vector.shape_cast %mul3A_585 : vector<16xf32> to vector<1x1x16xf32>
      tpu.vector_store %arg16[%swap3A_654, %swap3A_655, %swap3A_656], %swap3A_659 {strides = array<i32>} : memref<2x64x128xf32, #tpu.memory_space<vmem>>, vector<1x1x16xf32>,
      %swap3A_660 = arith.constant 0 : i32
      %swap3A_661 = arith.index_cast %swap3A_660 : i32 to index
      %swap3A_662 = arith.index_cast %scan3A_520 : i32 to index
      %swap3A_663 = arith.constant 80 : index
      %swap3A_664 = tpu.vector_load %arg16[%swap3A_661, %swap3A_662, %swap3A_663] {strides = array<i32>} : memref<2x64x128xf32, #tpu.memory_space<vmem>>, vector<1x1x16xf32>,
      %swap3A_665 = vector.shape_cast %swap3A_664 : vector<1x1x16xf32> to vector<16xf32>
      %swap3A_666 = vector.shape_cast %mul3A_598 : vector<16xf32> to vector<1x1x16xf32>
      tpu.vector_store %arg16[%swap3A_661, %swap3A_662, %swap3A_663], %swap3A_666 {strides = array<i32>} : memref<2x64x128xf32, #tpu.memory_space<vmem>>, vector<1x1x16xf32>,
      %swap3A_667 = arith.constant 0 : i32
      %swap3A_668 = arith.index_cast %swap3A_667 : i32 to index
      %swap3A_669 = arith.index_cast %scan3A_520 : i32 to index
      %swap3A_670 = arith.constant 96 : index
      %swap3A_671 = tpu.vector_load %arg16[%swap3A_668, %swap3A_669, %swap3A_670] {strides = array<i32>} : memref<2x64x128xf32, #tpu.memory_space<vmem>>, vector<1x1x16xf32>,
      %swap3A_672 = vector.shape_cast %swap3A_671 : vector<1x1x16xf32> to vector<16xf32>
      %swap3A_673 = vector.shape_cast %mul3A_611 : vector<16xf32> to vector<1x1x16xf32>
      tpu.vector_store %arg16[%swap3A_668, %swap3A_669, %swap3A_670], %swap3A_673 {strides = array<i32>} : memref<2x64x128xf32, #tpu.memory_space<vmem>>, vector<1x1x16xf32>,
      %swap3A_674 = arith.constant 0 : i32
      %swap3A_675 = arith.index_cast %swap3A_674 : i32 to index
      %swap3A_676 = arith.index_cast %scan3A_520 : i32 to index
      %swap3A_677 = arith.constant 112 : index
      %swap3A_678 = tpu.vector_load %arg16[%swap3A_675, %swap3A_676, %swap3A_677] {strides = array<i32>} : memref<2x64x128xf32, #tpu.memory_space<vmem>>, vector<1x1x16xf32>,
      %swap3A_679 = vector.shape_cast %swap3A_678 : vector<1x1x16xf32> to vector<16xf32>
      %swap3A_680 = vector.shape_cast %mul3A_624 : vector<16xf32> to vector<1x1x16xf32>
      tpu.vector_store %arg16[%swap3A_675, %swap3A_676, %swap3A_677], %swap3A_680 {strides = array<i32>} : memref<2x64x128xf32, #tpu.memory_space<vmem>>, vector<1x1x16xf32>,
      %scan3A_681 = arith.constant 2 : i32
      %scan3A_682 = arith.addi %scan3A_358, %scan3A_681 : i32
      %get3A_683 = arith.constant 0 : i32
      %get3A_684 = arith.index_cast %get3A_683 : i32 to index
      %get3A_685 = arith.index_cast %scan3A_682 : i32 to index
      %get3A_686 = arith.constant 0 : index
      %get3A_687 = tpu.vector_load %arg14[%get3A_684, %get3A_685, %get3A_686] {strides = array<i32>} : memref<2x64x128xf32, #tpu.memory_space<vmem>>, vector<1x1x16xf32>,
      %get3A_688 = vector.shape_cast %get3A_687 : vector<1x1x16xf32> to vector<16xf32>
      %get3A_689 = arith.constant 0 : i32
      %get3A_690 = arith.index_cast %get3A_689 : i32 to index
      %get3A_691 = arith.index_cast %scan3A_682 : i32 to index
      %get3A_692 = arith.constant 0 : index
      %get3A_693 = tpu.vector_load %arg15[%get3A_690, %get3A_691, %get3A_692] {strides = array<i32>} : memref<2x64x128xf32, #tpu.memory_space<vmem>>, vector<1x1x16xf32>,
      %get3A_694 = vector.shape_cast %get3A_693 : vector<1x1x16xf32> to vector<16xf32>
      %mul3A_695 = arith.mulf %get3A_688, %get3A_694 : vector<16xf32>
      %get3A_696 = arith.constant 0 : i32
      %get3A_697 = arith.index_cast %get3A_696 : i32 to index
      %get3A_698 = arith.index_cast %scan3A_682 : i32 to index
      %get3A_699 = arith.constant 16 : index
      %get3A_700 = tpu.vector_load %arg14[%get3A_697, %get3A_698, %get3A_699] {strides = array<i32>} : memref<2x64x128xf32, #tpu.memory_space<vmem>>, vector<1x1x16xf32>,
      %get3A_701 = vector.shape_cast %get3A_700 : vector<1x1x16xf32> to vector<16xf32>
      %get3A_702 = arith.constant 0 : i32
      %get3A_703 = arith.index_cast %get3A_702 : i32 to index
      %get3A_704 = arith.index_cast %scan3A_682 : i32 to index
      %get3A_705 = arith.constant 16 : index
      %get3A_706 = tpu.vector_load %arg15[%get3A_703, %get3A_704, %get3A_705] {strides = array<i32>} : memref<2x64x128xf32, #tpu.memory_space<vmem>>, vector<1x1x16xf32>,
      %get3A_707 = vector.shape_cast %get3A_706 : vector<1x1x16xf32> to vector<16xf32>
      %mul3A_708 = arith.mulf %get3A_701, %get3A_707 : vector<16xf32>
      %get3A_709 = arith.constant 0 : i32
      %get3A_710 = arith.index_cast %get3A_709 : i32 to index
      %get3A_711 = arith.index_cast %scan3A_682 : i32 to index
      %get3A_712 = arith.constant 32 : index
      %get3A_713 = tpu.vector_load %arg14[%get3A_710, %get3A_711, %get3A_712] {strides = array<i32>} : memref<2x64x128xf32, #tpu.memory_space<vmem>>, vector<1x1x16xf32>,
      %get3A_714 = vector.shape_cast %get3A_713 : vector<1x1x16xf32> to vector<16xf32>
      %get3A_715 = arith.constant 0 : i32
      %get3A_716 = arith.index_cast %get3A_715 : i32 to index
      %get3A_717 = arith.index_cast %scan3A_682 : i32 to index
      %get3A_718 = arith.constant 32 : index
      %get3A_719 = tpu.vector_load %arg15[%get3A_716, %get3A_717, %get3A_718] {strides = array<i32>} : memref<2x64x128xf32, #tpu.memory_space<vmem>>, vector<1x1x16xf32>,
      %get3A_720 = vector.shape_cast %get3A_719 : vector<1x1x16xf32> to vector<16xf32>
      %mul3A_721 = arith.mulf %get3A_714, %get3A_720 : vector<16xf32>
      %get3A_722 = arith.constant 0 : i32
      %get3A_723 = arith.index_cast %get3A_722 : i32 to index
      %get3A_724 = arith.index_cast %scan3A_682 : i32 to index
      %get3A_725 = arith.constant 48 : index
      %get3A_726 = tpu.vector_load %arg14[%get3A_723, %get3A_724, %get3A_725] {strides = array<i32>} : memref<2x64x128xf32, #tpu.memory_space<vmem>>, vector<1x1x16xf32>,
      %get3A_727 = vector.shape_cast %get3A_726 : vector<1x1x16xf32> to vector<16xf32>
      %get3A_728 = arith.constant 0 : i32
      %get3A_729 = arith.index_cast %get3A_728 : i32 to index
      %get3A_730 = arith.index_cast %scan3A_682 : i32 to index
      %get3A_731 = arith.constant 48 : index
      %get3A_732 = tpu.vector_load %arg15[%get3A_729, %get3A_730, %get3A_731] {strides = array<i32>} : memref<2x64x128xf32, #tpu.memory_space<vmem>>, vector<1x1x16xf32>,
      %get3A_733 = vector.shape_cast %get3A_732 : vector<1x1x16xf32> to vector<16xf32>
      %mul3A_734 = arith.mulf %get3A_727, %get3A_733 : vector<16xf32>
      %get3A_735 = arith.constant 0 : i32
      %get3A_736 = arith.index_cast %get3A_735 : i32 to index
      %get3A_737 = arith.index_cast %scan3A_682 : i32 to index
      %get3A_738 = arith.constant 64 : index
      %get3A_739 = tpu.vector_load %arg14[%get3A_736, %get3A_737, %get3A_738] {strides = array<i32>} : memref<2x64x128xf32, #tpu.memory_space<vmem>>, vector<1x1x16xf32>,
      %get3A_740 = vector.shape_cast %get3A_739 : vector<1x1x16xf32> to vector<16xf32>
      %get3A_741 = arith.constant 0 : i32
      %get3A_742 = arith.index_cast %get3A_741 : i32 to index
      %get3A_743 = arith.index_cast %scan3A_682 : i32 to index
      %get3A_744 = arith.constant 64 : index
      %get3A_745 = tpu.vector_load %arg15[%get3A_742, %get3A_743, %get3A_744] {strides = array<i32>} : memref<2x64x128xf32, #tpu.memory_space<vmem>>, vector<1x1x16xf32>,
      %get3A_746 = vector.shape_cast %get3A_745 : vector<1x1x16xf32> to vector<16xf32>
      %mul3A_747 = arith.mulf %get3A_740, %get3A_746 : vector<16xf32>
      %get3A_748 = arith.constant 0 : i32
      %get3A_749 = arith.index_cast %get3A_748 : i32 to index
      %get3A_750 = arith.index_cast %scan3A_682 : i32 to index
      %get3A_751 = arith.constant 80 : index
      %get3A_752 = tpu.vector_load %arg14[%get3A_749, %get3A_750, %get3A_751] {strides = array<i32>} : memref<2x64x128xf32, #tpu.memory_space<vmem>>, vector<1x1x16xf32>,
      %get3A_753 = vector.shape_cast %get3A_752 : vector<1x1x16xf32> to vector<16xf32>
      %get3A_754 = arith.constant 0 : i32
      %get3A_755 = arith.index_cast %get3A_754 : i32 to index
      %get3A_756 = arith.index_cast %scan3A_682 : i32 to index
      %get3A_757 = arith.constant 80 : index
      %get3A_758 = tpu.vector_load %arg15[%get3A_755, %get3A_756, %get3A_757] {strides = array<i32>} : memref<2x64x128xf32, #tpu.memory_space<vmem>>, vector<1x1x16xf32>,
      %get3A_759 = vector.shape_cast %get3A_758 : vector<1x1x16xf32> to vector<16xf32>
      %mul3A_760 = arith.mulf %get3A_753, %get3A_759 : vector<16xf32>
      %get3A_761 = arith.constant 0 : i32
      %get3A_762 = arith.index_cast %get3A_761 : i32 to index
      %get3A_763 = arith.index_cast %scan3A_682 : i32 to index
      %get3A_764 = arith.constant 96 : index
      %get3A_765 = tpu.vector_load %arg14[%get3A_762, %get3A_763, %get3A_764] {strides = array<i32>} : memref<2x64x128xf32, #tpu.memory_space<vmem>>, vector<1x1x16xf32>,
      %get3A_766 = vector.shape_cast %get3A_765 : vector<1x1x16xf32> to vector<16xf32>
      %get3A_767 = arith.constant 0 : i32
      %get3A_768 = arith.index_cast %get3A_767 : i32 to index
      %get3A_769 = arith.index_cast %scan3A_682 : i32 to index
      %get3A_770 = arith.constant 96 : index
      %get3A_771 = tpu.vector_load %arg15[%get3A_768, %get3A_769, %get3A_770] {strides = array<i32>} : memref<2x64x128xf32, #tpu.memory_space<vmem>>, vector<1x1x16xf32>,
      %get3A_772 = vector.shape_cast %get3A_771 : vector<1x1x16xf32> to vector<16xf32>
      %mul3A_773 = arith.mulf %get3A_766, %get3A_772 : vector<16xf32>
      %get3A_774 = arith.constant 0 : i32
      %get3A_775 = arith.index_cast %get3A_774 : i32 to index
      %get3A_776 = arith.index_cast %scan3A_682 : i32 to index
      %get3A_777 = arith.constant 112 : index
      %get3A_778 = tpu.vector_load %arg14[%get3A_775, %get3A_776, %get3A_777] {strides = array<i32>} : memref<2x64x128xf32, #tpu.memory_space<vmem>>, vector<1x1x16xf32>,
      %get3A_779 = vector.shape_cast %get3A_778 : vector<1x1x16xf32> to vector<16xf32>
      %get3A_780 = arith.constant 0 : i32
      %get3A_781 = arith.index_cast %get3A_780 : i32 to index
      %get3A_782 = arith.index_cast %scan3A_682 : i32 to index
      %get3A_783 = arith.constant 112 : index
      %get3A_784 = tpu.vector_load %arg15[%get3A_781, %get3A_782, %get3A_783] {strides = array<i32>} : memref<2x64x128xf32, #tpu.memory_space<vmem>>, vector<1x1x16xf32>,
      %get3A_785 = vector.shape_cast %get3A_784 : vector<1x1x16xf32> to vector<16xf32>
      %mul3A_786 = arith.mulf %get3A_779, %get3A_785 : vector<16xf32>
      %swap3A_787 = arith.constant 0 : i32
      %swap3A_788 = arith.index_cast %swap3A_787 : i32 to index
      %swap3A_789 = arith.index_cast %scan3A_682 : i32 to index
      %swap3A_790 = arith.constant 0 : index
      %swap3A_791 = tpu.vector_load %arg16[%swap3A_788, %swap3A_789, %swap3A_790] {strides = array<i32>} : memref<2x64x128xf32, #tpu.memory_space<vmem>>, vector<1x1x16xf32>,
      %swap3A_792 = vector.shape_cast %swap3A_791 : vector<1x1x16xf32> to vector<16xf32>
      %swap3A_793 = vector.shape_cast %mul3A_695 : vector<16xf32> to vector<1x1x16xf32>
      tpu.vector_store %arg16[%swap3A_788, %swap3A_789, %swap3A_790], %swap3A_793 {strides = array<i32>} : memref<2x64x128xf32, #tpu.memory_space<vmem>>, vector<1x1x16xf32>,
      %swap3A_794 = arith.constant 0 : i32
      %swap3A_795 = arith.index_cast %swap3A_794 : i32 to index
      %swap3A_796 = arith.index_cast %scan3A_682 : i32 to index
      %swap3A_797 = arith.constant 16 : index
      %swap3A_798 = tpu.vector_load %arg16[%swap3A_795, %swap3A_796, %swap3A_797] {strides = array<i32>} : memref<2x64x128xf32, #tpu.memory_space<vmem>>, vector<1x1x16xf32>,
      %swap3A_799 = vector.shape_cast %swap3A_798 : vector<1x1x16xf32> to vector<16xf32>
      %swap3A_800 = vector.shape_cast %mul3A_708 : vector<16xf32> to vector<1x1x16xf32>
      tpu.vector_store %arg16[%swap3A_795, %swap3A_796, %swap3A_797], %swap3A_800 {strides = array<i32>} : memref<2x64x128xf32, #tpu.memory_space<vmem>>, vector<1x1x16xf32>,
      %swap3A_801 = arith.constant 0 : i32
      %swap3A_802 = arith.index_cast %swap3A_801 : i32 to index
      %swap3A_803 = arith.index_cast %scan3A_682 : i32 to index
      %swap3A_804 = arith.constant 32 : index
      %swap3A_805 = tpu.vector_load %arg16[%swap3A_802, %swap3A_803, %swap3A_804] {strides = array<i32>} : memref<2x64x128xf32, #tpu.memory_space<vmem>>, vector<1x1x16xf32>,
      %swap3A_806 = vector.shape_cast %swap3A_805 : vector<1x1x16xf32> to vector<16xf32>
      %swap3A_807 = vector.shape_cast %mul3A_721 : vector<16xf32> to vector<1x1x16xf32>
      tpu.vector_store %arg16[%swap3A_802, %swap3A_803, %swap3A_804], %swap3A_807 {strides = array<i32>} : memref<2x64x128xf32, #tpu.memory_space<vmem>>, vector<1x1x16xf32>,
      %swap3A_808 = arith.constant 0 : i32
      %swap3A_809 = arith.index_cast %swap3A_808 : i32 to index
      %swap3A_810 = arith.index_cast %scan3A_682 : i32 to index
      %swap3A_811 = arith.constant 48 : index
      %swap3A_812 = tpu.vector_load %arg16[%swap3A_809, %swap3A_810, %swap3A_811] {strides = array<i32>} : memref<2x64x128xf32, #tpu.memory_space<vmem>>, vector<1x1x16xf32>,
      %swap3A_813 = vector.shape_cast %swap3A_812 : vector<1x1x16xf32> to vector<16xf32>
      %swap3A_814 = vector.shape_cast %mul3A_734 : vector<16xf32> to vector<1x1x16xf32>
      tpu.vector_store %arg16[%swap3A_809, %swap3A_810, %swap3A_811], %swap3A_814 {strides = array<i32>} : memref<2x64x128xf32, #tpu.memory_space<vmem>>, vector<1x1x16xf32>,
      %swap3A_815 = arith.constant 0 : i32
      %swap3A_816 = arith.index_cast %swap3A_815 : i32 to index
      %swap3A_817 = arith.index_cast %scan3A_682 : i32 to index
      %swap3A_818 = arith.constant 64 : index
      %swap3A_819 = tpu.vector_load %arg16[%swap3A_816, %swap3A_817, %swap3A_818] {strides = array<i32>} : memref<2x64x128xf32, #tpu.memory_space<vmem>>, vector<1x1x16xf32>,
      %swap3A_820 = vector.shape_cast %swap3A_819 : vector<1x1x16xf32> to vector<16xf32>
      %swap3A_821 = vector.shape_cast %mul3A_747 : vector<16xf32> to vector<1x1x16xf32>
      tpu.vector_store %arg16[%swap3A_816, %swap3A_817, %swap3A_818], %swap3A_821 {strides = array<i32>} : memref<2x64x128xf32, #tpu.memory_space<vmem>>, vector<1x1x16xf32>,
      %swap3A_822 = arith.constant 0 : i32
      %swap3A_823 = arith.index_cast %swap3A_822 : i32 to index
      %swap3A_824 = arith.index_cast %scan3A_682 : i32 to index
      %swap3A_825 = arith.constant 80 : index
      %swap3A_826 = tpu.vector_load %arg16[%swap3A_823, %swap3A_824, %swap3A_825] {strides = array<i32>} : memref<2x64x128xf32, #tpu.memory_space<vmem>>, vector<1x1x16xf32>,
      %swap3A_827 = vector.shape_cast %swap3A_826 : vector<1x1x16xf32> to vector<16xf32>
      %swap3A_828 = vector.shape_cast %mul3A_760 : vector<16xf32> to vector<1x1x16xf32>
      tpu.vector_store %arg16[%swap3A_823, %swap3A_824, %swap3A_825], %swap3A_828 {strides = array<i32>} : memref<2x64x128xf32, #tpu.memory_space<vmem>>, vector<1x1x16xf32>,
      %swap3A_829 = arith.constant 0 : i32
      %swap3A_830 = arith.index_cast %swap3A_829 : i32 to index
      %swap3A_831 = arith.index_cast %scan3A_682 : i32 to index
      %swap3A_832 = arith.constant 96 : index
      %swap3A_833 = tpu.vector_load %arg16[%swap3A_830, %swap3A_831, %swap3A_832] {strides = array<i32>} : memref<2x64x128xf32, #tpu.memory_space<vmem>>, vector<1x1x16xf32>,
      %swap3A_834 = vector.shape_cast %swap3A_833 : vector<1x1x16xf32> to vector<16xf32>
      %swap3A_835 = vector.shape_cast %mul3A_773 : vector<16xf32> to vector<1x1x16xf32>
      tpu.vector_store %arg16[%swap3A_830, %swap3A_831, %swap3A_832], %swap3A_835 {strides = array<i32>} : memref<2x64x128xf32, #tpu.memory_space<vmem>>, vector<1x1x16xf32>,
      %swap3A_836 = arith.constant 0 : i32
      %swap3A_837 = arith.index_cast %swap3A_836 : i32 to index
      %swap3A_838 = arith.index_cast %scan3A_682 : i32 to index
      %swap3A_839 = arith.constant 112 : index
      %swap3A_840 = tpu.vector_load %arg16[%swap3A_837, %swap3A_838, %swap3A_839] {strides = array<i32>} : memref<2x64x128xf32, #tpu.memory_space<vmem>>, vector<1x1x16xf32>,
      %swap3A_841 = vector.shape_cast %swap3A_840 : vector<1x1x16xf32> to vector<16xf32>
      %swap3A_842 = vector.shape_cast %mul3A_786 : vector<16xf32> to vector<1x1x16xf32>
      tpu.vector_store %arg16[%swap3A_837, %swap3A_838, %swap3A_839], %swap3A_842 {strides = array<i32>} : memref<2x64x128xf32, #tpu.memory_space<vmem>>, vector<1x1x16xf32>,
      %scan3A_843 = arith.constant 3 : i32
      %scan3A_844 = arith.addi %scan3A_358, %scan3A_843 : i32
      %get3A_845 = arith.constant 0 : i32
      %get3A_846 = arith.index_cast %get3A_845 : i32 to index
      %get3A_847 = arith.index_cast %scan3A_844 : i32 to index
      %get3A_848 = arith.constant 0 : index
      %get3A_849 = tpu.vector_load %arg14[%get3A_846, %get3A_847, %get3A_848] {strides = array<i32>} : memref<2x64x128xf32, #tpu.memory_space<vmem>>, vector<1x1x16xf32>,
      %get3A_850 = vector.shape_cast %get3A_849 : vector<1x1x16xf32> to vector<16xf32>
      %get3A_851 = arith.constant 0 : i32
      %get3A_852 = arith.index_cast %get3A_851 : i32 to index
      %get3A_853 = arith.index_cast %scan3A_844 : i32 to index
      %get3A_854 = arith.constant 0 : index
      %get3A_855 = tpu.vector_load %arg15[%get3A_852, %get3A_853, %get3A_854] {strides = array<i32>} : memref<2x64x128xf32, #tpu.memory_space<vmem>>, vector<1x1x16xf32>,
      %get3A_856 = vector.shape_cast %get3A_855 : vector<1x1x16xf32> to vector<16xf32>
      %mul3A_857 = arith.mulf %get3A_850, %get3A_856 : vector<16xf32>
      %get3A_858 = arith.constant 0 : i32
      %get3A_859 = arith.index_cast %get3A_858 : i32 to index
      %get3A_860 = arith.index_cast %scan3A_844 : i32 to index
      %get3A_861 = arith.constant 16 : index
      %get3A_862 = tpu.vector_load %arg14[%get3A_859, %get3A_860, %get3A_861] {strides = array<i32>} : memref<2x64x128xf32, #tpu.memory_space<vmem>>, vector<1x1x16xf32>,
      %get3A_863 = vector.shape_cast %get3A_862 : vector<1x1x16xf32> to vector<16xf32>
      %get3A_864 = arith.constant 0 : i32
      %get3A_865 = arith.index_cast %get3A_864 : i32 to index
      %get3A_866 = arith.index_cast %scan3A_844 : i32 to index
      %get3A_867 = arith.constant 16 : index
      %get3A_868 = tpu.vector_load %arg15[%get3A_865, %get3A_866, %get3A_867] {strides = array<i32>} : memref<2x64x128xf32, #tpu.memory_space<vmem>>, vector<1x1x16xf32>,
      %get3A_869 = vector.shape_cast %get3A_868 : vector<1x1x16xf32> to vector<16xf32>
      %mul3A_870 = arith.mulf %get3A_863, %get3A_869 : vector<16xf32>
      %get3A_871 = arith.constant 0 : i32
      %get3A_872 = arith.index_cast %get3A_871 : i32 to index
      %get3A_873 = arith.index_cast %scan3A_844 : i32 to index
      %get3A_874 = arith.constant 32 : index
      %get3A_875 = tpu.vector_load %arg14[%get3A_872, %get3A_873, %get3A_874] {strides = array<i32>} : memref<2x64x128xf32, #tpu.memory_space<vmem>>, vector<1x1x16xf32>,
      %get3A_876 = vector.shape_cast %get3A_875 : vector<1x1x16xf32> to vector<16xf32>
      %get3A_877 = arith.constant 0 : i32
      %get3A_878 = arith.index_cast %get3A_877 : i32 to index
      %get3A_879 = arith.index_cast %scan3A_844 : i32 to index
      %get3A_880 = arith.constant 32 : index
      %get3A_881 = tpu.vector_load %arg15[%get3A_878, %get3A_879, %get3A_880] {strides = array<i32>} : memref<2x64x128xf32, #tpu.memory_space<vmem>>, vector<1x1x16xf32>,
      %get3A_882 = vector.shape_cast %get3A_881 : vector<1x1x16xf32> to vector<16xf32>
      %mul3A_883 = arith.mulf %get3A_876, %get3A_882 : vector<16xf32>
      %get3A_884 = arith.constant 0 : i32
      %get3A_885 = arith.index_cast %get3A_884 : i32 to index
      %get3A_886 = arith.index_cast %scan3A_844 : i32 to index
      %get3A_887 = arith.constant 48 : index
      %get3A_888 = tpu.vector_load %arg14[%get3A_885, %get3A_886, %get3A_887] {strides = array<i32>} : memref<2x64x128xf32, #tpu.memory_space<vmem>>, vector<1x1x16xf32>,
      %get3A_889 = vector.shape_cast %get3A_888 : vector<1x1x16xf32> to vector<16xf32>
      %get3A_890 = arith.constant 0 : i32
      %get3A_891 = arith.index_cast %get3A_890 : i32 to index
      %get3A_892 = arith.index_cast %scan3A_844 : i32 to index
      %get3A_893 = arith.constant 48 : index
      %get3A_894 = tpu.vector_load %arg15[%get3A_891, %get3A_892, %get3A_893] {strides = array<i32>} : memref<2x64x128xf32, #tpu.memory_space<vmem>>, vector<1x1x16xf32>,
      %get3A_895 = vector.shape_cast %get3A_894 : vector<1x1x16xf32> to vector<16xf32>
      %mul3A_896 = arith.mulf %get3A_889, %get3A_895 : vector<16xf32>
      %get3A_897 = arith.constant 0 : i32
      %get3A_898 = arith.index_cast %get3A_897 : i32 to index
      %get3A_899 = arith.index_cast %scan3A_844 : i32 to index
      %get3A_900 = arith.constant 64 : index
      %get3A_901 = tpu.vector_load %arg14[%get3A_898, %get3A_899, %get3A_900] {strides = array<i32>} : memref<2x64x128xf32, #tpu.memory_space<vmem>>, vector<1x1x16xf32>,
      %get3A_902 = vector.shape_cast %get3A_901 : vector<1x1x16xf32> to vector<16xf32>
      %get3A_903 = arith.constant 0 : i32
      %get3A_904 = arith.index_cast %get3A_903 : i32 to index
      %get3A_905 = arith.index_cast %scan3A_844 : i32 to index
      %get3A_906 = arith.constant 64 : index
      %get3A_907 = tpu.vector_load %arg15[%get3A_904, %get3A_905, %get3A_906] {strides = array<i32>} : memref<2x64x128xf32, #tpu.memory_space<vmem>>, vector<1x1x16xf32>,
      %get3A_908 = vector.shape_cast %get3A_907 : vector<1x1x16xf32> to vector<16xf32>
      %mul3A_909 = arith.mulf %get3A_902, %get3A_908 : vector<16xf32>
      %get3A_910 = arith.constant 0 : i32
      %get3A_911 = arith.index_cast %get3A_910 : i32 to index
      %get3A_912 = arith.index_cast %scan3A_844 : i32 to index
      %get3A_913 = arith.constant 80 : index
      %get3A_914 = tpu.vector_load %arg14[%get3A_911, %get3A_912, %get3A_913] {strides = array<i32>} : memref<2x64x128xf32, #tpu.memory_space<vmem>>, vector<1x1x16xf32>,
      %get3A_915 = vector.shape_cast %get3A_914 : vector<1x1x16xf32> to vector<16xf32>
      %get3A_916 = arith.constant 0 : i32
      %get3A_917 = arith.index_cast %get3A_916 : i32 to index
      %get3A_918 = arith.index_cast %scan3A_844 : i32 to index
      %get3A_919 = arith.constant 80 : index
      %get3A_920 = tpu.vector_load %arg15[%get3A_917, %get3A_918, %get3A_919] {strides = array<i32>} : memref<2x64x128xf32, #tpu.memory_space<vmem>>, vector<1x1x16xf32>,
      %get3A_921 = vector.shape_cast %get3A_920 : vector<1x1x16xf32> to vector<16xf32>
      %mul3A_922 = arith.mulf %get3A_915, %get3A_921 : vector<16xf32>
      %get3A_923 = arith.constant 0 : i32
      %get3A_924 = arith.index_cast %get3A_923 : i32 to index
      %get3A_925 = arith.index_cast %scan3A_844 : i32 to index
      %get3A_926 = arith.constant 96 : index
      %get3A_927 = tpu.vector_load %arg14[%get3A_924, %get3A_925, %get3A_926] {strides = array<i32>} : memref<2x64x128xf32, #tpu.memory_space<vmem>>, vector<1x1x16xf32>,
      %get3A_928 = vector.shape_cast %get3A_927 : vector<1x1x16xf32> to vector<16xf32>
      %get3A_929 = arith.constant 0 : i32
      %get3A_930 = arith.index_cast %get3A_929 : i32 to index
      %get3A_931 = arith.index_cast %scan3A_844 : i32 to index
      %get3A_932 = arith.constant 96 : index
      %get3A_933 = tpu.vector_load %arg15[%get3A_930, %get3A_931, %get3A_932] {strides = array<i32>} : memref<2x64x128xf32, #tpu.memory_space<vmem>>, vector<1x1x16xf32>,
      %get3A_934 = vector.shape_cast %get3A_933 : vector<1x1x16xf32> to vector<16xf32>
      %mul3A_935 = arith.mulf %get3A_928, %get3A_934 : vector<16xf32>
      %get3A_936 = arith.constant 0 : i32
      %get3A_937 = arith.index_cast %get3A_936 : i32 to index
      %get3A_938 = arith.index_cast %scan3A_844 : i32 to index
      %get3A_939 = arith.constant 112 : index
      %get3A_940 = tpu.vector_load %arg14[%get3A_937, %get3A_938, %get3A_939] {strides = array<i32>} : memref<2x64x128xf32, #tpu.memory_space<vmem>>, vector<1x1x16xf32>,
      %get3A_941 = vector.shape_cast %get3A_940 : vector<1x1x16xf32> to vector<16xf32>
      %get3A_942 = arith.constant 0 : i32
      %get3A_943 = arith.index_cast %get3A_942 : i32 to index
      %get3A_944 = arith.index_cast %scan3A_844 : i32 to index
      %get3A_945 = arith.constant 112 : index
      %get3A_946 = tpu.vector_load %arg15[%get3A_943, %get3A_944, %get3A_945] {strides = array<i32>} : memref<2x64x128xf32, #tpu.memory_space<vmem>>, vector<1x1x16xf32>,
      %get3A_947 = vector.shape_cast %get3A_946 : vector<1x1x16xf32> to vector<16xf32>
      %mul3A_948 = arith.mulf %get3A_941, %get3A_947 : vector<16xf32>
      %swap3A_949 = arith.constant 0 : i32
      %swap3A_950 = arith.index_cast %swap3A_949 : i32 to index
      %swap3A_951 = arith.index_cast %scan3A_844 : i32 to index
      %swap3A_952 = arith.constant 0 : index
      %swap3A_953 = tpu.vector_load %arg16[%swap3A_950, %swap3A_951, %swap3A_952] {strides = array<i32>} : memref<2x64x128xf32, #tpu.memory_space<vmem>>, vector<1x1x16xf32>,
      %swap3A_954 = vector.shape_cast %swap3A_953 : vector<1x1x16xf32> to vector<16xf32>
      %swap3A_955 = vector.shape_cast %mul3A_857 : vector<16xf32> to vector<1x1x16xf32>
      tpu.vector_store %arg16[%swap3A_950, %swap3A_951, %swap3A_952], %swap3A_955 {strides = array<i32>} : memref<2x64x128xf32, #tpu.memory_space<vmem>>, vector<1x1x16xf32>,
      %swap3A_956 = arith.constant 0 : i32
      %swap3A_957 = arith.index_cast %swap3A_956 : i32 to index
      %swap3A_958 = arith.index_cast %scan3A_844 : i32 to index
      %swap3A_959 = arith.constant 16 : index
      %swap3A_960 = tpu.vector_load %arg16[%swap3A_957, %swap3A_958, %swap3A_959] {strides = array<i32>} : memref<2x64x128xf32, #tpu.memory_space<vmem>>, vector<1x1x16xf32>,
      %swap3A_961 = vector.shape_cast %swap3A_960 : vector<1x1x16xf32> to vector<16xf32>
      %swap3A_962 = vector.shape_cast %mul3A_870 : vector<16xf32> to vector<1x1x16xf32>
      tpu.vector_store %arg16[%swap3A_957, %swap3A_958, %swap3A_959], %swap3A_962 {strides = array<i32>} : memref<2x64x128xf32, #tpu.memory_space<vmem>>, vector<1x1x16xf32>,
      %swap3A_963 = arith.constant 0 : i32
      %swap3A_964 = arith.index_cast %swap3A_963 : i32 to index
      %swap3A_965 = arith.index_cast %scan3A_844 : i32 to index
      %swap3A_966 = arith.constant 32 : index
      %swap3A_967 = tpu.vector_load %arg16[%swap3A_964, %swap3A_965, %swap3A_966] {strides = array<i32>} : memref<2x64x128xf32, #tpu.memory_space<vmem>>, vector<1x1x16xf32>,
      %swap3A_968 = vector.shape_cast %swap3A_967 : vector<1x1x16xf32> to vector<16xf32>
      %swap3A_969 = vector.shape_cast %mul3A_883 : vector<16xf32> to vector<1x1x16xf32>
      tpu.vector_store %arg16[%swap3A_964, %swap3A_965, %swap3A_966], %swap3A_969 {strides = array<i32>} : memref<2x64x128xf32, #tpu.memory_space<vmem>>, vector<1x1x16xf32>,
      %swap3A_970 = arith.constant 0 : i32
      %swap3A_971 = arith.index_cast %swap3A_970 : i32 to index
      %swap3A_972 = arith.index_cast %scan3A_844 : i32 to index
      %swap3A_973 = arith.constant 48 : index
      %swap3A_974 = tpu.vector_load %arg16[%swap3A_971, %swap3A_972, %swap3A_973] {strides = array<i32>} : memref<2x64x128xf32, #tpu.memory_space<vmem>>, vector<1x1x16xf32>,
      %swap3A_975 = vector.shape_cast %swap3A_974 : vector<1x1x16xf32> to vector<16xf32>
      %swap3A_976 = vector.shape_cast %mul3A_896 : vector<16xf32> to vector<1x1x16xf32>
      tpu.vector_store %arg16[%swap3A_971, %swap3A_972, %swap3A_973], %swap3A_976 {strides = array<i32>} : memref<2x64x128xf32, #tpu.memory_space<vmem>>, vector<1x1x16xf32>,
      %swap3A_977 = arith.constant 0 : i32
      %swap3A_978 = arith.index_cast %swap3A_977 : i32 to index
      %swap3A_979 = arith.index_cast %scan3A_844 : i32 to index
      %swap3A_980 = arith.constant 64 : index
      %swap3A_981 = tpu.vector_load %arg16[%swap3A_978, %swap3A_979, %swap3A_980] {strides = array<i32>} : memref<2x64x128xf32, #tpu.memory_space<vmem>>, vector<1x1x16xf32>,
      %swap3A_982 = vector.shape_cast %swap3A_981 : vector<1x1x16xf32> to vector<16xf32>
      %swap3A_983 = vector.shape_cast %mul3A_909 : vector<16xf32> to vector<1x1x16xf32>
      tpu.vector_store %arg16[%swap3A_978, %swap3A_979, %swap3A_980], %swap3A_983 {strides = array<i32>} : memref<2x64x128xf32, #tpu.memory_space<vmem>>, vector<1x1x16xf32>,
      %swap3A_984 = arith.constant 0 : i32
      %swap3A_985 = arith.index_cast %swap3A_984 : i32 to index
      %swap3A_986 = arith.index_cast %scan3A_844 : i32 to index
      %swap3A_987 = arith.constant 80 : index
      %swap3A_988 = tpu.vector_load %arg16[%swap3A_985, %swap3A_986, %swap3A_987] {strides = array<i32>} : memref<2x64x128xf32, #tpu.memory_space<vmem>>, vector<1x1x16xf32>,
      %swap3A_989 = vector.shape_cast %swap3A_988 : vector<1x1x16xf32> to vector<16xf32>
      %swap3A_990 = vector.shape_cast %mul3A_922 : vector<16xf32> to vector<1x1x16xf32>
      tpu.vector_store %arg16[%swap3A_985, %swap3A_986, %swap3A_987], %swap3A_990 {strides = array<i32>} : memref<2x64x128xf32, #tpu.memory_space<vmem>>, vector<1x1x16xf32>,
      %swap3A_991 = arith.constant 0 : i32
      %swap3A_992 = arith.index_cast %swap3A_991 : i32 to index
      %swap3A_993 = arith.index_cast %scan3A_844 : i32 to index
      %swap3A_994 = arith.constant 96 : index
      %swap3A_995 = tpu.vector_load %arg16[%swap3A_992, %swap3A_993, %swap3A_994] {strides = array<i32>} : memref<2x64x128xf32, #tpu.memory_space<vmem>>, vector<1x1x16xf32>,
      %swap3A_996 = vector.shape_cast %swap3A_995 : vector<1x1x16xf32> to vector<16xf32>
      %swap3A_997 = vector.shape_cast %mul3A_935 : vector<16xf32> to vector<1x1x16xf32>
      tpu.vector_store %arg16[%swap3A_992, %swap3A_993, %swap3A_994], %swap3A_997 {strides = array<i32>} : memref<2x64x128xf32, #tpu.memory_space<vmem>>, vector<1x1x16xf32>,
      %swap3A_998 = arith.constant 0 : i32
      %swap3A_999 = arith.index_cast %swap3A_998 : i32 to index
      %swap3A_1000 = arith.index_cast %scan3A_844 : i32 to index
      %swap3A_1001 = arith.constant 112 : index
      %swap3A_1002 = tpu.vector_load %arg16[%swap3A_999, %swap3A_1000, %swap3A_1001] {strides = array<i32>} : memref<2x64x128xf32, #tpu.memory_space<vmem>>, vector<1x1x16xf32>,
      %swap3A_1003 = vector.shape_cast %swap3A_1002 : vector<1x1x16xf32> to vector<16xf32>
      %swap3A_1004 = vector.shape_cast %mul3A_948 : vector<16xf32> to vector<1x1x16xf32>
      tpu.vector_store %arg16[%swap3A_999, %swap3A_1000, %swap3A_1001], %swap3A_1004 {strides = array<i32>} : memref<2x64x128xf32, #tpu.memory_space<vmem>>, vector<1x1x16xf32>,
    }
    %scan3A_345 = arith.constant 16 : i32
    %run_scoped3A_346 = arith.constant 0 : i32
    "tpu.region"() ({
      %run_scoped3A_358 = tpu.sem_alloc : memref<!tpu.dma_semaphore, #tpu.memory_space<semaphore_mem>>
      %dma_start3A_359 = arith.constant 0 : i32
      %dma_start3A_360 = arith.constant 0 : i32
      %dma_start3A_361 = tpu.memref_slice %arg16[%run_scoped3A_346, %dma_start3A_359, %dma_start3A_360] : memref<2x64x128xf32, #tpu.memory_space<vmem>> -> memref<1x16x128xf32, #tpu.memory_space<vmem>>
      %dma_start3A_362 = tpu.memref_squeeze %dma_start3A_361 : memref<1x16x128xf32, #tpu.memory_space<vmem>> -> memref<16x128xf32, #tpu.memory_space<vmem>>
      %dma_start3A_363 = arith.constant 0 : i32
      %dma_start3A_364 = arith.constant 0 : i32
      %dma_start3A_365 = tpu.memref_slice %arg17[%dma_start3A_363, %dma_start3A_364] : memref<10000x128xf32, #tpu.memory_space<vmem_shared>> -> memref<10000x128xf32, #tpu.memory_space<vmem_shared>>
      tpu.enqueue_indirect_dma source(%dma_start3A_362 : memref<16x128xf32, #tpu.memory_space<vmem>>) target(%dma_start3A_365 : memref<10000x128xf32, #tpu.memory_space<vmem_shared>>) offsets(%arg13 : memref<16xi32, #tpu.memory_space<vmem>>) semaphore(%run_scoped3A_358 : memref<!tpu.dma_semaphore, #tpu.memory_space<semaphore_mem>>) {add = true}
      %dma_wait3A_366 = arith.constant 0 : i32
      %dma_wait3A_367 = arith.constant 0 : i32
      %dma_wait3A_368 = tpu.memref_slice %arg16[%run_scoped3A_346, %dma_wait3A_366, %dma_wait3A_367] : memref<2x64x128xf32, #tpu.memory_space<vmem>> -> memref<1x16x128xf32, #tpu.memory_space<vmem>>
      %dma_wait3A_369 = tpu.memref_squeeze %dma_wait3A_368 : memref<1x16x128xf32, #tpu.memory_space<vmem>> -> memref<16x128xf32, #tpu.memory_space<vmem>>
      %dma_wait3A_370 = arith.constant 0 : i32
      %dma_wait3A_371 = arith.constant 0 : i32
      %dma_wait3A_372 = tpu.memref_slice %arg17[%dma_wait3A_370, %dma_wait3A_371] : memref<10000x128xf32, #tpu.memory_space<vmem_shared>> -> memref<10000x128xf32, #tpu.memory_space<vmem_shared>>
      tpu.wait_indirect_dma semaphore(%run_scoped3A_358 : memref<!tpu.dma_semaphore, #tpu.memory_space<semaphore_mem>>) src(%dma_wait3A_369 : memref<16x128xf32, #tpu.memory_space<vmem>>) dst(%dma_wait3A_372 : memref<10000x128xf32, #tpu.memory_space<vmem_shared>>)
      tpu.yield
    }) : () -> ()
    %barrier3A_347 = arith.constant 0 : index
    tpu.barrier barrier_id(%barrier3A_347)
    %lt3A_348 = arith.constant 15 : i32
    %lt3A_349 = arith.cmpi slt, %arg1, %lt3A_348 : i32
    %convert_element_type3A_350 = arith.extui %lt3A_349 : i1 to i32
    %cond3A_351 = arith.constant 0 : i32
    %cond3A_352 = arith.cmpi ne, %convert_element_type3A_350, %cond3A_351 : i32
    scf.if %cond3A_352 {
      %mul3A_358 = arith.constant 632 : i32
      %mul3A_359 = arith.muli %arg1, %mul3A_358 : i32
      %mul3A_360 = arith.constant 10000 : i32
      %mul3A_361 = arith.muli %arg0, %mul3A_360 : i32
      %mul3A_362 = arith.constant 632 : i32
      %mul3A_363 = arith.muli %arg1, %mul3A_362 : i32
      %add3A_364 = arith.addi %mul3A_361, %mul3A_363 : i32
      "tpu.region"() ({
        %run_scoped3A_365 = tpu.sem_alloc : memref<!tpu.dma_semaphore, #tpu.memory_space<semaphore_mem>>
        %dma_start3A_366 = arith.constant 0 : i32
        %dma_start3A_367 = tpu.memref_slice %arg7[%add3A_364, %dma_start3A_366] : memref<20000x128xf32, #tpu.memory_space<hbm>> -> memref<632x128xf32, #tpu.memory_space<hbm>>
        %dma_start3A_368 = arith.constant 0 : i32
        %dma_start3A_369 = tpu.memref_slice %arg17[%mul3A_359, %dma_start3A_368] : memref<10000x128xf32, #tpu.memory_space<vmem_shared>> -> memref<632x128xf32, #tpu.memory_space<vmem_shared>>
        tpu.enqueue_dma source(%dma_start3A_369 : memref<632x128xf32, #tpu.memory_space<vmem_shared>>) target(%dma_start3A_367 : memref<632x128xf32, #tpu.memory_space<hbm>>) target_semaphore(%run_scoped3A_365 : memref<!tpu.dma_semaphore, #tpu.memory_space<semaphore_mem>>)
        %dma_wait3A_370 = arith.constant 0 : i32
        %dma_wait3A_371 = tpu.memref_slice %arg7[%add3A_364, %dma_wait3A_370] : memref<20000x128xf32, #tpu.memory_space<hbm>> -> memref<632x128xf32, #tpu.memory_space<hbm>>
        %dma_wait3A_372 = arith.constant 0 : i32
        %dma_wait3A_373 = tpu.memref_slice %arg17[%mul3A_359, %dma_wait3A_372] : memref<10000x128xf32, #tpu.memory_space<vmem_shared>> -> memref<632x128xf32, #tpu.memory_space<vmem_shared>>
        tpu.wait_dma2 semaphore(%run_scoped3A_365 : memref<!tpu.dma_semaphore, #tpu.memory_space<semaphore_mem>>) src(%dma_wait3A_373 : memref<632x128xf32, #tpu.memory_space<vmem_shared>>) dst(%dma_wait3A_371 : memref<632x128xf32, #tpu.memory_space<hbm>>)
        tpu.yield
      }) : () -> ()
    } else {
    }
    %eq3A_353 = arith.constant 15 : i32
    %eq3A_354 = arith.cmpi eq, %arg1, %eq3A_353 : i32
    %convert_element_type3A_355 = arith.extui %eq3A_354 : i1 to i32
    %cond3A_356 = arith.constant 0 : i32
    %cond3A_357 = arith.cmpi ne, %convert_element_type3A_355, %cond3A_356 : i32
    scf.if %cond3A_357 {
      %mul3A_358 = arith.constant 10000 : i32
      %mul3A_359 = arith.muli %arg0, %mul3A_358 : i32
      %add3A_360 = arith.constant 9480 : i32
      %add3A_361 = arith.addi %mul3A_359, %add3A_360 : i32
      "tpu.region"() ({
        %run_scoped3A_362 = tpu.sem_alloc : memref<!tpu.dma_semaphore, #tpu.memory_space<semaphore_mem>>
        %dma_start3A_363 = arith.constant 0 : i32
        %dma_start3A_364 = tpu.memref_slice %arg7[%add3A_361, %dma_start3A_363] : memref<20000x128xf32, #tpu.memory_space<hbm>> -> memref<520x128xf32, #tpu.memory_space<hbm>>
        %dma_start3A_365 = arith.constant 9480 : i32
        %dma_start3A_366 = arith.constant 0 : i32
        %dma_start3A_367 = tpu.memref_slice %arg17[%dma_start3A_365, %dma_start3A_366] : memref<10000x128xf32, #tpu.memory_space<vmem_shared>> -> memref<520x128xf32, #tpu.memory_space<vmem_shared>>
        tpu.enqueue_dma source(%dma_start3A_367 : memref<520x128xf32, #tpu.memory_space<vmem_shared>>) target(%dma_start3A_364 : memref<520x128xf32, #tpu.memory_space<hbm>>) target_semaphore(%run_scoped3A_362 : memref<!tpu.dma_semaphore, #tpu.memory_space<semaphore_mem>>)
        %dma_wait3A_368 = arith.constant 0 : i32
        %dma_wait3A_369 = tpu.memref_slice %arg7[%add3A_361, %dma_wait3A_368] : memref<20000x128xf32, #tpu.memory_space<hbm>> -> memref<520x128xf32, #tpu.memory_space<hbm>>
        %dma_wait3A_370 = arith.constant 9480 : i32
        %dma_wait3A_371 = arith.constant 0 : i32
        %dma_wait3A_372 = tpu.memref_slice %arg17[%dma_wait3A_370, %dma_wait3A_371] : memref<10000x128xf32, #tpu.memory_space<vmem_shared>> -> memref<520x128xf32, #tpu.memory_space<vmem_shared>>
        tpu.wait_dma2 semaphore(%run_scoped3A_362 : memref<!tpu.dma_semaphore, #tpu.memory_space<semaphore_mem>>) src(%dma_wait3A_372 : memref<520x128xf32, #tpu.memory_space<vmem_shared>>) dst(%dma_wait3A_369 : memref<520x128xf32, #tpu.memory_space<hbm>>)
        tpu.yield
      }) : () -> ()
    } else {
    }
    return
  }
}

module attributes {stable_mosaic.version = 14 : i64} {
  func.func @_r_body(%arg0: i32, %arg1: memref<16000x16xf32, #tpu.memory_space<vmem>>, %arg2: memref<16x128xf32, #tpu.memory_space<vmem>>, %arg3: memref<1x128xf32, #tpu.memory_space<vmem>>, %arg4: memref<16000x128xf32, #tpu.memory_space<vmem>>) attributes {dimension_semantics = [#tpu.dimension_semantics<arbitrary>], iteration_bounds = array<i64: 20>, scalar_prefetch = 0 : i64, scratch_operands = 0 : i64, tpu.core_type = #tpu.core_type<tc>, window_params = [{transform_indices = @transform_0, window_bounds = array<i64: 16000, 16>}, {pipeline_mode = #tpu.pipeline_mode<synchronous>, transform_indices = @transform_1, window_bounds = array<i64: 16, 128>}, {pipeline_mode = #tpu.pipeline_mode<synchronous>, transform_indices = @transform_2, window_bounds = array<i64: 1, 128>}, {transform_indices = @transform_3, window_bounds = array<i64: 16000, 128>}]} {
    %get3A = arith.constant 0 : index
    %get3A_0 = arith.constant 0 : index
    %get3A_1 = vector.load %arg1[%get3A, %get3A_0] : memref<16000x16xf32, #tpu.memory_space<vmem>>, vector<16000x16xf32>
    %get3A_2 = arith.constant 0 : index
    %get3A_3 = arith.constant 0 : index
    %get3A_4 = vector.load %arg2[%get3A_2, %get3A_3] : memref<16x128xf32, #tpu.memory_space<vmem>>, vector<16x128xf32>
    %dot_general3A = arith.constant dense<0.000000e+00> : vector<16000x128xf32>
    %dot_general3A_5 = tpu.matmul %get3A_1, %get3A_4, %dot_general3A {dimension_numbers = #tpu.dot_dimension_numbers<[1], [0], [0], [1], [0, 0, 1, 1], [], []>, transpose_lhs_hint = false} : vector<16000x16xf32>, vector<16x128xf32>, vector<16000x128xf32> -> vector<16000x128xf32>
    %get3A_6 = arith.constant 0 : index
    %get3A_7 = arith.constant 0 : index
    %get3A_8 = vector.load %arg3[%get3A_6, %get3A_7] : memref<1x128xf32, #tpu.memory_space<vmem>>, vector<1x128xf32>
    %add3A = vector.broadcast %get3A_8 : vector<1x128xf32> to vector<16000x128xf32>
    %add3A_9 = arith.addf %dot_general3A_5, %add3A : vector<16000x128xf32>
    %swap3A = arith.constant 0 : index
    %swap3A_10 = arith.constant 0 : index
    %swap3A_11 = vector.load %arg4[%swap3A, %swap3A_10] : memref<16000x128xf32, #tpu.memory_space<vmem>>, vector<16000x128xf32>
    tpu.vector_store %arg4[%swap3A, %swap3A_10], %add3A_9 {strides = array<i32>} : memref<16000x128xf32, #tpu.memory_space<vmem>>, vector<16000x128xf32>,
    return
  }
  func.func @transform_0(%arg0: i32) -> (i32, i32) {
    %c0_i32 = arith.constant 0 : i32
    %c0_i32_0 = arith.constant 0 : i32
    return %arg0, %c0_i32 : i32, i32
  }
  func.func @transform_1(%arg0: i32) -> (i32, i32) {
    %c0_i32 = arith.constant 0 : i32
    %c0_i32_0 = arith.constant 0 : i32
    %c0_i32_1 = arith.constant 0 : i32
    return %c0_i32, %c0_i32_0 : i32, i32
  }
  func.func @transform_2(%arg0: i32) -> (i32, i32) {
    %c0_i32 = arith.constant 0 : i32
    %c0_i32_0 = arith.constant 0 : i32
    %c0_i32_1 = arith.constant 0 : i32
    return %c0_i32, %c0_i32_0 : i32, i32
  }
  func.func @transform_3(%arg0: i32) -> (i32, i32) {
    %c0_i32 = arith.constant 0 : i32
    %c0_i32_0 = arith.constant 0 : i32
    return %arg0, %c0_i32 : i32, i32
  }
}

module attributes {stable_mosaic.version = 14 : i64} {
  func.func @_xm_body(%arg0: i32, %arg1: memref<2000x128xf32, #tpu.memory_space<vmem>>, %arg2: memref<128x128xf32, #tpu.memory_space<vmem>>, %arg3: memref<2000x128xf32, #tpu.memory_space<vmem>>) attributes {dimension_semantics = [#tpu.dimension_semantics<arbitrary>], iteration_bounds = array<i64: 5>, scalar_prefetch = 0 : i64, scratch_operands = 0 : i64, tpu.core_type = #tpu.core_type<tc>, window_params = [{transform_indices = @transform_0, window_bounds = array<i64: 2000, 128>}, {pipeline_mode = #tpu.pipeline_mode<synchronous>, transform_indices = @transform_1, window_bounds = array<i64: 128, 128>}, {transform_indices = @transform_2, window_bounds = array<i64: 2000, 128>}]} {
    %get3A = arith.constant 0 : index
    %get3A_0 = arith.constant 0 : index
    %get3A_1 = vector.load %arg1[%get3A, %get3A_0] : memref<2000x128xf32, #tpu.memory_space<vmem>>, vector<2000x128xf32>
    %get3A_2 = arith.constant 0 : index
    %get3A_3 = arith.constant 0 : index
    %get3A_4 = vector.load %arg2[%get3A_2, %get3A_3] : memref<128x128xf32, #tpu.memory_space<vmem>>, vector<128x128xf32>
    %dot_general3A = arith.constant dense<0.000000e+00> : vector<2000x128xf32>
    %dot_general3A_5 = tpu.matmul %get3A_1, %get3A_4, %dot_general3A {dimension_numbers = #tpu.dot_dimension_numbers<[1], [0], [0], [1], [0, 0, 1, 1], [], []>, transpose_lhs_hint = false} : vector<2000x128xf32>, vector<128x128xf32>, vector<2000x128xf32> -> vector<2000x128xf32>
    %swap3A = arith.constant 0 : index
    %swap3A_6 = arith.constant 0 : index
    %swap3A_7 = vector.load %arg3[%swap3A, %swap3A_6] : memref<2000x128xf32, #tpu.memory_space<vmem>>, vector<2000x128xf32>
    tpu.vector_store %arg3[%swap3A, %swap3A_6], %dot_general3A_5 {strides = array<i32>} : memref<2000x128xf32, #tpu.memory_space<vmem>>, vector<2000x128xf32>,
    return
  }
  func.func @transform_0(%arg0: i32) -> (i32, i32) {
    %c0_i32 = arith.constant 0 : i32
    %c0_i32_0 = arith.constant 0 : i32
    return %arg0, %c0_i32 : i32, i32
  }
  func.func @transform_1(%arg0: i32) -> (i32, i32) {
    %c0_i32 = arith.constant 0 : i32
    %c0_i32_0 = arith.constant 0 : i32
    %c0_i32_1 = arith.constant 0 : i32
    return %c0_i32, %c0_i32_0 : i32, i32
  }
  func.func @transform_2(%arg0: i32) -> (i32, i32) {
    %c0_i32 = arith.constant 0 : i32
    %c0_i32_0 = arith.constant 0 : i32
    return %arg0, %c0_i32 : i32, i32
  }
}

module attributes {stable_mosaic.version = 14 : i64} {
  func.func @_tail_body(%arg0: i32, %arg1: memref<2000x128xf32, #tpu.memory_space<vmem>>, %arg2: memref<2000x128xf32, #tpu.memory_space<vmem>>, %arg3: memref<2000x128xf32, #tpu.memory_space<vmem>>, %arg4: memref<128x128xf32, #tpu.memory_space<vmem>>, %arg5: memref<128x16xf32, #tpu.memory_space<vmem>>, %arg6: memref<1x16xf32, #tpu.memory_space<vmem>>, %arg7: memref<16x16xf32, #tpu.memory_space<vmem>>, %arg8: memref<1x16xf32, #tpu.memory_space<vmem>>, %arg9: memref<16x16xf32, #tpu.memory_space<vmem>>, %arg10: memref<1x16xf32, #tpu.memory_space<vmem>>, %arg11: memref<2000x16xf32, #tpu.memory_space<vmem>>) attributes {dimension_semantics = [#tpu.dimension_semantics<arbitrary>], iteration_bounds = array<i64: 5>, scalar_prefetch = 0 : i64, scratch_operands = 0 : i64, tpu.core_type = #tpu.core_type<tc>, window_params = [{transform_indices = @transform_0, window_bounds = array<i64: 2000, 128>}, {transform_indices = @transform_1, window_bounds = array<i64: 2000, 128>}, {transform_indices = @transform_2, window_bounds = array<i64: 2000, 128>}, {pipeline_mode = #tpu.pipeline_mode<synchronous>, transform_indices = @transform_3, window_bounds = array<i64: 128, 128>}, {pipeline_mode = #tpu.pipeline_mode<synchronous>, transform_indices = @transform_4, window_bounds = array<i64: 128, 16>}, {pipeline_mode = #tpu.pipeline_mode<synchronous>, transform_indices = @transform_5, window_bounds = array<i64: 1, 16>}, {pipeline_mode = #tpu.pipeline_mode<synchronous>, transform_indices = @transform_6, window_bounds = array<i64: 16, 16>}, {pipeline_mode = #tpu.pipeline_mode<synchronous>, transform_indices = @transform_7, window_bounds = array<i64: 1, 16>}, {pipeline_mode = #tpu.pipeline_mode<synchronous>, transform_indices = @transform_8, window_bounds = array<i64: 16, 16>}, {pipeline_mode = #tpu.pipeline_mode<synchronous>, transform_indices = @transform_9, window_bounds = array<i64: 1, 16>}, {transform_indices = @transform_10, window_bounds = array<i64: 2000, 16>}]} {
    %get3A = arith.constant 0 : index
    %get3A_0 = arith.constant 0 : index
    %get3A_1 = vector.load %arg1[%get3A, %get3A_0] : memref<2000x128xf32, #tpu.memory_space<vmem>>, vector<2000x128xf32>
    %get3A_2 = arith.constant 0 : index
    %get3A_3 = arith.constant 0 : index
    %get3A_4 = vector.load %arg4[%get3A_2, %get3A_3] : memref<128x128xf32, #tpu.memory_space<vmem>>, vector<128x128xf32>
    %dot_general3A = arith.constant dense<0.000000e+00> : vector<2000x128xf32>
    %dot_general3A_5 = tpu.matmul %get3A_1, %get3A_4, %dot_general3A {dimension_numbers = #tpu.dot_dimension_numbers<[1], [0], [0], [1], [0, 0, 1, 1], [], []>, transpose_lhs_hint = false} : vector<2000x128xf32>, vector<128x128xf32>, vector<2000x128xf32> -> vector<2000x128xf32>
    %get3A_6 = arith.constant 0 : index
    %get3A_7 = arith.constant 0 : index
    %get3A_8 = vector.load %arg2[%get3A_6, %get3A_7] : memref<2000x128xf32, #tpu.memory_space<vmem>>, vector<2000x128xf32>
    %add3A = arith.addf %dot_general3A_5, %get3A_8 : vector<2000x128xf32>
    %get3A_9 = arith.constant 0 : index
    %get3A_10 = arith.constant 0 : index
    %get3A_11 = vector.load %arg3[%get3A_9, %get3A_10] : memref<2000x128xf32, #tpu.memory_space<vmem>>, vector<2000x128xf32>
    %add3A_12 = arith.addf %add3A, %get3A_11 : vector<2000x128xf32>
    %get3A_13 = arith.constant 0 : index
    %get3A_14 = arith.constant 0 : index
    %get3A_15 = vector.load %arg5[%get3A_13, %get3A_14] : memref<128x16xf32, #tpu.memory_space<vmem>>, vector<128x16xf32>
    %dot_general3A_16 = arith.constant dense<0.000000e+00> : vector<2000x16xf32>
    %dot_general3A_17 = tpu.matmul %add3A_12, %get3A_15, %dot_general3A_16 {dimension_numbers = #tpu.dot_dimension_numbers<[1], [0], [0], [1], [0, 0, 1, 1], [], []>, transpose_lhs_hint = false} : vector<2000x128xf32>, vector<128x16xf32>, vector<2000x16xf32> -> vector<2000x16xf32>
    %get3A_18 = arith.constant 0 : index
    %get3A_19 = arith.constant 0 : index
    %get3A_20 = vector.load %arg6[%get3A_18, %get3A_19] : memref<1x16xf32, #tpu.memory_space<vmem>>, vector<1x16xf32>
    %add3A_21 = vector.broadcast %get3A_20 : vector<1x16xf32> to vector<2000x16xf32>
    %add3A_22 = arith.addf %dot_general3A_17, %add3A_21 : vector<2000x16xf32>
    %get3A_23 = arith.constant 0 : index
    %get3A_24 = arith.constant 0 : index
    %get3A_25 = vector.load %arg7[%get3A_23, %get3A_24] : memref<16x16xf32, #tpu.memory_space<vmem>>, vector<16x16xf32>
    %dot_general3A_26 = arith.constant dense<0.000000e+00> : vector<2000x16xf32>
    %dot_general3A_27 = tpu.matmul %add3A_22, %get3A_25, %dot_general3A_26 {dimension_numbers = #tpu.dot_dimension_numbers<[1], [0], [0], [1], [0, 0, 1, 1], [], []>, transpose_lhs_hint = false} : vector<2000x16xf32>, vector<16x16xf32>, vector<2000x16xf32> -> vector<2000x16xf32>
    %get3A_28 = arith.constant 0 : index
    %get3A_29 = arith.constant 0 : index
    %get3A_30 = vector.load %arg8[%get3A_28, %get3A_29] : memref<1x16xf32, #tpu.memory_space<vmem>>, vector<1x16xf32>
    %add3A_31 = vector.broadcast %get3A_30 : vector<1x16xf32> to vector<2000x16xf32>
    %add3A_32 = arith.addf %dot_general3A_27, %add3A_31 : vector<2000x16xf32>
    %max3A = arith.constant 0.000000e+00 : f32
    %max3A_33 = vector.broadcast %max3A : f32 to vector<2000x16xf32>
    %max3A_34 = arith.maximumf %add3A_32, %max3A_33 : vector<2000x16xf32>
    %get3A_35 = arith.constant 0 : index
    %get3A_36 = arith.constant 0 : index
    %get3A_37 = vector.load %arg9[%get3A_35, %get3A_36] : memref<16x16xf32, #tpu.memory_space<vmem>>, vector<16x16xf32>
    %dot_general3A_38 = arith.constant dense<0.000000e+00> : vector<2000x16xf32>
    %dot_general3A_39 = tpu.matmul %max3A_34, %get3A_37, %dot_general3A_38 {dimension_numbers = #tpu.dot_dimension_numbers<[1], [0], [0], [1], [0, 0, 1, 1], [], []>, transpose_lhs_hint = false} : vector<2000x16xf32>, vector<16x16xf32>, vector<2000x16xf32> -> vector<2000x16xf32>
    %get3A_40 = arith.constant 0 : index
    %get3A_41 = arith.constant 0 : index
    %get3A_42 = vector.load %arg10[%get3A_40, %get3A_41] : memref<1x16xf32, #tpu.memory_space<vmem>>, vector<1x16xf32>
    %add3A_43 = vector.broadcast %get3A_42 : vector<1x16xf32> to vector<2000x16xf32>
    %add3A_44 = arith.addf %dot_general3A_39, %add3A_43 : vector<2000x16xf32>
    %swap3A = arith.constant 0 : index
    %swap3A_45 = arith.constant 0 : index
    %swap3A_46 = vector.load %arg11[%swap3A, %swap3A_45] : memref<2000x16xf32, #tpu.memory_space<vmem>>, vector<2000x16xf32>
    tpu.vector_store %arg11[%swap3A, %swap3A_45], %add3A_44 {strides = array<i32>} : memref<2000x16xf32, #tpu.memory_space<vmem>>, vector<2000x16xf32>,
    return
  }
  func.func @transform_0(%arg0: i32) -> (i32, i32) {
    %c0_i32 = arith.constant 0 : i32
    %c0_i32_0 = arith.constant 0 : i32
    return %arg0, %c0_i32 : i32, i32
  }
  func.func @transform_1(%arg0: i32) -> (i32, i32) {
    %c0_i32 = arith.constant 0 : i32
    %c0_i32_0 = arith.constant 0 : i32
    return %arg0, %c0_i32 : i32, i32
  }
  func.func @transform_2(%arg0: i32) -> (i32, i32) {
    %add3A = arith.constant 5 : i32
    %add3A_0 = arith.addi %arg0, %add3A : i32
    %c0_i32 = arith.constant 0 : i32
    %c0_i32_1 = arith.constant 0 : i32
    return %add3A_0, %c0_i32 : i32, i32
  }
  func.func @transform_3(%arg0: i32) -> (i32, i32) {
    %c0_i32 = arith.constant 0 : i32
    %c0_i32_0 = arith.constant 0 : i32
    %c0_i32_1 = arith.constant 0 : i32
    return %c0_i32, %c0_i32_0 : i32, i32
  }
  func.func @transform_4(%arg0: i32) -> (i32, i32) {
    %c0_i32 = arith.constant 0 : i32
    %c0_i32_0 = arith.constant 0 : i32
    %c0_i32_1 = arith.constant 0 : i32
    return %c0_i32, %c0_i32_0 : i32, i32
  }
  func.func @transform_5(%arg0: i32) -> (i32, i32) {
    %c0_i32 = arith.constant 0 : i32
    %c0_i32_0 = arith.constant 0 : i32
    %c0_i32_1 = arith.constant 0 : i32
    return %c0_i32, %c0_i32_0 : i32, i32
  }
  func.func @transform_6(%arg0: i32) -> (i32, i32) {
    %c0_i32 = arith.constant 0 : i32
    %c0_i32_0 = arith.constant 0 : i32
    %c0_i32_1 = arith.constant 0 : i32
    return %c0_i32, %c0_i32_0 : i32, i32
  }
  func.func @transform_7(%arg0: i32) -> (i32, i32) {
    %c0_i32 = arith.constant 0 : i32
    %c0_i32_0 = arith.constant 0 : i32
    %c0_i32_1 = arith.constant 0 : i32
    return %c0_i32, %c0_i32_0 : i32, i32
  }
  func.func @transform_8(%arg0: i32) -> (i32, i32) {
    %c0_i32 = arith.constant 0 : i32
    %c0_i32_0 = arith.constant 0 : i32
    %c0_i32_1 = arith.constant 0 : i32
    return %c0_i32, %c0_i32_0 : i32, i32
  }
  func.func @transform_9(%arg0: i32) -> (i32, i32) {
    %c0_i32 = arith.constant 0 : i32
    %c0_i32_0 = arith.constant 0 : i32
    %c0_i32_1 = arith.constant 0 : i32
    return %c0_i32, %c0_i32_0 : i32, i32
  }
  func.func @transform_10(%arg0: i32) -> (i32, i32) {
    %c0_i32 = arith.constant 0 : i32
    %c0_i32_0 = arith.constant 0 : i32
    return %arg0, %c0_i32 : i32, i32
  }
}

</mosaic_0001>

<sc_bundles>
// kernel: kernel.6.cloned.1.call-start
scs
__scs_entry_jumppad:
0x0: {  	(pc) =	sbr.rel $0x88, $3  }
0x1: {  	(tag) =	ssettag $0x0;
	lr =	simm.s32 $0x1  }
0x2: {  	[smem:$0x3F94] =	sst lr;
	_ =	strace $0xD0000000  }
0x3: {  	_ = 	snop  }
0x4: {  	_ = 	snop  }
0x5: {  	_ = 	snop  }
0x6: {  	_ = 	snop  }
0x7: {  	_ = 	snop  }
__scs_overlays_trampoline_lowered:
0x8: {  	[smem:$0x3FA3] =	sst s0  }
0x9: {  	[smem:$0x3FA4] =	sst s1  }
0xa: {  	[smem:$0x3FA5] =	sst s2  }
0xb: {  	[smem:$0x3FA6] =	sst s3  }
0xc: {  	[smem:$0x3FA7] =	sst s4  }
0xd: {  	[smem:$0x3FA8] =	sst s5  }
0xe: {  	[smem:$0x3FA9] =	sst s6  }
0xf: {  	[smem:$0x3FAA] =	sst s7  }
0x10: {  	[smem:$0x3FAB] =	sst s8  }
0x11: {  	[smem:$0x3FAC] =	sst s9;
	s0 =	simm.s32 @!p0 $0x0  }
0x12: {  	s1 =	sld [smem:$0x3F92];
	s0 =	simm.s32 @p0 $0x1  }
0x13: {  	[smem:$0x3FAD] =	sst s0;
	s0 =	simm.s32 @!p1 $0x0  }
0x14: {  	s2 =	sld [smem:$0x3F91];
	s0 =	simm.s32 @p1 $0x1  }
0x15: {  	[smem:$0x3FAE] =	sst s0;
	s0 =	simm.s32 @!p2 $0x0  }
0x16: {  	s3 =	sld [smem:$0x3FDB];
	s0 =	simm.s32 @p2 $0x1  }
0x17: {  	s4 =	simm.s32 $0x1BF5;
	[smem:$0x3FB0] =	sst s0  }
0x18: {  	s0 =	sld [smem:$0x3F93];
	_ =	swait.ge [sflag:s4], $0x0  }
0x19: {  	s7 =	sld [smem:$0x3F94]  }
0x1a: {  	s8 =	sadd.s32 $0xFFFFE003, lr  }
0x1b: {  	s9 =	sadd.s32 $0xFFFFFEF7, lr;
	s5 =	simm.s32 $0xFFFFFFFF;
	p2 =	slt.u32 s8, $0xFFFFF086  }
0x1c: {  	p1 =	slt.u32 s9, $0xF7A;
	s5 =	simm.s32 @!p2 $0x0  }
0x1d: {  	s5 =	simm.s32 @p1 $0x1;
	p0 =	seq.s32 s7, s2  }
0x1e: {  	s7 =	smul.u32 @!p0 $0xF7A, s2;
	p2 =	seq.s32 @!p0 s5, $0x0  }
0x1f: {  	s9 =	smul.u32 $0xF7A, s1;
	s8 =	simm.s32 @!p0 $0x1BF5;
	p2 =	por !p2, p0  }
0x20: {  	[sflag:s8] =	ssyncset.s32 @!p0 $0xFFFFF086;
	s6 =	sadd.s32 @!p0 s3, s7;
	s7 =	simm.s32 @!p0 $0x108  }
0x21: {  	s3 =	sadd.s32 s3, s9;
	s6 =	sadd.s32 @!p0 $0x88, s6;
	s7 =	simm.s32 @p2 $0x1082  }
0x22: {  	[simem:s7], [sflag:s8] =	dma.local @!p0 [hbm:s6], $0xF7A  }
0x23: {  	s9 =	sor.u32 $0xD0000000, s2;
	s6 =	simm.s32 $0x108;
	_ =	swait.ge @!p0 [sflag:s8], $0x0  }
0x24: {  	s3 =	sadd.s32 $0x88, s3;
	s6 =	simm.s32 @!p1 $0x1082;
	[sflag:s4] =	ssyncset.s32 $0xFFFFF086  }
0x25: {  	[simem:s6], [sflag:s4] =	dma.local [hbm:s3], $0xF7A  }
0x26: {  	[smem:$0x3F94] =	sst s1;
	(tag) =	ssettag s2;
	_ =	strace s9  }
0x27: {  	s1 =	sld [smem:$0x3FA4]  }
0x28: {  	s2 =	sld [smem:$0x3FA5]  }
0x29: {  	s4 =	sld [smem:$0x3FA7]  }
0x2a: {  	p0 =	seq.s32 s5, $0x0;
	s5 =	sld [smem:$0x3FA8]  }
0x2b: {  	s6 =	sld [smem:$0x3FA9]  }
0x2c: {  	s7 =	sld [smem:$0x3FAA]  }
0x2d: {  	s3 =	simm.s32 $0x108;
	s8 =	sld [smem:$0x3FAB]  }
0x2e: {  	s3 =	simm.s32 @!p0 $0x1082;
	s9 =	sld [smem:$0x3FAC]  }
0x2f: {  	lr =	sadd.s32 s0, s3;
	s0 =	sld [smem:$0x3FA3]  }
0x30: {  	s3 =	sld [smem:$0x3FA6]  }
0x31: {  	[smem:$0x3FAF] =	sst s10  }
0x32: {  	s10 =	sld [smem:$0x3FAD];
	_ =	sdelay $0x3  }
0x33: {  	p0 =	seq.s32 s10, $0x1;
	s10 =	sld [smem:$0x3FAF];
	_ =	sdelay $0x3  }
0x34: {  	[smem:$0x3FAF] =	sst s10  }
0x35: {  	s10 =	sld [smem:$0x3FAE];
	_ =	sdelay $0x3  }
0x36: {  	p1 =	seq.s32 s10, $0x1;
	s10 =	sld [smem:$0x3FAF];
	_ =	sdelay $0x3  }
0x37: {  	[smem:$0x3FAF] =	sst s10  }
0x38: {  	s10 =	sld [smem:$0x3FB0]  }
0x39: {  	_ = 	snop;
	(pc) =	sbr.ind lr, $3  }
0x3a: {  	_ = 	snop  }
0x3b: {  	_ = 	snop  }
0x3c: {  	p2 =	seq.s32 s10, $0x1;
	s10 =	sld [smem:$0x3FAF]  }
0x3d: {  	_ =	shalt  }
0x3e: {  	_ =	shalt  }
0x3f: {  	_ =	shalt  }
0x40: {  	_ =	shalt  }
0x41: {  	_ =	shalt  }
0x42: {  	_ =	shalt  }
0x43: {  	_ =	shalt  }
0x44: {  	_ =	shalt  }
0x45: {  	_ =	shalt  }
0x46: {  	_ =	shalt  }
0x47: {  	_ =	shalt  }
0x48: {  	_ =	shalt  }
0x49: {  	_ =	shalt  }
0x4a: {  	_ =	shalt  }
0x4b: {  	_ =	shalt  }
0x4c: {  	_ =	shalt  }
0x4d: {  	_ =	shalt  }
0x4e: {  	_ =	shalt  }
0x4f: {  	_ =	shalt  }
0x50: {  	_ =	shalt  }
0x51: {  	_ =	shalt  }
0x52: {  	_ =	shalt  }
0x53: {  	_ =	shalt  }
0x54: {  	_ =	shalt  }
0x55: {  	_ =	shalt  }
0x56: {  	_ =	shalt  }
0x57: {  	_ =	shalt  }
0x58: {  	_ =	shalt  }
0x59: {  	_ =	shalt  }
0x5a: {  	_ =	shalt  }
0x5b: {  	_ =	shalt  }
0x5c: {  	_ =	shalt  }
0x5d: {  	_ =	shalt  }
0x5e: {  	_ =	shalt  }
0x5f: {  	_ =	shalt  }
0x60: {  	_ =	shalt  }
0x61: {  	_ =	shalt  }
0x62: {  	_ =	shalt  }
0x63: {  	_ =	shalt  }
0x64: {  	_ =	shalt  }
0x65: {  	_ =	shalt  }
0x66: {  	_ =	shalt  }
0x67: {  	_ =	shalt  }
0x68: {  	_ =	shalt  }
0x69: {  	_ =	shalt  }
0x6a: {  	_ =	shalt  }
0x6b: {  	_ =	shalt  }
0x6c: {  	_ =	shalt  }
0x6d: {  	_ =	shalt  }
0x6e: {  	_ =	shalt  }
0x6f: {  	_ =	shalt  }
0x70: {  	_ =	shalt  }
0x71: {  	_ =	shalt  }
0x72: {  	_ =	shalt  }
0x73: {  	_ =	shalt  }
0x74: {  	_ =	shalt  }
0x75: {  	_ =	shalt  }
0x76: {  	_ =	shalt  }
0x77: {  	_ =	shalt  }
0x78: {  	_ =	shalt  }
0x79: {  	_ =	shalt  }
0x7a: {  	_ =	shalt  }
0x7b: {  	_ =	shalt  }
0x7c: {  	_ =	shalt  }
0x7d: {  	_ =	shalt  }
0x7e: {  	_ =	shalt  }
0x7f: {  	_ =	shalt  }
0x80: {  	_ =	shalt  }
0x81: {  	_ =	shalt  }
0x82: {  	_ =	shalt  }
0x83: {  	_ =	shalt  }
0x84: {  	_ =	shalt  }
0x85: {  	_ =	shalt  }
0x86: {  	_ =	shalt  }
0x87: {  	_ =	shalt  }
.Lfunc_end0:
.L_simem_size_0:
called_computation_lowered:
.L_overlay_start_0:
0x88: {  	s2 =	sld [smem:$0x3FD9]  }
0x89: {  	s3 =	sld [smem:$0x3FFE];
	_ =	sdelay $0x1  }
0x8a: {  	s1 =	srdreg.scid  }
0x8b: {  	s0 =	sand.u32 $0x1, s1  }
0x8c: {  	s16 =	sshll.u32 s0, $0xA;
	s2 =	sadd.s32 s3, s2  }
0x8d: {  	s2 =	sadd.s32 s2, s16  }
0x8e: {  	[smem:$0x3FBB] =	sst s2  }
0x8f: {  	_ = 	snop  }
0x90: {  	(tm) =	ssettm $0x1  }
0x91: {  	s17 =	sld [smem:$0x3FFB];
	_ =	sdelay $0x3  }
0x92: {  	_ =	strace s17  }
0x93: {  	s2 =	sld [smem:$0x3FFC];
	_ =	sdelay $0x3  }
0x94: {  	_ =	strace s2  }
0x95: {  	s2 =	sld [smem:$0x3FFD];
	_ =	sdelay $0x3  }
0x96: {  	_ =	strace s2  }
0x97: {  	_ =	strace $0x8FFFFFFF  }
0x98: {  	s18 =	sld [smem:$0x3FDB];
	_ =	sdelay $0x1  }
0x99: {  	s19 =	simm.s32 $_scs_section_size  }
0x9a: {  	s4 =	simm.s32 $_size__tile_overlayer_lowered;
	s5 =	simm.s32 $_tile_overlayer_lowered  }
0x9b: {  	s22 =	simm.s32 $0x1BFF;
	s21 =	sshll.u32 s5, $0x1;
	s2 =	sadd.s32 s19, s18  }
0x9c: {  	s6 =	simm.s32 $0x0;
	s20 =	sshll.u32 s4, $0x1;
	s4 =	sadd.s32 s21, s2  }
0x9d: {  	[timem:s6], [sflag:s22] =	dma.local [hbm:s4], s20  }
0x9e: {  	_ =	swait.ge [sflag:s22], s20  }
0x9f: {  	s3 =	ssub.s32 $0x0, s20;
	[sflag:s22] =	ssyncset.done $0x0  }
0xa0: {  	[sflag:s22] =	ssyncadd.s32 s3;
	_ =	sdelay $0x1  }
0xa1: {  	s23 =	simm.s32 $0x1B8B  }
0xa2: {  	_ =	swait.ge [sflag:s23], $0x1  }
0xa3: {  	[sflag:s23] =	ssyncset.done $0x0  }
0xa4: {  	s25 =	simm.s32 $0x1B8E;
	s24 =	sld [smem:$0x3FFE];
	[sflag:s23] =	ssyncadd.s32 $0xFFFFFFFF  }
0xa5: {  	s26 =	simm.s32 $execute0_lowered;
	[smem:$0x3FD2] =	sst s25  }
0xa6: {  	s4 =	sshll.u32 s26, $0x1;
	_ =	strace $0x80000046;
	[dreg:$0x1] =	wrdreg $0xFFFFFFFF  }
0xa7: {  	s28 =	simm.s32 $_size_execute0_lowered;
	s2 =	sadd.s32 s2, s4;
	[dreg:$0x0] =	wrdreg $0x0  }
0xa8: {  	s4 =	sshll.u32 s28, $0x1;
	[dreg:$0x2] =	wrdreg s2  }
0xa9: {  	[dreg:$0x3] =	wrdreg s4  }
0xaa: {  	[dreg:$0x4] =	wrdreg $0xC0  }
0xab: {  	_ =	task [dreg:s6], $0x5FFFF  }
0xac: {  	[dreg:$0x1] =	wrdreg $0xFFFFFFFF  }
0xad: {  	[dreg:$0x0] =	wrdreg $0x60  }
0xae: {  	[dreg:$0x2] =	wrdreg s24  }
0xaf: {  	[dreg:$0x3] =	wrdreg $0xC4000  }
0xb0: {  	[dreg:$0x4] =	wrdreg $0x9  }
0xb1: {  	_ =	task.clear_ibuf [dreg:s6], $0x5FFFF;
	_ =	strace $0x90000046  }
0xb2: {  	s29 =	simm.s32 $0x9;
	_ =	strace $0x80000048  }
0xb3: {  	_ =	swait.ge [sflag:s29], $0x1  }
0xb4: {  	[sflag:s29] =	ssyncadd.s32 $0xFFFFFFFF  }
0xb5: {  	_ =	strace $0x90000048  }
0xb6: {  	_ =	sfence  }
0xb7: {  	s30 =	sld [smem:$0x0];
	_ =	sdelay $0x2  }
0xb8: {  	s31 =	sshll.u32 s1, $0xD;
	s1 =	sshrl.u32 s1, $0x2  }
0xb9: {  	s3 =	sand.u32 $0x4000, s31;
	s1 =	sadd.s32 s1, s30  }
0xba: {  	s0 =	sor.u32 s3, s0;
	s1 =	sshll.u32 s1, $0x11  }
0xbb: {  	s0 =	sor.u32 s1, s0  }
0xbc: {  	s0 =	sadd.s32 $0x8F2B, s0  }
0xbd: {  	[sflag:s0] =	ssyncadd.remote.s32 $0x1  }
0xbe: {  	_ =	sfence.sel $0xFFFF  }
0xbf: {  	[dreg:$0x0] =	wrdreg $0xFFFFFFFF;
	(pc) =	sbr.abs _section_cstart, $3  }
0xc0: {  	[dreg:$0x1] =	wrdreg $0xFFFFFFFF  }
0xc1: {  	_ =	task.clear_ibuf [dreg:s6], $0x2FFFF;
	_ =	strace $0x9FFFFFFF  }
0xc2: {  	(tm) =	ssettm $0x7FFFFFFF  }
0xc3: {  	_ =	shalt  }
tec
execute0_lowered:
.L_overlay_start_1:
0x0: {  	(tag) =	ssettag $0x1  }
0x1: {  	s0 =	rddreg [dreg:$0x0]  }
0x2: {  	s1 =	rddreg [dreg:$0x1];
	s2 =	simm.s32 $0x0  }
0x3: {  	s16 =	stileid.u32;
	s8 =	srdreg.scid;
	s28 =	simm.s32 $0x4400  }
0x4: {  	s29 =	simm.s32 $0x1;
	s30 =	simm.s32 $0x40;
	s31 =	simm.s32 $0x400  }
0x5: {  	[smem:$0x7FF] =	sst s2;
	s4 =	sadd.s32 $0x4F7A00, s0;
	s3 =	smul.u32 $0x2780, s16  }
0x6: {  	s5 =	sadd.s32 $0x51EC00, s0;
	s6 =	sadd.s32 $0xBC00, s0;
	s9 =	smul.u32 $0x4F000, s16  }
0x7: {  	s7 =	sadd.s32 $0x1E00, s0;
	s8 =	sand.u32 $0x1, s8;
	s14 =	smul.u32 $0x2710, s16  }
0x8: {  	s15 =	sadd.s32 $0x3CC00, s0;
	s20 =	sadd.s32 $0x128400, s1;
	p0 =	seq.s32 s16, $0xF  }
0x9: {  	s16 =	simm.s32 $0xA400;
	_ =	strace $0x80000047;
	s12 =	smul.u32 $0x27100, s8  }
0xa: {  	s11 =	ssub.s32 $0x2, s8;
	[dreg:$0x5] =	wrdreg s20;
	s8 =	smul.u32 $0x138800, s8  }
0xb: {  	s10 =	sadd.s32 s3, s0;
	s13 =	sshrl.u32 s11, $0x1;
	s9 =	sshrl.u32 s9, $0x2  }
0xc: {  	s0 =	sadd.s32 $0x3AA80, s0;
	s11 =	ssub.s32 s11, s13;
	s9 =	sadd.s32 s9, s1  }
0xd: {  	s19 =	sadd.s32 $0x15A00, s10;
	s21 =	sadd.s32 s14, s12;
	[dreg:$0x6] =	wrdreg s0  }
0xe: {  	s3 =	sadd.s32 s3, s12;
	s8 =	sshrl.u32 s8, $0x3;
	s10 =	simm.s32 $0x2400  }
0xf: {  	s12 =	simm.s32 $0x200;
	s13 =	simm.s32 $0x8400;
	[dreg:$0x3] =	wrdreg s9  }
0x10: {  	s14 =	simm.s32 $0x4;
	[dreg:$0x4] =	wrdreg s19;
	s22 =	sshrl.u32 s21, $0x3  }
0x11: {  	s23 =	sadd.s32 $0x40, s21;
	s25 =	sshll.u32 s21, $0x4;
	s3 =	sadd.s32 s15, s3  }
0x12: {  	s24 =	sadd.s32 s6, s22;
	s26 =	sshrl.u32 s23, $0x3;
	[dreg:$0xd] =	wrdreg s3  }
0x13: {  	s0 =	sadd.s32 s7, s22;
	s17 =	sadd.s32 s5, s25;
	[dreg:$0x7] =	wrdreg s24  }
0x14: {  	s20 =	sshll.u32 s23, $0x4;
	s22 =	sadd.s32 s15, s8;
	[dreg:$0x8] =	wrdreg s0  }
0x15: {  	s3 =	simm.s32 $0x180;
	[dreg:$0x9] =	wrdreg s17;
	s18 =	sadd.s32 s6, s26  }
0x16: {  	s8 =	simm.s32 $0x6400;
	s19 =	sadd.s32 s7, s26;
	[dreg:$0xa] =	wrdreg s18  }
0x17: {  	s15 =	simm.s32 $0x280;
	s0 =	sadd.s32 s5, s20;
	[dreg:$0xb] =	wrdreg s19  }
0x18: {  	s25 =	sadd.s32 $0x25080, s22;
	s26 =	smax.u32 s11, $0x1;
	[dreg:$0xc] =	wrdreg s0  }
0x19: {  	s18 =	sadd.s32 $0x80, s21;
	s19 =	sadd.s32 $0xC0, s21;
	s21 =	sadd.s32 $0x2700, s21  }
0x1a: {  	s11 =	simm.s32 $0x3;
	[dreg:$0x11] =	wrdreg s25;
	s9 =	sshrl.u32 s21, $0x3  }
0x1b: {  	[dreg:$0x12] =	wrdreg s26;
	s26 =	simm.s32 $0x100;
	s23 =	sadd.s32 s6, s9  }
0x1c: {  	s0 =	sshll.u32 s21, $0x4;
	s24 =	sadd.s32 s7, s9;
	[dreg:$0xe] =	wrdreg s23  }
0x1d: {  	s25 =	simm.s32 $0x0;
	s0 =	sadd.s32 s5, s0;
	[dreg:$0xf] =	wrdreg s24  }
0x1e: {  	s9 =	simm.s32 $0x2;
	[dreg:$0x10] =	wrdreg s0;
	s0 =	simm.s32 $0x80  }
.LBB2_1:
0x1f: {  	s17 =	rddreg [dreg:$0x5]  }
0x20: {  	s20 =	rddreg [dreg:$0x6];
	s21 =	sshrl.u32 @p0 s17, $0x3  }
0x21: {  	s17 =	simm.s32 @p0 $0x1FC7;
	[dreg:$0x13] =	wrdreg s21  }
0x22: {  	[spmem:s21], [sflag:s17] =	dma.local @p0 [hbm:s20], $0x2080  }
0x23: {  	s17 =	simm.s32 @p0 $0x7  }
0x24: {  	s20 =	stileid.u32;
	_ =	swait.ge @p0 [sflag:s17], $0x2080  }
0x25: {  	s20 =	sshll.u32 @!p0 s20, $0x6;
	[sflag:s17] =	ssyncset.done @p0 $0x0  }
0x26: {  	s20 =	sor.u32 @!p0 $0x1C07, s20;
	[sflag:s17] =	ssyncadd.s32 @p0 $0xFFFFDF80;
	s17 =	rddreg [dreg:$0x3]  }
0x27: {  	[dreg:$0x14] =	wrdreg s20  }
0x28: {  	s21 =	sshrl.u32 @!p0 s17, $0x3;
	s17 =	rddreg [dreg:$0x4]  }
0x29: {  	[dreg:$0x15] =	wrdreg s21  }
0x2a: {  	[spmem:s21], [sflag:s20] =	dma.local @!p0 [hbm:s17], $0x2780  }
0x2b: {  	s17 =	simm.s32 @!p0 $0x7  }
0x2c: {  	_ =	swait.ge @!p0 [sflag:s17], $0x2780  }
0x2d: {  	[sflag:s17] =	ssyncset.done @!p0 $0x0  }
0x2e: {  	[sflag:s17] =	ssyncadd.s32 @!p0 $0xFFFFD880  }
0x2f: {  	[bflag:$0x0] =	sbarrier.arrive $0xFFFF  }
0x30: {  	s24 =	rddreg [dreg:$0x7]  }
0x31: {  	[tilespmem:s2], [sflag:$0x1] =	stream.linear.gather [hbm4b:s24+s2], $0x40, $0x38;
	[tilespmem:$0x1FC80] =	vst v63  }
0x32: {  	s20 =	rddreg [dreg:$0x8]  }
0x33: {  	[tilespmem:s26], [sflag:$0x1] =	stream.linear.gather [hbm4b:s20+s2], $0x40, $0x38;
	[tilespmem:$0x1FC80] =	vst v63  }
0x34: {  	s21 =	rddreg [dreg:$0x9]  }
0x35: {  	[tilespmem:s28], [sflag:$0x1] =	stream.linear.gather [hbm4b:s21+s2], $0x2000, $0x38;
	[tilespmem:$0x1FC80] =	vst v63  }
0x36: {  	_ =	swait.ge [sflag:s29], $0x40  }
0x37: {  	[sflag:s29] =	ssyncset.done $0x0  }
0x38: {  	[sflag:s29] =	ssyncadd.s32 $0xFFFFFFC0  }
0x39: {  	_ =	swait.ge [sflag:s29], $0x40  }
0x3a: {  	[sflag:s29] =	ssyncset.done $0x0  }
0x3b: {  	[sflag:s29] =	ssyncadd.s32 $0xFFFFFFC0  }
0x3c: {  	_ =	swait.ge [sflag:s29], $0x2000  }
0x3d: {  	[sflag:s29] =	ssyncset.done $0x0  }
0x3e: {  	[sflag:s29] =	ssyncadd.s32 $0xFFFFE000  }
0x3f: {  	[tilespmem:s31], [sflag:$0x3] =	stream.indirect.gather [hbm4b:s4+s30], $0x80, s2, s30, $0xb8;
	[tilespmem:$0x1FC80] =	vst v63  }
0x40: {  	s22 =	rddreg [dreg:$0xa]  }
0x41: {  	[tilespmem:s0], [sflag:$0x2] =	stream.linear.gather [hbm4b:s22+s2], $0x40, $0x38;
	[tilespmem:$0x1FC80] =	vst v63  }
0x42: {  	s23 =	rddreg [dreg:$0xb]  }
0x43: {  	[tilespmem:s3], [sflag:$0x2] =	stream.linear.gather [hbm4b:s23+s2], $0x40, $0x38;
	[tilespmem:$0x1FC80] =	vst v63  }
0x44: {  	s17 =	simm.s32 $0x0;
	s24 =	rddreg [dreg:$0xc]  }
0x45: {  	[tilespmem:s8], [sflag:$0x2] =	stream.linear.gather [hbm4b:s24+s2], $0x2000, $0x38;
	[tilespmem:$0x1FC80] =	vst v63  }
.LBB2_2:
0x46: {  	_ =	swait.ge [sflag:s9], $0x40  }
0x47: {  	[sflag:s9] =	ssyncset.done $0x0  }
0x48: {  	[sflag:s9] =	ssyncadd.s32 $0xFFFFFFC0  }
0x49: {  	_ =	swait.ge [sflag:s9], $0x40  }
0x4a: {  	[sflag:s9] =	ssyncset.done $0x0  }
0x4b: {  	[sflag:s9] =	ssyncadd.s32 $0xFFFFFFC0  }
0x4c: {  	_ =	swait.ge [sflag:s9], $0x2000  }
0x4d: {  	[sflag:s9] =	ssyncset.done $0x0  }
0x4e: {  	[sflag:s9] =	ssyncadd.s32 $0xFFFFE000  }
0x4f: {  	[tilespmem:s10], [sflag:$0x4] =	stream.indirect.gather [hbm4b:s4+s30], $0x80, s0, s30, $0xb8;
	[tilespmem:$0x1FC80] =	vst v63  }
0x50: {  	_ =	swait.ge [sflag:s11], $0x2000  }
0x51: {  	p1 =	seq.s32 s17, $0x0;
	[sflag:s11] =	ssyncset.done $0x0  }
0x52: {  	s20 =	simm.s32 @!p1 $0x5;
	[sflag:s11] =	ssyncadd.s32 $0xFFFFE000  }
0x53: {  	_ =	swait.ge @!p1 [sflag:s20], $0x2000  }
0x54: {  	[sflag:s20] =	ssyncset.done @!p1 $0x0  }
0x55: {  	[sflag:s20] =	ssyncadd.s32 @!p1 $0xFFFFE000  }
0x56: {  	v0 =	vld [tilespmem:$0x100]  }
0x57: {  	v1 =	vld [tilespmem:$0x110]  }
0x58: {  	v2 =	vld [tilespmem:$0x120]  }
0x59: {  	v3 =	vld [tilespmem:$0x130];
	_ =	sdelay $0x1  }
0x5a: {  	[tilespmem:$0x200] =	vst v0  }
0x5b: {  	[tilespmem:$0x210] =	vst v1  }
0x5c: {  	s21 =	simm.s32 $0xFFFFFFFC;
	s23 =	simm.s32 $0x500;
	[tilespmem:$0x220] =	vst v2  }
0x5d: {  	s24 =	simm.s32 $0x4500;
	s22 =	simm.s32 $0x8500;
	s20 =	sshll.u32 s17, $0x7;
	[tilespmem:$0x230] =	vst v3  }
.LBB2_3:
0x5e: {  	v0 =	vld [tilespmem:s23+$0xFFFFFF00]  }
0x5f: {  	v1 =	vld [tilespmem:s24+$0xFFFFFF00]  }
0x60: {  	v2 =	vld [tilespmem:s23+$0xFFFFFF10]  }
0x61: {  	v3 =	vld [tilespmem:s24+$0xFFFFFF10]  }
0x62: {  	v4 =	vld [tilespmem:s23+$0xFFFFFF20]  }
0x63: {  	v5 =	vld [tilespmem:s24+$0xFFFFFF20]  }
0x64: {  	v6 =	vld [tilespmem:s23+$0xFFFFFF30]  }
0x65: {  	v7 =	vld [tilespmem:s24+$0xFFFFFF30]  }
0x66: {  	v8 =	vld [tilespmem:s23+$0xFFFFFF40]  }
0x67: {  	v9 =	vld [tilespmem:s24+$0xFFFFFF40]  }
0x68: {  	v10 =	vld [tilespmem:s23+$0xFFFFFF50]  }
0x69: {  	v11 =	vld [tilespmem:s24+$0xFFFFFF50]  }
0x6a: {  	v12 =	vld [tilespmem:s23+$0xFFFFFF60]  }
0x6b: {  	v13 =	vld [tilespmem:s24+$0xFFFFFF60];
	v0 =	vmul.f32 v1, v0  }
0x6c: {  	v61 =	vld [tilespmem:s23+$0xFFFFFF70];
	v2 =	vmul.f32 v3, v2  }
0x6d: {  	v62 =	vld [tilespmem:s24+$0xFFFFFF70];
	v4 =	vmul.f32 v5, v4;
	[tilespmem:s22+$0xFFFFFF00] =	vst v0  }
0x6e: {  	v63 =	vmul.f32 v7, v6;
	[tilespmem:s22+$0xFFFFFF10] =	vst v2  }
0x6f: {  	v9 =	vmul.f32 v9, v8;
	[tilespmem:s22+$0xFFFFFF20] =	vst v4  }
0x70: {  	v14 =	vmul.f32 v11, v10;
	[tilespmem:s22+$0xFFFFFF30] =	vst v63  }
0x71: {  	v15 =	vmul.f32 v13, v12;
	[tilespmem:s22+$0xFFFFFF40] =	vst v9  }
0x72: {  	v1 =	vmul.f32 v62, v61;
	[tilespmem:s22+$0xFFFFFF50] =	vst v14  }
0x73: {  	[tilespmem:s22+$0xFFFFFF60] =	vst v15  }
0x74: {  	[tilespmem:s22+$0xFFFFFF70] =	vst v1  }
0x75: {  	v0 =	vld [tilespmem:s23+$0xFFFFFF80]  }
0x76: {  	v1 =	vld [tilespmem:s24+$0xFFFFFF80]  }
0x77: {  	v2 =	vld [tilespmem:s23+$0xFFFFFF90]  }
0x78: {  	v16 =	vld [tilespmem:s24+$0xFFFFFF90]  }
0x79: {  	v4 =	vld [tilespmem:s23+$0xFFFFFFA0]  }
0x7a: {  	v17 =	vld [tilespmem:s24+$0xFFFFFFA0]  }
0x7b: {  	v18 =	vld [tilespmem:s23+$0xFFFFFFB0]  }
0x7c: {  	v19 =	vld [tilespmem:s24+$0xFFFFFFB0]  }
0x7d: {  	v20 =	vld [tilespmem:s23+$0xFFFFFFC0]  }
0x7e: {  	v21 =	vld [tilespmem:s24+$0xFFFFFFC0]  }
0x7f: {  	v22 =	vld [tilespmem:s23+$0xFFFFFFD0]  }
0x80: {  	v23 =	vld [tilespmem:s24+$0xFFFFFFD0]  }
0x81: {  	v24 =	vld [tilespmem:s23+$0xFFFFFFE0]  }
0x82: {  	v25 =	vld [tilespmem:s24+$0xFFFFFFE0];
	v0 =	vmul.f32 v1, v0  }
0x83: {  	v26 =	vld [tilespmem:s23+$0xFFFFFFF0];
	v2 =	vmul.f32 v16, v2  }
0x84: {  	v27 =	vld [tilespmem:s24+$0xFFFFFFF0];
	v4 =	vmul.f32 v17, v4;
	[tilespmem:s22+$0xFFFFFF80] =	vst v0  }
0x85: {  	v28 =	vmul.f32 v19, v18;
	[tilespmem:s22+$0xFFFFFF90] =	vst v2  }
0x86: {  	v29 =	vmul.f32 v21, v20;
	[tilespmem:s22+$0xFFFFFFA0] =	vst v4  }
0x87: {  	v30 =	vmul.f32 v23, v22;
	[tilespmem:s22+$0xFFFFFFB0] =	vst v28  }
0x88: {  	v31 =	vmul.f32 v25, v24;
	[tilespmem:s22+$0xFFFFFFC0] =	vst v29  }
0x89: {  	v1 =	vmul.f32 v27, v26;
	[tilespmem:s22+$0xFFFFFFD0] =	vst v30  }
0x8a: {  	[tilespmem:s22+$0xFFFFFFE0] =	vst v31  }
0x8b: {  	[tilespmem:s22+$0xFFFFFFF0] =	vst v1  }
0x8c: {  	v0 =	vld [tilespmem:s23+$0x0]  }
0x8d: {  	v1 =	vld [tilespmem:s24+$0x0]  }
0x8e: {  	v2 =	vld [tilespmem:s23+$0x10]  }
0x8f: {  	v32 =	vld [tilespmem:s24+$0x10]  }
0x90: {  	v4 =	vld [tilespmem:s23+$0x20]  }
0x91: {  	v33 =	vld [tilespmem:s24+$0x20]  }
0x92: {  	v34 =	vld [tilespmem:s23+$0x30]  }
0x93: {  	v35 =	vld [tilespmem:s24+$0x30]  }
0x94: {  	v36 =	vld [tilespmem:s23+$0x40]  }
0x95: {  	v37 =	vld [tilespmem:s24+$0x40]  }
0x96: {  	v38 =	vld [tilespmem:s23+$0x50]  }
0x97: {  	v39 =	vld [tilespmem:s24+$0x50]  }
0x98: {  	v40 =	vld [tilespmem:s23+$0x60]  }
0x99: {  	v41 =	vld [tilespmem:s24+$0x60];
	v0 =	vmul.f32 v1, v0  }
0x9a: {  	v42 =	vld [tilespmem:s23+$0x70];
	v2 =	vmul.f32 v32, v2  }
0x9b: {  	v43 =	vld [tilespmem:s24+$0x70];
	v4 =	vmul.f32 v33, v4;
	[tilespmem:s22+$0x0] =	vst v0  }
0x9c: {  	v44 =	vmul.f32 v35, v34;
	[tilespmem:s22+$0x10] =	vst v2  }
0x9d: {  	v45 =	vmul.f32 v37, v36;
	[tilespmem:s22+$0x20] =	vst v4  }
0x9e: {  	v46 =	vmul.f32 v39, v38;
	[tilespmem:s22+$0x30] =	vst v44  }
0x9f: {  	v47 =	vmul.f32 v41, v40;
	[tilespmem:s22+$0x40] =	vst v45  }
0xa0: {  	v1 =	vmul.f32 v43, v42;
	[tilespmem:s22+$0x50] =	vst v46  }
0xa1: {  	[tilespmem:s22+$0x60] =	vst v47  }
0xa2: {  	[tilespmem:s22+$0x70] =	vst v1  }
0xa3: {  	v0 =	vld [tilespmem:s23+$0x80]  }
0xa4: {  	v1 =	vld [tilespmem:s24+$0x80]  }
0xa5: {  	v2 =	vld [tilespmem:s23+$0x90]  }
0xa6: {  	v48 =	vld [tilespmem:s24+$0x90]  }
0xa7: {  	v4 =	vld [tilespmem:s23+$0xA0]  }
0xa8: {  	v49 =	vld [tilespmem:s24+$0xA0]  }
0xa9: {  	v50 =	vld [tilespmem:s23+$0xB0]  }
0xaa: {  	v51 =	vld [tilespmem:s24+$0xB0]  }
0xab: {  	v52 =	vld [tilespmem:s23+$0xC0]  }
0xac: {  	v53 =	vld [tilespmem:s24+$0xC0]  }
0xad: {  	v54 =	vld [tilespmem:s23+$0xD0]  }
0xae: {  	v55 =	vld [tilespmem:s24+$0xD0]  }
0xaf: {  	v56 =	vld [tilespmem:s23+$0xE0]  }
0xb0: {  	v57 =	vld [tilespmem:s24+$0xE0];
	v0 =	vmul.f32 v1, v0  }
0xb1: {  	v58 =	vld [tilespmem:s23+$0xF0];
	v2 =	vmul.f32 v48, v2  }
0xb2: {  	v59 =	vld [tilespmem:s24+$0xF0];
	v4 =	vmul.f32 v49, v4;
	[tilespmem:s22+$0x80] =	vst v0  }
0xb3: {  	s21 =	sadd.s32 $0x4, s21;
	v60 =	vmul.f32 v51, v50;
	[tilespmem:s22+$0x90] =	vst v2  }
0xb4: {  	p2 =	slt.u32 s21, $0x3C;
	v61 =	vmul.f32 v53, v52;
	[tilespmem:s22+$0xA0] =	vst v4  }
.Ltmp0:
0xb5: {  	v62 =	vmul.f32 v55, v54;
	[tilespmem:s22+$0xB0] =	vst v60;
	(pc) =	sbr.rel @p2 .LBB2_3-.Ltmp0, $4  }
0xb6: {  	v63 =	vmul.f32 v57, v56;
	[tilespmem:s22+$0xC0] =	vst v61  }
0xb7: {  	v1 =	vmul.f32 v59, v58;
	[tilespmem:s22+$0xD0] =	vst v62  }
0xb8: {  	[tilespmem:s22+$0xE0] =	vst v63  }
0xb9: {  	s23 =	sadd.s32 $0x200, s23;
	s24 =	sadd.s32 $0x200, s24;
	[tilespmem:s22+$0xF0] =	vst v1;
	s22 =	sadd.s32 $0x200, s22  }
0xba: {  	[spmem:s1] =	stream.indirect.scatter.add.f32 [tilespmem:s13], [sflag:$0x5], $0x80, s12, s30, $0xb8;
	[tilespmem:$0x1FC80] =	vst v63  }
0xbb: {  	s21 =	sadd.s32 s20, s18  }
0xbc: {  	s22 =	sshrl.u32 s21, $0x3  }
0xbd: {  	s23 =	sadd.s32 s6, s22  }
0xbe: {  	[tilespmem:s2], [sflag:$0x1] =	stream.linear.gather [hbm4b:s23+s2], $0x40, $0x38;
	[tilespmem:$0x1FC80] =	vst v63  }
0xbf: {  	s21 =	sshll.u32 s21, $0x4;
	s22 =	sadd.s32 s7, s22  }
0xc0: {  	[tilespmem:s26], [sflag:$0x1] =	stream.linear.gather [hbm4b:s22+s2], $0x40, $0x38;
	[tilespmem:$0x1FC80] =	vst v63  }
0xc1: {  	s21 =	sadd.s32 s5, s21  }
0xc2: {  	[tilespmem:s28], [sflag:$0x1] =	stream.linear.gather [hbm4b:s21+s2], $0x2000, $0x38;
	[tilespmem:$0x1FC80] =	vst v63  }
0xc3: {  	_ =	swait.ge [sflag:s29], $0x40  }
0xc4: {  	[sflag:s29] =	ssyncset.done $0x0  }
0xc5: {  	[sflag:s29] =	ssyncadd.s32 $0xFFFFFFC0  }
0xc6: {  	_ =	swait.ge [sflag:s29], $0x40  }
0xc7: {  	[sflag:s29] =	ssyncset.done $0x0  }
0xc8: {  	[sflag:s29] =	ssyncadd.s32 $0xFFFFFFC0  }
0xc9: {  	_ =	swait.ge [sflag:s29], $0x2000  }
0xca: {  	[sflag:s29] =	ssyncset.done $0x0  }
0xcb: {  	[sflag:s29] =	ssyncadd.s32 $0xFFFFE000  }
0xcc: {  	[tilespmem:s31], [sflag:$0x3] =	stream.indirect.gather [hbm4b:s4+s30], $0x80, s2, s30, $0xb8;
	[tilespmem:$0x1FC80] =	vst v63  }
0xcd: {  	_ =	swait.ge [sflag:s14], $0x2000  }
0xce: {  	[sflag:s14] =	ssyncset.done $0x0  }
0xcf: {  	s21 =	simm.s32 @!p1 $0x6;
	[sflag:s14] =	ssyncadd.s32 $0xFFFFE000  }
0xd0: {  	_ =	swait.ge @!p1 [sflag:s21], $0x2000  }
0xd1: {  	[sflag:s21] =	ssyncset.done @!p1 $0x0  }
0xd2: {  	[sflag:s21] =	ssyncadd.s32 @!p1 $0xFFFFE000  }
0xd3: {  	v0 =	vld [tilespmem:$0x180]  }
0xd4: {  	v1 =	vld [tilespmem:$0x190]  }
0xd5: {  	v2 =	vld [tilespmem:$0x1A0]  }
0xd6: {  	v3 =	vld [tilespmem:$0x1B0];
	_ =	sdelay $0x1  }
0xd7: {  	[tilespmem:$0x280] =	vst v0  }
0xd8: {  	[tilespmem:$0x290] =	vst v1  }
0xd9: {  	s24 =	simm.s32 $0x65F0;
	[tilespmem:$0x2A0] =	vst v2  }
0xda: {  	s23 =	simm.s32 $0xA5F0;
	s22 =	simm.s32 $0x25F0;
	s21 =	simm.s32 $0xFFFFFFFC;
	[tilespmem:$0x2B0] =	vst v3  }
.LBB2_5:
0xdb: {  	v0 =	vld [tilespmem:s22+$0xFFFFFE10]  }
0xdc: {  	v1 =	vld [tilespmem:s24+$0xFFFFFE10]  }
0xdd: {  	v2 =	vld [tilespmem:s22+$0xFFFFFE20]  }
0xde: {  	v3 =	vld [tilespmem:s24+$0xFFFFFE20]  }
0xdf: {  	v4 =	vld [tilespmem:s22+$0xFFFFFE30]  }
0xe0: {  	v5 =	vld [tilespmem:s24+$0xFFFFFE30]  }
0xe1: {  	v6 =	vld [tilespmem:s22+$0xFFFFFE40]  }
0xe2: {  	v7 =	vld [tilespmem:s24+$0xFFFFFE40]  }
0xe3: {  	v8 =	vld [tilespmem:s22+$0xFFFFFE50]  }
0xe4: {  	v9 =	vld [tilespmem:s24+$0xFFFFFE50]  }
0xe5: {  	v10 =	vld [tilespmem:s22+$0xFFFFFE60]  }
0xe6: {  	v11 =	vld [tilespmem:s24+$0xFFFFFE60]  }
0xe7: {  	v12 =	vld [tilespmem:s22+$0xFFFFFE70]  }
0xe8: {  	v13 =	vld [tilespmem:s24+$0xFFFFFE70];
	v0 =	vmul.f32 v1, v0  }
0xe9: {  	v61 =	vld [tilespmem:s22+$0xFFFFFE80];
	v2 =	vmul.f32 v3, v2  }
0xea: {  	v62 =	vld [tilespmem:s24+$0xFFFFFE80];
	v4 =	vmul.f32 v5, v4;
	[tilespmem:s23+$0xFFFFFE10] =	vst v0  }
0xeb: {  	v63 =	vmul.f32 v7, v6;
	[tilespmem:s23+$0xFFFFFE20] =	vst v2  }
0xec: {  	v9 =	vmul.f32 v9, v8;
	[tilespmem:s23+$0xFFFFFE30] =	vst v4  }
0xed: {  	v14 =	vmul.f32 v11, v10;
	[tilespmem:s23+$0xFFFFFE40] =	vst v63  }
0xee: {  	v15 =	vmul.f32 v13, v12;
	[tilespmem:s23+$0xFFFFFE50] =	vst v9  }
0xef: {  	v1 =	vmul.f32 v62, v61;
	[tilespmem:s23+$0xFFFFFE60] =	vst v14  }
0xf0: {  	[tilespmem:s23+$0xFFFFFE70] =	vst v15  }
0xf1: {  	[tilespmem:s23+$0xFFFFFE80] =	vst v1  }
0xf2: {  	v0 =	vld [tilespmem:s22+$0xFFFFFE90]  }
0xf3: {  	v1 =	vld [tilespmem:s24+$0xFFFFFE90]  }
0xf4: {  	v2 =	vld [tilespmem:s22+$0xFFFFFEA0]  }
0xf5: {  	v16 =	vld [tilespmem:s24+$0xFFFFFEA0]  }
0xf6: {  	v4 =	vld [tilespmem:s22+$0xFFFFFEB0]  }
0xf7: {  	v17 =	vld [tilespmem:s24+$0xFFFFFEB0]  }
0xf8: {  	v18 =	vld [tilespmem:s22+$0xFFFFFEC0]  }
0xf9: {  	v19 =	vld [tilespmem:s24+$0xFFFFFEC0]  }
0xfa: {  	v20 =	vld [tilespmem:s22+$0xFFFFFED0]  }
0xfb: {  	v21 =	vld [tilespmem:s24+$0xFFFFFED0]  }
0xfc: {  	v22 =	vld [tilespmem:s22+$0xFFFFFEE0]  }
0xfd: {  	v23 =	vld [tilespmem:s24+$0xFFFFFEE0]  }
0xfe: {  	v24 =	vld [tilespmem:s22+$0xFFFFFEF0]  }
0xff: {  	v25 =	vld [tilespmem:s24+$0xFFFFFEF0];
	v0 =	vmul.f32 v1, v0  }
0x100: {  	v26 =	vld [tilespmem:s22+$0xFFFFFF00];
	v2 =	vmul.f32 v16, v2  }
0x101: {  	v27 =	vld [tilespmem:s24+$0xFFFFFF00];
	v4 =	vmul.f32 v17, v4;
	[tilespmem:s23+$0xFFFFFE90] =	vst v0  }
0x102: {  	v28 =	vmul.f32 v19, v18;
	[tilespmem:s23+$0xFFFFFEA0] =	vst v2  }
0x103: {  	v29 =	vmul.f32 v21, v20;
	[tilespmem:s23+$0xFFFFFEB0] =	vst v4  }
0x104: {  	v30 =	vmul.f32 v23, v22;
	[tilespmem:s23+$0xFFFFFEC0] =	vst v28  }
0x105: {  	v31 =	vmul.f32 v25, v24;
	[tilespmem:s23+$0xFFFFFED0] =	vst v29  }
0x106: {  	v1 =	vmul.f32 v27, v26;
	[tilespmem:s23+$0xFFFFFEE0] =	vst v30  }
0x107: {  	[tilespmem:s23+$0xFFFFFEF0] =	vst v31  }
0x108: {  	[tilespmem:s23+$0xFFFFFF00] =	vst v1  }
0x109: {  	v0 =	vld [tilespmem:s22+$0xFFFFFF10]  }
0x10a: {  	v1 =	vld [tilespmem:s24+$0xFFFFFF10]  }
0x10b: {  	v2 =	vld [tilespmem:s22+$0xFFFFFF20]  }
0x10c: {  	v32 =	vld [tilespmem:s24+$0xFFFFFF20]  }
0x10d: {  	v4 =	vld [tilespmem:s22+$0xFFFFFF30]  }
0x10e: {  	v33 =	vld [tilespmem:s24+$0xFFFFFF30]  }
0x10f: {  	v34 =	vld [tilespmem:s22+$0xFFFFFF40]  }
0x110: {  	v35 =	vld [tilespmem:s24+$0xFFFFFF40]  }
0x111: {  	v36 =	vld [tilespmem:s22+$0xFFFFFF50]  }
0x112: {  	v37 =	vld [tilespmem:s24+$0xFFFFFF50]  }
0x113: {  	v38 =	vld [tilespmem:s22+$0xFFFFFF60]  }
0x114: {  	v39 =	vld [tilespmem:s24+$0xFFFFFF60]  }
0x115: {  	v40 =	vld [tilespmem:s22+$0xFFFFFF70]  }
0x116: {  	v41 =	vld [tilespmem:s24+$0xFFFFFF70];
	v0 =	vmul.f32 v1, v0  }
0x117: {  	v42 =	vld [tilespmem:s22+$0xFFFFFF80];
	v2 =	vmul.f32 v32, v2  }
0x118: {  	v43 =	vld [tilespmem:s24+$0xFFFFFF80];
	v4 =	vmul.f32 v33, v4;
	[tilespmem:s23+$0xFFFFFF10] =	vst v0  }
0x119: {  	v44 =	vmul.f32 v35, v34;
	[tilespmem:s23+$0xFFFFFF20] =	vst v2  }
0x11a: {  	v45 =	vmul.f32 v37, v36;
	[tilespmem:s23+$0xFFFFFF30] =	vst v4  }
0x11b: {  	v46 =	vmul.f32 v39, v38;
	[tilespmem:s23+$0xFFFFFF40] =	vst v44  }
0x11c: {  	v47 =	vmul.f32 v41, v40;
	[tilespmem:s23+$0xFFFFFF50] =	vst v45  }
0x11d: {  	v1 =	vmul.f32 v43, v42;
	[tilespmem:s23+$0xFFFFFF60] =	vst v46  }
0x11e: {  	[tilespmem:s23+$0xFFFFFF70] =	vst v47  }
0x11f: {  	[tilespmem:s23+$0xFFFFFF80] =	vst v1  }
0x120: {  	v0 =	vld [tilespmem:s22+$0xFFFFFF90]  }
0x121: {  	v1 =	vld [tilespmem:s24+$0xFFFFFF90]  }
0x122: {  	v2 =	vld [tilespmem:s22+$0xFFFFFFA0]  }
0x123: {  	v48 =	vld [tilespmem:s24+$0xFFFFFFA0]  }
0x124: {  	v4 =	vld [tilespmem:s22+$0xFFFFFFB0]  }
0x125: {  	v49 =	vld [tilespmem:s24+$0xFFFFFFB0]  }
0x126: {  	v50 =	vld [tilespmem:s22+$0xFFFFFFC0]  }
0x127: {  	v51 =	vld [tilespmem:s24+$0xFFFFFFC0]  }
0x128: {  	v52 =	vld [tilespmem:s22+$0xFFFFFFD0]  }
0x129: {  	v53 =	vld [tilespmem:s24+$0xFFFFFFD0]  }
0x12a: {  	v54 =	vld [tilespmem:s22+$0xFFFFFFE0]  }
0x12b: {  	v55 =	vld [tilespmem:s24+$0xFFFFFFE0]  }
0x12c: {  	v56 =	vld [tilespmem:s22+$0xFFFFFFF0]  }
0x12d: {  	v57 =	vld [tilespmem:s24+$0xFFFFFFF0];
	v0 =	vmul.f32 v1, v0  }
0x12e: {  	v58 =	vld [tilespmem:s22+$0x0];
	v2 =	vmul.f32 v48, v2  }
0x12f: {  	v59 =	vld [tilespmem:s24+$0x0];
	v4 =	vmul.f32 v49, v4;
	[tilespmem:s23+$0xFFFFFF90] =	vst v0  }
0x130: {  	s21 =	sadd.s32 $0x4, s21;
	v60 =	vmul.f32 v51, v50;
	[tilespmem:s23+$0xFFFFFFA0] =	vst v2  }
0x131: {  	p1 =	slt.u32 s21, $0x3C;
	v61 =	vmul.f32 v53, v52;
	[tilespmem:s23+$0xFFFFFFB0] =	vst v4  }
.Ltmp1:
0x132: {  	v62 =	vmul.f32 v55, v54;
	[tilespmem:s23+$0xFFFFFFC0] =	vst v60;
	(pc) =	sbr.rel @p1 .LBB2_5-.Ltmp1, $4  }
0x133: {  	v63 =	vmul.f32 v57, v56;
	[tilespmem:s23+$0xFFFFFFD0] =	vst v61  }
0x134: {  	v1 =	vmul.f32 v59, v58;
	[tilespmem:s23+$0xFFFFFFE0] =	vst v62  }
0x135: {  	[tilespmem:s23+$0xFFFFFFF0] =	vst v63  }
0x136: {  	s24 =	sadd.s32 $0x200, s24;
	s22 =	sadd.s32 $0x200, s22;
	[tilespmem:s23+$0x0] =	vst v1;
	s23 =	sadd.s32 $0x200, s23  }
0x137: {  	[spmem:s1] =	stream.indirect.scatter.add.f32 [tilespmem:s16], [sflag:$0x6], $0x80, s15, s30, $0xb8;
	[tilespmem:$0x1FC80] =	vst v63  }
0x138: {  	s20 =	sadd.s32 s20, s19  }
0x139: {  	s17 =	sadd.s32 $0x1, s17;
	s21 =	sshrl.u32 s20, $0x3  }
0x13a: {  	p1 =	sne.s32 s17, $0x4D;
	s22 =	sadd.s32 s6, s21  }
0x13b: {  	[tilespmem:s0], [sflag:$0x2] =	stream.linear.gather [hbm4b:s22+s2], $0x40, $0x38;
	[tilespmem:$0x1FC80] =	vst v63  }
.Ltmp2:
0x13c: {  	_ = 	snop;
	(pc) =	sbr.rel @p1 .LBB2_2-.Ltmp2, $4  }
0x13d: {  	s20 =	sshll.u32 s20, $0x4;
	s21 =	sadd.s32 s7, s21  }
0x13e: {  	[tilespmem:s3], [sflag:$0x2] =	stream.linear.gather [hbm4b:s21+s2], $0x40, $0x38;
	[tilespmem:$0x1FC80] =	vst v63  }
0x13f: {  	s20 =	sadd.s32 s5, s20  }
0x140: {  	[tilespmem:s8], [sflag:$0x2] =	stream.linear.gather [hbm4b:s20+s2], $0x2000, $0x38;
	[tilespmem:$0x1FC80] =	vst v63  }
0x141: {  	_ =	swait.ge [sflag:s9], $0x40  }
0x142: {  	[sflag:s9] =	ssyncset.done $0x0  }
0x143: {  	[sflag:s9] =	ssyncadd.s32 $0xFFFFFFC0  }
0x144: {  	_ =	swait.ge [sflag:s9], $0x40  }
0x145: {  	[sflag:s9] =	ssyncset.done $0x0  }
0x146: {  	[sflag:s9] =	ssyncadd.s32 $0xFFFFFFC0  }
0x147: {  	_ =	swait.ge [sflag:s9], $0x2000  }
0x148: {  	[sflag:s9] =	ssyncset.done $0x0  }
0x149: {  	[sflag:s9] =	ssyncadd.s32 $0xFFFFE000  }
0x14a: {  	[tilespmem:s10], [sflag:$0x4] =	stream.indirect.gather [hbm4b:s4+s30], $0x80, s0, s30, $0xb8;
	[tilespmem:$0x1FC80] =	vst v63  }
0x14b: {  	_ =	swait.ge [sflag:s11], $0x2000  }
0x14c: {  	[sflag:s11] =	ssyncset.done $0x0  }
0x14d: {  	s23 =	simm.s32 $0x5;
	[sflag:s11] =	ssyncadd.s32 $0xFFFFE000  }
0x14e: {  	_ =	swait.ge [sflag:s23], $0x2000  }
0x14f: {  	[sflag:s23] =	ssyncset.done $0x0  }
0x150: {  	[sflag:s23] =	ssyncadd.s32 $0xFFFFE000  }
0x151: {  	v0 =	vld [tilespmem:$0x100]  }
0x152: {  	v1 =	vld [tilespmem:$0x110]  }
0x153: {  	v2 =	vld [tilespmem:$0x120]  }
0x154: {  	v3 =	vld [tilespmem:$0x130];
	_ =	sdelay $0x1  }
0x155: {  	[tilespmem:$0x200] =	vst v0  }
0x156: {  	[tilespmem:$0x210] =	vst v1  }
0x157: {  	s17 =	simm.s32 $0xFFFFFFFC;
	[tilespmem:$0x220] =	vst v2  }
0x158: {  	s20 =	simm.s32 $0x500;
	s21 =	simm.s32 $0x4500;
	s22 =	simm.s32 $0x8500;
	[tilespmem:$0x230] =	vst v3  }
.LBB2_8:
0x159: {  	v0 =	vld [tilespmem:s20+$0xFFFFFF00]  }
0x15a: {  	v1 =	vld [tilespmem:s21+$0xFFFFFF00]  }
0x15b: {  	v2 =	vld [tilespmem:s20+$0xFFFFFF10]  }
0x15c: {  	v3 =	vld [tilespmem:s21+$0xFFFFFF10]  }
0x15d: {  	v4 =	vld [tilespmem:s20+$0xFFFFFF20]  }
0x15e: {  	v5 =	vld [tilespmem:s21+$0xFFFFFF20]  }
0x15f: {  	v6 =	vld [tilespmem:s20+$0xFFFFFF30]  }
0x160: {  	v7 =	vld [tilespmem:s21+$0xFFFFFF30]  }
0x161: {  	v8 =	vld [tilespmem:s20+$0xFFFFFF40]  }
0x162: {  	v9 =	vld [tilespmem:s21+$0xFFFFFF40]  }
0x163: {  	v10 =	vld [tilespmem:s20+$0xFFFFFF50]  }
0x164: {  	v11 =	vld [tilespmem:s21+$0xFFFFFF50]  }
0x165: {  	v12 =	vld [tilespmem:s20+$0xFFFFFF60]  }
0x166: {  	v13 =	vld [tilespmem:s21+$0xFFFFFF60];
	v0 =	vmul.f32 v1, v0  }
0x167: {  	v61 =	vld [tilespmem:s20+$0xFFFFFF70];
	v2 =	vmul.f32 v3, v2  }
0x168: {  	v62 =	vld [tilespmem:s21+$0xFFFFFF70];
	v4 =	vmul.f32 v5, v4;
	[tilespmem:s22+$0xFFFFFF00] =	vst v0  }
0x169: {  	v63 =	vmul.f32 v7, v6;
	[tilespmem:s22+$0xFFFFFF10] =	vst v2  }
0x16a: {  	v9 =	vmul.f32 v9, v8;
	[tilespmem:s22+$0xFFFFFF20] =	vst v4  }
0x16b: {  	v14 =	vmul.f32 v11, v10;
	[tilespmem:s22+$0xFFFFFF30] =	vst v63  }
0x16c: {  	v15 =	vmul.f32 v13, v12;
	[tilespmem:s22+$0xFFFFFF40] =	vst v9  }
0x16d: {  	v1 =	vmul.f32 v62, v61;
	[tilespmem:s22+$0xFFFFFF50] =	vst v14  }
0x16e: {  	[tilespmem:s22+$0xFFFFFF60] =	vst v15  }
0x16f: {  	[tilespmem:s22+$0xFFFFFF70] =	vst v1  }
0x170: {  	v0 =	vld [tilespmem:s20+$0xFFFFFF80]  }
0x171: {  	v1 =	vld [tilespmem:s21+$0xFFFFFF80]  }
0x172: {  	v2 =	vld [tilespmem:s20+$0xFFFFFF90]  }
0x173: {  	v16 =	vld [tilespmem:s21+$0xFFFFFF90]  }
0x174: {  	v4 =	vld [tilespmem:s20+$0xFFFFFFA0]  }
0x175: {  	v17 =	vld [tilespmem:s21+$0xFFFFFFA0]  }
0x176: {  	v18 =	vld [tilespmem:s20+$0xFFFFFFB0]  }
0x177: {  	v19 =	vld [tilespmem:s21+$0xFFFFFFB0]  }
0x178: {  	v20 =	vld [tilespmem:s20+$0xFFFFFFC0]  }
0x179: {  	v21 =	vld [tilespmem:s21+$0xFFFFFFC0]  }
0x17a: {  	v22 =	vld [tilespmem:s20+$0xFFFFFFD0]  }
0x17b: {  	v23 =	vld [tilespmem:s21+$0xFFFFFFD0]  }
0x17c: {  	v24 =	vld [tilespmem:s20+$0xFFFFFFE0]  }
0x17d: {  	v25 =	vld [tilespmem:s21+$0xFFFFFFE0];
	v0 =	vmul.f32 v1, v0  }
0x17e: {  	v26 =	vld [tilespmem:s20+$0xFFFFFFF0];
	v2 =	vmul.f32 v16, v2  }
0x17f: {  	v27 =	vld [tilespmem:s21+$0xFFFFFFF0];
	v4 =	vmul.f32 v17, v4;
	[tilespmem:s22+$0xFFFFFF80] =	vst v0  }
0x180: {  	v28 =	vmul.f32 v19, v18;
	[tilespmem:s22+$0xFFFFFF90] =	vst v2  }
0x181: {  	v29 =	vmul.f32 v21, v20;
	[tilespmem:s22+$0xFFFFFFA0] =	vst v4  }
0x182: {  	v30 =	vmul.f32 v23, v22;
	[tilespmem:s22+$0xFFFFFFB0] =	vst v28  }
0x183: {  	v31 =	vmul.f32 v25, v24;
	[tilespmem:s22+$0xFFFFFFC0] =	vst v29  }
0x184: {  	v1 =	vmul.f32 v27, v26;
	[tilespmem:s22+$0xFFFFFFD0] =	vst v30  }
0x185: {  	[tilespmem:s22+$0xFFFFFFE0] =	vst v31  }
0x186: {  	[tilespmem:s22+$0xFFFFFFF0] =	vst v1  }
0x187: {  	v0 =	vld [tilespmem:s20+$0x0]  }
0x188: {  	v1 =	vld [tilespmem:s21+$0x0]  }
0x189: {  	v2 =	vld [tilespmem:s20+$0x10]  }
0x18a: {  	v32 =	vld [tilespmem:s21+$0x10]  }
0x18b: {  	v4 =	vld [tilespmem:s20+$0x20]  }
0x18c: {  	v33 =	vld [tilespmem:s21+$0x20]  }
0x18d: {  	v34 =	vld [tilespmem:s20+$0x30]  }
0x18e: {  	v35 =	vld [tilespmem:s21+$0x30]  }
0x18f: {  	v36 =	vld [tilespmem:s20+$0x40]  }
0x190: {  	v37 =	vld [tilespmem:s21+$0x40]  }
0x191: {  	v38 =	vld [tilespmem:s20+$0x50]  }
0x192: {  	v39 =	vld [tilespmem:s21+$0x50]  }
0x193: {  	v40 =	vld [tilespmem:s20+$0x60]  }
0x194: {  	v41 =	vld [tilespmem:s21+$0x60];
	v0 =	vmul.f32 v1, v0  }
0x195: {  	v42 =	vld [tilespmem:s20+$0x70];
	v2 =	vmul.f32 v32, v2  }
0x196: {  	v43 =	vld [tilespmem:s21+$0x70];
	v4 =	vmul.f32 v33, v4;
	[tilespmem:s22+$0x0] =	vst v0  }
0x197: {  	v44 =	vmul.f32 v35, v34;
	[tilespmem:s22+$0x10] =	vst v2  }
0x198: {  	v45 =	vmul.f32 v37, v36;
	[tilespmem:s22+$0x20] =	vst v4  }
0x199: {  	v46 =	vmul.f32 v39, v38;
	[tilespmem:s22+$0x30] =	vst v44  }
0x19a: {  	v47 =	vmul.f32 v41, v40;
	[tilespmem:s22+$0x40] =	vst v45  }
0x19b: {  	v1 =	vmul.f32 v43, v42;
	[tilespmem:s22+$0x50] =	vst v46  }
0x19c: {  	[tilespmem:s22+$0x60] =	vst v47  }
0x19d: {  	[tilespmem:s22+$0x70] =	vst v1  }
0x19e: {  	v0 =	vld [tilespmem:s20+$0x80]  }
0x19f: {  	v1 =	vld [tilespmem:s21+$0x80]  }
0x1a0: {  	v2 =	vld [tilespmem:s20+$0x90]  }
0x1a1: {  	v48 =	vld [tilespmem:s21+$0x90]  }
0x1a2: {  	v4 =	vld [tilespmem:s20+$0xA0]  }
0x1a3: {  	v49 =	vld [tilespmem:s21+$0xA0]  }
0x1a4: {  	v50 =	vld [tilespmem:s20+$0xB0]  }
0x1a5: {  	v51 =	vld [tilespmem:s21+$0xB0]  }
0x1a6: {  	v52 =	vld [tilespmem:s20+$0xC0]  }
0x1a7: {  	v53 =	vld [tilespmem:s21+$0xC0]  }
0x1a8: {  	v54 =	vld [tilespmem:s20+$0xD0]  }
0x1a9: {  	v55 =	vld [tilespmem:s21+$0xD0]  }
0x1aa: {  	v56 =	vld [tilespmem:s20+$0xE0]  }
0x1ab: {  	v57 =	vld [tilespmem:s21+$0xE0];
	v0 =	vmul.f32 v1, v0  }
0x1ac: {  	v58 =	vld [tilespmem:s20+$0xF0];
	v2 =	vmul.f32 v48, v2  }
0x1ad: {  	v59 =	vld [tilespmem:s21+$0xF0];
	v4 =	vmul.f32 v49, v4;
	[tilespmem:s22+$0x80] =	vst v0  }
0x1ae: {  	s17 =	sadd.s32 $0x4, s17;
	v60 =	vmul.f32 v51, v50;
	[tilespmem:s22+$0x90] =	vst v2  }
0x1af: {  	p1 =	slt.u32 s17, $0x3C;
	v61 =	vmul.f32 v53, v52;
	[tilespmem:s22+$0xA0] =	vst v4  }
.Ltmp3:
0x1b0: {  	v62 =	vmul.f32 v55, v54;
	[tilespmem:s22+$0xB0] =	vst v60;
	(pc) =	sbr.rel @p1 .LBB2_8-.Ltmp3, $4  }
0x1b1: {  	v63 =	vmul.f32 v57, v56;
	[tilespmem:s22+$0xC0] =	vst v61  }
0x1b2: {  	v1 =	vmul.f32 v59, v58;
	[tilespmem:s22+$0xD0] =	vst v62  }
0x1b3: {  	[tilespmem:s22+$0xE0] =	vst v63  }
0x1b4: {  	s20 =	sadd.s32 $0x200, s20;
	s21 =	sadd.s32 $0x200, s21;
	[tilespmem:s22+$0xF0] =	vst v1;
	s22 =	sadd.s32 $0x200, s22  }
0x1b5: {  	[spmem:s1] =	stream.indirect.scatter.add.f32 [tilespmem:s13], [sflag:$0x5], $0x80, s12, s30, $0xb8;
	[tilespmem:$0x1FC80] =	vst v63  }
0x1b6: {  	_ =	swait.ge [sflag:s14], $0x2000  }
0x1b7: {  	[sflag:s14] =	ssyncset.done $0x0  }
0x1b8: {  	s24 =	simm.s32 $0x6;
	[sflag:s14] =	ssyncadd.s32 $0xFFFFE000  }
0x1b9: {  	_ =	swait.ge [sflag:s24], $0x2000  }
0x1ba: {  	[sflag:s24] =	ssyncset.done $0x0  }
0x1bb: {  	[sflag:s24] =	ssyncadd.s32 $0xFFFFE000  }
0x1bc: {  	v0 =	vld [tilespmem:$0x180]  }
0x1bd: {  	v1 =	vld [tilespmem:$0x190]  }
0x1be: {  	v2 =	vld [tilespmem:$0x1A0]  }
0x1bf: {  	v3 =	vld [tilespmem:$0x1B0];
	_ =	sdelay $0x1  }
0x1c0: {  	[tilespmem:$0x280] =	vst v0  }
0x1c1: {  	[tilespmem:$0x290] =	vst v1  }
0x1c2: {  	s17 =	simm.s32 $0xFFFFFFFC;
	[tilespmem:$0x2A0] =	vst v2  }
0x1c3: {  	s20 =	simm.s32 $0xA5F0;
	s21 =	simm.s32 $0x65F0;
	s22 =	simm.s32 $0x25F0;
	[tilespmem:$0x2B0] =	vst v3  }
.LBB2_10:
0x1c4: {  	v0 =	vld [tilespmem:s22+$0xFFFFFE10]  }
0x1c5: {  	v1 =	vld [tilespmem:s21+$0xFFFFFE10]  }
0x1c6: {  	v2 =	vld [tilespmem:s22+$0xFFFFFE20]  }
0x1c7: {  	v3 =	vld [tilespmem:s21+$0xFFFFFE20]  }
0x1c8: {  	v4 =	vld [tilespmem:s22+$0xFFFFFE30]  }
0x1c9: {  	v5 =	vld [tilespmem:s21+$0xFFFFFE30]  }
0x1ca: {  	v6 =	vld [tilespmem:s22+$0xFFFFFE40]  }
0x1cb: {  	v7 =	vld [tilespmem:s21+$0xFFFFFE40]  }
0x1cc: {  	v8 =	vld [tilespmem:s22+$0xFFFFFE50]  }
0x1cd: {  	v9 =	vld [tilespmem:s21+$0xFFFFFE50]  }
0x1ce: {  	v10 =	vld [tilespmem:s22+$0xFFFFFE60]  }
0x1cf: {  	v11 =	vld [tilespmem:s21+$0xFFFFFE60]  }
0x1d0: {  	v12 =	vld [tilespmem:s22+$0xFFFFFE70]  }
0x1d1: {  	v13 =	vld [tilespmem:s21+$0xFFFFFE70];
	v0 =	vmul.f32 v1, v0  }
0x1d2: {  	v61 =	vld [tilespmem:s22+$0xFFFFFE80];
	v2 =	vmul.f32 v3, v2  }
0x1d3: {  	v62 =	vld [tilespmem:s21+$0xFFFFFE80];
	v4 =	vmul.f32 v5, v4;
	[tilespmem:s20+$0xFFFFFE10] =	vst v0  }
0x1d4: {  	v63 =	vmul.f32 v7, v6;
	[tilespmem:s20+$0xFFFFFE20] =	vst v2  }
0x1d5: {  	v9 =	vmul.f32 v9, v8;
	[tilespmem:s20+$0xFFFFFE30] =	vst v4  }
0x1d6: {  	v14 =	vmul.f32 v11, v10;
	[tilespmem:s20+$0xFFFFFE40] =	vst v63  }
0x1d7: {  	v15 =	vmul.f32 v13, v12;
	[tilespmem:s20+$0xFFFFFE50] =	vst v9  }
0x1d8: {  	v1 =	vmul.f32 v62, v61;
	[tilespmem:s20+$0xFFFFFE60] =	vst v14  }
0x1d9: {  	[tilespmem:s20+$0xFFFFFE70] =	vst v15  }
0x1da: {  	[tilespmem:s20+$0xFFFFFE80] =	vst v1  }
0x1db: {  	v0 =	vld [tilespmem:s22+$0xFFFFFE90]  }
0x1dc: {  	v1 =	vld [tilespmem:s21+$0xFFFFFE90]  }
0x1dd: {  	v2 =	vld [tilespmem:s22+$0xFFFFFEA0]  }
0x1de: {  	v16 =	vld [tilespmem:s21+$0xFFFFFEA0]  }
0x1df: {  	v4 =	vld [tilespmem:s22+$0xFFFFFEB0]  }
0x1e0: {  	v17 =	vld [tilespmem:s21+$0xFFFFFEB0]  }
0x1e1: {  	v18 =	vld [tilespmem:s22+$0xFFFFFEC0]  }
0x1e2: {  	v19 =	vld [tilespmem:s21+$0xFFFFFEC0]  }
0x1e3: {  	v20 =	vld [tilespmem:s22+$0xFFFFFED0]  }
0x1e4: {  	v21 =	vld [tilespmem:s21+$0xFFFFFED0]  }
0x1e5: {  	v22 =	vld [tilespmem:s22+$0xFFFFFEE0]  }
0x1e6: {  	v23 =	vld [tilespmem:s21+$0xFFFFFEE0]  }
0x1e7: {  	v24 =	vld [tilespmem:s22+$0xFFFFFEF0]  }
0x1e8: {  	v25 =	vld [tilespmem:s21+$0xFFFFFEF0];
	v0 =	vmul.f32 v1, v0  }
0x1e9: {  	v26 =	vld [tilespmem:s22+$0xFFFFFF00];
	v2 =	vmul.f32 v16, v2  }
0x1ea: {  	v27 =	vld [tilespmem:s21+$0xFFFFFF00];
	v4 =	vmul.f32 v17, v4;
	[tilespmem:s20+$0xFFFFFE90] =	vst v0  }
0x1eb: {  	v28 =	vmul.f32 v19, v18;
	[tilespmem:s20+$0xFFFFFEA0] =	vst v2  }
0x1ec: {  	v29 =	vmul.f32 v21, v20;
	[tilespmem:s20+$0xFFFFFEB0] =	vst v4  }
0x1ed: {  	v30 =	vmul.f32 v23, v22;
	[tilespmem:s20+$0xFFFFFEC0] =	vst v28  }
0x1ee: {  	v31 =	vmul.f32 v25, v24;
	[tilespmem:s20+$0xFFFFFED0] =	vst v29  }
0x1ef: {  	v1 =	vmul.f32 v27, v26;
	[tilespmem:s20+$0xFFFFFEE0] =	vst v30  }
0x1f0: {  	[tilespmem:s20+$0xFFFFFEF0] =	vst v31  }
0x1f1: {  	[tilespmem:s20+$0xFFFFFF00] =	vst v1  }
0x1f2: {  	v0 =	vld [tilespmem:s22+$0xFFFFFF10]  }
0x1f3: {  	v1 =	vld [tilespmem:s21+$0xFFFFFF10]  }
0x1f4: {  	v2 =	vld [tilespmem:s22+$0xFFFFFF20]  }
0x1f5: {  	v32 =	vld [tilespmem:s21+$0xFFFFFF20]  }
0x1f6: {  	v4 =	vld [tilespmem:s22+$0xFFFFFF30]  }
0x1f7: {  	v33 =	vld [tilespmem:s21+$0xFFFFFF30]  }
0x1f8: {  	v34 =	vld [tilespmem:s22+$0xFFFFFF40]  }
0x1f9: {  	v35 =	vld [tilespmem:s21+$0xFFFFFF40]  }
0x1fa: {  	v36 =	vld [tilespmem:s22+$0xFFFFFF50]  }
0x1fb: {  	v37 =	vld [tilespmem:s21+$0xFFFFFF50]  }
0x1fc: {  	v38 =	vld [tilespmem:s22+$0xFFFFFF60]  }
0x1fd: {  	v39 =	vld [tilespmem:s21+$0xFFFFFF60]  }
0x1fe: {  	v40 =	vld [tilespmem:s22+$0xFFFFFF70]  }
0x1ff: {  	v41 =	vld [tilespmem:s21+$0xFFFFFF70];
	v0 =	vmul.f32 v1, v0  }
0x200: {  	v42 =	vld [tilespmem:s22+$0xFFFFFF80];
	v2 =	vmul.f32 v32, v2  }
0x201: {  	v43 =	vld [tilespmem:s21+$0xFFFFFF80];
	v4 =	vmul.f32 v33, v4;
	[tilespmem:s20+$0xFFFFFF10] =	vst v0  }
0x202: {  	v44 =	vmul.f32 v35, v34;
	[tilespmem:s20+$0xFFFFFF20] =	vst v2  }
0x203: {  	v45 =	vmul.f32 v37, v36;
	[tilespmem:s20+$0xFFFFFF30] =	vst v4  }
0x204: {  	v46 =	vmul.f32 v39, v38;
	[tilespmem:s20+$0xFFFFFF40] =	vst v44  }
0x205: {  	v47 =	vmul.f32 v41, v40;
	[tilespmem:s20+$0xFFFFFF50] =	vst v45  }
0x206: {  	v1 =	vmul.f32 v43, v42;
	[tilespmem:s20+$0xFFFFFF60] =	vst v46  }
0x207: {  	[tilespmem:s20+$0xFFFFFF70] =	vst v47  }
0x208: {  	[tilespmem:s20+$0xFFFFFF80] =	vst v1  }
0x209: {  	v0 =	vld [tilespmem:s22+$0xFFFFFF90]  }
0x20a: {  	v1 =	vld [tilespmem:s21+$0xFFFFFF90]  }
0x20b: {  	v2 =	vld [tilespmem:s22+$0xFFFFFFA0]  }
0x20c: {  	v48 =	vld [tilespmem:s21+$0xFFFFFFA0]  }
0x20d: {  	v4 =	vld [tilespmem:s22+$0xFFFFFFB0]  }
0x20e: {  	v49 =	vld [tilespmem:s21+$0xFFFFFFB0]  }
0x20f: {  	v50 =	vld [tilespmem:s22+$0xFFFFFFC0]  }
0x210: {  	v51 =	vld [tilespmem:s21+$0xFFFFFFC0]  }
0x211: {  	v52 =	vld [tilespmem:s22+$0xFFFFFFD0]  }
0x212: {  	v53 =	vld [tilespmem:s21+$0xFFFFFFD0]  }
0x213: {  	v54 =	vld [tilespmem:s22+$0xFFFFFFE0]  }
0x214: {  	v55 =	vld [tilespmem:s21+$0xFFFFFFE0]  }
0x215: {  	v56 =	vld [tilespmem:s22+$0xFFFFFFF0]  }
0x216: {  	v57 =	vld [tilespmem:s21+$0xFFFFFFF0];
	v0 =	vmul.f32 v1, v0  }
0x217: {  	v58 =	vld [tilespmem:s22+$0x0];
	v2 =	vmul.f32 v48, v2  }
0x218: {  	v59 =	vld [tilespmem:s21+$0x0];
	v4 =	vmul.f32 v49, v4;
	[tilespmem:s20+$0xFFFFFF90] =	vst v0  }
0x219: {  	s17 =	sadd.s32 $0x4, s17;
	v60 =	vmul.f32 v51, v50;
	[tilespmem:s20+$0xFFFFFFA0] =	vst v2  }
0x21a: {  	p1 =	slt.u32 s17, $0x3C;
	v61 =	vmul.f32 v53, v52;
	[tilespmem:s20+$0xFFFFFFB0] =	vst v4  }
.Ltmp4:
0x21b: {  	v62 =	vmul.f32 v55, v54;
	[tilespmem:s20+$0xFFFFFFC0] =	vst v60;
	(pc) =	sbr.rel @p1 .LBB2_10-.Ltmp4, $4  }
0x21c: {  	v63 =	vmul.f32 v57, v56;
	[tilespmem:s20+$0xFFFFFFD0] =	vst v61  }
0x21d: {  	v1 =	vmul.f32 v59, v58;
	[tilespmem:s20+$0xFFFFFFE0] =	vst v62  }
0x21e: {  	[tilespmem:s20+$0xFFFFFFF0] =	vst v63  }
0x21f: {  	s21 =	sadd.s32 $0x200, s21;
	s22 =	sadd.s32 $0x200, s22;
	[tilespmem:s20+$0x0] =	vst v1;
	s20 =	sadd.s32 $0x200, s20  }
0x220: {  	[spmem:s1] =	stream.indirect.scatter.add.f32 [tilespmem:s16], [sflag:$0x6], $0x80, s15, s30, $0xb8;
	[tilespmem:$0x1FC80] =	vst v63  }
0x221: {  	_ =	swait.ge [sflag:s23], $0x2000  }
0x222: {  	[sflag:s23] =	ssyncset.done $0x0  }
0x223: {  	[sflag:s23] =	ssyncadd.s32 $0xFFFFE000  }
0x224: {  	_ =	swait.ge [sflag:s24], $0x2000  }
0x225: {  	s20 =	simm.s32 $0x300;
	[sflag:s24] =	ssyncset.done $0x0  }
0x226: {  	s23 =	simm.s32 $0x7;
	s17 =	rddreg [dreg:$0xe];
	[sflag:s24] =	ssyncadd.s32 $0xFFFFE000  }
0x227: {  	[tilespmem:s20], [sflag:$0x7] =	stream.linear.gather [hbm4b:s17+s2], $0x10, $0x38;
	[tilespmem:$0x1FC80] =	vst v63  }
0x228: {  	_ =	swait.ge [sflag:s23], $0x10  }
0x229: {  	[sflag:s23] =	ssyncset.done $0x0  }
0x22a: {  	s24 =	simm.s32 $0x380;
	s22 =	rddreg [dreg:$0xf];
	[sflag:s23] =	ssyncadd.s32 $0xFFFFFFF0  }
0x22b: {  	[tilespmem:s24], [sflag:$0x7] =	stream.linear.gather [hbm4b:s22+s2], $0x10, $0x38;
	[tilespmem:$0x1FC80] =	vst v63  }
0x22c: {  	_ =	swait.ge [sflag:s23], $0x10  }
0x22d: {  	[sflag:s23] =	ssyncset.done $0x0  }
0x22e: {  	s21 =	rddreg [dreg:$0x10];
	[sflag:s23] =	ssyncadd.s32 $0xFFFFFFF0  }
0x22f: {  	[tilespmem:s28], [sflag:$0x7] =	stream.linear.gather [hbm4b:s21+s2], $0x800, $0x38;
	[tilespmem:$0x1FC80] =	vst v63  }
0x230: {  	_ =	swait.ge [sflag:s23], $0x800  }
0x231: {  	[sflag:s23] =	ssyncset.done $0x0  }
0x232: {  	s22 =	simm.s32 $0x10;
	[sflag:s23] =	ssyncadd.s32 $0xFFFFF800  }
0x233: {  	[tilespmem:s31], [sflag:$0x3] =	stream.indirect.gather [hbm4b:s4+s22], $0x80, s20, s22, $0xb8;
	[tilespmem:$0x1FC80] =	vst v63  }
0x234: {  	_ =	swait.ge [sflag:s11], $0x800  }
0x235: {  	s17 =	simm.s32 $0xFFFFFFFC;
	s21 =	simm.s32 $0x4500;
	[sflag:s11] =	ssyncset.done $0x0  }
0x236: {  	s20 =	simm.s32 $0x500;
	s22 =	simm.s32 $0x8500;
	[sflag:s11] =	ssyncadd.s32 $0xFFFFF800  }
.LBB2_12:
0x237: {  	v0 =	vld [tilespmem:s20+$0xFFFFFF00]  }
0x238: {  	v1 =	vld [tilespmem:s21+$0xFFFFFF00]  }
0x239: {  	v2 =	vld [tilespmem:s20+$0xFFFFFF10]  }
0x23a: {  	v3 =	vld [tilespmem:s21+$0xFFFFFF10]  }
0x23b: {  	v4 =	vld [tilespmem:s20+$0xFFFFFF20]  }
0x23c: {  	v5 =	vld [tilespmem:s21+$0xFFFFFF20]  }
0x23d: {  	v6 =	vld [tilespmem:s20+$0xFFFFFF30]  }
0x23e: {  	v7 =	vld [tilespmem:s21+$0xFFFFFF30]  }
0x23f: {  	v8 =	vld [tilespmem:s20+$0xFFFFFF40]  }
0x240: {  	v9 =	vld [tilespmem:s21+$0xFFFFFF40]  }
0x241: {  	v10 =	vld [tilespmem:s20+$0xFFFFFF50]  }
0x242: {  	v11 =	vld [tilespmem:s21+$0xFFFFFF50]  }
0x243: {  	v12 =	vld [tilespmem:s20+$0xFFFFFF60]  }
0x244: {  	v13 =	vld [tilespmem:s21+$0xFFFFFF60];
	v0 =	vmul.f32 v1, v0  }
0x245: {  	v61 =	vld [tilespmem:s20+$0xFFFFFF70];
	v2 =	vmul.f32 v3, v2  }
0x246: {  	v62 =	vld [tilespmem:s21+$0xFFFFFF70];
	v4 =	vmul.f32 v5, v4;
	[tilespmem:s22+$0xFFFFFF00] =	vst v0  }
0x247: {  	v63 =	vmul.f32 v7, v6;
	[tilespmem:s22+$0xFFFFFF10] =	vst v2  }
0x248: {  	v9 =	vmul.f32 v9, v8;
	[tilespmem:s22+$0xFFFFFF20] =	vst v4  }
0x249: {  	v14 =	vmul.f32 v11, v10;
	[tilespmem:s22+$0xFFFFFF30] =	vst v63  }
0x24a: {  	v15 =	vmul.f32 v13, v12;
	[tilespmem:s22+$0xFFFFFF40] =	vst v9  }
0x24b: {  	v1 =	vmul.f32 v62, v61;
	[tilespmem:s22+$0xFFFFFF50] =	vst v14  }
0x24c: {  	[tilespmem:s22+$0xFFFFFF60] =	vst v15  }
0x24d: {  	[tilespmem:s22+$0xFFFFFF70] =	vst v1  }
0x24e: {  	v0 =	vld [tilespmem:s20+$0xFFFFFF80]  }
0x24f: {  	v1 =	vld [tilespmem:s21+$0xFFFFFF80]  }
0x250: {  	v2 =	vld [tilespmem:s20+$0xFFFFFF90]  }
0x251: {  	v16 =	vld [tilespmem:s21+$0xFFFFFF90]  }
0x252: {  	v4 =	vld [tilespmem:s20+$0xFFFFFFA0]  }
0x253: {  	v17 =	vld [tilespmem:s21+$0xFFFFFFA0]  }
0x254: {  	v18 =	vld [tilespmem:s20+$0xFFFFFFB0]  }
0x255: {  	v19 =	vld [tilespmem:s21+$0xFFFFFFB0]  }
0x256: {  	v20 =	vld [tilespmem:s20+$0xFFFFFFC0]  }
0x257: {  	v21 =	vld [tilespmem:s21+$0xFFFFFFC0]  }
0x258: {  	v22 =	vld [tilespmem:s20+$0xFFFFFFD0]  }
0x259: {  	v23 =	vld [tilespmem:s21+$0xFFFFFFD0]  }
0x25a: {  	v24 =	vld [tilespmem:s20+$0xFFFFFFE0]  }
0x25b: {  	v25 =	vld [tilespmem:s21+$0xFFFFFFE0];
	v0 =	vmul.f32 v1, v0  }
0x25c: {  	v26 =	vld [tilespmem:s20+$0xFFFFFFF0];
	v2 =	vmul.f32 v16, v2  }
0x25d: {  	v27 =	vld [tilespmem:s21+$0xFFFFFFF0];
	v4 =	vmul.f32 v17, v4;
	[tilespmem:s22+$0xFFFFFF80] =	vst v0  }
0x25e: {  	v28 =	vmul.f32 v19, v18;
	[tilespmem:s22+$0xFFFFFF90] =	vst v2  }
0x25f: {  	v29 =	vmul.f32 v21, v20;
	[tilespmem:s22+$0xFFFFFFA0] =	vst v4  }
0x260: {  	v30 =	vmul.f32 v23, v22;
	[tilespmem:s22+$0xFFFFFFB0] =	vst v28  }
0x261: {  	v31 =	vmul.f32 v25, v24;
	[tilespmem:s22+$0xFFFFFFC0] =	vst v29  }
0x262: {  	v1 =	vmul.f32 v27, v26;
	[tilespmem:s22+$0xFFFFFFD0] =	vst v30  }
0x263: {  	[tilespmem:s22+$0xFFFFFFE0] =	vst v31  }
0x264: {  	[tilespmem:s22+$0xFFFFFFF0] =	vst v1  }
0x265: {  	v0 =	vld [tilespmem:s20+$0x0]  }
0x266: {  	v1 =	vld [tilespmem:s21+$0x0]  }
0x267: {  	v2 =	vld [tilespmem:s20+$0x10]  }
0x268: {  	v32 =	vld [tilespmem:s21+$0x10]  }
0x269: {  	v4 =	vld [tilespmem:s20+$0x20]  }
0x26a: {  	v33 =	vld [tilespmem:s21+$0x20]  }
0x26b: {  	v34 =	vld [tilespmem:s20+$0x30]  }
0x26c: {  	v35 =	vld [tilespmem:s21+$0x30]  }
0x26d: {  	v36 =	vld [tilespmem:s20+$0x40]  }
0x26e: {  	v37 =	vld [tilespmem:s21+$0x40]  }
0x26f: {  	v38 =	vld [tilespmem:s20+$0x50]  }
0x270: {  	v39 =	vld [tilespmem:s21+$0x50]  }
0x271: {  	v40 =	vld [tilespmem:s20+$0x60]  }
0x272: {  	v41 =	vld [tilespmem:s21+$0x60];
	v0 =	vmul.f32 v1, v0  }
0x273: {  	v42 =	vld [tilespmem:s20+$0x70];
	v2 =	vmul.f32 v32, v2  }
0x274: {  	v43 =	vld [tilespmem:s21+$0x70];
	v4 =	vmul.f32 v33, v4;
	[tilespmem:s22+$0x0] =	vst v0  }
0x275: {  	v44 =	vmul.f32 v35, v34;
	[tilespmem:s22+$0x10] =	vst v2  }
0x276: {  	v45 =	vmul.f32 v37, v36;
	[tilespmem:s22+$0x20] =	vst v4  }
0x277: {  	v46 =	vmul.f32 v39, v38;
	[tilespmem:s22+$0x30] =	vst v44  }
0x278: {  	v47 =	vmul.f32 v41, v40;
	[tilespmem:s22+$0x40] =	vst v45  }
0x279: {  	v1 =	vmul.f32 v43, v42;
	[tilespmem:s22+$0x50] =	vst v46  }
0x27a: {  	[tilespmem:s22+$0x60] =	vst v47  }
0x27b: {  	[tilespmem:s22+$0x70] =	vst v1  }
0x27c: {  	v0 =	vld [tilespmem:s20+$0x80]  }
0x27d: {  	v1 =	vld [tilespmem:s21+$0x80]  }
0x27e: {  	v2 =	vld [tilespmem:s20+$0x90]  }
0x27f: {  	v48 =	vld [tilespmem:s21+$0x90]  }
0x280: {  	v4 =	vld [tilespmem:s20+$0xA0]  }
0x281: {  	v49 =	vld [tilespmem:s21+$0xA0]  }
0x282: {  	v50 =	vld [tilespmem:s20+$0xB0]  }
0x283: {  	v51 =	vld [tilespmem:s21+$0xB0]  }
0x284: {  	v52 =	vld [tilespmem:s20+$0xC0]  }
0x285: {  	v53 =	vld [tilespmem:s21+$0xC0]  }
0x286: {  	v54 =	vld [tilespmem:s20+$0xD0]  }
0x287: {  	v55 =	vld [tilespmem:s21+$0xD0]  }
0x288: {  	v56 =	vld [tilespmem:s20+$0xE0]  }
0x289: {  	v57 =	vld [tilespmem:s21+$0xE0];
	v0 =	vmul.f32 v1, v0  }
0x28a: {  	v58 =	vld [tilespmem:s20+$0xF0];
	v2 =	vmul.f32 v48, v2  }
0x28b: {  	v59 =	vld [tilespmem:s21+$0xF0];
	v4 =	vmul.f32 v49, v4;
	[tilespmem:s22+$0x80] =	vst v0  }
0x28c: {  	s17 =	sadd.s32 $0x4, s17;
	v60 =	vmul.f32 v51, v50;
	[tilespmem:s22+$0x90] =	vst v2  }
0x28d: {  	p1 =	slt.u32 s17, $0xC;
	v61 =	vmul.f32 v53, v52;
	[tilespmem:s22+$0xA0] =	vst v4  }
.Ltmp5:
0x28e: {  	v62 =	vmul.f32 v55, v54;
	[tilespmem:s22+$0xB0] =	vst v60;
	(pc) =	sbr.rel @p1 .LBB2_12-.Ltmp5, $4  }
0x28f: {  	v63 =	vmul.f32 v57, v56;
	[tilespmem:s22+$0xC0] =	vst v61  }
0x290: {  	v1 =	vmul.f32 v59, v58;
	[tilespmem:s22+$0xD0] =	vst v62  }
0x291: {  	[tilespmem:s22+$0xE0] =	vst v63  }
0x292: {  	s20 =	sadd.s32 $0x200, s20;
	s21 =	sadd.s32 $0x200, s21;
	[tilespmem:s22+$0xF0] =	vst v1;
	s22 =	sadd.s32 $0x200, s22  }
0x293: {  	s17 =	simm.s32 $0x10  }
0x294: {  	[spmem:s1] =	stream.indirect.scatter.add.f32 [tilespmem:s13], [sflag:$0x7], $0x80, s24, s17, $0xb8;
	[tilespmem:$0x1FC80] =	vst v63  }
0x295: {  	_ =	swait.ge [sflag:s23], $0x800  }
0x296: {  	[sflag:s23] =	ssyncset.done $0x0  }
0x297: {  	[sflag:s23] =	ssyncadd.s32 $0xFFFFF800  }
0x298: {  	[bflag:$0x0] =	sbarrier.arrive $0xFFFF  }
0x299: {  	s20 =	rddreg [dreg:$0x11]  }
0x29a: {  	s17 =	simm.s32 @p0 $0x1FC7;
	s21 =	rddreg [dreg:$0x13]  }
0x29b: {  	[hbm:s20], [sflag:s17] =	dma.local @p0 [spmem:s21], $0x2080  }
0x29c: {  	s17 =	simm.s32 @p0 $0x7  }
0x29d: {  	_ =	swait.ge @p0 [sflag:s17], $0x2080  }
0x29e: {  	s20 =	rddreg [dreg:$0x14]  }
0x29f: {  	[sflag:s17] =	ssyncset.done @p0 $0x0;
	s21 =	rddreg [dreg:$0x15]  }
0x2a0: {  	[sflag:s17] =	ssyncadd.s32 @p0 $0xFFFFDF80;
	s17 =	rddreg [dreg:$0xd]  }
0x2a1: {  	[hbm:s17], [sflag:s20] =	dma.local @!p0 [spmem:s21], $0x2780  }
0x2a2: {  	s17 =	simm.s32 @!p0 $0x7  }
0x2a3: {  	_ =	swait.ge @!p0 [sflag:s17], $0x2780  }
0x2a4: {  	s25 =	sadd.s32 $0x1, s25;
	s24 =	rddreg [dreg:$0x12]  }
0x2a5: {  	p1 =	sne.s32 s25, s24  }
.Ltmp6:
0x2a6: {  	_ = 	snop;
	(pc) =	sbr.rel @p1 .LBB2_1-.Ltmp6, $3  }
0x2a7: {  	_ =	sdelay $0x1  }
0x2a8: {  	[sflag:s17] =	ssyncset.done @!p0 $0x0  }
0x2a9: {  	[sflag:s17] =	ssyncadd.s32 @!p0 $0xFFFFD880  }
0x2aa: {  	_ =	sfence.sel $0x180000  }
0x2ab: {  	[bflag:$0x0] =	sbarrier.arrive $0xFFFF  }
0x2ac: {  	_ =	strace $0x90000047  }
0x2ad: {  	s0 =	stileid.u32;
	[bflag:$0x2] =	sbarrier.arrive $0xFFFF  }
0x2ae: {  	p0 =	sne.s32 s0, $0x0;
	s0 =	rddreg [dreg:$0x2]  }
0x2af: {  	s0 =	sadd.s32 @!p0 $0x100000, s0  }
0x2b0: {  	[sflag:s0] =	ssyncadd.tile.s32 @!p0 $0x1;
	_ =	shalt  }
.Lfunc_end2:
_tile_overlayer_lowered:
.L_overlay_start_2:
0x2b1: {  	(tag) =	ssettag $0x2  }
0x2b2: {  	s0 =	rddreg [dreg:$0x0];
	s2 =	stileid.u32  }
0x2b3: {  	s1 =	rddreg [dreg:$0x1];
	p0 =	sne.s32 s2, $0x0  }
0x2b4: {  	s3 =	rddreg [dreg:$0x2];
	[bflag:$0x3] =	sbarrier.arrive $0xFFFF;
	s2 =	simm.s32 @!p0 $0x1C07  }
0x2b5: {  	[timem:s3], [sflag:s2] =	dma.local @!p0 [hbm:s0], s1  }
0x2b6: {  	s0 =	simm.s32 @!p0 $0x7  }
0x2b7: {  	_ =	swait.ge @!p0 [sflag:s0], s1  }
0x2b8: {  	s1 =	ssub.s32 @!p0 $0x0, s1;
	[sflag:s0] =	ssyncset.done @!p0 $0x0  }
0x2b9: {  	[sflag:s0] =	ssyncadd.s32 @!p0 s1  }
0x2ba: {  	[bflag:$0x3] =	sbarrier.arrive $0xFFFF  }
0x2bb: {  	_ =	shalt  }

</sc_bundles>
